<compile_context>
chip_gen: v7x
topology: tpu7x:2x2x1
jax: 0.10.2.dev20260603
libtpu: 0.0.44.dev20260713+nightly
codegen_flags: <defaults>
</compile_context>

<pallas_src>
import jax
import jax.numpy as jnp
from jax import lax
from jax.experimental import pallas as pl
from jax.experimental.pallas import tpu as pltpu
from jax.experimental.pallas import tpu_sc as plsc

N_PAD = 10240
NC = 2
NS = 16
NW = NC * NS
CHUNK = 128
ROWS_PER_TILE = N_PAD // NS
ZROWS = 32
DEG_W = 128



def _make_sc_agg(nchunk: int, d: int):
    mesh = plsc.VectorSubcoreMesh(
        core_axis_name="c", subcore_axis_name="s", num_cores=NC, num_subcores=NS
    )
    out_type = [jax.ShapeDtypeStruct((NC, N_PAD, d), jnp.float32)]
    scratch = [
        pltpu.VMEM((nchunk, CHUNK), jnp.int32),
        pltpu.VMEM((nchunk, CHUNK), jnp.int32),
        pltpu.VMEM((CHUNK, d), jnp.float32),
        pltpu.VMEM((ZROWS, d), jnp.float32),
        pltpu.VMEM_SHARED((N_PAD, d), jnp.float32),
        pltpu.SemaphoreType.DMA,
    ]

    def body(y_hbm, src_hbm, dst_hbm, out_hbm, sidx, didx, rows, zbuf, acc, sem):
        cid = lax.axis_index("c")
        sid = lax.axis_index("s")
        wid = sid * NC + cid

        pltpu.sync_copy(src_hbm.at[wid], sidx)
        pltpu.sync_copy(dst_hbm.at[wid], didx)

        zvec = jnp.zeros((16,), jnp.float32)

        def zfill(j, carry):
            for k in range(d // 16):
                zbuf[j, pl.ds(k * 16, 16)] = zvec
            return carry

        lax.fori_loop(0, ZROWS, zfill, 0)

        base = sid * ROWS_PER_TILE
        for z in range(ROWS_PER_TILE // ZROWS):
            pltpu.sync_copy(zbuf, acc.at[pl.ds(base + z * ZROWS, ZROWS)])
        plsc.subcore_barrier()

        def chunk_body(j, carry):
            pltpu.async_copy(y_hbm.at[sidx.at[j]], rows, sem).wait()
            pltpu.sync_copy(rows, acc.at[didx.at[j]], add=True)
            return carry

        lax.fori_loop(0, nchunk, chunk_body, 0)
        plsc.subcore_barrier()

        pltpu.sync_copy(
            acc.at[pl.ds(base, ROWS_PER_TILE)],
            out_hbm.at[cid, pl.ds(base, ROWS_PER_TILE)],
        )

    return pl.kernel(body, out_type=out_type, mesh=mesh, scratch_types=scratch)


def _make_sc_deg(nchunk: int):
    mesh = plsc.VectorSubcoreMesh(
        core_axis_name="c", subcore_axis_name="s", num_cores=NC, num_subcores=NS
    )
    out_type = [jax.ShapeDtypeStruct((NC, N_PAD, DEG_W), jnp.float32)]
    scratch = [
        pltpu.VMEM((nchunk, CHUNK), jnp.int32),
        pltpu.VMEM((CHUNK, DEG_W), jnp.float32),
        pltpu.VMEM((ZROWS, DEG_W), jnp.float32),
        pltpu.VMEM_SHARED((N_PAD, DEG_W), jnp.float32),
    ]

    def body(dst_hbm, deg_hbm, didx, obuf, dzbuf, dacc):
        cid = lax.axis_index("c")
        sid = lax.axis_index("s")
        wid = sid * NC + cid
        pltpu.sync_copy(dst_hbm.at[wid], didx)

        zvec = jnp.zeros((16,), jnp.float32)
        onev = jnp.ones((16,), jnp.float32)

        def fill(j, carry):
            for k in range(DEG_W // 16):
                dzbuf[j, pl.ds(k * 16, 16)] = zvec
            for r in range(CHUNK // ZROWS):
                for k in range(DEG_W // 16):
                    obuf[j + r * ZROWS, pl.ds(k * 16, 16)] = onev
            return carry

        lax.fori_loop(0, ZROWS, fill, 0)

        base = sid * ROWS_PER_TILE
        for z in range(ROWS_PER_TILE // ZROWS):
            pltpu.sync_copy(dzbuf, dacc.at[pl.ds(base + z * ZROWS, ZROWS)])
        plsc.subcore_barrier()

        def chunk_body(j, carry):
            pltpu.sync_copy(obuf, dacc.at[didx.at[j]], add=True)
            return carry

        lax.fori_loop(0, nchunk, chunk_body, 0)
        plsc.subcore_barrier()

        pltpu.sync_copy(
            dacc.at[pl.ds(base, ROWS_PER_TILE)],
            deg_hbm.at[cid, pl.ds(base, ROWS_PER_TILE)],
        )

    return pl.kernel(body, out_type=out_type, mesh=mesh, scratch_types=scratch)



_BR = 2048


def _tc_dense(h, wl, wr, b):
    n, din = h.shape
    dout = wl.shape[1]

    def body(h_ref, wl_ref, wr_ref, b_ref, y_ref, z_ref):
        hb = h_ref[...]
        y_ref[...] = jnp.dot(hb, wl_ref[...], preferred_element_type=jnp.float32)
        z_ref[...] = (
            jnp.dot(hb, wr_ref[...], preferred_element_type=jnp.float32)
            + b_ref[...]
        )

    return pl.pallas_call(
        body,
        grid=(n // _BR,),
        in_specs=[
            pl.BlockSpec((_BR, din), lambda i: (i, 0)),
            pl.BlockSpec((din, dout), lambda i: (0, 0)),
            pl.BlockSpec((din, dout), lambda i: (0, 0)),
            pl.BlockSpec((1, dout), lambda i: (0, 0)),
        ],
        out_specs=[
            pl.BlockSpec((_BR, dout), lambda i: (i, 0)),
            pl.BlockSpec((_BR, dout), lambda i: (i, 0)),
        ],
        out_shape=[
            jax.ShapeDtypeStruct((n, dout), jnp.float32),
            jax.ShapeDtypeStruct((n, dout), jnp.float32),
        ],
    )(h, wl, wr, b.reshape(1, -1))


def _tc_combine_dense(acc, degp, z_prev, wl, wr, b):
    _, n, d = acc.shape
    dout = wl.shape[1]

    def body(a_ref, g_ref, z_ref, wl_ref, wr_ref, b_ref, y_ref, z2_ref):
        deg = jnp.maximum(g_ref[0, :, 0] + g_ref[1, :, 0], 1.0)
        hb = (a_ref[0] + a_ref[1]) / deg[:, None] + z_ref[...]
        hb = jnp.maximum(hb, 0.0)
        y_ref[...] = jnp.dot(hb, wl_ref[...], preferred_element_type=jnp.float32)
        z2_ref[...] = (
            jnp.dot(hb, wr_ref[...], preferred_element_type=jnp.float32)
            + b_ref[...]
        )

    return pl.pallas_call(
        body,
        grid=(n // _BR,),
        in_specs=[
            pl.BlockSpec((2, _BR, d), lambda i: (0, i, 0)),
            pl.BlockSpec((2, _BR, DEG_W), lambda i: (0, i, 0)),
            pl.BlockSpec((_BR, d), lambda i: (i, 0)),
            pl.BlockSpec((d, dout), lambda i: (0, 0)),
            pl.BlockSpec((d, dout), lambda i: (0, 0)),
            pl.BlockSpec((1, dout), lambda i: (0, 0)),
        ],
        out_specs=[
            pl.BlockSpec((_BR, dout), lambda i: (i, 0)),
            pl.BlockSpec((_BR, dout), lambda i: (i, 0)),
        ],
        out_shape=[
            jax.ShapeDtypeStruct((n, dout), jnp.float32),
            jax.ShapeDtypeStruct((n, dout), jnp.float32),
        ],
    )(acc, degp, z_prev, wl, wr, b.reshape(1, -1))


def _tc_combine_keep(acc, degp, z_prev, wr, b):
    _, n, d = acc.shape
    dout = wr.shape[1]

    def body(a_ref, g_ref, z_ref, wr_ref, b_ref, h_ref, z2_ref):
        deg = jnp.maximum(g_ref[0, :, 0] + g_ref[1, :, 0], 1.0)
        hb = (a_ref[0] + a_ref[1]) / deg[:, None] + z_ref[...]
        hb = jnp.maximum(hb, 0.0)
        h_ref[...] = hb
        z2_ref[...] = (
            jnp.dot(hb, wr_ref[...], preferred_element_type=jnp.float32)
            + b_ref[...]
        )

    return pl.pallas_call(
        body,
        grid=(n // _BR,),
        in_specs=[
            pl.BlockSpec((2, _BR, d), lambda i: (0, i, 0)),
            pl.BlockSpec((2, _BR, DEG_W), lambda i: (0, i, 0)),
            pl.BlockSpec((_BR, d), lambda i: (i, 0)),
            pl.BlockSpec((d, dout), lambda i: (0, 0)),
            pl.BlockSpec((1, dout), lambda i: (0, 0)),
        ],
        out_specs=[
            pl.BlockSpec((_BR, d), lambda i: (i, 0)),
            pl.BlockSpec((_BR, dout), lambda i: (i, 0)),
        ],
        out_shape=[
            jax.ShapeDtypeStruct((n, d), jnp.float32),
            jax.ShapeDtypeStruct((n, dout), jnp.float32),
        ],
    )(acc, degp, z_prev, wr, b.reshape(1, -1))


def _tc_combine_final(acc, degp, z_prev, wl):
    _, n, d = acc.shape
    dout = wl.shape[1]

    def body(a_ref, g_ref, z_ref, wl_ref, o_ref):
        deg = jnp.maximum(g_ref[0, :, 0] + g_ref[1, :, 0], 1.0)
        agg = (a_ref[0] + a_ref[1]) / deg[:, None]
        o_ref[...] = (
            jnp.dot(agg, wl_ref[...], preferred_element_type=jnp.float32)
            + z_ref[...]
        )

    return pl.pallas_call(
        body,
        grid=(n // _BR,),
        in_specs=[
            pl.BlockSpec((2, _BR, d), lambda i: (0, i, 0)),
            pl.BlockSpec((2, _BR, DEG_W), lambda i: (0, i, 0)),
            pl.BlockSpec((_BR, dout), lambda i: (i, 0)),
            pl.BlockSpec((d, dout), lambda i: (0, 0)),
        ],
        out_specs=pl.BlockSpec((_BR, dout), lambda i: (i, 0)),
        out_shape=jax.ShapeDtypeStruct((n, dout), jnp.float32),
    )(acc, degp, z_prev, wl)



def kernel(x, edge_index, W1l, b1, W1r, W2l, b2, W2r, W3l, b3, W3r):
    n = x.shape[0]
    e = edge_index.shape[1]
    per_tile = e // NW
    assert per_tile * NW == e
    pt_pad = -(-per_tile // CHUNK) * CHUNK
    nchunk = pt_pad // CHUNK

    src2 = edge_index[0].astype(jnp.int32).reshape(NW, per_tile)
    dst2 = edge_index[1].astype(jnp.int32).reshape(NW, per_tile)
    pad = ((0, 0), (0, pt_pad - per_tile))
    src3 = jnp.pad(src2, pad, constant_values=N_PAD - 1).reshape(NW, nchunk, CHUNK)
    dst3 = jnp.pad(dst2, pad, constant_values=N_PAD - 1).reshape(NW, nchunk, CHUNK)
    xp = jnp.pad(x, ((0, N_PAD - n), (0, 0)))

    d_hid = W1l.shape[1]
    agg_hid = _make_sc_agg(nchunk, d_hid)
    deg_fn = _make_sc_deg(nchunk)

    (degp,) = deg_fn(dst3)
    y1, z1 = _tc_dense(xp, W1l, W1r, b1)
    (acc1,) = agg_hid(y1, src3, dst3)
    y2, z2 = _tc_combine_dense(acc1, degp, z1, W2l, W2r, b2)
    (acc2,) = agg_hid(y2, src3, dst3)
    h2, z3 = _tc_combine_keep(acc2, degp, z2, W3r, b3)
    (acc3,) = agg_hid(h2, src3, dst3)
    return _tc_combine_final(acc3, degp, z3, W3l)[:n]

# --- scband reference (transcript-rebuilt; emitter-appended) ---
"""Pipeline reference for scband-embedding-extractor-25297357373570 (READ-ONLY COPY).

The authoritative reference and input builder live on the scoring server;
editing this copy changes nothing except your own understanding.
"""

import jax, jax.numpy as jnp
import numpy as np

N_NODES = 10000
N_EDGES = 320000
D_IN = 128
D_HID = 128
D_EMB = 64


def _glorot(key, shape):
    fan_in, fan_out = shape[0], shape[1]
    lim = float(np.sqrt(6.0 / (fan_in + fan_out)))
    return jax.random.uniform(key, shape, dtype=jnp.float32, minval=-lim, maxval=lim)


def setup_inputs(seed: int = 0) -> dict:
    key = jax.random.key(seed)
    ks = jax.random.split(key, 12)
    x = jax.random.normal(ks[0], (N_NODES, D_IN), dtype=jnp.float32)
    edge_index = jax.random.randint(ks[1], (2, N_EDGES), 0, N_NODES, dtype=jnp.int64)
    return {
        "x": x,
        "edge_index": edge_index,
        "W1l": _glorot(ks[2], (D_IN, D_HID)),
        "b1": jnp.zeros((D_HID,), dtype=jnp.float32),
        "W1r": _glorot(ks[3], (D_IN, D_HID)),
        "W2l": _glorot(ks[4], (D_HID, D_HID)),
        "b2": jnp.zeros((D_HID,), dtype=jnp.float32),
        "W2r": _glorot(ks[5], (D_HID, D_HID)),
        "W3l": _glorot(ks[6], (D_HID, D_EMB)),
        "b3": jnp.zeros((D_EMB,), dtype=jnp.float32),
        "W3r": _glorot(ks[7], (D_HID, D_EMB)),
    }


def _sage_conv(x, src, dst, Wl, b, Wr):
    # PyG SAGEConv with mean aggregation: out = lin_l(mean_{j in N(i)} x_j) + lin_r(x_i)
    msg = jnp.take(x, src, axis=0)                                   # gather [E, d]
    agg = jax.ops.segment_sum(msg, dst, num_segments=N_NODES)        # scatter-add
    deg = jax.ops.segment_sum(jnp.ones((src.shape[0],), dtype=x.dtype), dst, num_segments=N_NODES)
    agg = agg / jnp.maximum(deg, 1.0)[:, None]
    return agg @ Wl + b + x @ Wr


def reference(x, edge_index, W1l, b1, W1r, W2l, b2, W2r, W3l, b3, W3r):
    src = edge_index[0]
    dst = edge_index[1]
    h = jax.nn.relu(_sage_conv(x, src, dst, W1l, b1, W1r))
    # dropout is identity in eval mode
    h = jax.nn.relu(_sage_conv(h, src, dst, W2l, b2, W2r))
    h = _sage_conv(h, src, dst, W3l, b3, W3r)
    return h

if __name__ == "__main__":
    import jax
    _d = setup_inputs()
    print(jax.jit(kernel)(*tuple(_d.values())))

</pallas_src>

<mosaic_0001>
#map = affine_map<(d0, d1) -> (0, 0)>
#map1 = affine_map<(d0, d1) -> (0, 0, 0)>
module attributes {stable_mosaic.version = 14 : i64} {
  func.func @body(%arg0: i32, %arg1: i32, %arg2: memref<10240x128xf32, #tpu.memory_space<hbm>>, %arg3: memref<32x79x128xi32, #tpu.memory_space<hbm>>, %arg4: memref<32x79x128xi32, #tpu.memory_space<hbm>>, %arg5: memref<2x10240x128xf32, #tpu.memory_space<hbm>>, %arg6: memref<79x128xi32, #tpu.memory_space<vmem>>, %arg7: memref<79x128xi32, #tpu.memory_space<vmem>>, %arg8: memref<128x128xf32, #tpu.memory_space<vmem>>, %arg9: memref<32x128xf32, #tpu.memory_space<vmem>>, %arg10: memref<10240x128xf32, #tpu.memory_space<vmem_shared>>, %arg11: memref<!tpu.dma_semaphore, #tpu.memory_space<semaphore_mem>>) attributes {dimension_semantics = [#tpu.dimension_semantics<core_parallel>, #tpu.dimension_semantics<subcore_parallel>], iteration_bounds = array<i64: 2, 16>, scalar_prefetch = 0 : i64, scratch_operands = 6 : i64, tpu.core_type = #tpu.core_type<sc_vector_subcore>, window_params = [{transform_indices = #map}, {transform_indices = #map1}, {transform_indices = #map1}, {transform_indices = #map1}]} {
    %mul3A = arith.constant 2 : i32
    %mul3A_0 = arith.muli %arg1, %mul3A : i32
    %add3A = arith.addi %mul3A_0, %arg0 : i32
    "tpu.region"() ({
      %run_scoped3A = tpu.sem_alloc : memref<!tpu.dma_semaphore, #tpu.memory_space<semaphore_mem>>
      %dma_start3A = arith.constant 0 : i32
      %dma_start3A_56 = arith.constant 0 : i32
      %dma_start3A_57 = tpu.memref_slice %arg3[%add3A, %dma_start3A, %dma_start3A_56] : memref<32x79x128xi32, #tpu.memory_space<hbm>> -> memref<1x79x128xi32, #tpu.memory_space<hbm>>
      %dma_start3A_58 = tpu.memref_squeeze %dma_start3A_57 : memref<1x79x128xi32, #tpu.memory_space<hbm>> -> memref<79x128xi32, #tpu.memory_space<hbm>>
      %dma_start3A_59 = arith.constant 0 : i32
      %dma_start3A_60 = arith.constant 0 : i32
      %dma_start3A_61 = tpu.memref_slice %arg3[%add3A, %dma_start3A_59, %dma_start3A_60] : memref<32x79x128xi32, #tpu.memory_space<hbm>> -> memref<1x79x128xi32, #tpu.memory_space<hbm>>
      %dma_start3A_62 = tpu.memref_squeeze %dma_start3A_61 : memref<1x79x128xi32, #tpu.memory_space<hbm>> -> memref<79x128xi32, #tpu.memory_space<hbm>>
      tpu.enqueue_dma source(%dma_start3A_62 : memref<79x128xi32, #tpu.memory_space<hbm>>) target(%arg6 : memref<79x128xi32, #tpu.memory_space<vmem>>) target_semaphore(%run_scoped3A : memref<!tpu.dma_semaphore, #tpu.memory_space<semaphore_mem>>)
      %dma_wait3A = arith.constant 0 : i32
      %dma_wait3A_63 = arith.constant 0 : i32
      %dma_wait3A_64 = tpu.memref_slice %arg3[%add3A, %dma_wait3A, %dma_wait3A_63] : memref<32x79x128xi32, #tpu.memory_space<hbm>> -> memref<1x79x128xi32, #tpu.memory_space<hbm>>
      %dma_wait3A_65 = tpu.memref_squeeze %dma_wait3A_64 : memref<1x79x128xi32, #tpu.memory_space<hbm>> -> memref<79x128xi32, #tpu.memory_space<hbm>>
      %dma_wait3A_66 = arith.constant 0 : i32
      %dma_wait3A_67 = arith.constant 0 : i32
      %dma_wait3A_68 = tpu.memref_slice %arg3[%add3A, %dma_wait3A_66, %dma_wait3A_67] : memref<32x79x128xi32, #tpu.memory_space<hbm>> -> memref<1x79x128xi32, #tpu.memory_space<hbm>>
      %dma_wait3A_69 = tpu.memref_squeeze %dma_wait3A_68 : memref<1x79x128xi32, #tpu.memory_space<hbm>> -> memref<79x128xi32, #tpu.memory_space<hbm>>
      tpu.wait_dma2 semaphore(%run_scoped3A : memref<!tpu.dma_semaphore, #tpu.memory_space<semaphore_mem>>) src(%dma_wait3A_69 : memref<79x128xi32, #tpu.memory_space<hbm>>) dst(%arg6 : memref<79x128xi32, #tpu.memory_space<vmem>>)
      tpu.yield
    }) : () -> ()
    "tpu.region"() ({
      %run_scoped3A = tpu.sem_alloc : memref<!tpu.dma_semaphore, #tpu.memory_space<semaphore_mem>>
      %dma_start3A = arith.constant 0 : i32
      %dma_start3A_56 = arith.constant 0 : i32
      %dma_start3A_57 = tpu.memref_slice %arg4[%add3A, %dma_start3A, %dma_start3A_56] : memref<32x79x128xi32, #tpu.memory_space<hbm>> -> memref<1x79x128xi32, #tpu.memory_space<hbm>>
      %dma_start3A_58 = tpu.memref_squeeze %dma_start3A_57 : memref<1x79x128xi32, #tpu.memory_space<hbm>> -> memref<79x128xi32, #tpu.memory_space<hbm>>
      %dma_start3A_59 = arith.constant 0 : i32
      %dma_start3A_60 = arith.constant 0 : i32
      %dma_start3A_61 = tpu.memref_slice %arg4[%add3A, %dma_start3A_59, %dma_start3A_60] : memref<32x79x128xi32, #tpu.memory_space<hbm>> -> memref<1x79x128xi32, #tpu.memory_space<hbm>>
      %dma_start3A_62 = tpu.memref_squeeze %dma_start3A_61 : memref<1x79x128xi32, #tpu.memory_space<hbm>> -> memref<79x128xi32, #tpu.memory_space<hbm>>
      tpu.enqueue_dma source(%dma_start3A_62 : memref<79x128xi32, #tpu.memory_space<hbm>>) target(%arg7 : memref<79x128xi32, #tpu.memory_space<vmem>>) target_semaphore(%run_scoped3A : memref<!tpu.dma_semaphore, #tpu.memory_space<semaphore_mem>>)
      %dma_wait3A = arith.constant 0 : i32
      %dma_wait3A_63 = arith.constant 0 : i32
      %dma_wait3A_64 = tpu.memref_slice %arg4[%add3A, %dma_wait3A, %dma_wait3A_63] : memref<32x79x128xi32, #tpu.memory_space<hbm>> -> memref<1x79x128xi32, #tpu.memory_space<hbm>>
      %dma_wait3A_65 = tpu.memref_squeeze %dma_wait3A_64 : memref<1x79x128xi32, #tpu.memory_space<hbm>> -> memref<79x128xi32, #tpu.memory_space<hbm>>
      %dma_wait3A_66 = arith.constant 0 : i32
      %dma_wait3A_67 = arith.constant 0 : i32
      %dma_wait3A_68 = tpu.memref_slice %arg4[%add3A, %dma_wait3A_66, %dma_wait3A_67] : memref<32x79x128xi32, #tpu.memory_space<hbm>> -> memref<1x79x128xi32, #tpu.memory_space<hbm>>
      %dma_wait3A_69 = tpu.memref_squeeze %dma_wait3A_68 : memref<1x79x128xi32, #tpu.memory_space<hbm>> -> memref<79x128xi32, #tpu.memory_space<hbm>>
      tpu.wait_dma2 semaphore(%run_scoped3A : memref<!tpu.dma_semaphore, #tpu.memory_space<semaphore_mem>>) src(%dma_wait3A_69 : memref<79x128xi32, #tpu.memory_space<hbm>>) dst(%arg7 : memref<79x128xi32, #tpu.memory_space<vmem>>)
      tpu.yield
    }) : () -> ()
    %broadcast_in_dim3A = arith.constant 0.000000e+00 : f32
    %broadcast_in_dim3A_1 = vector.broadcast %broadcast_in_dim3A : f32 to vector<16xf32>
    %scan3A = arith.constant 0 : i32
    %scan3A_2 = arith.constant 0 : i32
    %scan3A_3 = arith.constant 32 : i32
    %scan3A_4 = arith.addi %scan3A_2, %scan3A_3 : i32
    %scan3A_5 = arith.constant 1 : i32
    scf.for %scan3A_56 = %scan3A_2 to %scan3A_4 step %scan3A_5  : i32 {
      %swap3A = arith.index_cast %scan3A_56 : i32 to index
      %swap3A_57 = arith.constant 0 : index
      %swap3A_58 = tpu.vector_load %arg9[%swap3A, %swap3A_57] {strides = array<i32>} : memref<32x128xf32, #tpu.memory_space<vmem>>, vector<1x16xf32>,
      %swap3A_59 = vector.shape_cast %swap3A_58 : vector<1x16xf32> to vector<16xf32>
      %swap3A_60 = vector.shape_cast %broadcast_in_dim3A_1 : vector<16xf32> to vector<1x16xf32>
      tpu.vector_store %arg9[%swap3A, %swap3A_57], %swap3A_60 {strides = array<i32>} : memref<32x128xf32, #tpu.memory_space<vmem>>, vector<1x16xf32>,
      %swap3A_61 = arith.index_cast %scan3A_56 : i32 to index
      %swap3A_62 = arith.constant 16 : index
      %swap3A_63 = tpu.vector_load %arg9[%swap3A_61, %swap3A_62] {strides = array<i32>} : memref<32x128xf32, #tpu.memory_space<vmem>>, vector<1x16xf32>,
      %swap3A_64 = vector.shape_cast %swap3A_63 : vector<1x16xf32> to vector<16xf32>
      %swap3A_65 = vector.shape_cast %broadcast_in_dim3A_1 : vector<16xf32> to vector<1x16xf32>
      tpu.vector_store %arg9[%swap3A_61, %swap3A_62], %swap3A_65 {strides = array<i32>} : memref<32x128xf32, #tpu.memory_space<vmem>>, vector<1x16xf32>,
      %swap3A_66 = arith.index_cast %scan3A_56 : i32 to index
      %swap3A_67 = arith.constant 32 : index
      %swap3A_68 = tpu.vector_load %arg9[%swap3A_66, %swap3A_67] {strides = array<i32>} : memref<32x128xf32, #tpu.memory_space<vmem>>, vector<1x16xf32>,
      %swap3A_69 = vector.shape_cast %swap3A_68 : vector<1x16xf32> to vector<16xf32>
      %swap3A_70 = vector.shape_cast %broadcast_in_dim3A_1 : vector<16xf32> to vector<1x16xf32>
      tpu.vector_store %arg9[%swap3A_66, %swap3A_67], %swap3A_70 {strides = array<i32>} : memref<32x128xf32, #tpu.memory_space<vmem>>, vector<1x16xf32>,
      %swap3A_71 = arith.index_cast %scan3A_56 : i32 to index
      %swap3A_72 = arith.constant 48 : index
      %swap3A_73 = tpu.vector_load %arg9[%swap3A_71, %swap3A_72] {strides = array<i32>} : memref<32x128xf32, #tpu.memory_space<vmem>>, vector<1x16xf32>,
      %swap3A_74 = vector.shape_cast %swap3A_73 : vector<1x16xf32> to vector<16xf32>
      %swap3A_75 = vector.shape_cast %broadcast_in_dim3A_1 : vector<16xf32> to vector<1x16xf32>
      tpu.vector_store %arg9[%swap3A_71, %swap3A_72], %swap3A_75 {strides = array<i32>} : memref<32x128xf32, #tpu.memory_space<vmem>>, vector<1x16xf32>,
      %swap3A_76 = arith.index_cast %scan3A_56 : i32 to index
      %swap3A_77 = arith.constant 64 : index
      %swap3A_78 = tpu.vector_load %arg9[%swap3A_76, %swap3A_77] {strides = array<i32>} : memref<32x128xf32, #tpu.memory_space<vmem>>, vector<1x16xf32>,
      %swap3A_79 = vector.shape_cast %swap3A_78 : vector<1x16xf32> to vector<16xf32>
      %swap3A_80 = vector.shape_cast %broadcast_in_dim3A_1 : vector<16xf32> to vector<1x16xf32>
      tpu.vector_store %arg9[%swap3A_76, %swap3A_77], %swap3A_80 {strides = array<i32>} : memref<32x128xf32, #tpu.memory_space<vmem>>, vector<1x16xf32>,
      %swap3A_81 = arith.index_cast %scan3A_56 : i32 to index
      %swap3A_82 = arith.constant 80 : index
      %swap3A_83 = tpu.vector_load %arg9[%swap3A_81, %swap3A_82] {strides = array<i32>} : memref<32x128xf32, #tpu.memory_space<vmem>>, vector<1x16xf32>,
      %swap3A_84 = vector.shape_cast %swap3A_83 : vector<1x16xf32> to vector<16xf32>
      %swap3A_85 = vector.shape_cast %broadcast_in_dim3A_1 : vector<16xf32> to vector<1x16xf32>
      tpu.vector_store %arg9[%swap3A_81, %swap3A_82], %swap3A_85 {strides = array<i32>} : memref<32x128xf32, #tpu.memory_space<vmem>>, vector<1x16xf32>,
      %swap3A_86 = arith.index_cast %scan3A_56 : i32 to index
      %swap3A_87 = arith.constant 96 : index
      %swap3A_88 = tpu.vector_load %arg9[%swap3A_86, %swap3A_87] {strides = array<i32>} : memref<32x128xf32, #tpu.memory_space<vmem>>, vector<1x16xf32>,
      %swap3A_89 = vector.shape_cast %swap3A_88 : vector<1x16xf32> to vector<16xf32>
      %swap3A_90 = vector.shape_cast %broadcast_in_dim3A_1 : vector<16xf32> to vector<1x16xf32>
      tpu.vector_store %arg9[%swap3A_86, %swap3A_87], %swap3A_90 {strides = array<i32>} : memref<32x128xf32, #tpu.memory_space<vmem>>, vector<1x16xf32>,
      %swap3A_91 = arith.index_cast %scan3A_56 : i32 to index
      %swap3A_92 = arith.constant 112 : index
      %swap3A_93 = tpu.vector_load %arg9[%swap3A_91, %swap3A_92] {strides = array<i32>} : memref<32x128xf32, #tpu.memory_space<vmem>>, vector<1x16xf32>,
      %swap3A_94 = vector.shape_cast %swap3A_93 : vector<1x16xf32> to vector<16xf32>
      %swap3A_95 = vector.shape_cast %broadcast_in_dim3A_1 : vector<16xf32> to vector<1x16xf32>
      tpu.vector_store %arg9[%swap3A_91, %swap3A_92], %swap3A_95 {strides = array<i32>} : memref<32x128xf32, #tpu.memory_space<vmem>>, vector<1x16xf32>,
    }
    %scan3A_6 = arith.constant 32 : i32
    %mul3A_7 = arith.constant 640 : i32
    %mul3A_8 = arith.muli %arg1, %mul3A_7 : i32
    %add3A_9 = arith.constant 0 : i32
    %add3A_10 = arith.addi %mul3A_8, %add3A_9 : i32
    "tpu.region"() ({
      %run_scoped3A = tpu.sem_alloc : memref<!tpu.dma_semaphore, #tpu.memory_space<semaphore_mem>>
      %dma_start3A = arith.constant 0 : i32
      %dma_start3A_56 = tpu.memref_slice %arg10[%add3A_10, %dma_start3A] : memref<10240x128xf32, #tpu.memory_space<vmem_shared>> -> memref<32x128xf32, #tpu.memory_space<vmem_shared>>
      %dma_start3A_57 = arith.constant 0 : i32
      %dma_start3A_58 = tpu.memref_slice %arg10[%add3A_10, %dma_start3A_57] : memref<10240x128xf32, #tpu.memory_space<vmem_shared>> -> memref<32x128xf32, #tpu.memory_space<vmem_shared>>
      tpu.enqueue_dma source(%arg9 : memref<32x128xf32, #tpu.memory_space<vmem>>) target(%dma_start3A_58 : memref<32x128xf32, #tpu.memory_space<vmem_shared>>) target_semaphore(%run_scoped3A : memref<!tpu.dma_semaphore, #tpu.memory_space<semaphore_mem>>)
      %dma_wait3A = arith.constant 0 : i32
      %dma_wait3A_59 = tpu.memref_slice %arg10[%add3A_10, %dma_wait3A] : memref<10240x128xf32, #tpu.memory_space<vmem_shared>> -> memref<32x128xf32, #tpu.memory_space<vmem_shared>>
      %dma_wait3A_60 = arith.constant 0 : i32
      %dma_wait3A_61 = tpu.memref_slice %arg10[%add3A_10, %dma_wait3A_60] : memref<10240x128xf32, #tpu.memory_space<vmem_shared>> -> memref<32x128xf32, #tpu.memory_space<vmem_shared>>
      tpu.wait_dma2 semaphore(%run_scoped3A : memref<!tpu.dma_semaphore, #tpu.memory_space<semaphore_mem>>) src(%arg9 : memref<32x128xf32, #tpu.memory_space<vmem>>) dst(%dma_wait3A_61 : memref<32x128xf32, #tpu.memory_space<vmem_shared>>)
      tpu.yield
    }) : () -> ()
    %add3A_11 = arith.constant 32 : i32
    %add3A_12 = arith.addi %mul3A_8, %add3A_11 : i32
    "tpu.region"() ({
      %run_scoped3A = tpu.sem_alloc : memref<!tpu.dma_semaphore, #tpu.memory_space<semaphore_mem>>
      %dma_start3A = arith.constant 0 : i32
      %dma_start3A_56 = tpu.memref_slice %arg10[%add3A_12, %dma_start3A] : memref<10240x128xf32, #tpu.memory_space<vmem_shared>> -> memref<32x128xf32, #tpu.memory_space<vmem_shared>>
      %dma_start3A_57 = arith.constant 0 : i32
      %dma_start3A_58 = tpu.memref_slice %arg10[%add3A_12, %dma_start3A_57] : memref<10240x128xf32, #tpu.memory_space<vmem_shared>> -> memref<32x128xf32, #tpu.memory_space<vmem_shared>>
      tpu.enqueue_dma source(%arg9 : memref<32x128xf32, #tpu.memory_space<vmem>>) target(%dma_start3A_58 : memref<32x128xf32, #tpu.memory_space<vmem_shared>>) target_semaphore(%run_scoped3A : memref<!tpu.dma_semaphore, #tpu.memory_space<semaphore_mem>>)
      %dma_wait3A = arith.constant 0 : i32
      %dma_wait3A_59 = tpu.memref_slice %arg10[%add3A_12, %dma_wait3A] : memref<10240x128xf32, #tpu.memory_space<vmem_shared>> -> memref<32x128xf32, #tpu.memory_space<vmem_shared>>
      %dma_wait3A_60 = arith.constant 0 : i32
      %dma_wait3A_61 = tpu.memref_slice %arg10[%add3A_12, %dma_wait3A_60] : memref<10240x128xf32, #tpu.memory_space<vmem_shared>> -> memref<32x128xf32, #tpu.memory_space<vmem_shared>>
      tpu.wait_dma2 semaphore(%run_scoped3A : memref<!tpu.dma_semaphore, #tpu.memory_space<semaphore_mem>>) src(%arg9 : memref<32x128xf32, #tpu.memory_space<vmem>>) dst(%dma_wait3A_61 : memref<32x128xf32, #tpu.memory_space<vmem_shared>>)
      tpu.yield
    }) : () -> ()
    %add3A_13 = arith.constant 64 : i32
    %add3A_14 = arith.addi %mul3A_8, %add3A_13 : i32
    "tpu.region"() ({
      %run_scoped3A = tpu.sem_alloc : memref<!tpu.dma_semaphore, #tpu.memory_space<semaphore_mem>>
      %dma_start3A = arith.constant 0 : i32
      %dma_start3A_56 = tpu.memref_slice %arg10[%add3A_14, %dma_start3A] : memref<10240x128xf32, #tpu.memory_space<vmem_shared>> -> memref<32x128xf32, #tpu.memory_space<vmem_shared>>
      %dma_start3A_57 = arith.constant 0 : i32
      %dma_start3A_58 = tpu.memref_slice %arg10[%add3A_14, %dma_start3A_57] : memref<10240x128xf32, #tpu.memory_space<vmem_shared>> -> memref<32x128xf32, #tpu.memory_space<vmem_shared>>
      tpu.enqueue_dma source(%arg9 : memref<32x128xf32, #tpu.memory_space<vmem>>) target(%dma_start3A_58 : memref<32x128xf32, #tpu.memory_space<vmem_shared>>) target_semaphore(%run_scoped3A : memref<!tpu.dma_semaphore, #tpu.memory_space<semaphore_mem>>)
      %dma_wait3A = arith.constant 0 : i32
      %dma_wait3A_59 = tpu.memref_slice %arg10[%add3A_14, %dma_wait3A] : memref<10240x128xf32, #tpu.memory_space<vmem_shared>> -> memref<32x128xf32, #tpu.memory_space<vmem_shared>>
      %dma_wait3A_60 = arith.constant 0 : i32
      %dma_wait3A_61 = tpu.memref_slice %arg10[%add3A_14, %dma_wait3A_60] : memref<10240x128xf32, #tpu.memory_space<vmem_shared>> -> memref<32x128xf32, #tpu.memory_space<vmem_shared>>
      tpu.wait_dma2 semaphore(%run_scoped3A : memref<!tpu.dma_semaphore, #tpu.memory_space<semaphore_mem>>) src(%arg9 : memref<32x128xf32, #tpu.memory_space<vmem>>) dst(%dma_wait3A_61 : memref<32x128xf32, #tpu.memory_space<vmem_shared>>)
      tpu.yield
    }) : () -> ()
    %add3A_15 = arith.constant 96 : i32
    %add3A_16 = arith.addi %mul3A_8, %add3A_15 : i32
    "tpu.region"() ({
      %run_scoped3A = tpu.sem_alloc : memref<!tpu.dma_semaphore, #tpu.memory_space<semaphore_mem>>
      %dma_start3A = arith.constant 0 : i32
      %dma_start3A_56 = tpu.memref_slice %arg10[%add3A_16, %dma_start3A] : memref<10240x128xf32, #tpu.memory_space<vmem_shared>> -> memref<32x128xf32, #tpu.memory_space<vmem_shared>>
      %dma_start3A_57 = arith.constant 0 : i32
      %dma_start3A_58 = tpu.memref_slice %arg10[%add3A_16, %dma_start3A_57] : memref<10240x128xf32, #tpu.memory_space<vmem_shared>> -> memref<32x128xf32, #tpu.memory_space<vmem_shared>>
      tpu.enqueue_dma source(%arg9 : memref<32x128xf32, #tpu.memory_space<vmem>>) target(%dma_start3A_58 : memref<32x128xf32, #tpu.memory_space<vmem_shared>>) target_semaphore(%run_scoped3A : memref<!tpu.dma_semaphore, #tpu.memory_space<semaphore_mem>>)
      %dma_wait3A = arith.constant 0 : i32
      %dma_wait3A_59 = tpu.memref_slice %arg10[%add3A_16, %dma_wait3A] : memref<10240x128xf32, #tpu.memory_space<vmem_shared>> -> memref<32x128xf32, #tpu.memory_space<vmem_shared>>
      %dma_wait3A_60 = arith.constant 0 : i32
      %dma_wait3A_61 = tpu.memref_slice %arg10[%add3A_16, %dma_wait3A_60] : memref<10240x128xf32, #tpu.memory_space<vmem_shared>> -> memref<32x128xf32, #tpu.memory_space<vmem_shared>>
      tpu.wait_dma2 semaphore(%run_scoped3A : memref<!tpu.dma_semaphore, #tpu.memory_space<semaphore_mem>>) src(%arg9 : memref<32x128xf32, #tpu.memory_space<vmem>>) dst(%dma_wait3A_61 : memref<32x128xf32, #tpu.memory_space<vmem_shared>>)
      tpu.yield
    }) : () -> ()
    %add3A_17 = arith.constant 128 : i32
    %add3A_18 = arith.addi %mul3A_8, %add3A_17 : i32
    "tpu.region"() ({
      %run_scoped3A = tpu.sem_alloc : memref<!tpu.dma_semaphore, #tpu.memory_space<semaphore_mem>>
      %dma_start3A = arith.constant 0 : i32
      %dma_start3A_56 = tpu.memref_slice %arg10[%add3A_18, %dma_start3A] : memref<10240x128xf32, #tpu.memory_space<vmem_shared>> -> memref<32x128xf32, #tpu.memory_space<vmem_shared>>
      %dma_start3A_57 = arith.constant 0 : i32
      %dma_start3A_58 = tpu.memref_slice %arg10[%add3A_18, %dma_start3A_57] : memref<10240x128xf32, #tpu.memory_space<vmem_shared>> -> memref<32x128xf32, #tpu.memory_space<vmem_shared>>
      tpu.enqueue_dma source(%arg9 : memref<32x128xf32, #tpu.memory_space<vmem>>) target(%dma_start3A_58 : memref<32x128xf32, #tpu.memory_space<vmem_shared>>) target_semaphore(%run_scoped3A : memref<!tpu.dma_semaphore, #tpu.memory_space<semaphore_mem>>)
      %dma_wait3A = arith.constant 0 : i32
      %dma_wait3A_59 = tpu.memref_slice %arg10[%add3A_18, %dma_wait3A] : memref<10240x128xf32, #tpu.memory_space<vmem_shared>> -> memref<32x128xf32, #tpu.memory_space<vmem_shared>>
      %dma_wait3A_60 = arith.constant 0 : i32
      %dma_wait3A_61 = tpu.memref_slice %arg10[%add3A_18, %dma_wait3A_60] : memref<10240x128xf32, #tpu.memory_space<vmem_shared>> -> memref<32x128xf32, #tpu.memory_space<vmem_shared>>
      tpu.wait_dma2 semaphore(%run_scoped3A : memref<!tpu.dma_semaphore, #tpu.memory_space<semaphore_mem>>) src(%arg9 : memref<32x128xf32, #tpu.memory_space<vmem>>) dst(%dma_wait3A_61 : memref<32x128xf32, #tpu.memory_space<vmem_shared>>)
      tpu.yield
    }) : () -> ()
    %add3A_19 = arith.constant 160 : i32
    %add3A_20 = arith.addi %mul3A_8, %add3A_19 : i32
    "tpu.region"() ({
      %run_scoped3A = tpu.sem_alloc : memref<!tpu.dma_semaphore, #tpu.memory_space<semaphore_mem>>
      %dma_start3A = arith.constant 0 : i32
      %dma_start3A_56 = tpu.memref_slice %arg10[%add3A_20, %dma_start3A] : memref<10240x128xf32, #tpu.memory_space<vmem_shared>> -> memref<32x128xf32, #tpu.memory_space<vmem_shared>>
      %dma_start3A_57 = arith.constant 0 : i32
      %dma_start3A_58 = tpu.memref_slice %arg10[%add3A_20, %dma_start3A_57] : memref<10240x128xf32, #tpu.memory_space<vmem_shared>> -> memref<32x128xf32, #tpu.memory_space<vmem_shared>>
      tpu.enqueue_dma source(%arg9 : memref<32x128xf32, #tpu.memory_space<vmem>>) target(%dma_start3A_58 : memref<32x128xf32, #tpu.memory_space<vmem_shared>>) target_semaphore(%run_scoped3A : memref<!tpu.dma_semaphore, #tpu.memory_space<semaphore_mem>>)
      %dma_wait3A = arith.constant 0 : i32
      %dma_wait3A_59 = tpu.memref_slice %arg10[%add3A_20, %dma_wait3A] : memref<10240x128xf32, #tpu.memory_space<vmem_shared>> -> memref<32x128xf32, #tpu.memory_space<vmem_shared>>
      %dma_wait3A_60 = arith.constant 0 : i32
      %dma_wait3A_61 = tpu.memref_slice %arg10[%add3A_20, %dma_wait3A_60] : memref<10240x128xf32, #tpu.memory_space<vmem_shared>> -> memref<32x128xf32, #tpu.memory_space<vmem_shared>>
      tpu.wait_dma2 semaphore(%run_scoped3A : memref<!tpu.dma_semaphore, #tpu.memory_space<semaphore_mem>>) src(%arg9 : memref<32x128xf32, #tpu.memory_space<vmem>>) dst(%dma_wait3A_61 : memref<32x128xf32, #tpu.memory_space<vmem_shared>>)
      tpu.yield
    }) : () -> ()
    %add3A_21 = arith.constant 192 : i32
    %add3A_22 = arith.addi %mul3A_8, %add3A_21 : i32
    "tpu.region"() ({
      %run_scoped3A = tpu.sem_alloc : memref<!tpu.dma_semaphore, #tpu.memory_space<semaphore_mem>>
      %dma_start3A = arith.constant 0 : i32
      %dma_start3A_56 = tpu.memref_slice %arg10[%add3A_22, %dma_start3A] : memref<10240x128xf32, #tpu.memory_space<vmem_shared>> -> memref<32x128xf32, #tpu.memory_space<vmem_shared>>
      %dma_start3A_57 = arith.constant 0 : i32
      %dma_start3A_58 = tpu.memref_slice %arg10[%add3A_22, %dma_start3A_57] : memref<10240x128xf32, #tpu.memory_space<vmem_shared>> -> memref<32x128xf32, #tpu.memory_space<vmem_shared>>
      tpu.enqueue_dma source(%arg9 : memref<32x128xf32, #tpu.memory_space<vmem>>) target(%dma_start3A_58 : memref<32x128xf32, #tpu.memory_space<vmem_shared>>) target_semaphore(%run_scoped3A : memref<!tpu.dma_semaphore, #tpu.memory_space<semaphore_mem>>)
      %dma_wait3A = arith.constant 0 : i32
      %dma_wait3A_59 = tpu.memref_slice %arg10[%add3A_22, %dma_wait3A] : memref<10240x128xf32, #tpu.memory_space<vmem_shared>> -> memref<32x128xf32, #tpu.memory_space<vmem_shared>>
      %dma_wait3A_60 = arith.constant 0 : i32
      %dma_wait3A_61 = tpu.memref_slice %arg10[%add3A_22, %dma_wait3A_60] : memref<10240x128xf32, #tpu.memory_space<vmem_shared>> -> memref<32x128xf32, #tpu.memory_space<vmem_shared>>
      tpu.wait_dma2 semaphore(%run_scoped3A : memref<!tpu.dma_semaphore, #tpu.memory_space<semaphore_mem>>) src(%arg9 : memref<32x128xf32, #tpu.memory_space<vmem>>) dst(%dma_wait3A_61 : memref<32x128xf32, #tpu.memory_space<vmem_shared>>)
      tpu.yield
    }) : () -> ()
    %add3A_23 = arith.constant 224 : i32
    %add3A_24 = arith.addi %mul3A_8, %add3A_23 : i32
    "tpu.region"() ({
      %run_scoped3A = tpu.sem_alloc : memref<!tpu.dma_semaphore, #tpu.memory_space<semaphore_mem>>
      %dma_start3A = arith.constant 0 : i32
      %dma_start3A_56 = tpu.memref_slice %arg10[%add3A_24, %dma_start3A] : memref<10240x128xf32, #tpu.memory_space<vmem_shared>> -> memref<32x128xf32, #tpu.memory_space<vmem_shared>>
      %dma_start3A_57 = arith.constant 0 : i32
      %dma_start3A_58 = tpu.memref_slice %arg10[%add3A_24, %dma_start3A_57] : memref<10240x128xf32, #tpu.memory_space<vmem_shared>> -> memref<32x128xf32, #tpu.memory_space<vmem_shared>>
      tpu.enqueue_dma source(%arg9 : memref<32x128xf32, #tpu.memory_space<vmem>>) target(%dma_start3A_58 : memref<32x128xf32, #tpu.memory_space<vmem_shared>>) target_semaphore(%run_scoped3A : memref<!tpu.dma_semaphore, #tpu.memory_space<semaphore_mem>>)
      %dma_wait3A = arith.constant 0 : i32
      %dma_wait3A_59 = tpu.memref_slice %arg10[%add3A_24, %dma_wait3A] : memref<10240x128xf32, #tpu.memory_space<vmem_shared>> -> memref<32x128xf32, #tpu.memory_space<vmem_shared>>
      %dma_wait3A_60 = arith.constant 0 : i32
      %dma_wait3A_61 = tpu.memref_slice %arg10[%add3A_24, %dma_wait3A_60] : memref<10240x128xf32, #tpu.memory_space<vmem_shared>> -> memref<32x128xf32, #tpu.memory_space<vmem_shared>>
      tpu.wait_dma2 semaphore(%run_scoped3A : memref<!tpu.dma_semaphore, #tpu.memory_space<semaphore_mem>>) src(%arg9 : memref<32x128xf32, #tpu.memory_space<vmem>>) dst(%dma_wait3A_61 : memref<32x128xf32, #tpu.memory_space<vmem_shared>>)
      tpu.yield
    }) : () -> ()
    %add3A_25 = arith.constant 256 : i32
    %add3A_26 = arith.addi %mul3A_8, %add3A_25 : i32
    "tpu.region"() ({
      %run_scoped3A = tpu.sem_alloc : memref<!tpu.dma_semaphore, #tpu.memory_space<semaphore_mem>>
      %dma_start3A = arith.constant 0 : i32
      %dma_start3A_56 = tpu.memref_slice %arg10[%add3A_26, %dma_start3A] : memref<10240x128xf32, #tpu.memory_space<vmem_shared>> -> memref<32x128xf32, #tpu.memory_space<vmem_shared>>
      %dma_start3A_57 = arith.constant 0 : i32
      %dma_start3A_58 = tpu.memref_slice %arg10[%add3A_26, %dma_start3A_57] : memref<10240x128xf32, #tpu.memory_space<vmem_shared>> -> memref<32x128xf32, #tpu.memory_space<vmem_shared>>
      tpu.enqueue_dma source(%arg9 : memref<32x128xf32, #tpu.memory_space<vmem>>) target(%dma_start3A_58 : memref<32x128xf32, #tpu.memory_space<vmem_shared>>) target_semaphore(%run_scoped3A : memref<!tpu.dma_semaphore, #tpu.memory_space<semaphore_mem>>)
      %dma_wait3A = arith.constant 0 : i32
      %dma_wait3A_59 = tpu.memref_slice %arg10[%add3A_26, %dma_wait3A] : memref<10240x128xf32, #tpu.memory_space<vmem_shared>> -> memref<32x128xf32, #tpu.memory_space<vmem_shared>>
      %dma_wait3A_60 = arith.constant 0 : i32
      %dma_wait3A_61 = tpu.memref_slice %arg10[%add3A_26, %dma_wait3A_60] : memref<10240x128xf32, #tpu.memory_space<vmem_shared>> -> memref<32x128xf32, #tpu.memory_space<vmem_shared>>
      tpu.wait_dma2 semaphore(%run_scoped3A : memref<!tpu.dma_semaphore, #tpu.memory_space<semaphore_mem>>) src(%arg9 : memref<32x128xf32, #tpu.memory_space<vmem>>) dst(%dma_wait3A_61 : memref<32x128xf32, #tpu.memory_space<vmem_shared>>)
      tpu.yield
    }) : () -> ()
    %add3A_27 = arith.constant 288 : i32
    %add3A_28 = arith.addi %mul3A_8, %add3A_27 : i32
    "tpu.region"() ({
      %run_scoped3A = tpu.sem_alloc : memref<!tpu.dma_semaphore, #tpu.memory_space<semaphore_mem>>
      %dma_start3A = arith.constant 0 : i32
      %dma_start3A_56 = tpu.memref_slice %arg10[%add3A_28, %dma_start3A] : memref<10240x128xf32, #tpu.memory_space<vmem_shared>> -> memref<32x128xf32, #tpu.memory_space<vmem_shared>>
      %dma_start3A_57 = arith.constant 0 : i32
      %dma_start3A_58 = tpu.memref_slice %arg10[%add3A_28, %dma_start3A_57] : memref<10240x128xf32, #tpu.memory_space<vmem_shared>> -> memref<32x128xf32, #tpu.memory_space<vmem_shared>>
      tpu.enqueue_dma source(%arg9 : memref<32x128xf32, #tpu.memory_space<vmem>>) target(%dma_start3A_58 : memref<32x128xf32, #tpu.memory_space<vmem_shared>>) target_semaphore(%run_scoped3A : memref<!tpu.dma_semaphore, #tpu.memory_space<semaphore_mem>>)
      %dma_wait3A = arith.constant 0 : i32
      %dma_wait3A_59 = tpu.memref_slice %arg10[%add3A_28, %dma_wait3A] : memref<10240x128xf32, #tpu.memory_space<vmem_shared>> -> memref<32x128xf32, #tpu.memory_space<vmem_shared>>
      %dma_wait3A_60 = arith.constant 0 : i32
      %dma_wait3A_61 = tpu.memref_slice %arg10[%add3A_28, %dma_wait3A_60] : memref<10240x128xf32, #tpu.memory_space<vmem_shared>> -> memref<32x128xf32, #tpu.memory_space<vmem_shared>>
      tpu.wait_dma2 semaphore(%run_scoped3A : memref<!tpu.dma_semaphore, #tpu.memory_space<semaphore_mem>>) src(%arg9 : memref<32x128xf32, #tpu.memory_space<vmem>>) dst(%dma_wait3A_61 : memref<32x128xf32, #tpu.memory_space<vmem_shared>>)
      tpu.yield
    }) : () -> ()
    %add3A_29 = arith.constant 320 : i32
    %add3A_30 = arith.addi %mul3A_8, %add3A_29 : i32
    "tpu.region"() ({
      %run_scoped3A = tpu.sem_alloc : memref<!tpu.dma_semaphore, #tpu.memory_space<semaphore_mem>>
      %dma_start3A = arith.constant 0 : i32
      %dma_start3A_56 = tpu.memref_slice %arg10[%add3A_30, %dma_start3A] : memref<10240x128xf32, #tpu.memory_space<vmem_shared>> -> memref<32x128xf32, #tpu.memory_space<vmem_shared>>
      %dma_start3A_57 = arith.constant 0 : i32
      %dma_start3A_58 = tpu.memref_slice %arg10[%add3A_30, %dma_start3A_57] : memref<10240x128xf32, #tpu.memory_space<vmem_shared>> -> memref<32x128xf32, #tpu.memory_space<vmem_shared>>
      tpu.enqueue_dma source(%arg9 : memref<32x128xf32, #tpu.memory_space<vmem>>) target(%dma_start3A_58 : memref<32x128xf32, #tpu.memory_space<vmem_shared>>) target_semaphore(%run_scoped3A : memref<!tpu.dma_semaphore, #tpu.memory_space<semaphore_mem>>)
      %dma_wait3A = arith.constant 0 : i32
      %dma_wait3A_59 = tpu.memref_slice %arg10[%add3A_30, %dma_wait3A] : memref<10240x128xf32, #tpu.memory_space<vmem_shared>> -> memref<32x128xf32, #tpu.memory_space<vmem_shared>>
      %dma_wait3A_60 = arith.constant 0 : i32
      %dma_wait3A_61 = tpu.memref_slice %arg10[%add3A_30, %dma_wait3A_60] : memref<10240x128xf32, #tpu.memory_space<vmem_shared>> -> memref<32x128xf32, #tpu.memory_space<vmem_shared>>
      tpu.wait_dma2 semaphore(%run_scoped3A : memref<!tpu.dma_semaphore, #tpu.memory_space<semaphore_mem>>) src(%arg9 : memref<32x128xf32, #tpu.memory_space<vmem>>) dst(%dma_wait3A_61 : memref<32x128xf32, #tpu.memory_space<vmem_shared>>)
      tpu.yield
    }) : () -> ()
    %add3A_31 = arith.constant 352 : i32
    %add3A_32 = arith.addi %mul3A_8, %add3A_31 : i32
    "tpu.region"() ({
      %run_scoped3A = tpu.sem_alloc : memref<!tpu.dma_semaphore, #tpu.memory_space<semaphore_mem>>
      %dma_start3A = arith.constant 0 : i32
      %dma_start3A_56 = tpu.memref_slice %arg10[%add3A_32, %dma_start3A] : memref<10240x128xf32, #tpu.memory_space<vmem_shared>> -> memref<32x128xf32, #tpu.memory_space<vmem_shared>>
      %dma_start3A_57 = arith.constant 0 : i32
      %dma_start3A_58 = tpu.memref_slice %arg10[%add3A_32, %dma_start3A_57] : memref<10240x128xf32, #tpu.memory_space<vmem_shared>> -> memref<32x128xf32, #tpu.memory_space<vmem_shared>>
      tpu.enqueue_dma source(%arg9 : memref<32x128xf32, #tpu.memory_space<vmem>>) target(%dma_start3A_58 : memref<32x128xf32, #tpu.memory_space<vmem_shared>>) target_semaphore(%run_scoped3A : memref<!tpu.dma_semaphore, #tpu.memory_space<semaphore_mem>>)
      %dma_wait3A = arith.constant 0 : i32
      %dma_wait3A_59 = tpu.memref_slice %arg10[%add3A_32, %dma_wait3A] : memref<10240x128xf32, #tpu.memory_space<vmem_shared>> -> memref<32x128xf32, #tpu.memory_space<vmem_shared>>
      %dma_wait3A_60 = arith.constant 0 : i32
      %dma_wait3A_61 = tpu.memref_slice %arg10[%add3A_32, %dma_wait3A_60] : memref<10240x128xf32, #tpu.memory_space<vmem_shared>> -> memref<32x128xf32, #tpu.memory_space<vmem_shared>>
      tpu.wait_dma2 semaphore(%run_scoped3A : memref<!tpu.dma_semaphore, #tpu.memory_space<semaphore_mem>>) src(%arg9 : memref<32x128xf32, #tpu.memory_space<vmem>>) dst(%dma_wait3A_61 : memref<32x128xf32, #tpu.memory_space<vmem_shared>>)
      tpu.yield
    }) : () -> ()
    %add3A_33 = arith.constant 384 : i32
    %add3A_34 = arith.addi %mul3A_8, %add3A_33 : i32
    "tpu.region"() ({
      %run_scoped3A = tpu.sem_alloc : memref<!tpu.dma_semaphore, #tpu.memory_space<semaphore_mem>>
      %dma_start3A = arith.constant 0 : i32
      %dma_start3A_56 = tpu.memref_slice %arg10[%add3A_34, %dma_start3A] : memref<10240x128xf32, #tpu.memory_space<vmem_shared>> -> memref<32x128xf32, #tpu.memory_space<vmem_shared>>
      %dma_start3A_57 = arith.constant 0 : i32
      %dma_start3A_58 = tpu.memref_slice %arg10[%add3A_34, %dma_start3A_57] : memref<10240x128xf32, #tpu.memory_space<vmem_shared>> -> memref<32x128xf32, #tpu.memory_space<vmem_shared>>
      tpu.enqueue_dma source(%arg9 : memref<32x128xf32, #tpu.memory_space<vmem>>) target(%dma_start3A_58 : memref<32x128xf32, #tpu.memory_space<vmem_shared>>) target_semaphore(%run_scoped3A : memref<!tpu.dma_semaphore, #tpu.memory_space<semaphore_mem>>)
      %dma_wait3A = arith.constant 0 : i32
      %dma_wait3A_59 = tpu.memref_slice %arg10[%add3A_34, %dma_wait3A] : memref<10240x128xf32, #tpu.memory_space<vmem_shared>> -> memref<32x128xf32, #tpu.memory_space<vmem_shared>>
      %dma_wait3A_60 = arith.constant 0 : i32
      %dma_wait3A_61 = tpu.memref_slice %arg10[%add3A_34, %dma_wait3A_60] : memref<10240x128xf32, #tpu.memory_space<vmem_shared>> -> memref<32x128xf32, #tpu.memory_space<vmem_shared>>
      tpu.wait_dma2 semaphore(%run_scoped3A : memref<!tpu.dma_semaphore, #tpu.memory_space<semaphore_mem>>) src(%arg9 : memref<32x128xf32, #tpu.memory_space<vmem>>) dst(%dma_wait3A_61 : memref<32x128xf32, #tpu.memory_space<vmem_shared>>)
      tpu.yield
    }) : () -> ()
    %add3A_35 = arith.constant 416 : i32
    %add3A_36 = arith.addi %mul3A_8, %add3A_35 : i32
    "tpu.region"() ({
      %run_scoped3A = tpu.sem_alloc : memref<!tpu.dma_semaphore, #tpu.memory_space<semaphore_mem>>
      %dma_start3A = arith.constant 0 : i32
      %dma_start3A_56 = tpu.memref_slice %arg10[%add3A_36, %dma_start3A] : memref<10240x128xf32, #tpu.memory_space<vmem_shared>> -> memref<32x128xf32, #tpu.memory_space<vmem_shared>>
      %dma_start3A_57 = arith.constant 0 : i32
      %dma_start3A_58 = tpu.memref_slice %arg10[%add3A_36, %dma_start3A_57] : memref<10240x128xf32, #tpu.memory_space<vmem_shared>> -> memref<32x128xf32, #tpu.memory_space<vmem_shared>>
      tpu.enqueue_dma source(%arg9 : memref<32x128xf32, #tpu.memory_space<vmem>>) target(%dma_start3A_58 : memref<32x128xf32, #tpu.memory_space<vmem_shared>>) target_semaphore(%run_scoped3A : memref<!tpu.dma_semaphore, #tpu.memory_space<semaphore_mem>>)
      %dma_wait3A = arith.constant 0 : i32
      %dma_wait3A_59 = tpu.memref_slice %arg10[%add3A_36, %dma_wait3A] : memref<10240x128xf32, #tpu.memory_space<vmem_shared>> -> memref<32x128xf32, #tpu.memory_space<vmem_shared>>
      %dma_wait3A_60 = arith.constant 0 : i32
      %dma_wait3A_61 = tpu.memref_slice %arg10[%add3A_36, %dma_wait3A_60] : memref<10240x128xf32, #tpu.memory_space<vmem_shared>> -> memref<32x128xf32, #tpu.memory_space<vmem_shared>>
      tpu.wait_dma2 semaphore(%run_scoped3A : memref<!tpu.dma_semaphore, #tpu.memory_space<semaphore_mem>>) src(%arg9 : memref<32x128xf32, #tpu.memory_space<vmem>>) dst(%dma_wait3A_61 : memref<32x128xf32, #tpu.memory_space<vmem_shared>>)
      tpu.yield
    }) : () -> ()
    %add3A_37 = arith.constant 448 : i32
    %add3A_38 = arith.addi %mul3A_8, %add3A_37 : i32
    "tpu.region"() ({
      %run_scoped3A = tpu.sem_alloc : memref<!tpu.dma_semaphore, #tpu.memory_space<semaphore_mem>>
      %dma_start3A = arith.constant 0 : i32
      %dma_start3A_56 = tpu.memref_slice %arg10[%add3A_38, %dma_start3A] : memref<10240x128xf32, #tpu.memory_space<vmem_shared>> -> memref<32x128xf32, #tpu.memory_space<vmem_shared>>
      %dma_start3A_57 = arith.constant 0 : i32
      %dma_start3A_58 = tpu.memref_slice %arg10[%add3A_38, %dma_start3A_57] : memref<10240x128xf32, #tpu.memory_space<vmem_shared>> -> memref<32x128xf32, #tpu.memory_space<vmem_shared>>
      tpu.enqueue_dma source(%arg9 : memref<32x128xf32, #tpu.memory_space<vmem>>) target(%dma_start3A_58 : memref<32x128xf32, #tpu.memory_space<vmem_shared>>) target_semaphore(%run_scoped3A : memref<!tpu.dma_semaphore, #tpu.memory_space<semaphore_mem>>)
      %dma_wait3A = arith.constant 0 : i32
      %dma_wait3A_59 = tpu.memref_slice %arg10[%add3A_38, %dma_wait3A] : memref<10240x128xf32, #tpu.memory_space<vmem_shared>> -> memref<32x128xf32, #tpu.memory_space<vmem_shared>>
      %dma_wait3A_60 = arith.constant 0 : i32
      %dma_wait3A_61 = tpu.memref_slice %arg10[%add3A_38, %dma_wait3A_60] : memref<10240x128xf32, #tpu.memory_space<vmem_shared>> -> memref<32x128xf32, #tpu.memory_space<vmem_shared>>
      tpu.wait_dma2 semaphore(%run_scoped3A : memref<!tpu.dma_semaphore, #tpu.memory_space<semaphore_mem>>) src(%arg9 : memref<32x128xf32, #tpu.memory_space<vmem>>) dst(%dma_wait3A_61 : memref<32x128xf32, #tpu.memory_space<vmem_shared>>)
      tpu.yield
    }) : () -> ()
    %add3A_39 = arith.constant 480 : i32
    %add3A_40 = arith.addi %mul3A_8, %add3A_39 : i32
    "tpu.region"() ({
      %run_scoped3A = tpu.sem_alloc : memref<!tpu.dma_semaphore, #tpu.memory_space<semaphore_mem>>
      %dma_start3A = arith.constant 0 : i32
      %dma_start3A_56 = tpu.memref_slice %arg10[%add3A_40, %dma_start3A] : memref<10240x128xf32, #tpu.memory_space<vmem_shared>> -> memref<32x128xf32, #tpu.memory_space<vmem_shared>>
      %dma_start3A_57 = arith.constant 0 : i32
      %dma_start3A_58 = tpu.memref_slice %arg10[%add3A_40, %dma_start3A_57] : memref<10240x128xf32, #tpu.memory_space<vmem_shared>> -> memref<32x128xf32, #tpu.memory_space<vmem_shared>>
      tpu.enqueue_dma source(%arg9 : memref<32x128xf32, #tpu.memory_space<vmem>>) target(%dma_start3A_58 : memref<32x128xf32, #tpu.memory_space<vmem_shared>>) target_semaphore(%run_scoped3A : memref<!tpu.dma_semaphore, #tpu.memory_space<semaphore_mem>>)
      %dma_wait3A = arith.constant 0 : i32
      %dma_wait3A_59 = tpu.memref_slice %arg10[%add3A_40, %dma_wait3A] : memref<10240x128xf32, #tpu.memory_space<vmem_shared>> -> memref<32x128xf32, #tpu.memory_space<vmem_shared>>
      %dma_wait3A_60 = arith.constant 0 : i32
      %dma_wait3A_61 = tpu.memref_slice %arg10[%add3A_40, %dma_wait3A_60] : memref<10240x128xf32, #tpu.memory_space<vmem_shared>> -> memref<32x128xf32, #tpu.memory_space<vmem_shared>>
      tpu.wait_dma2 semaphore(%run_scoped3A : memref<!tpu.dma_semaphore, #tpu.memory_space<semaphore_mem>>) src(%arg9 : memref<32x128xf32, #tpu.memory_space<vmem>>) dst(%dma_wait3A_61 : memref<32x128xf32, #tpu.memory_space<vmem_shared>>)
      tpu.yield
    }) : () -> ()
    %add3A_41 = arith.constant 512 : i32
    %add3A_42 = arith.addi %mul3A_8, %add3A_41 : i32
    "tpu.region"() ({
      %run_scoped3A = tpu.sem_alloc : memref<!tpu.dma_semaphore, #tpu.memory_space<semaphore_mem>>
      %dma_start3A = arith.constant 0 : i32
      %dma_start3A_56 = tpu.memref_slice %arg10[%add3A_42, %dma_start3A] : memref<10240x128xf32, #tpu.memory_space<vmem_shared>> -> memref<32x128xf32, #tpu.memory_space<vmem_shared>>
      %dma_start3A_57 = arith.constant 0 : i32
      %dma_start3A_58 = tpu.memref_slice %arg10[%add3A_42, %dma_start3A_57] : memref<10240x128xf32, #tpu.memory_space<vmem_shared>> -> memref<32x128xf32, #tpu.memory_space<vmem_shared>>
      tpu.enqueue_dma source(%arg9 : memref<32x128xf32, #tpu.memory_space<vmem>>) target(%dma_start3A_58 : memref<32x128xf32, #tpu.memory_space<vmem_shared>>) target_semaphore(%run_scoped3A : memref<!tpu.dma_semaphore, #tpu.memory_space<semaphore_mem>>)
      %dma_wait3A = arith.constant 0 : i32
      %dma_wait3A_59 = tpu.memref_slice %arg10[%add3A_42, %dma_wait3A] : memref<10240x128xf32, #tpu.memory_space<vmem_shared>> -> memref<32x128xf32, #tpu.memory_space<vmem_shared>>
      %dma_wait3A_60 = arith.constant 0 : i32
      %dma_wait3A_61 = tpu.memref_slice %arg10[%add3A_42, %dma_wait3A_60] : memref<10240x128xf32, #tpu.memory_space<vmem_shared>> -> memref<32x128xf32, #tpu.memory_space<vmem_shared>>
      tpu.wait_dma2 semaphore(%run_scoped3A : memref<!tpu.dma_semaphore, #tpu.memory_space<semaphore_mem>>) src(%arg9 : memref<32x128xf32, #tpu.memory_space<vmem>>) dst(%dma_wait3A_61 : memref<32x128xf32, #tpu.memory_space<vmem_shared>>)
      tpu.yield
    }) : () -> ()
    %add3A_43 = arith.constant 544 : i32
    %add3A_44 = arith.addi %mul3A_8, %add3A_43 : i32
    "tpu.region"() ({
      %run_scoped3A = tpu.sem_alloc : memref<!tpu.dma_semaphore, #tpu.memory_space<semaphore_mem>>
      %dma_start3A = arith.constant 0 : i32
      %dma_start3A_56 = tpu.memref_slice %arg10[%add3A_44, %dma_start3A] : memref<10240x128xf32, #tpu.memory_space<vmem_shared>> -> memref<32x128xf32, #tpu.memory_space<vmem_shared>>
      %dma_start3A_57 = arith.constant 0 : i32
      %dma_start3A_58 = tpu.memref_slice %arg10[%add3A_44, %dma_start3A_57] : memref<10240x128xf32, #tpu.memory_space<vmem_shared>> -> memref<32x128xf32, #tpu.memory_space<vmem_shared>>
      tpu.enqueue_dma source(%arg9 : memref<32x128xf32, #tpu.memory_space<vmem>>) target(%dma_start3A_58 : memref<32x128xf32, #tpu.memory_space<vmem_shared>>) target_semaphore(%run_scoped3A : memref<!tpu.dma_semaphore, #tpu.memory_space<semaphore_mem>>)
      %dma_wait3A = arith.constant 0 : i32
      %dma_wait3A_59 = tpu.memref_slice %arg10[%add3A_44, %dma_wait3A] : memref<10240x128xf32, #tpu.memory_space<vmem_shared>> -> memref<32x128xf32, #tpu.memory_space<vmem_shared>>
      %dma_wait3A_60 = arith.constant 0 : i32
      %dma_wait3A_61 = tpu.memref_slice %arg10[%add3A_44, %dma_wait3A_60] : memref<10240x128xf32, #tpu.memory_space<vmem_shared>> -> memref<32x128xf32, #tpu.memory_space<vmem_shared>>
      tpu.wait_dma2 semaphore(%run_scoped3A : memref<!tpu.dma_semaphore, #tpu.memory_space<semaphore_mem>>) src(%arg9 : memref<32x128xf32, #tpu.memory_space<vmem>>) dst(%dma_wait3A_61 : memref<32x128xf32, #tpu.memory_space<vmem_shared>>)
      tpu.yield
    }) : () -> ()
    %add3A_45 = arith.constant 576 : i32
    %add3A_46 = arith.addi %mul3A_8, %add3A_45 : i32
    "tpu.region"() ({
      %run_scoped3A = tpu.sem_alloc : memref<!tpu.dma_semaphore, #tpu.memory_space<semaphore_mem>>
      %dma_start3A = arith.constant 0 : i32
      %dma_start3A_56 = tpu.memref_slice %arg10[%add3A_46, %dma_start3A] : memref<10240x128xf32, #tpu.memory_space<vmem_shared>> -> memref<32x128xf32, #tpu.memory_space<vmem_shared>>
      %dma_start3A_57 = arith.constant 0 : i32
      %dma_start3A_58 = tpu.memref_slice %arg10[%add3A_46, %dma_start3A_57] : memref<10240x128xf32, #tpu.memory_space<vmem_shared>> -> memref<32x128xf32, #tpu.memory_space<vmem_shared>>
      tpu.enqueue_dma source(%arg9 : memref<32x128xf32, #tpu.memory_space<vmem>>) target(%dma_start3A_58 : memref<32x128xf32, #tpu.memory_space<vmem_shared>>) target_semaphore(%run_scoped3A : memref<!tpu.dma_semaphore, #tpu.memory_space<semaphore_mem>>)
      %dma_wait3A = arith.constant 0 : i32
      %dma_wait3A_59 = tpu.memref_slice %arg10[%add3A_46, %dma_wait3A] : memref<10240x128xf32, #tpu.memory_space<vmem_shared>> -> memref<32x128xf32, #tpu.memory_space<vmem_shared>>
      %dma_wait3A_60 = arith.constant 0 : i32
      %dma_wait3A_61 = tpu.memref_slice %arg10[%add3A_46, %dma_wait3A_60] : memref<10240x128xf32, #tpu.memory_space<vmem_shared>> -> memref<32x128xf32, #tpu.memory_space<vmem_shared>>
      tpu.wait_dma2 semaphore(%run_scoped3A : memref<!tpu.dma_semaphore, #tpu.memory_space<semaphore_mem>>) src(%arg9 : memref<32x128xf32, #tpu.memory_space<vmem>>) dst(%dma_wait3A_61 : memref<32x128xf32, #tpu.memory_space<vmem_shared>>)
      tpu.yield
    }) : () -> ()
    %add3A_47 = arith.constant 608 : i32
    %add3A_48 = arith.addi %mul3A_8, %add3A_47 : i32
    "tpu.region"() ({
      %run_scoped3A = tpu.sem_alloc : memref<!tpu.dma_semaphore, #tpu.memory_space<semaphore_mem>>
      %dma_start3A = arith.constant 0 : i32
      %dma_start3A_56 = tpu.memref_slice %arg10[%add3A_48, %dma_start3A] : memref<10240x128xf32, #tpu.memory_space<vmem_shared>> -> memref<32x128xf32, #tpu.memory_space<vmem_shared>>
      %dma_start3A_57 = arith.constant 0 : i32
      %dma_start3A_58 = tpu.memref_slice %arg10[%add3A_48, %dma_start3A_57] : memref<10240x128xf32, #tpu.memory_space<vmem_shared>> -> memref<32x128xf32, #tpu.memory_space<vmem_shared>>
      tpu.enqueue_dma source(%arg9 : memref<32x128xf32, #tpu.memory_space<vmem>>) target(%dma_start3A_58 : memref<32x128xf32, #tpu.memory_space<vmem_shared>>) target_semaphore(%run_scoped3A : memref<!tpu.dma_semaphore, #tpu.memory_space<semaphore_mem>>)
      %dma_wait3A = arith.constant 0 : i32
      %dma_wait3A_59 = tpu.memref_slice %arg10[%add3A_48, %dma_wait3A] : memref<10240x128xf32, #tpu.memory_space<vmem_shared>> -> memref<32x128xf32, #tpu.memory_space<vmem_shared>>
      %dma_wait3A_60 = arith.constant 0 : i32
      %dma_wait3A_61 = tpu.memref_slice %arg10[%add3A_48, %dma_wait3A_60] : memref<10240x128xf32, #tpu.memory_space<vmem_shared>> -> memref<32x128xf32, #tpu.memory_space<vmem_shared>>
      tpu.wait_dma2 semaphore(%run_scoped3A : memref<!tpu.dma_semaphore, #tpu.memory_space<semaphore_mem>>) src(%arg9 : memref<32x128xf32, #tpu.memory_space<vmem>>) dst(%dma_wait3A_61 : memref<32x128xf32, #tpu.memory_space<vmem_shared>>)
      tpu.yield
    }) : () -> ()
    %barrier3A = arith.constant 0 : index
    tpu.barrier barrier_id(%barrier3A)
    %scan3A_49 = arith.constant 0 : i32
    %scan3A_50 = arith.constant 0 : i32
    %scan3A_51 = arith.constant 79 : i32
    %scan3A_52 = arith.addi %scan3A_50, %scan3A_51 : i32
    %scan3A_53 = arith.constant 1 : i32
    scf.for %scan3A_56 = %scan3A_50 to %scan3A_52 step %scan3A_53  : i32 {
      %dma_start3A = arith.constant 0 : i32
      %dma_start3A_57 = tpu.memref_slice %arg6[%scan3A_56, %dma_start3A] : memref<79x128xi32, #tpu.memory_space<vmem>> -> memref<1x128xi32, #tpu.memory_space<vmem>>
      %dma_start3A_58 = tpu.memref_squeeze %dma_start3A_57 : memref<1x128xi32, #tpu.memory_space<vmem>> -> memref<128xi32, #tpu.memory_space<vmem>>
      %dma_start3A_59 = arith.constant 0 : i32
      %dma_start3A_60 = arith.constant 0 : i32
      %dma_start3A_61 = tpu.memref_slice %arg2[%dma_start3A_59, %dma_start3A_60] : memref<10240x128xf32, #tpu.memory_space<hbm>> -> memref<10240x128xf32, #tpu.memory_space<hbm>>
      tpu.enqueue_indirect_dma source(%dma_start3A_61 : memref<10240x128xf32, #tpu.memory_space<hbm>>) target(%arg8 : memref<128x128xf32, #tpu.memory_space<vmem>>) offsets(%dma_start3A_58 : memref<128xi32, #tpu.memory_space<vmem>>) semaphore(%arg11 : memref<!tpu.dma_semaphore, #tpu.memory_space<semaphore_mem>>)
      %dma_wait3A = arith.constant 0 : i32
      %dma_wait3A_62 = tpu.memref_slice %arg6[%scan3A_56, %dma_wait3A] : memref<79x128xi32, #tpu.memory_space<vmem>> -> memref<1x128xi32, #tpu.memory_space<vmem>>
      %dma_wait3A_63 = tpu.memref_squeeze %dma_wait3A_62 : memref<1x128xi32, #tpu.memory_space<vmem>> -> memref<128xi32, #tpu.memory_space<vmem>>
      %dma_wait3A_64 = arith.constant 0 : i32
      %dma_wait3A_65 = arith.constant 0 : i32
      %dma_wait3A_66 = tpu.memref_slice %arg2[%dma_wait3A_64, %dma_wait3A_65] : memref<10240x128xf32, #tpu.memory_space<hbm>> -> memref<10240x128xf32, #tpu.memory_space<hbm>>
      tpu.wait_indirect_dma semaphore(%arg11 : memref<!tpu.dma_semaphore, #tpu.memory_space<semaphore_mem>>) src(%dma_wait3A_66 : memref<10240x128xf32, #tpu.memory_space<hbm>>) dst(%arg8 : memref<128x128xf32, #tpu.memory_space<vmem>>)
      "tpu.region"() ({
        %run_scoped3A = tpu.sem_alloc : memref<!tpu.dma_semaphore, #tpu.memory_space<semaphore_mem>>
        %dma_start3A_67 = arith.constant 0 : i32
        %dma_start3A_68 = tpu.memref_slice %arg7[%scan3A_56, %dma_start3A_67] : memref<79x128xi32, #tpu.memory_space<vmem>> -> memref<1x128xi32, #tpu.memory_space<vmem>>
        %dma_start3A_69 = tpu.memref_squeeze %dma_start3A_68 : memref<1x128xi32, #tpu.memory_space<vmem>> -> memref<128xi32, #tpu.memory_space<vmem>>
        %dma_start3A_70 = arith.constant 0 : i32
        %dma_start3A_71 = arith.constant 0 : i32
        %dma_start3A_72 = tpu.memref_slice %arg10[%dma_start3A_70, %dma_start3A_71] : memref<10240x128xf32, #tpu.memory_space<vmem_shared>> -> memref<10240x128xf32, #tpu.memory_space<vmem_shared>>
        tpu.enqueue_indirect_dma source(%arg8 : memref<128x128xf32, #tpu.memory_space<vmem>>) target(%dma_start3A_72 : memref<10240x128xf32, #tpu.memory_space<vmem_shared>>) offsets(%dma_start3A_69 : memref<128xi32, #tpu.memory_space<vmem>>) semaphore(%run_scoped3A : memref<!tpu.dma_semaphore, #tpu.memory_space<semaphore_mem>>) {add = true}
        %dma_wait3A_73 = arith.constant 0 : i32
        %dma_wait3A_74 = tpu.memref_slice %arg7[%scan3A_56, %dma_wait3A_73] : memref<79x128xi32, #tpu.memory_space<vmem>> -> memref<1x128xi32, #tpu.memory_space<vmem>>
        %dma_wait3A_75 = tpu.memref_squeeze %dma_wait3A_74 : memref<1x128xi32, #tpu.memory_space<vmem>> -> memref<128xi32, #tpu.memory_space<vmem>>
        %dma_wait3A_76 = arith.constant 0 : i32
        %dma_wait3A_77 = arith.constant 0 : i32
        %dma_wait3A_78 = tpu.memref_slice %arg10[%dma_wait3A_76, %dma_wait3A_77] : memref<10240x128xf32, #tpu.memory_space<vmem_shared>> -> memref<10240x128xf32, #tpu.memory_space<vmem_shared>>
        tpu.wait_indirect_dma semaphore(%run_scoped3A : memref<!tpu.dma_semaphore, #tpu.memory_space<semaphore_mem>>) src(%arg8 : memref<128x128xf32, #tpu.memory_space<vmem>>) dst(%dma_wait3A_78 : memref<10240x128xf32, #tpu.memory_space<vmem_shared>>)
        tpu.yield
      }) : () -> ()
    }
    %scan3A_54 = arith.constant 79 : i32
    %barrier3A_55 = arith.constant 0 : index
    tpu.barrier barrier_id(%barrier3A_55)
    "tpu.region"() ({
      %run_scoped3A = tpu.sem_alloc : memref<!tpu.dma_semaphore, #tpu.memory_space<semaphore_mem>>
      %dma_start3A = arith.constant 0 : i32
      %dma_start3A_56 = tpu.memref_slice %arg5[%arg0, %mul3A_8, %dma_start3A] : memref<2x10240x128xf32, #tpu.memory_space<hbm>> -> memref<1x640x128xf32, #tpu.memory_space<hbm>>
      %dma_start3A_57 = tpu.memref_squeeze %dma_start3A_56 : memref<1x640x128xf32, #tpu.memory_space<hbm>> -> memref<640x128xf32, #tpu.memory_space<hbm>>
      %dma_start3A_58 = arith.constant 0 : i32
      %dma_start3A_59 = tpu.memref_slice %arg10[%mul3A_8, %dma_start3A_58] : memref<10240x128xf32, #tpu.memory_space<vmem_shared>> -> memref<640x128xf32, #tpu.memory_space<vmem_shared>>
      tpu.enqueue_dma source(%dma_start3A_59 : memref<640x128xf32, #tpu.memory_space<vmem_shared>>) target(%dma_start3A_57 : memref<640x128xf32, #tpu.memory_space<hbm>>) target_semaphore(%run_scoped3A : memref<!tpu.dma_semaphore, #tpu.memory_space<semaphore_mem>>)
      %dma_wait3A = arith.constant 0 : i32
      %dma_wait3A_60 = tpu.memref_slice %arg5[%arg0, %mul3A_8, %dma_wait3A] : memref<2x10240x128xf32, #tpu.memory_space<hbm>> -> memref<1x640x128xf32, #tpu.memory_space<hbm>>
      %dma_wait3A_61 = tpu.memref_squeeze %dma_wait3A_60 : memref<1x640x128xf32, #tpu.memory_space<hbm>> -> memref<640x128xf32, #tpu.memory_space<hbm>>
      %dma_wait3A_62 = arith.constant 0 : i32
      %dma_wait3A_63 = tpu.memref_slice %arg10[%mul3A_8, %dma_wait3A_62] : memref<10240x128xf32, #tpu.memory_space<vmem_shared>> -> memref<640x128xf32, #tpu.memory_space<vmem_shared>>
      tpu.wait_dma2 semaphore(%run_scoped3A : memref<!tpu.dma_semaphore, #tpu.memory_space<semaphore_mem>>) src(%dma_wait3A_63 : memref<640x128xf32, #tpu.memory_space<vmem_shared>>) dst(%dma_wait3A_61 : memref<640x128xf32, #tpu.memory_space<hbm>>)
      tpu.yield
    }) : () -> ()
    return
  }
}

#map = affine_map<(d0, d1) -> (0, 0)>
#map1 = affine_map<(d0, d1) -> (0, 0, 0)>
module attributes {stable_mosaic.version = 14 : i64} {
  func.func @body(%arg0: i32, %arg1: i32, %arg2: memref<10240x128xf32, #tpu.memory_space<hbm>>, %arg3: memref<32x79x128xi32, #tpu.memory_space<hbm>>, %arg4: memref<32x79x128xi32, #tpu.memory_space<hbm>>, %arg5: memref<2x10240x128xf32, #tpu.memory_space<hbm>>, %arg6: memref<79x128xi32, #tpu.memory_space<vmem>>, %arg7: memref<79x128xi32, #tpu.memory_space<vmem>>, %arg8: memref<128x128xf32, #tpu.memory_space<vmem>>, %arg9: memref<32x128xf32, #tpu.memory_space<vmem>>, %arg10: memref<10240x128xf32, #tpu.memory_space<vmem_shared>>, %arg11: memref<!tpu.dma_semaphore, #tpu.memory_space<semaphore_mem>>) attributes {dimension_semantics = [#tpu.dimension_semantics<core_parallel>, #tpu.dimension_semantics<subcore_parallel>], iteration_bounds = array<i64: 2, 16>, scalar_prefetch = 0 : i64, scratch_operands = 6 : i64, tpu.core_type = #tpu.core_type<sc_vector_subcore>, window_params = [{transform_indices = #map}, {transform_indices = #map1}, {transform_indices = #map1}, {transform_indices = #map1}]} {
    %mul3A = arith.constant 2 : i32
    %mul3A_0 = arith.muli %arg1, %mul3A : i32
    %add3A = arith.addi %mul3A_0, %arg0 : i32
    "tpu.region"() ({
      %run_scoped3A = tpu.sem_alloc : memref<!tpu.dma_semaphore, #tpu.memory_space<semaphore_mem>>
      %dma_start3A = arith.constant 0 : i32
      %dma_start3A_56 = arith.constant 0 : i32
      %dma_start3A_57 = tpu.memref_slice %arg3[%add3A, %dma_start3A, %dma_start3A_56] : memref<32x79x128xi32, #tpu.memory_space<hbm>> -> memref<1x79x128xi32, #tpu.memory_space<hbm>>
      %dma_start3A_58 = tpu.memref_squeeze %dma_start3A_57 : memref<1x79x128xi32, #tpu.memory_space<hbm>> -> memref<79x128xi32, #tpu.memory_space<hbm>>
      %dma_start3A_59 = arith.constant 0 : i32
      %dma_start3A_60 = arith.constant 0 : i32
      %dma_start3A_61 = tpu.memref_slice %arg3[%add3A, %dma_start3A_59, %dma_start3A_60] : memref<32x79x128xi32, #tpu.memory_space<hbm>> -> memref<1x79x128xi32, #tpu.memory_space<hbm>>
      %dma_start3A_62 = tpu.memref_squeeze %dma_start3A_61 : memref<1x79x128xi32, #tpu.memory_space<hbm>> -> memref<79x128xi32, #tpu.memory_space<hbm>>
      tpu.enqueue_dma source(%dma_start3A_62 : memref<79x128xi32, #tpu.memory_space<hbm>>) target(%arg6 : memref<79x128xi32, #tpu.memory_space<vmem>>) target_semaphore(%run_scoped3A : memref<!tpu.dma_semaphore, #tpu.memory_space<semaphore_mem>>)
      %dma_wait3A = arith.constant 0 : i32
      %dma_wait3A_63 = arith.constant 0 : i32
      %dma_wait3A_64 = tpu.memref_slice %arg3[%add3A, %dma_wait3A, %dma_wait3A_63] : memref<32x79x128xi32, #tpu.memory_space<hbm>> -> memref<1x79x128xi32, #tpu.memory_space<hbm>>
      %dma_wait3A_65 = tpu.memref_squeeze %dma_wait3A_64 : memref<1x79x128xi32, #tpu.memory_space<hbm>> -> memref<79x128xi32, #tpu.memory_space<hbm>>
      %dma_wait3A_66 = arith.constant 0 : i32
      %dma_wait3A_67 = arith.constant 0 : i32
      %dma_wait3A_68 = tpu.memref_slice %arg3[%add3A, %dma_wait3A_66, %dma_wait3A_67] : memref<32x79x128xi32, #tpu.memory_space<hbm>> -> memref<1x79x128xi32, #tpu.memory_space<hbm>>
      %dma_wait3A_69 = tpu.memref_squeeze %dma_wait3A_68 : memref<1x79x128xi32, #tpu.memory_space<hbm>> -> memref<79x128xi32, #tpu.memory_space<hbm>>
      tpu.wait_dma2 semaphore(%run_scoped3A : memref<!tpu.dma_semaphore, #tpu.memory_space<semaphore_mem>>) src(%dma_wait3A_69 : memref<79x128xi32, #tpu.memory_space<hbm>>) dst(%arg6 : memref<79x128xi32, #tpu.memory_space<vmem>>)
      tpu.yield
    }) : () -> ()
    "tpu.region"() ({
      %run_scoped3A = tpu.sem_alloc : memref<!tpu.dma_semaphore, #tpu.memory_space<semaphore_mem>>
      %dma_start3A = arith.constant 0 : i32
      %dma_start3A_56 = arith.constant 0 : i32
      %dma_start3A_57 = tpu.memref_slice %arg4[%add3A, %dma_start3A, %dma_start3A_56] : memref<32x79x128xi32, #tpu.memory_space<hbm>> -> memref<1x79x128xi32, #tpu.memory_space<hbm>>
      %dma_start3A_58 = tpu.memref_squeeze %dma_start3A_57 : memref<1x79x128xi32, #tpu.memory_space<hbm>> -> memref<79x128xi32, #tpu.memory_space<hbm>>
      %dma_start3A_59 = arith.constant 0 : i32
      %dma_start3A_60 = arith.constant 0 : i32
      %dma_start3A_61 = tpu.memref_slice %arg4[%add3A, %dma_start3A_59, %dma_start3A_60] : memref<32x79x128xi32, #tpu.memory_space<hbm>> -> memref<1x79x128xi32, #tpu.memory_space<hbm>>
      %dma_start3A_62 = tpu.memref_squeeze %dma_start3A_61 : memref<1x79x128xi32, #tpu.memory_space<hbm>> -> memref<79x128xi32, #tpu.memory_space<hbm>>
      tpu.enqueue_dma source(%dma_start3A_62 : memref<79x128xi32, #tpu.memory_space<hbm>>) target(%arg7 : memref<79x128xi32, #tpu.memory_space<vmem>>) target_semaphore(%run_scoped3A : memref<!tpu.dma_semaphore, #tpu.memory_space<semaphore_mem>>)
      %dma_wait3A = arith.constant 0 : i32
      %dma_wait3A_63 = arith.constant 0 : i32
      %dma_wait3A_64 = tpu.memref_slice %arg4[%add3A, %dma_wait3A, %dma_wait3A_63] : memref<32x79x128xi32, #tpu.memory_space<hbm>> -> memref<1x79x128xi32, #tpu.memory_space<hbm>>
      %dma_wait3A_65 = tpu.memref_squeeze %dma_wait3A_64 : memref<1x79x128xi32, #tpu.memory_space<hbm>> -> memref<79x128xi32, #tpu.memory_space<hbm>>
      %dma_wait3A_66 = arith.constant 0 : i32
      %dma_wait3A_67 = arith.constant 0 : i32
      %dma_wait3A_68 = tpu.memref_slice %arg4[%add3A, %dma_wait3A_66, %dma_wait3A_67] : memref<32x79x128xi32, #tpu.memory_space<hbm>> -> memref<1x79x128xi32, #tpu.memory_space<hbm>>
      %dma_wait3A_69 = tpu.memref_squeeze %dma_wait3A_68 : memref<1x79x128xi32, #tpu.memory_space<hbm>> -> memref<79x128xi32, #tpu.memory_space<hbm>>
      tpu.wait_dma2 semaphore(%run_scoped3A : memref<!tpu.dma_semaphore, #tpu.memory_space<semaphore_mem>>) src(%dma_wait3A_69 : memref<79x128xi32, #tpu.memory_space<hbm>>) dst(%arg7 : memref<79x128xi32, #tpu.memory_space<vmem>>)
      tpu.yield
    }) : () -> ()
    %broadcast_in_dim3A = arith.constant 0.000000e+00 : f32
    %broadcast_in_dim3A_1 = vector.broadcast %broadcast_in_dim3A : f32 to vector<16xf32>
    %scan3A = arith.constant 0 : i32
    %scan3A_2 = arith.constant 0 : i32
    %scan3A_3 = arith.constant 32 : i32
    %scan3A_4 = arith.addi %scan3A_2, %scan3A_3 : i32
    %scan3A_5 = arith.constant 1 : i32
    scf.for %scan3A_56 = %scan3A_2 to %scan3A_4 step %scan3A_5  : i32 {
      %swap3A = arith.index_cast %scan3A_56 : i32 to index
      %swap3A_57 = arith.constant 0 : index
      %swap3A_58 = tpu.vector_load %arg9[%swap3A, %swap3A_57] {strides = array<i32>} : memref<32x128xf32, #tpu.memory_space<vmem>>, vector<1x16xf32>,
      %swap3A_59 = vector.shape_cast %swap3A_58 : vector<1x16xf32> to vector<16xf32>
      %swap3A_60 = vector.shape_cast %broadcast_in_dim3A_1 : vector<16xf32> to vector<1x16xf32>
      tpu.vector_store %arg9[%swap3A, %swap3A_57], %swap3A_60 {strides = array<i32>} : memref<32x128xf32, #tpu.memory_space<vmem>>, vector<1x16xf32>,
      %swap3A_61 = arith.index_cast %scan3A_56 : i32 to index
      %swap3A_62 = arith.constant 16 : index
      %swap3A_63 = tpu.vector_load %arg9[%swap3A_61, %swap3A_62] {strides = array<i32>} : memref<32x128xf32, #tpu.memory_space<vmem>>, vector<1x16xf32>,
      %swap3A_64 = vector.shape_cast %swap3A_63 : vector<1x16xf32> to vector<16xf32>
      %swap3A_65 = vector.shape_cast %broadcast_in_dim3A_1 : vector<16xf32> to vector<1x16xf32>
      tpu.vector_store %arg9[%swap3A_61, %swap3A_62], %swap3A_65 {strides = array<i32>} : memref<32x128xf32, #tpu.memory_space<vmem>>, vector<1x16xf32>,
      %swap3A_66 = arith.index_cast %scan3A_56 : i32 to index
      %swap3A_67 = arith.constant 32 : index
      %swap3A_68 = tpu.vector_load %arg9[%swap3A_66, %swap3A_67] {strides = array<i32>} : memref<32x128xf32, #tpu.memory_space<vmem>>, vector<1x16xf32>,
      %swap3A_69 = vector.shape_cast %swap3A_68 : vector<1x16xf32> to vector<16xf32>
      %swap3A_70 = vector.shape_cast %broadcast_in_dim3A_1 : vector<16xf32> to vector<1x16xf32>
      tpu.vector_store %arg9[%swap3A_66, %swap3A_67], %swap3A_70 {strides = array<i32>} : memref<32x128xf32, #tpu.memory_space<vmem>>, vector<1x16xf32>,
      %swap3A_71 = arith.index_cast %scan3A_56 : i32 to index
      %swap3A_72 = arith.constant 48 : index
      %swap3A_73 = tpu.vector_load %arg9[%swap3A_71, %swap3A_72] {strides = array<i32>} : memref<32x128xf32, #tpu.memory_space<vmem>>, vector<1x16xf32>,
      %swap3A_74 = vector.shape_cast %swap3A_73 : vector<1x16xf32> to vector<16xf32>
      %swap3A_75 = vector.shape_cast %broadcast_in_dim3A_1 : vector<16xf32> to vector<1x16xf32>
      tpu.vector_store %arg9[%swap3A_71, %swap3A_72], %swap3A_75 {strides = array<i32>} : memref<32x128xf32, #tpu.memory_space<vmem>>, vector<1x16xf32>,
      %swap3A_76 = arith.index_cast %scan3A_56 : i32 to index
      %swap3A_77 = arith.constant 64 : index
      %swap3A_78 = tpu.vector_load %arg9[%swap3A_76, %swap3A_77] {strides = array<i32>} : memref<32x128xf32, #tpu.memory_space<vmem>>, vector<1x16xf32>,
      %swap3A_79 = vector.shape_cast %swap3A_78 : vector<1x16xf32> to vector<16xf32>
      %swap3A_80 = vector.shape_cast %broadcast_in_dim3A_1 : vector<16xf32> to vector<1x16xf32>
      tpu.vector_store %arg9[%swap3A_76, %swap3A_77], %swap3A_80 {strides = array<i32>} : memref<32x128xf32, #tpu.memory_space<vmem>>, vector<1x16xf32>,
      %swap3A_81 = arith.index_cast %scan3A_56 : i32 to index
      %swap3A_82 = arith.constant 80 : index
      %swap3A_83 = tpu.vector_load %arg9[%swap3A_81, %swap3A_82] {strides = array<i32>} : memref<32x128xf32, #tpu.memory_space<vmem>>, vector<1x16xf32>,
      %swap3A_84 = vector.shape_cast %swap3A_83 : vector<1x16xf32> to vector<16xf32>
      %swap3A_85 = vector.shape_cast %broadcast_in_dim3A_1 : vector<16xf32> to vector<1x16xf32>
      tpu.vector_store %arg9[%swap3A_81, %swap3A_82], %swap3A_85 {strides = array<i32>} : memref<32x128xf32, #tpu.memory_space<vmem>>, vector<1x16xf32>,
      %swap3A_86 = arith.index_cast %scan3A_56 : i32 to index
      %swap3A_87 = arith.constant 96 : index
      %swap3A_88 = tpu.vector_load %arg9[%swap3A_86, %swap3A_87] {strides = array<i32>} : memref<32x128xf32, #tpu.memory_space<vmem>>, vector<1x16xf32>,
      %swap3A_89 = vector.shape_cast %swap3A_88 : vector<1x16xf32> to vector<16xf32>
      %swap3A_90 = vector.shape_cast %broadcast_in_dim3A_1 : vector<16xf32> to vector<1x16xf32>
      tpu.vector_store %arg9[%swap3A_86, %swap3A_87], %swap3A_90 {strides = array<i32>} : memref<32x128xf32, #tpu.memory_space<vmem>>, vector<1x16xf32>,
      %swap3A_91 = arith.index_cast %scan3A_56 : i32 to index
      %swap3A_92 = arith.constant 112 : index
      %swap3A_93 = tpu.vector_load %arg9[%swap3A_91, %swap3A_92] {strides = array<i32>} : memref<32x128xf32, #tpu.memory_space<vmem>>, vector<1x16xf32>,
      %swap3A_94 = vector.shape_cast %swap3A_93 : vector<1x16xf32> to vector<16xf32>
      %swap3A_95 = vector.shape_cast %broadcast_in_dim3A_1 : vector<16xf32> to vector<1x16xf32>
      tpu.vector_store %arg9[%swap3A_91, %swap3A_92], %swap3A_95 {strides = array<i32>} : memref<32x128xf32, #tpu.memory_space<vmem>>, vector<1x16xf32>,
    }
    %scan3A_6 = arith.constant 32 : i32
    %mul3A_7 = arith.constant 640 : i32
    %mul3A_8 = arith.muli %arg1, %mul3A_7 : i32
    %add3A_9 = arith.constant 0 : i32
    %add3A_10 = arith.addi %mul3A_8, %add3A_9 : i32
    "tpu.region"() ({
      %run_scoped3A = tpu.sem_alloc : memref<!tpu.dma_semaphore, #tpu.memory_space<semaphore_mem>>
      %dma_start3A = arith.constant 0 : i32
      %dma_start3A_56 = tpu.memref_slice %arg10[%add3A_10, %dma_start3A] : memref<10240x128xf32, #tpu.memory_space<vmem_shared>> -> memref<32x128xf32, #tpu.memory_space<vmem_shared>>
      %dma_start3A_57 = arith.constant 0 : i32
      %dma_start3A_58 = tpu.memref_slice %arg10[%add3A_10, %dma_start3A_57] : memref<10240x128xf32, #tpu.memory_space<vmem_shared>> -> memref<32x128xf32, #tpu.memory_space<vmem_shared>>
      tpu.enqueue_dma source(%arg9 : memref<32x128xf32, #tpu.memory_space<vmem>>) target(%dma_start3A_58 : memref<32x128xf32, #tpu.memory_space<vmem_shared>>) target_semaphore(%run_scoped3A : memref<!tpu.dma_semaphore, #tpu.memory_space<semaphore_mem>>)
      %dma_wait3A = arith.constant 0 : i32
      %dma_wait3A_59 = tpu.memref_slice %arg10[%add3A_10, %dma_wait3A] : memref<10240x128xf32, #tpu.memory_space<vmem_shared>> -> memref<32x128xf32, #tpu.memory_space<vmem_shared>>
      %dma_wait3A_60 = arith.constant 0 : i32
      %dma_wait3A_61 = tpu.memref_slice %arg10[%add3A_10, %dma_wait3A_60] : memref<10240x128xf32, #tpu.memory_space<vmem_shared>> -> memref<32x128xf32, #tpu.memory_space<vmem_shared>>
      tpu.wait_dma2 semaphore(%run_scoped3A : memref<!tpu.dma_semaphore, #tpu.memory_space<semaphore_mem>>) src(%arg9 : memref<32x128xf32, #tpu.memory_space<vmem>>) dst(%dma_wait3A_61 : memref<32x128xf32, #tpu.memory_space<vmem_shared>>)
      tpu.yield
    }) : () -> ()
    %add3A_11 = arith.constant 32 : i32
    %add3A_12 = arith.addi %mul3A_8, %add3A_11 : i32
    "tpu.region"() ({
      %run_scoped3A = tpu.sem_alloc : memref<!tpu.dma_semaphore, #tpu.memory_space<semaphore_mem>>
      %dma_start3A = arith.constant 0 : i32
      %dma_start3A_56 = tpu.memref_slice %arg10[%add3A_12, %dma_start3A] : memref<10240x128xf32, #tpu.memory_space<vmem_shared>> -> memref<32x128xf32, #tpu.memory_space<vmem_shared>>
      %dma_start3A_57 = arith.constant 0 : i32
      %dma_start3A_58 = tpu.memref_slice %arg10[%add3A_12, %dma_start3A_57] : memref<10240x128xf32, #tpu.memory_space<vmem_shared>> -> memref<32x128xf32, #tpu.memory_space<vmem_shared>>
      tpu.enqueue_dma source(%arg9 : memref<32x128xf32, #tpu.memory_space<vmem>>) target(%dma_start3A_58 : memref<32x128xf32, #tpu.memory_space<vmem_shared>>) target_semaphore(%run_scoped3A : memref<!tpu.dma_semaphore, #tpu.memory_space<semaphore_mem>>)
      %dma_wait3A = arith.constant 0 : i32
      %dma_wait3A_59 = tpu.memref_slice %arg10[%add3A_12, %dma_wait3A] : memref<10240x128xf32, #tpu.memory_space<vmem_shared>> -> memref<32x128xf32, #tpu.memory_space<vmem_shared>>
      %dma_wait3A_60 = arith.constant 0 : i32
      %dma_wait3A_61 = tpu.memref_slice %arg10[%add3A_12, %dma_wait3A_60] : memref<10240x128xf32, #tpu.memory_space<vmem_shared>> -> memref<32x128xf32, #tpu.memory_space<vmem_shared>>
      tpu.wait_dma2 semaphore(%run_scoped3A : memref<!tpu.dma_semaphore, #tpu.memory_space<semaphore_mem>>) src(%arg9 : memref<32x128xf32, #tpu.memory_space<vmem>>) dst(%dma_wait3A_61 : memref<32x128xf32, #tpu.memory_space<vmem_shared>>)
      tpu.yield
    }) : () -> ()
    %add3A_13 = arith.constant 64 : i32
    %add3A_14 = arith.addi %mul3A_8, %add3A_13 : i32
    "tpu.region"() ({
      %run_scoped3A = tpu.sem_alloc : memref<!tpu.dma_semaphore, #tpu.memory_space<semaphore_mem>>
      %dma_start3A = arith.constant 0 : i32
      %dma_start3A_56 = tpu.memref_slice %arg10[%add3A_14, %dma_start3A] : memref<10240x128xf32, #tpu.memory_space<vmem_shared>> -> memref<32x128xf32, #tpu.memory_space<vmem_shared>>
      %dma_start3A_57 = arith.constant 0 : i32
      %dma_start3A_58 = tpu.memref_slice %arg10[%add3A_14, %dma_start3A_57] : memref<10240x128xf32, #tpu.memory_space<vmem_shared>> -> memref<32x128xf32, #tpu.memory_space<vmem_shared>>
      tpu.enqueue_dma source(%arg9 : memref<32x128xf32, #tpu.memory_space<vmem>>) target(%dma_start3A_58 : memref<32x128xf32, #tpu.memory_space<vmem_shared>>) target_semaphore(%run_scoped3A : memref<!tpu.dma_semaphore, #tpu.memory_space<semaphore_mem>>)
      %dma_wait3A = arith.constant 0 : i32
      %dma_wait3A_59 = tpu.memref_slice %arg10[%add3A_14, %dma_wait3A] : memref<10240x128xf32, #tpu.memory_space<vmem_shared>> -> memref<32x128xf32, #tpu.memory_space<vmem_shared>>
      %dma_wait3A_60 = arith.constant 0 : i32
      %dma_wait3A_61 = tpu.memref_slice %arg10[%add3A_14, %dma_wait3A_60] : memref<10240x128xf32, #tpu.memory_space<vmem_shared>> -> memref<32x128xf32, #tpu.memory_space<vmem_shared>>
      tpu.wait_dma2 semaphore(%run_scoped3A : memref<!tpu.dma_semaphore, #tpu.memory_space<semaphore_mem>>) src(%arg9 : memref<32x128xf32, #tpu.memory_space<vmem>>) dst(%dma_wait3A_61 : memref<32x128xf32, #tpu.memory_space<vmem_shared>>)
      tpu.yield
    }) : () -> ()
    %add3A_15 = arith.constant 96 : i32
    %add3A_16 = arith.addi %mul3A_8, %add3A_15 : i32
    "tpu.region"() ({
      %run_scoped3A = tpu.sem_alloc : memref<!tpu.dma_semaphore, #tpu.memory_space<semaphore_mem>>
      %dma_start3A = arith.constant 0 : i32
      %dma_start3A_56 = tpu.memref_slice %arg10[%add3A_16, %dma_start3A] : memref<10240x128xf32, #tpu.memory_space<vmem_shared>> -> memref<32x128xf32, #tpu.memory_space<vmem_shared>>
      %dma_start3A_57 = arith.constant 0 : i32
      %dma_start3A_58 = tpu.memref_slice %arg10[%add3A_16, %dma_start3A_57] : memref<10240x128xf32, #tpu.memory_space<vmem_shared>> -> memref<32x128xf32, #tpu.memory_space<vmem_shared>>
      tpu.enqueue_dma source(%arg9 : memref<32x128xf32, #tpu.memory_space<vmem>>) target(%dma_start3A_58 : memref<32x128xf32, #tpu.memory_space<vmem_shared>>) target_semaphore(%run_scoped3A : memref<!tpu.dma_semaphore, #tpu.memory_space<semaphore_mem>>)
      %dma_wait3A = arith.constant 0 : i32
      %dma_wait3A_59 = tpu.memref_slice %arg10[%add3A_16, %dma_wait3A] : memref<10240x128xf32, #tpu.memory_space<vmem_shared>> -> memref<32x128xf32, #tpu.memory_space<vmem_shared>>
      %dma_wait3A_60 = arith.constant 0 : i32
      %dma_wait3A_61 = tpu.memref_slice %arg10[%add3A_16, %dma_wait3A_60] : memref<10240x128xf32, #tpu.memory_space<vmem_shared>> -> memref<32x128xf32, #tpu.memory_space<vmem_shared>>
      tpu.wait_dma2 semaphore(%run_scoped3A : memref<!tpu.dma_semaphore, #tpu.memory_space<semaphore_mem>>) src(%arg9 : memref<32x128xf32, #tpu.memory_space<vmem>>) dst(%dma_wait3A_61 : memref<32x128xf32, #tpu.memory_space<vmem_shared>>)
      tpu.yield
    }) : () -> ()
    %add3A_17 = arith.constant 128 : i32
    %add3A_18 = arith.addi %mul3A_8, %add3A_17 : i32
    "tpu.region"() ({
      %run_scoped3A = tpu.sem_alloc : memref<!tpu.dma_semaphore, #tpu.memory_space<semaphore_mem>>
      %dma_start3A = arith.constant 0 : i32
      %dma_start3A_56 = tpu.memref_slice %arg10[%add3A_18, %dma_start3A] : memref<10240x128xf32, #tpu.memory_space<vmem_shared>> -> memref<32x128xf32, #tpu.memory_space<vmem_shared>>
      %dma_start3A_57 = arith.constant 0 : i32
      %dma_start3A_58 = tpu.memref_slice %arg10[%add3A_18, %dma_start3A_57] : memref<10240x128xf32, #tpu.memory_space<vmem_shared>> -> memref<32x128xf32, #tpu.memory_space<vmem_shared>>
      tpu.enqueue_dma source(%arg9 : memref<32x128xf32, #tpu.memory_space<vmem>>) target(%dma_start3A_58 : memref<32x128xf32, #tpu.memory_space<vmem_shared>>) target_semaphore(%run_scoped3A : memref<!tpu.dma_semaphore, #tpu.memory_space<semaphore_mem>>)
      %dma_wait3A = arith.constant 0 : i32
      %dma_wait3A_59 = tpu.memref_slice %arg10[%add3A_18, %dma_wait3A] : memref<10240x128xf32, #tpu.memory_space<vmem_shared>> -> memref<32x128xf32, #tpu.memory_space<vmem_shared>>
      %dma_wait3A_60 = arith.constant 0 : i32
      %dma_wait3A_61 = tpu.memref_slice %arg10[%add3A_18, %dma_wait3A_60] : memref<10240x128xf32, #tpu.memory_space<vmem_shared>> -> memref<32x128xf32, #tpu.memory_space<vmem_shared>>
      tpu.wait_dma2 semaphore(%run_scoped3A : memref<!tpu.dma_semaphore, #tpu.memory_space<semaphore_mem>>) src(%arg9 : memref<32x128xf32, #tpu.memory_space<vmem>>) dst(%dma_wait3A_61 : memref<32x128xf32, #tpu.memory_space<vmem_shared>>)
      tpu.yield
    }) : () -> ()
    %add3A_19 = arith.constant 160 : i32
    %add3A_20 = arith.addi %mul3A_8, %add3A_19 : i32
    "tpu.region"() ({
      %run_scoped3A = tpu.sem_alloc : memref<!tpu.dma_semaphore, #tpu.memory_space<semaphore_mem>>
      %dma_start3A = arith.constant 0 : i32
      %dma_start3A_56 = tpu.memref_slice %arg10[%add3A_20, %dma_start3A] : memref<10240x128xf32, #tpu.memory_space<vmem_shared>> -> memref<32x128xf32, #tpu.memory_space<vmem_shared>>
      %dma_start3A_57 = arith.constant 0 : i32
      %dma_start3A_58 = tpu.memref_slice %arg10[%add3A_20, %dma_start3A_57] : memref<10240x128xf32, #tpu.memory_space<vmem_shared>> -> memref<32x128xf32, #tpu.memory_space<vmem_shared>>
      tpu.enqueue_dma source(%arg9 : memref<32x128xf32, #tpu.memory_space<vmem>>) target(%dma_start3A_58 : memref<32x128xf32, #tpu.memory_space<vmem_shared>>) target_semaphore(%run_scoped3A : memref<!tpu.dma_semaphore, #tpu.memory_space<semaphore_mem>>)
      %dma_wait3A = arith.constant 0 : i32
      %dma_wait3A_59 = tpu.memref_slice %arg10[%add3A_20, %dma_wait3A] : memref<10240x128xf32, #tpu.memory_space<vmem_shared>> -> memref<32x128xf32, #tpu.memory_space<vmem_shared>>
      %dma_wait3A_60 = arith.constant 0 : i32
      %dma_wait3A_61 = tpu.memref_slice %arg10[%add3A_20, %dma_wait3A_60] : memref<10240x128xf32, #tpu.memory_space<vmem_shared>> -> memref<32x128xf32, #tpu.memory_space<vmem_shared>>
      tpu.wait_dma2 semaphore(%run_scoped3A : memref<!tpu.dma_semaphore, #tpu.memory_space<semaphore_mem>>) src(%arg9 : memref<32x128xf32, #tpu.memory_space<vmem>>) dst(%dma_wait3A_61 : memref<32x128xf32, #tpu.memory_space<vmem_shared>>)
      tpu.yield
    }) : () -> ()
    %add3A_21 = arith.constant 192 : i32
    %add3A_22 = arith.addi %mul3A_8, %add3A_21 : i32
    "tpu.region"() ({
      %run_scoped3A = tpu.sem_alloc : memref<!tpu.dma_semaphore, #tpu.memory_space<semaphore_mem>>
      %dma_start3A = arith.constant 0 : i32
      %dma_start3A_56 = tpu.memref_slice %arg10[%add3A_22, %dma_start3A] : memref<10240x128xf32, #tpu.memory_space<vmem_shared>> -> memref<32x128xf32, #tpu.memory_space<vmem_shared>>
      %dma_start3A_57 = arith.constant 0 : i32
      %dma_start3A_58 = tpu.memref_slice %arg10[%add3A_22, %dma_start3A_57] : memref<10240x128xf32, #tpu.memory_space<vmem_shared>> -> memref<32x128xf32, #tpu.memory_space<vmem_shared>>
      tpu.enqueue_dma source(%arg9 : memref<32x128xf32, #tpu.memory_space<vmem>>) target(%dma_start3A_58 : memref<32x128xf32, #tpu.memory_space<vmem_shared>>) target_semaphore(%run_scoped3A : memref<!tpu.dma_semaphore, #tpu.memory_space<semaphore_mem>>)
      %dma_wait3A = arith.constant 0 : i32
      %dma_wait3A_59 = tpu.memref_slice %arg10[%add3A_22, %dma_wait3A] : memref<10240x128xf32, #tpu.memory_space<vmem_shared>> -> memref<32x128xf32, #tpu.memory_space<vmem_shared>>
      %dma_wait3A_60 = arith.constant 0 : i32
      %dma_wait3A_61 = tpu.memref_slice %arg10[%add3A_22, %dma_wait3A_60] : memref<10240x128xf32, #tpu.memory_space<vmem_shared>> -> memref<32x128xf32, #tpu.memory_space<vmem_shared>>
      tpu.wait_dma2 semaphore(%run_scoped3A : memref<!tpu.dma_semaphore, #tpu.memory_space<semaphore_mem>>) src(%arg9 : memref<32x128xf32, #tpu.memory_space<vmem>>) dst(%dma_wait3A_61 : memref<32x128xf32, #tpu.memory_space<vmem_shared>>)
      tpu.yield
    }) : () -> ()
    %add3A_23 = arith.constant 224 : i32
    %add3A_24 = arith.addi %mul3A_8, %add3A_23 : i32
    "tpu.region"() ({
      %run_scoped3A = tpu.sem_alloc : memref<!tpu.dma_semaphore, #tpu.memory_space<semaphore_mem>>
      %dma_start3A = arith.constant 0 : i32
      %dma_start3A_56 = tpu.memref_slice %arg10[%add3A_24, %dma_start3A] : memref<10240x128xf32, #tpu.memory_space<vmem_shared>> -> memref<32x128xf32, #tpu.memory_space<vmem_shared>>
      %dma_start3A_57 = arith.constant 0 : i32
      %dma_start3A_58 = tpu.memref_slice %arg10[%add3A_24, %dma_start3A_57] : memref<10240x128xf32, #tpu.memory_space<vmem_shared>> -> memref<32x128xf32, #tpu.memory_space<vmem_shared>>
      tpu.enqueue_dma source(%arg9 : memref<32x128xf32, #tpu.memory_space<vmem>>) target(%dma_start3A_58 : memref<32x128xf32, #tpu.memory_space<vmem_shared>>) target_semaphore(%run_scoped3A : memref<!tpu.dma_semaphore, #tpu.memory_space<semaphore_mem>>)
      %dma_wait3A = arith.constant 0 : i32
      %dma_wait3A_59 = tpu.memref_slice %arg10[%add3A_24, %dma_wait3A] : memref<10240x128xf32, #tpu.memory_space<vmem_shared>> -> memref<32x128xf32, #tpu.memory_space<vmem_shared>>
      %dma_wait3A_60 = arith.constant 0 : i32
      %dma_wait3A_61 = tpu.memref_slice %arg10[%add3A_24, %dma_wait3A_60] : memref<10240x128xf32, #tpu.memory_space<vmem_shared>> -> memref<32x128xf32, #tpu.memory_space<vmem_shared>>
      tpu.wait_dma2 semaphore(%run_scoped3A : memref<!tpu.dma_semaphore, #tpu.memory_space<semaphore_mem>>) src(%arg9 : memref<32x128xf32, #tpu.memory_space<vmem>>) dst(%dma_wait3A_61 : memref<32x128xf32, #tpu.memory_space<vmem_shared>>)
      tpu.yield
    }) : () -> ()
    %add3A_25 = arith.constant 256 : i32
    %add3A_26 = arith.addi %mul3A_8, %add3A_25 : i32
    "tpu.region"() ({
      %run_scoped3A = tpu.sem_alloc : memref<!tpu.dma_semaphore, #tpu.memory_space<semaphore_mem>>
      %dma_start3A = arith.constant 0 : i32
      %dma_start3A_56 = tpu.memref_slice %arg10[%add3A_26, %dma_start3A] : memref<10240x128xf32, #tpu.memory_space<vmem_shared>> -> memref<32x128xf32, #tpu.memory_space<vmem_shared>>
      %dma_start3A_57 = arith.constant 0 : i32
      %dma_start3A_58 = tpu.memref_slice %arg10[%add3A_26, %dma_start3A_57] : memref<10240x128xf32, #tpu.memory_space<vmem_shared>> -> memref<32x128xf32, #tpu.memory_space<vmem_shared>>
      tpu.enqueue_dma source(%arg9 : memref<32x128xf32, #tpu.memory_space<vmem>>) target(%dma_start3A_58 : memref<32x128xf32, #tpu.memory_space<vmem_shared>>) target_semaphore(%run_scoped3A : memref<!tpu.dma_semaphore, #tpu.memory_space<semaphore_mem>>)
      %dma_wait3A = arith.constant 0 : i32
      %dma_wait3A_59 = tpu.memref_slice %arg10[%add3A_26, %dma_wait3A] : memref<10240x128xf32, #tpu.memory_space<vmem_shared>> -> memref<32x128xf32, #tpu.memory_space<vmem_shared>>
      %dma_wait3A_60 = arith.constant 0 : i32
      %dma_wait3A_61 = tpu.memref_slice %arg10[%add3A_26, %dma_wait3A_60] : memref<10240x128xf32, #tpu.memory_space<vmem_shared>> -> memref<32x128xf32, #tpu.memory_space<vmem_shared>>
      tpu.wait_dma2 semaphore(%run_scoped3A : memref<!tpu.dma_semaphore, #tpu.memory_space<semaphore_mem>>) src(%arg9 : memref<32x128xf32, #tpu.memory_space<vmem>>) dst(%dma_wait3A_61 : memref<32x128xf32, #tpu.memory_space<vmem_shared>>)
      tpu.yield
    }) : () -> ()
    %add3A_27 = arith.constant 288 : i32
    %add3A_28 = arith.addi %mul3A_8, %add3A_27 : i32
    "tpu.region"() ({
      %run_scoped3A = tpu.sem_alloc : memref<!tpu.dma_semaphore, #tpu.memory_space<semaphore_mem>>
      %dma_start3A = arith.constant 0 : i32
      %dma_start3A_56 = tpu.memref_slice %arg10[%add3A_28, %dma_start3A] : memref<10240x128xf32, #tpu.memory_space<vmem_shared>> -> memref<32x128xf32, #tpu.memory_space<vmem_shared>>
      %dma_start3A_57 = arith.constant 0 : i32
      %dma_start3A_58 = tpu.memref_slice %arg10[%add3A_28, %dma_start3A_57] : memref<10240x128xf32, #tpu.memory_space<vmem_shared>> -> memref<32x128xf32, #tpu.memory_space<vmem_shared>>
      tpu.enqueue_dma source(%arg9 : memref<32x128xf32, #tpu.memory_space<vmem>>) target(%dma_start3A_58 : memref<32x128xf32, #tpu.memory_space<vmem_shared>>) target_semaphore(%run_scoped3A : memref<!tpu.dma_semaphore, #tpu.memory_space<semaphore_mem>>)
      %dma_wait3A = arith.constant 0 : i32
      %dma_wait3A_59 = tpu.memref_slice %arg10[%add3A_28, %dma_wait3A] : memref<10240x128xf32, #tpu.memory_space<vmem_shared>> -> memref<32x128xf32, #tpu.memory_space<vmem_shared>>
      %dma_wait3A_60 = arith.constant 0 : i32
      %dma_wait3A_61 = tpu.memref_slice %arg10[%add3A_28, %dma_wait3A_60] : memref<10240x128xf32, #tpu.memory_space<vmem_shared>> -> memref<32x128xf32, #tpu.memory_space<vmem_shared>>
      tpu.wait_dma2 semaphore(%run_scoped3A : memref<!tpu.dma_semaphore, #tpu.memory_space<semaphore_mem>>) src(%arg9 : memref<32x128xf32, #tpu.memory_space<vmem>>) dst(%dma_wait3A_61 : memref<32x128xf32, #tpu.memory_space<vmem_shared>>)
      tpu.yield
    }) : () -> ()
    %add3A_29 = arith.constant 320 : i32
    %add3A_30 = arith.addi %mul3A_8, %add3A_29 : i32
    "tpu.region"() ({
      %run_scoped3A = tpu.sem_alloc : memref<!tpu.dma_semaphore, #tpu.memory_space<semaphore_mem>>
      %dma_start3A = arith.constant 0 : i32
      %dma_start3A_56 = tpu.memref_slice %arg10[%add3A_30, %dma_start3A] : memref<10240x128xf32, #tpu.memory_space<vmem_shared>> -> memref<32x128xf32, #tpu.memory_space<vmem_shared>>
      %dma_start3A_57 = arith.constant 0 : i32
      %dma_start3A_58 = tpu.memref_slice %arg10[%add3A_30, %dma_start3A_57] : memref<10240x128xf32, #tpu.memory_space<vmem_shared>> -> memref<32x128xf32, #tpu.memory_space<vmem_shared>>
      tpu.enqueue_dma source(%arg9 : memref<32x128xf32, #tpu.memory_space<vmem>>) target(%dma_start3A_58 : memref<32x128xf32, #tpu.memory_space<vmem_shared>>) target_semaphore(%run_scoped3A : memref<!tpu.dma_semaphore, #tpu.memory_space<semaphore_mem>>)
      %dma_wait3A = arith.constant 0 : i32
      %dma_wait3A_59 = tpu.memref_slice %arg10[%add3A_30, %dma_wait3A] : memref<10240x128xf32, #tpu.memory_space<vmem_shared>> -> memref<32x128xf32, #tpu.memory_space<vmem_shared>>
      %dma_wait3A_60 = arith.constant 0 : i32
      %dma_wait3A_61 = tpu.memref_slice %arg10[%add3A_30, %dma_wait3A_60] : memref<10240x128xf32, #tpu.memory_space<vmem_shared>> -> memref<32x128xf32, #tpu.memory_space<vmem_shared>>
      tpu.wait_dma2 semaphore(%run_scoped3A : memref<!tpu.dma_semaphore, #tpu.memory_space<semaphore_mem>>) src(%arg9 : memref<32x128xf32, #tpu.memory_space<vmem>>) dst(%dma_wait3A_61 : memref<32x128xf32, #tpu.memory_space<vmem_shared>>)
      tpu.yield
    }) : () -> ()
    %add3A_31 = arith.constant 352 : i32
    %add3A_32 = arith.addi %mul3A_8, %add3A_31 : i32
    "tpu.region"() ({
      %run_scoped3A = tpu.sem_alloc : memref<!tpu.dma_semaphore, #tpu.memory_space<semaphore_mem>>
      %dma_start3A = arith.constant 0 : i32
      %dma_start3A_56 = tpu.memref_slice %arg10[%add3A_32, %dma_start3A] : memref<10240x128xf32, #tpu.memory_space<vmem_shared>> -> memref<32x128xf32, #tpu.memory_space<vmem_shared>>
      %dma_start3A_57 = arith.constant 0 : i32
      %dma_start3A_58 = tpu.memref_slice %arg10[%add3A_32, %dma_start3A_57] : memref<10240x128xf32, #tpu.memory_space<vmem_shared>> -> memref<32x128xf32, #tpu.memory_space<vmem_shared>>
      tpu.enqueue_dma source(%arg9 : memref<32x128xf32, #tpu.memory_space<vmem>>) target(%dma_start3A_58 : memref<32x128xf32, #tpu.memory_space<vmem_shared>>) target_semaphore(%run_scoped3A : memref<!tpu.dma_semaphore, #tpu.memory_space<semaphore_mem>>)
      %dma_wait3A = arith.constant 0 : i32
      %dma_wait3A_59 = tpu.memref_slice %arg10[%add3A_32, %dma_wait3A] : memref<10240x128xf32, #tpu.memory_space<vmem_shared>> -> memref<32x128xf32, #tpu.memory_space<vmem_shared>>
      %dma_wait3A_60 = arith.constant 0 : i32
      %dma_wait3A_61 = tpu.memref_slice %arg10[%add3A_32, %dma_wait3A_60] : memref<10240x128xf32, #tpu.memory_space<vmem_shared>> -> memref<32x128xf32, #tpu.memory_space<vmem_shared>>
      tpu.wait_dma2 semaphore(%run_scoped3A : memref<!tpu.dma_semaphore, #tpu.memory_space<semaphore_mem>>) src(%arg9 : memref<32x128xf32, #tpu.memory_space<vmem>>) dst(%dma_wait3A_61 : memref<32x128xf32, #tpu.memory_space<vmem_shared>>)
      tpu.yield
    }) : () -> ()
    %add3A_33 = arith.constant 384 : i32
    %add3A_34 = arith.addi %mul3A_8, %add3A_33 : i32
    "tpu.region"() ({
      %run_scoped3A = tpu.sem_alloc : memref<!tpu.dma_semaphore, #tpu.memory_space<semaphore_mem>>
      %dma_start3A = arith.constant 0 : i32
      %dma_start3A_56 = tpu.memref_slice %arg10[%add3A_34, %dma_start3A] : memref<10240x128xf32, #tpu.memory_space<vmem_shared>> -> memref<32x128xf32, #tpu.memory_space<vmem_shared>>
      %dma_start3A_57 = arith.constant 0 : i32
      %dma_start3A_58 = tpu.memref_slice %arg10[%add3A_34, %dma_start3A_57] : memref<10240x128xf32, #tpu.memory_space<vmem_shared>> -> memref<32x128xf32, #tpu.memory_space<vmem_shared>>
      tpu.enqueue_dma source(%arg9 : memref<32x128xf32, #tpu.memory_space<vmem>>) target(%dma_start3A_58 : memref<32x128xf32, #tpu.memory_space<vmem_shared>>) target_semaphore(%run_scoped3A : memref<!tpu.dma_semaphore, #tpu.memory_space<semaphore_mem>>)
      %dma_wait3A = arith.constant 0 : i32
      %dma_wait3A_59 = tpu.memref_slice %arg10[%add3A_34, %dma_wait3A] : memref<10240x128xf32, #tpu.memory_space<vmem_shared>> -> memref<32x128xf32, #tpu.memory_space<vmem_shared>>
      %dma_wait3A_60 = arith.constant 0 : i32
      %dma_wait3A_61 = tpu.memref_slice %arg10[%add3A_34, %dma_wait3A_60] : memref<10240x128xf32, #tpu.memory_space<vmem_shared>> -> memref<32x128xf32, #tpu.memory_space<vmem_shared>>
      tpu.wait_dma2 semaphore(%run_scoped3A : memref<!tpu.dma_semaphore, #tpu.memory_space<semaphore_mem>>) src(%arg9 : memref<32x128xf32, #tpu.memory_space<vmem>>) dst(%dma_wait3A_61 : memref<32x128xf32, #tpu.memory_space<vmem_shared>>)
      tpu.yield
    }) : () -> ()
    %add3A_35 = arith.constant 416 : i32
    %add3A_36 = arith.addi %mul3A_8, %add3A_35 : i32
    "tpu.region"() ({
      %run_scoped3A = tpu.sem_alloc : memref<!tpu.dma_semaphore, #tpu.memory_space<semaphore_mem>>
      %dma_start3A = arith.constant 0 : i32
      %dma_start3A_56 = tpu.memref_slice %arg10[%add3A_36, %dma_start3A] : memref<10240x128xf32, #tpu.memory_space<vmem_shared>> -> memref<32x128xf32, #tpu.memory_space<vmem_shared>>
      %dma_start3A_57 = arith.constant 0 : i32
      %dma_start3A_58 = tpu.memref_slice %arg10[%add3A_36, %dma_start3A_57] : memref<10240x128xf32, #tpu.memory_space<vmem_shared>> -> memref<32x128xf32, #tpu.memory_space<vmem_shared>>
      tpu.enqueue_dma source(%arg9 : memref<32x128xf32, #tpu.memory_space<vmem>>) target(%dma_start3A_58 : memref<32x128xf32, #tpu.memory_space<vmem_shared>>) target_semaphore(%run_scoped3A : memref<!tpu.dma_semaphore, #tpu.memory_space<semaphore_mem>>)
      %dma_wait3A = arith.constant 0 : i32
      %dma_wait3A_59 = tpu.memref_slice %arg10[%add3A_36, %dma_wait3A] : memref<10240x128xf32, #tpu.memory_space<vmem_shared>> -> memref<32x128xf32, #tpu.memory_space<vmem_shared>>
      %dma_wait3A_60 = arith.constant 0 : i32
      %dma_wait3A_61 = tpu.memref_slice %arg10[%add3A_36, %dma_wait3A_60] : memref<10240x128xf32, #tpu.memory_space<vmem_shared>> -> memref<32x128xf32, #tpu.memory_space<vmem_shared>>
      tpu.wait_dma2 semaphore(%run_scoped3A : memref<!tpu.dma_semaphore, #tpu.memory_space<semaphore_mem>>) src(%arg9 : memref<32x128xf32, #tpu.memory_space<vmem>>) dst(%dma_wait3A_61 : memref<32x128xf32, #tpu.memory_space<vmem_shared>>)
      tpu.yield
    }) : () -> ()
    %add3A_37 = arith.constant 448 : i32
    %add3A_38 = arith.addi %mul3A_8, %add3A_37 : i32
    "tpu.region"() ({
      %run_scoped3A = tpu.sem_alloc : memref<!tpu.dma_semaphore, #tpu.memory_space<semaphore_mem>>
      %dma_start3A = arith.constant 0 : i32
      %dma_start3A_56 = tpu.memref_slice %arg10[%add3A_38, %dma_start3A] : memref<10240x128xf32, #tpu.memory_space<vmem_shared>> -> memref<32x128xf32, #tpu.memory_space<vmem_shared>>
      %dma_start3A_57 = arith.constant 0 : i32
      %dma_start3A_58 = tpu.memref_slice %arg10[%add3A_38, %dma_start3A_57] : memref<10240x128xf32, #tpu.memory_space<vmem_shared>> -> memref<32x128xf32, #tpu.memory_space<vmem_shared>>
      tpu.enqueue_dma source(%arg9 : memref<32x128xf32, #tpu.memory_space<vmem>>) target(%dma_start3A_58 : memref<32x128xf32, #tpu.memory_space<vmem_shared>>) target_semaphore(%run_scoped3A : memref<!tpu.dma_semaphore, #tpu.memory_space<semaphore_mem>>)
      %dma_wait3A = arith.constant 0 : i32
      %dma_wait3A_59 = tpu.memref_slice %arg10[%add3A_38, %dma_wait3A] : memref<10240x128xf32, #tpu.memory_space<vmem_shared>> -> memref<32x128xf32, #tpu.memory_space<vmem_shared>>
      %dma_wait3A_60 = arith.constant 0 : i32
      %dma_wait3A_61 = tpu.memref_slice %arg10[%add3A_38, %dma_wait3A_60] : memref<10240x128xf32, #tpu.memory_space<vmem_shared>> -> memref<32x128xf32, #tpu.memory_space<vmem_shared>>
      tpu.wait_dma2 semaphore(%run_scoped3A : memref<!tpu.dma_semaphore, #tpu.memory_space<semaphore_mem>>) src(%arg9 : memref<32x128xf32, #tpu.memory_space<vmem>>) dst(%dma_wait3A_61 : memref<32x128xf32, #tpu.memory_space<vmem_shared>>)
      tpu.yield
    }) : () -> ()
    %add3A_39 = arith.constant 480 : i32
    %add3A_40 = arith.addi %mul3A_8, %add3A_39 : i32
    "tpu.region"() ({
      %run_scoped3A = tpu.sem_alloc : memref<!tpu.dma_semaphore, #tpu.memory_space<semaphore_mem>>
      %dma_start3A = arith.constant 0 : i32
      %dma_start3A_56 = tpu.memref_slice %arg10[%add3A_40, %dma_start3A] : memref<10240x128xf32, #tpu.memory_space<vmem_shared>> -> memref<32x128xf32, #tpu.memory_space<vmem_shared>>
      %dma_start3A_57 = arith.constant 0 : i32
      %dma_start3A_58 = tpu.memref_slice %arg10[%add3A_40, %dma_start3A_57] : memref<10240x128xf32, #tpu.memory_space<vmem_shared>> -> memref<32x128xf32, #tpu.memory_space<vmem_shared>>
      tpu.enqueue_dma source(%arg9 : memref<32x128xf32, #tpu.memory_space<vmem>>) target(%dma_start3A_58 : memref<32x128xf32, #tpu.memory_space<vmem_shared>>) target_semaphore(%run_scoped3A : memref<!tpu.dma_semaphore, #tpu.memory_space<semaphore_mem>>)
      %dma_wait3A = arith.constant 0 : i32
      %dma_wait3A_59 = tpu.memref_slice %arg10[%add3A_40, %dma_wait3A] : memref<10240x128xf32, #tpu.memory_space<vmem_shared>> -> memref<32x128xf32, #tpu.memory_space<vmem_shared>>
      %dma_wait3A_60 = arith.constant 0 : i32
      %dma_wait3A_61 = tpu.memref_slice %arg10[%add3A_40, %dma_wait3A_60] : memref<10240x128xf32, #tpu.memory_space<vmem_shared>> -> memref<32x128xf32, #tpu.memory_space<vmem_shared>>
      tpu.wait_dma2 semaphore(%run_scoped3A : memref<!tpu.dma_semaphore, #tpu.memory_space<semaphore_mem>>) src(%arg9 : memref<32x128xf32, #tpu.memory_space<vmem>>) dst(%dma_wait3A_61 : memref<32x128xf32, #tpu.memory_space<vmem_shared>>)
      tpu.yield
    }) : () -> ()
    %add3A_41 = arith.constant 512 : i32
    %add3A_42 = arith.addi %mul3A_8, %add3A_41 : i32
    "tpu.region"() ({
      %run_scoped3A = tpu.sem_alloc : memref<!tpu.dma_semaphore, #tpu.memory_space<semaphore_mem>>
      %dma_start3A = arith.constant 0 : i32
      %dma_start3A_56 = tpu.memref_slice %arg10[%add3A_42, %dma_start3A] : memref<10240x128xf32, #tpu.memory_space<vmem_shared>> -> memref<32x128xf32, #tpu.memory_space<vmem_shared>>
      %dma_start3A_57 = arith.constant 0 : i32
      %dma_start3A_58 = tpu.memref_slice %arg10[%add3A_42, %dma_start3A_57] : memref<10240x128xf32, #tpu.memory_space<vmem_shared>> -> memref<32x128xf32, #tpu.memory_space<vmem_shared>>
      tpu.enqueue_dma source(%arg9 : memref<32x128xf32, #tpu.memory_space<vmem>>) target(%dma_start3A_58 : memref<32x128xf32, #tpu.memory_space<vmem_shared>>) target_semaphore(%run_scoped3A : memref<!tpu.dma_semaphore, #tpu.memory_space<semaphore_mem>>)
      %dma_wait3A = arith.constant 0 : i32
      %dma_wait3A_59 = tpu.memref_slice %arg10[%add3A_42, %dma_wait3A] : memref<10240x128xf32, #tpu.memory_space<vmem_shared>> -> memref<32x128xf32, #tpu.memory_space<vmem_shared>>
      %dma_wait3A_60 = arith.constant 0 : i32
      %dma_wait3A_61 = tpu.memref_slice %arg10[%add3A_42, %dma_wait3A_60] : memref<10240x128xf32, #tpu.memory_space<vmem_shared>> -> memref<32x128xf32, #tpu.memory_space<vmem_shared>>
      tpu.wait_dma2 semaphore(%run_scoped3A : memref<!tpu.dma_semaphore, #tpu.memory_space<semaphore_mem>>) src(%arg9 : memref<32x128xf32, #tpu.memory_space<vmem>>) dst(%dma_wait3A_61 : memref<32x128xf32, #tpu.memory_space<vmem_shared>>)
      tpu.yield
    }) : () -> ()
    %add3A_43 = arith.constant 544 : i32
    %add3A_44 = arith.addi %mul3A_8, %add3A_43 : i32
    "tpu.region"() ({
      %run_scoped3A = tpu.sem_alloc : memref<!tpu.dma_semaphore, #tpu.memory_space<semaphore_mem>>
      %dma_start3A = arith.constant 0 : i32
      %dma_start3A_56 = tpu.memref_slice %arg10[%add3A_44, %dma_start3A] : memref<10240x128xf32, #tpu.memory_space<vmem_shared>> -> memref<32x128xf32, #tpu.memory_space<vmem_shared>>
      %dma_start3A_57 = arith.constant 0 : i32
      %dma_start3A_58 = tpu.memref_slice %arg10[%add3A_44, %dma_start3A_57] : memref<10240x128xf32, #tpu.memory_space<vmem_shared>> -> memref<32x128xf32, #tpu.memory_space<vmem_shared>>
      tpu.enqueue_dma source(%arg9 : memref<32x128xf32, #tpu.memory_space<vmem>>) target(%dma_start3A_58 : memref<32x128xf32, #tpu.memory_space<vmem_shared>>) target_semaphore(%run_scoped3A : memref<!tpu.dma_semaphore, #tpu.memory_space<semaphore_mem>>)
      %dma_wait3A = arith.constant 0 : i32
      %dma_wait3A_59 = tpu.memref_slice %arg10[%add3A_44, %dma_wait3A] : memref<10240x128xf32, #tpu.memory_space<vmem_shared>> -> memref<32x128xf32, #tpu.memory_space<vmem_shared>>
      %dma_wait3A_60 = arith.constant 0 : i32
      %dma_wait3A_61 = tpu.memref_slice %arg10[%add3A_44, %dma_wait3A_60] : memref<10240x128xf32, #tpu.memory_space<vmem_shared>> -> memref<32x128xf32, #tpu.memory_space<vmem_shared>>
      tpu.wait_dma2 semaphore(%run_scoped3A : memref<!tpu.dma_semaphore, #tpu.memory_space<semaphore_mem>>) src(%arg9 : memref<32x128xf32, #tpu.memory_space<vmem>>) dst(%dma_wait3A_61 : memref<32x128xf32, #tpu.memory_space<vmem_shared>>)
      tpu.yield
    }) : () -> ()
    %add3A_45 = arith.constant 576 : i32
    %add3A_46 = arith.addi %mul3A_8, %add3A_45 : i32
    "tpu.region"() ({
      %run_scoped3A = tpu.sem_alloc : memref<!tpu.dma_semaphore, #tpu.memory_space<semaphore_mem>>
      %dma_start3A = arith.constant 0 : i32
      %dma_start3A_56 = tpu.memref_slice %arg10[%add3A_46, %dma_start3A] : memref<10240x128xf32, #tpu.memory_space<vmem_shared>> -> memref<32x128xf32, #tpu.memory_space<vmem_shared>>
      %dma_start3A_57 = arith.constant 0 : i32
      %dma_start3A_58 = tpu.memref_slice %arg10[%add3A_46, %dma_start3A_57] : memref<10240x128xf32, #tpu.memory_space<vmem_shared>> -> memref<32x128xf32, #tpu.memory_space<vmem_shared>>
      tpu.enqueue_dma source(%arg9 : memref<32x128xf32, #tpu.memory_space<vmem>>) target(%dma_start3A_58 : memref<32x128xf32, #tpu.memory_space<vmem_shared>>) target_semaphore(%run_scoped3A : memref<!tpu.dma_semaphore, #tpu.memory_space<semaphore_mem>>)
      %dma_wait3A = arith.constant 0 : i32
      %dma_wait3A_59 = tpu.memref_slice %arg10[%add3A_46, %dma_wait3A] : memref<10240x128xf32, #tpu.memory_space<vmem_shared>> -> memref<32x128xf32, #tpu.memory_space<vmem_shared>>
      %dma_wait3A_60 = arith.constant 0 : i32
      %dma_wait3A_61 = tpu.memref_slice %arg10[%add3A_46, %dma_wait3A_60] : memref<10240x128xf32, #tpu.memory_space<vmem_shared>> -> memref<32x128xf32, #tpu.memory_space<vmem_shared>>
      tpu.wait_dma2 semaphore(%run_scoped3A : memref<!tpu.dma_semaphore, #tpu.memory_space<semaphore_mem>>) src(%arg9 : memref<32x128xf32, #tpu.memory_space<vmem>>) dst(%dma_wait3A_61 : memref<32x128xf32, #tpu.memory_space<vmem_shared>>)
      tpu.yield
    }) : () -> ()
    %add3A_47 = arith.constant 608 : i32
    %add3A_48 = arith.addi %mul3A_8, %add3A_47 : i32
    "tpu.region"() ({
      %run_scoped3A = tpu.sem_alloc : memref<!tpu.dma_semaphore, #tpu.memory_space<semaphore_mem>>
      %dma_start3A = arith.constant 0 : i32
      %dma_start3A_56 = tpu.memref_slice %arg10[%add3A_48, %dma_start3A] : memref<10240x128xf32, #tpu.memory_space<vmem_shared>> -> memref<32x128xf32, #tpu.memory_space<vmem_shared>>
      %dma_start3A_57 = arith.constant 0 : i32
      %dma_start3A_58 = tpu.memref_slice %arg10[%add3A_48, %dma_start3A_57] : memref<10240x128xf32, #tpu.memory_space<vmem_shared>> -> memref<32x128xf32, #tpu.memory_space<vmem_shared>>
      tpu.enqueue_dma source(%arg9 : memref<32x128xf32, #tpu.memory_space<vmem>>) target(%dma_start3A_58 : memref<32x128xf32, #tpu.memory_space<vmem_shared>>) target_semaphore(%run_scoped3A : memref<!tpu.dma_semaphore, #tpu.memory_space<semaphore_mem>>)
      %dma_wait3A = arith.constant 0 : i32
      %dma_wait3A_59 = tpu.memref_slice %arg10[%add3A_48, %dma_wait3A] : memref<10240x128xf32, #tpu.memory_space<vmem_shared>> -> memref<32x128xf32, #tpu.memory_space<vmem_shared>>
      %dma_wait3A_60 = arith.constant 0 : i32
      %dma_wait3A_61 = tpu.memref_slice %arg10[%add3A_48, %dma_wait3A_60] : memref<10240x128xf32, #tpu.memory_space<vmem_shared>> -> memref<32x128xf32, #tpu.memory_space<vmem_shared>>
      tpu.wait_dma2 semaphore(%run_scoped3A : memref<!tpu.dma_semaphore, #tpu.memory_space<semaphore_mem>>) src(%arg9 : memref<32x128xf32, #tpu.memory_space<vmem>>) dst(%dma_wait3A_61 : memref<32x128xf32, #tpu.memory_space<vmem_shared>>)
      tpu.yield
    }) : () -> ()
    %barrier3A = arith.constant 0 : index
    tpu.barrier barrier_id(%barrier3A)
    %scan3A_49 = arith.constant 0 : i32
    %scan3A_50 = arith.constant 0 : i32
    %scan3A_51 = arith.constant 79 : i32
    %scan3A_52 = arith.addi %scan3A_50, %scan3A_51 : i32
    %scan3A_53 = arith.constant 1 : i32
    scf.for %scan3A_56 = %scan3A_50 to %scan3A_52 step %scan3A_53  : i32 {
      %dma_start3A = arith.constant 0 : i32
      %dma_start3A_57 = tpu.memref_slice %arg6[%scan3A_56, %dma_start3A] : memref<79x128xi32, #tpu.memory_space<vmem>> -> memref<1x128xi32, #tpu.memory_space<vmem>>
      %dma_start3A_58 = tpu.memref_squeeze %dma_start3A_57 : memref<1x128xi32, #tpu.memory_space<vmem>> -> memref<128xi32, #tpu.memory_space<vmem>>
      %dma_start3A_59 = arith.constant 0 : i32
      %dma_start3A_60 = arith.constant 0 : i32
      %dma_start3A_61 = tpu.memref_slice %arg2[%dma_start3A_59, %dma_start3A_60] : memref<10240x128xf32, #tpu.memory_space<hbm>> -> memref<10240x128xf32, #tpu.memory_space<hbm>>
      tpu.enqueue_indirect_dma source(%dma_start3A_61 : memref<10240x128xf32, #tpu.memory_space<hbm>>) target(%arg8 : memref<128x128xf32, #tpu.memory_space<vmem>>) offsets(%dma_start3A_58 : memref<128xi32, #tpu.memory_space<vmem>>) semaphore(%arg11 : memref<!tpu.dma_semaphore, #tpu.memory_space<semaphore_mem>>)
      %dma_wait3A = arith.constant 0 : i32
      %dma_wait3A_62 = tpu.memref_slice %arg6[%scan3A_56, %dma_wait3A] : memref<79x128xi32, #tpu.memory_space<vmem>> -> memref<1x128xi32, #tpu.memory_space<vmem>>
      %dma_wait3A_63 = tpu.memref_squeeze %dma_wait3A_62 : memref<1x128xi32, #tpu.memory_space<vmem>> -> memref<128xi32, #tpu.memory_space<vmem>>
      %dma_wait3A_64 = arith.constant 0 : i32
      %dma_wait3A_65 = arith.constant 0 : i32
      %dma_wait3A_66 = tpu.memref_slice %arg2[%dma_wait3A_64, %dma_wait3A_65] : memref<10240x128xf32, #tpu.memory_space<hbm>> -> memref<10240x128xf32, #tpu.memory_space<hbm>>
      tpu.wait_indirect_dma semaphore(%arg11 : memref<!tpu.dma_semaphore, #tpu.memory_space<semaphore_mem>>) src(%dma_wait3A_66 : memref<10240x128xf32, #tpu.memory_space<hbm>>) dst(%arg8 : memref<128x128xf32, #tpu.memory_space<vmem>>)
      "tpu.region"() ({
        %run_scoped3A = tpu.sem_alloc : memref<!tpu.dma_semaphore, #tpu.memory_space<semaphore_mem>>
        %dma_start3A_67 = arith.constant 0 : i32
        %dma_start3A_68 = tpu.memref_slice %arg7[%scan3A_56, %dma_start3A_67] : memref<79x128xi32, #tpu.memory_space<vmem>> -> memref<1x128xi32, #tpu.memory_space<vmem>>
        %dma_start3A_69 = tpu.memref_squeeze %dma_start3A_68 : memref<1x128xi32, #tpu.memory_space<vmem>> -> memref<128xi32, #tpu.memory_space<vmem>>
        %dma_start3A_70 = arith.constant 0 : i32
        %dma_start3A_71 = arith.constant 0 : i32
        %dma_start3A_72 = tpu.memref_slice %arg10[%dma_start3A_70, %dma_start3A_71] : memref<10240x128xf32, #tpu.memory_space<vmem_shared>> -> memref<10240x128xf32, #tpu.memory_space<vmem_shared>>
        tpu.enqueue_indirect_dma source(%arg8 : memref<128x128xf32, #tpu.memory_space<vmem>>) target(%dma_start3A_72 : memref<10240x128xf32, #tpu.memory_space<vmem_shared>>) offsets(%dma_start3A_69 : memref<128xi32, #tpu.memory_space<vmem>>) semaphore(%run_scoped3A : memref<!tpu.dma_semaphore, #tpu.memory_space<semaphore_mem>>) {add = true}
        %dma_wait3A_73 = arith.constant 0 : i32
        %dma_wait3A_74 = tpu.memref_slice %arg7[%scan3A_56, %dma_wait3A_73] : memref<79x128xi32, #tpu.memory_space<vmem>> -> memref<1x128xi32, #tpu.memory_space<vmem>>
        %dma_wait3A_75 = tpu.memref_squeeze %dma_wait3A_74 : memref<1x128xi32, #tpu.memory_space<vmem>> -> memref<128xi32, #tpu.memory_space<vmem>>
        %dma_wait3A_76 = arith.constant 0 : i32
        %dma_wait3A_77 = arith.constant 0 : i32
        %dma_wait3A_78 = tpu.memref_slice %arg10[%dma_wait3A_76, %dma_wait3A_77] : memref<10240x128xf32, #tpu.memory_space<vmem_shared>> -> memref<10240x128xf32, #tpu.memory_space<vmem_shared>>
        tpu.wait_indirect_dma semaphore(%run_scoped3A : memref<!tpu.dma_semaphore, #tpu.memory_space<semaphore_mem>>) src(%arg8 : memref<128x128xf32, #tpu.memory_space<vmem>>) dst(%dma_wait3A_78 : memref<10240x128xf32, #tpu.memory_space<vmem_shared>>)
        tpu.yield
      }) : () -> ()
    }
    %scan3A_54 = arith.constant 79 : i32
    %barrier3A_55 = arith.constant 0 : index
    tpu.barrier barrier_id(%barrier3A_55)
    "tpu.region"() ({
      %run_scoped3A = tpu.sem_alloc : memref<!tpu.dma_semaphore, #tpu.memory_space<semaphore_mem>>
      %dma_start3A = arith.constant 0 : i32
      %dma_start3A_56 = tpu.memref_slice %arg5[%arg0, %mul3A_8, %dma_start3A] : memref<2x10240x128xf32, #tpu.memory_space<hbm>> -> memref<1x640x128xf32, #tpu.memory_space<hbm>>
      %dma_start3A_57 = tpu.memref_squeeze %dma_start3A_56 : memref<1x640x128xf32, #tpu.memory_space<hbm>> -> memref<640x128xf32, #tpu.memory_space<hbm>>
      %dma_start3A_58 = arith.constant 0 : i32
      %dma_start3A_59 = tpu.memref_slice %arg10[%mul3A_8, %dma_start3A_58] : memref<10240x128xf32, #tpu.memory_space<vmem_shared>> -> memref<640x128xf32, #tpu.memory_space<vmem_shared>>
      tpu.enqueue_dma source(%dma_start3A_59 : memref<640x128xf32, #tpu.memory_space<vmem_shared>>) target(%dma_start3A_57 : memref<640x128xf32, #tpu.memory_space<hbm>>) target_semaphore(%run_scoped3A : memref<!tpu.dma_semaphore, #tpu.memory_space<semaphore_mem>>)
      %dma_wait3A = arith.constant 0 : i32
      %dma_wait3A_60 = tpu.memref_slice %arg5[%arg0, %mul3A_8, %dma_wait3A] : memref<2x10240x128xf32, #tpu.memory_space<hbm>> -> memref<1x640x128xf32, #tpu.memory_space<hbm>>
      %dma_wait3A_61 = tpu.memref_squeeze %dma_wait3A_60 : memref<1x640x128xf32, #tpu.memory_space<hbm>> -> memref<640x128xf32, #tpu.memory_space<hbm>>
      %dma_wait3A_62 = arith.constant 0 : i32
      %dma_wait3A_63 = tpu.memref_slice %arg10[%mul3A_8, %dma_wait3A_62] : memref<10240x128xf32, #tpu.memory_space<vmem_shared>> -> memref<640x128xf32, #tpu.memory_space<vmem_shared>>
      tpu.wait_dma2 semaphore(%run_scoped3A : memref<!tpu.dma_semaphore, #tpu.memory_space<semaphore_mem>>) src(%dma_wait3A_63 : memref<640x128xf32, #tpu.memory_space<vmem_shared>>) dst(%dma_wait3A_61 : memref<640x128xf32, #tpu.memory_space<hbm>>)
      tpu.yield
    }) : () -> ()
    return
  }
}

#map = affine_map<(d0, d1) -> (0, 0)>
#map1 = affine_map<(d0, d1) -> (0, 0, 0)>
module attributes {stable_mosaic.version = 14 : i64} {
  func.func @body(%arg0: i32, %arg1: i32, %arg2: memref<10240x128xf32, #tpu.memory_space<hbm>>, %arg3: memref<32x79x128xi32, #tpu.memory_space<hbm>>, %arg4: memref<32x79x128xi32, #tpu.memory_space<hbm>>, %arg5: memref<2x10240x128xf32, #tpu.memory_space<hbm>>, %arg6: memref<79x128xi32, #tpu.memory_space<vmem>>, %arg7: memref<79x128xi32, #tpu.memory_space<vmem>>, %arg8: memref<128x128xf32, #tpu.memory_space<vmem>>, %arg9: memref<32x128xf32, #tpu.memory_space<vmem>>, %arg10: memref<10240x128xf32, #tpu.memory_space<vmem_shared>>, %arg11: memref<!tpu.dma_semaphore, #tpu.memory_space<semaphore_mem>>) attributes {dimension_semantics = [#tpu.dimension_semantics<core_parallel>, #tpu.dimension_semantics<subcore_parallel>], iteration_bounds = array<i64: 2, 16>, scalar_prefetch = 0 : i64, scratch_operands = 6 : i64, tpu.core_type = #tpu.core_type<sc_vector_subcore>, window_params = [{transform_indices = #map}, {transform_indices = #map1}, {transform_indices = #map1}, {transform_indices = #map1}]} {
    %mul3A = arith.constant 2 : i32
    %mul3A_0 = arith.muli %arg1, %mul3A : i32
    %add3A = arith.addi %mul3A_0, %arg0 : i32
    "tpu.region"() ({
      %run_scoped3A = tpu.sem_alloc : memref<!tpu.dma_semaphore, #tpu.memory_space<semaphore_mem>>
      %dma_start3A = arith.constant 0 : i32
      %dma_start3A_56 = arith.constant 0 : i32
      %dma_start3A_57 = tpu.memref_slice %arg3[%add3A, %dma_start3A, %dma_start3A_56] : memref<32x79x128xi32, #tpu.memory_space<hbm>> -> memref<1x79x128xi32, #tpu.memory_space<hbm>>
      %dma_start3A_58 = tpu.memref_squeeze %dma_start3A_57 : memref<1x79x128xi32, #tpu.memory_space<hbm>> -> memref<79x128xi32, #tpu.memory_space<hbm>>
      %dma_start3A_59 = arith.constant 0 : i32
      %dma_start3A_60 = arith.constant 0 : i32
      %dma_start3A_61 = tpu.memref_slice %arg3[%add3A, %dma_start3A_59, %dma_start3A_60] : memref<32x79x128xi32, #tpu.memory_space<hbm>> -> memref<1x79x128xi32, #tpu.memory_space<hbm>>
      %dma_start3A_62 = tpu.memref_squeeze %dma_start3A_61 : memref<1x79x128xi32, #tpu.memory_space<hbm>> -> memref<79x128xi32, #tpu.memory_space<hbm>>
      tpu.enqueue_dma source(%dma_start3A_62 : memref<79x128xi32, #tpu.memory_space<hbm>>) target(%arg6 : memref<79x128xi32, #tpu.memory_space<vmem>>) target_semaphore(%run_scoped3A : memref<!tpu.dma_semaphore, #tpu.memory_space<semaphore_mem>>)
      %dma_wait3A = arith.constant 0 : i32
      %dma_wait3A_63 = arith.constant 0 : i32
      %dma_wait3A_64 = tpu.memref_slice %arg3[%add3A, %dma_wait3A, %dma_wait3A_63] : memref<32x79x128xi32, #tpu.memory_space<hbm>> -> memref<1x79x128xi32, #tpu.memory_space<hbm>>
      %dma_wait3A_65 = tpu.memref_squeeze %dma_wait3A_64 : memref<1x79x128xi32, #tpu.memory_space<hbm>> -> memref<79x128xi32, #tpu.memory_space<hbm>>
      %dma_wait3A_66 = arith.constant 0 : i32
      %dma_wait3A_67 = arith.constant 0 : i32
      %dma_wait3A_68 = tpu.memref_slice %arg3[%add3A, %dma_wait3A_66, %dma_wait3A_67] : memref<32x79x128xi32, #tpu.memory_space<hbm>> -> memref<1x79x128xi32, #tpu.memory_space<hbm>>
      %dma_wait3A_69 = tpu.memref_squeeze %dma_wait3A_68 : memref<1x79x128xi32, #tpu.memory_space<hbm>> -> memref<79x128xi32, #tpu.memory_space<hbm>>
      tpu.wait_dma2 semaphore(%run_scoped3A : memref<!tpu.dma_semaphore, #tpu.memory_space<semaphore_mem>>) src(%dma_wait3A_69 : memref<79x128xi32, #tpu.memory_space<hbm>>) dst(%arg6 : memref<79x128xi32, #tpu.memory_space<vmem>>)
      tpu.yield
    }) : () -> ()
    "tpu.region"() ({
      %run_scoped3A = tpu.sem_alloc : memref<!tpu.dma_semaphore, #tpu.memory_space<semaphore_mem>>
      %dma_start3A = arith.constant 0 : i32
      %dma_start3A_56 = arith.constant 0 : i32
      %dma_start3A_57 = tpu.memref_slice %arg4[%add3A, %dma_start3A, %dma_start3A_56] : memref<32x79x128xi32, #tpu.memory_space<hbm>> -> memref<1x79x128xi32, #tpu.memory_space<hbm>>
      %dma_start3A_58 = tpu.memref_squeeze %dma_start3A_57 : memref<1x79x128xi32, #tpu.memory_space<hbm>> -> memref<79x128xi32, #tpu.memory_space<hbm>>
      %dma_start3A_59 = arith.constant 0 : i32
      %dma_start3A_60 = arith.constant 0 : i32
      %dma_start3A_61 = tpu.memref_slice %arg4[%add3A, %dma_start3A_59, %dma_start3A_60] : memref<32x79x128xi32, #tpu.memory_space<hbm>> -> memref<1x79x128xi32, #tpu.memory_space<hbm>>
      %dma_start3A_62 = tpu.memref_squeeze %dma_start3A_61 : memref<1x79x128xi32, #tpu.memory_space<hbm>> -> memref<79x128xi32, #tpu.memory_space<hbm>>
      tpu.enqueue_dma source(%dma_start3A_62 : memref<79x128xi32, #tpu.memory_space<hbm>>) target(%arg7 : memref<79x128xi32, #tpu.memory_space<vmem>>) target_semaphore(%run_scoped3A : memref<!tpu.dma_semaphore, #tpu.memory_space<semaphore_mem>>)
      %dma_wait3A = arith.constant 0 : i32
      %dma_wait3A_63 = arith.constant 0 : i32
      %dma_wait3A_64 = tpu.memref_slice %arg4[%add3A, %dma_wait3A, %dma_wait3A_63] : memref<32x79x128xi32, #tpu.memory_space<hbm>> -> memref<1x79x128xi32, #tpu.memory_space<hbm>>
      %dma_wait3A_65 = tpu.memref_squeeze %dma_wait3A_64 : memref<1x79x128xi32, #tpu.memory_space<hbm>> -> memref<79x128xi32, #tpu.memory_space<hbm>>
      %dma_wait3A_66 = arith.constant 0 : i32
      %dma_wait3A_67 = arith.constant 0 : i32
      %dma_wait3A_68 = tpu.memref_slice %arg4[%add3A, %dma_wait3A_66, %dma_wait3A_67] : memref<32x79x128xi32, #tpu.memory_space<hbm>> -> memref<1x79x128xi32, #tpu.memory_space<hbm>>
      %dma_wait3A_69 = tpu.memref_squeeze %dma_wait3A_68 : memref<1x79x128xi32, #tpu.memory_space<hbm>> -> memref<79x128xi32, #tpu.memory_space<hbm>>
      tpu.wait_dma2 semaphore(%run_scoped3A : memref<!tpu.dma_semaphore, #tpu.memory_space<semaphore_mem>>) src(%dma_wait3A_69 : memref<79x128xi32, #tpu.memory_space<hbm>>) dst(%arg7 : memref<79x128xi32, #tpu.memory_space<vmem>>)
      tpu.yield
    }) : () -> ()
    %broadcast_in_dim3A = arith.constant 0.000000e+00 : f32
    %broadcast_in_dim3A_1 = vector.broadcast %broadcast_in_dim3A : f32 to vector<16xf32>
    %scan3A = arith.constant 0 : i32
    %scan3A_2 = arith.constant 0 : i32
    %scan3A_3 = arith.constant 32 : i32
    %scan3A_4 = arith.addi %scan3A_2, %scan3A_3 : i32
    %scan3A_5 = arith.constant 1 : i32
    scf.for %scan3A_56 = %scan3A_2 to %scan3A_4 step %scan3A_5  : i32 {
      %swap3A = arith.index_cast %scan3A_56 : i32 to index
      %swap3A_57 = arith.constant 0 : index
      %swap3A_58 = tpu.vector_load %arg9[%swap3A, %swap3A_57] {strides = array<i32>} : memref<32x128xf32, #tpu.memory_space<vmem>>, vector<1x16xf32>,
      %swap3A_59 = vector.shape_cast %swap3A_58 : vector<1x16xf32> to vector<16xf32>
      %swap3A_60 = vector.shape_cast %broadcast_in_dim3A_1 : vector<16xf32> to vector<1x16xf32>
      tpu.vector_store %arg9[%swap3A, %swap3A_57], %swap3A_60 {strides = array<i32>} : memref<32x128xf32, #tpu.memory_space<vmem>>, vector<1x16xf32>,
      %swap3A_61 = arith.index_cast %scan3A_56 : i32 to index
      %swap3A_62 = arith.constant 16 : index
      %swap3A_63 = tpu.vector_load %arg9[%swap3A_61, %swap3A_62] {strides = array<i32>} : memref<32x128xf32, #tpu.memory_space<vmem>>, vector<1x16xf32>,
      %swap3A_64 = vector.shape_cast %swap3A_63 : vector<1x16xf32> to vector<16xf32>
      %swap3A_65 = vector.shape_cast %broadcast_in_dim3A_1 : vector<16xf32> to vector<1x16xf32>
      tpu.vector_store %arg9[%swap3A_61, %swap3A_62], %swap3A_65 {strides = array<i32>} : memref<32x128xf32, #tpu.memory_space<vmem>>, vector<1x16xf32>,
      %swap3A_66 = arith.index_cast %scan3A_56 : i32 to index
      %swap3A_67 = arith.constant 32 : index
      %swap3A_68 = tpu.vector_load %arg9[%swap3A_66, %swap3A_67] {strides = array<i32>} : memref<32x128xf32, #tpu.memory_space<vmem>>, vector<1x16xf32>,
      %swap3A_69 = vector.shape_cast %swap3A_68 : vector<1x16xf32> to vector<16xf32>
      %swap3A_70 = vector.shape_cast %broadcast_in_dim3A_1 : vector<16xf32> to vector<1x16xf32>
      tpu.vector_store %arg9[%swap3A_66, %swap3A_67], %swap3A_70 {strides = array<i32>} : memref<32x128xf32, #tpu.memory_space<vmem>>, vector<1x16xf32>,
      %swap3A_71 = arith.index_cast %scan3A_56 : i32 to index
      %swap3A_72 = arith.constant 48 : index
      %swap3A_73 = tpu.vector_load %arg9[%swap3A_71, %swap3A_72] {strides = array<i32>} : memref<32x128xf32, #tpu.memory_space<vmem>>, vector<1x16xf32>,
      %swap3A_74 = vector.shape_cast %swap3A_73 : vector<1x16xf32> to vector<16xf32>
      %swap3A_75 = vector.shape_cast %broadcast_in_dim3A_1 : vector<16xf32> to vector<1x16xf32>
      tpu.vector_store %arg9[%swap3A_71, %swap3A_72], %swap3A_75 {strides = array<i32>} : memref<32x128xf32, #tpu.memory_space<vmem>>, vector<1x16xf32>,
      %swap3A_76 = arith.index_cast %scan3A_56 : i32 to index
      %swap3A_77 = arith.constant 64 : index
      %swap3A_78 = tpu.vector_load %arg9[%swap3A_76, %swap3A_77] {strides = array<i32>} : memref<32x128xf32, #tpu.memory_space<vmem>>, vector<1x16xf32>,
      %swap3A_79 = vector.shape_cast %swap3A_78 : vector<1x16xf32> to vector<16xf32>
      %swap3A_80 = vector.shape_cast %broadcast_in_dim3A_1 : vector<16xf32> to vector<1x16xf32>
      tpu.vector_store %arg9[%swap3A_76, %swap3A_77], %swap3A_80 {strides = array<i32>} : memref<32x128xf32, #tpu.memory_space<vmem>>, vector<1x16xf32>,
      %swap3A_81 = arith.index_cast %scan3A_56 : i32 to index
      %swap3A_82 = arith.constant 80 : index
      %swap3A_83 = tpu.vector_load %arg9[%swap3A_81, %swap3A_82] {strides = array<i32>} : memref<32x128xf32, #tpu.memory_space<vmem>>, vector<1x16xf32>,
      %swap3A_84 = vector.shape_cast %swap3A_83 : vector<1x16xf32> to vector<16xf32>
      %swap3A_85 = vector.shape_cast %broadcast_in_dim3A_1 : vector<16xf32> to vector<1x16xf32>
      tpu.vector_store %arg9[%swap3A_81, %swap3A_82], %swap3A_85 {strides = array<i32>} : memref<32x128xf32, #tpu.memory_space<vmem>>, vector<1x16xf32>,
      %swap3A_86 = arith.index_cast %scan3A_56 : i32 to index
      %swap3A_87 = arith.constant 96 : index
      %swap3A_88 = tpu.vector_load %arg9[%swap3A_86, %swap3A_87] {strides = array<i32>} : memref<32x128xf32, #tpu.memory_space<vmem>>, vector<1x16xf32>,
      %swap3A_89 = vector.shape_cast %swap3A_88 : vector<1x16xf32> to vector<16xf32>
      %swap3A_90 = vector.shape_cast %broadcast_in_dim3A_1 : vector<16xf32> to vector<1x16xf32>
      tpu.vector_store %arg9[%swap3A_86, %swap3A_87], %swap3A_90 {strides = array<i32>} : memref<32x128xf32, #tpu.memory_space<vmem>>, vector<1x16xf32>,
      %swap3A_91 = arith.index_cast %scan3A_56 : i32 to index
      %swap3A_92 = arith.constant 112 : index
      %swap3A_93 = tpu.vector_load %arg9[%swap3A_91, %swap3A_92] {strides = array<i32>} : memref<32x128xf32, #tpu.memory_space<vmem>>, vector<1x16xf32>,
      %swap3A_94 = vector.shape_cast %swap3A_93 : vector<1x16xf32> to vector<16xf32>
      %swap3A_95 = vector.shape_cast %broadcast_in_dim3A_1 : vector<16xf32> to vector<1x16xf32>
      tpu.vector_store %arg9[%swap3A_91, %swap3A_92], %swap3A_95 {strides = array<i32>} : memref<32x128xf32, #tpu.memory_space<vmem>>, vector<1x16xf32>,
    }
    %scan3A_6 = arith.constant 32 : i32
    %mul3A_7 = arith.constant 640 : i32
    %mul3A_8 = arith.muli %arg1, %mul3A_7 : i32
    %add3A_9 = arith.constant 0 : i32
    %add3A_10 = arith.addi %mul3A_8, %add3A_9 : i32
    "tpu.region"() ({
      %run_scoped3A = tpu.sem_alloc : memref<!tpu.dma_semaphore, #tpu.memory_space<semaphore_mem>>
      %dma_start3A = arith.constant 0 : i32
      %dma_start3A_56 = tpu.memref_slice %arg10[%add3A_10, %dma_start3A] : memref<10240x128xf32, #tpu.memory_space<vmem_shared>> -> memref<32x128xf32, #tpu.memory_space<vmem_shared>>
      %dma_start3A_57 = arith.constant 0 : i32
      %dma_start3A_58 = tpu.memref_slice %arg10[%add3A_10, %dma_start3A_57] : memref<10240x128xf32, #tpu.memory_space<vmem_shared>> -> memref<32x128xf32, #tpu.memory_space<vmem_shared>>
      tpu.enqueue_dma source(%arg9 : memref<32x128xf32, #tpu.memory_space<vmem>>) target(%dma_start3A_58 : memref<32x128xf32, #tpu.memory_space<vmem_shared>>) target_semaphore(%run_scoped3A : memref<!tpu.dma_semaphore, #tpu.memory_space<semaphore_mem>>)
      %dma_wait3A = arith.constant 0 : i32
      %dma_wait3A_59 = tpu.memref_slice %arg10[%add3A_10, %dma_wait3A] : memref<10240x128xf32, #tpu.memory_space<vmem_shared>> -> memref<32x128xf32, #tpu.memory_space<vmem_shared>>
      %dma_wait3A_60 = arith.constant 0 : i32
      %dma_wait3A_61 = tpu.memref_slice %arg10[%add3A_10, %dma_wait3A_60] : memref<10240x128xf32, #tpu.memory_space<vmem_shared>> -> memref<32x128xf32, #tpu.memory_space<vmem_shared>>
      tpu.wait_dma2 semaphore(%run_scoped3A : memref<!tpu.dma_semaphore, #tpu.memory_space<semaphore_mem>>) src(%arg9 : memref<32x128xf32, #tpu.memory_space<vmem>>) dst(%dma_wait3A_61 : memref<32x128xf32, #tpu.memory_space<vmem_shared>>)
      tpu.yield
    }) : () -> ()
    %add3A_11 = arith.constant 32 : i32
    %add3A_12 = arith.addi %mul3A_8, %add3A_11 : i32
    "tpu.region"() ({
      %run_scoped3A = tpu.sem_alloc : memref<!tpu.dma_semaphore, #tpu.memory_space<semaphore_mem>>
      %dma_start3A = arith.constant 0 : i32
      %dma_start3A_56 = tpu.memref_slice %arg10[%add3A_12, %dma_start3A] : memref<10240x128xf32, #tpu.memory_space<vmem_shared>> -> memref<32x128xf32, #tpu.memory_space<vmem_shared>>
      %dma_start3A_57 = arith.constant 0 : i32
      %dma_start3A_58 = tpu.memref_slice %arg10[%add3A_12, %dma_start3A_57] : memref<10240x128xf32, #tpu.memory_space<vmem_shared>> -> memref<32x128xf32, #tpu.memory_space<vmem_shared>>
      tpu.enqueue_dma source(%arg9 : memref<32x128xf32, #tpu.memory_space<vmem>>) target(%dma_start3A_58 : memref<32x128xf32, #tpu.memory_space<vmem_shared>>) target_semaphore(%run_scoped3A : memref<!tpu.dma_semaphore, #tpu.memory_space<semaphore_mem>>)
      %dma_wait3A = arith.constant 0 : i32
      %dma_wait3A_59 = tpu.memref_slice %arg10[%add3A_12, %dma_wait3A] : memref<10240x128xf32, #tpu.memory_space<vmem_shared>> -> memref<32x128xf32, #tpu.memory_space<vmem_shared>>
      %dma_wait3A_60 = arith.constant 0 : i32
      %dma_wait3A_61 = tpu.memref_slice %arg10[%add3A_12, %dma_wait3A_60] : memref<10240x128xf32, #tpu.memory_space<vmem_shared>> -> memref<32x128xf32, #tpu.memory_space<vmem_shared>>
      tpu.wait_dma2 semaphore(%run_scoped3A : memref<!tpu.dma_semaphore, #tpu.memory_space<semaphore_mem>>) src(%arg9 : memref<32x128xf32, #tpu.memory_space<vmem>>) dst(%dma_wait3A_61 : memref<32x128xf32, #tpu.memory_space<vmem_shared>>)
      tpu.yield
    }) : () -> ()
    %add3A_13 = arith.constant 64 : i32
    %add3A_14 = arith.addi %mul3A_8, %add3A_13 : i32
    "tpu.region"() ({
      %run_scoped3A = tpu.sem_alloc : memref<!tpu.dma_semaphore, #tpu.memory_space<semaphore_mem>>
      %dma_start3A = arith.constant 0 : i32
      %dma_start3A_56 = tpu.memref_slice %arg10[%add3A_14, %dma_start3A] : memref<10240x128xf32, #tpu.memory_space<vmem_shared>> -> memref<32x128xf32, #tpu.memory_space<vmem_shared>>
      %dma_start3A_57 = arith.constant 0 : i32
      %dma_start3A_58 = tpu.memref_slice %arg10[%add3A_14, %dma_start3A_57] : memref<10240x128xf32, #tpu.memory_space<vmem_shared>> -> memref<32x128xf32, #tpu.memory_space<vmem_shared>>
      tpu.enqueue_dma source(%arg9 : memref<32x128xf32, #tpu.memory_space<vmem>>) target(%dma_start3A_58 : memref<32x128xf32, #tpu.memory_space<vmem_shared>>) target_semaphore(%run_scoped3A : memref<!tpu.dma_semaphore, #tpu.memory_space<semaphore_mem>>)
      %dma_wait3A = arith.constant 0 : i32
      %dma_wait3A_59 = tpu.memref_slice %arg10[%add3A_14, %dma_wait3A] : memref<10240x128xf32, #tpu.memory_space<vmem_shared>> -> memref<32x128xf32, #tpu.memory_space<vmem_shared>>
      %dma_wait3A_60 = arith.constant 0 : i32
      %dma_wait3A_61 = tpu.memref_slice %arg10[%add3A_14, %dma_wait3A_60] : memref<10240x128xf32, #tpu.memory_space<vmem_shared>> -> memref<32x128xf32, #tpu.memory_space<vmem_shared>>
      tpu.wait_dma2 semaphore(%run_scoped3A : memref<!tpu.dma_semaphore, #tpu.memory_space<semaphore_mem>>) src(%arg9 : memref<32x128xf32, #tpu.memory_space<vmem>>) dst(%dma_wait3A_61 : memref<32x128xf32, #tpu.memory_space<vmem_shared>>)
      tpu.yield
    }) : () -> ()
    %add3A_15 = arith.constant 96 : i32
    %add3A_16 = arith.addi %mul3A_8, %add3A_15 : i32
    "tpu.region"() ({
      %run_scoped3A = tpu.sem_alloc : memref<!tpu.dma_semaphore, #tpu.memory_space<semaphore_mem>>
      %dma_start3A = arith.constant 0 : i32
      %dma_start3A_56 = tpu.memref_slice %arg10[%add3A_16, %dma_start3A] : memref<10240x128xf32, #tpu.memory_space<vmem_shared>> -> memref<32x128xf32, #tpu.memory_space<vmem_shared>>
      %dma_start3A_57 = arith.constant 0 : i32
      %dma_start3A_58 = tpu.memref_slice %arg10[%add3A_16, %dma_start3A_57] : memref<10240x128xf32, #tpu.memory_space<vmem_shared>> -> memref<32x128xf32, #tpu.memory_space<vmem_shared>>
      tpu.enqueue_dma source(%arg9 : memref<32x128xf32, #tpu.memory_space<vmem>>) target(%dma_start3A_58 : memref<32x128xf32, #tpu.memory_space<vmem_shared>>) target_semaphore(%run_scoped3A : memref<!tpu.dma_semaphore, #tpu.memory_space<semaphore_mem>>)
      %dma_wait3A = arith.constant 0 : i32
      %dma_wait3A_59 = tpu.memref_slice %arg10[%add3A_16, %dma_wait3A] : memref<10240x128xf32, #tpu.memory_space<vmem_shared>> -> memref<32x128xf32, #tpu.memory_space<vmem_shared>>
      %dma_wait3A_60 = arith.constant 0 : i32
      %dma_wait3A_61 = tpu.memref_slice %arg10[%add3A_16, %dma_wait3A_60] : memref<10240x128xf32, #tpu.memory_space<vmem_shared>> -> memref<32x128xf32, #tpu.memory_space<vmem_shared>>
      tpu.wait_dma2 semaphore(%run_scoped3A : memref<!tpu.dma_semaphore, #tpu.memory_space<semaphore_mem>>) src(%arg9 : memref<32x128xf32, #tpu.memory_space<vmem>>) dst(%dma_wait3A_61 : memref<32x128xf32, #tpu.memory_space<vmem_shared>>)
      tpu.yield
    }) : () -> ()
    %add3A_17 = arith.constant 128 : i32
    %add3A_18 = arith.addi %mul3A_8, %add3A_17 : i32
    "tpu.region"() ({
      %run_scoped3A = tpu.sem_alloc : memref<!tpu.dma_semaphore, #tpu.memory_space<semaphore_mem>>
      %dma_start3A = arith.constant 0 : i32
      %dma_start3A_56 = tpu.memref_slice %arg10[%add3A_18, %dma_start3A] : memref<10240x128xf32, #tpu.memory_space<vmem_shared>> -> memref<32x128xf32, #tpu.memory_space<vmem_shared>>
      %dma_start3A_57 = arith.constant 0 : i32
      %dma_start3A_58 = tpu.memref_slice %arg10[%add3A_18, %dma_start3A_57] : memref<10240x128xf32, #tpu.memory_space<vmem_shared>> -> memref<32x128xf32, #tpu.memory_space<vmem_shared>>
      tpu.enqueue_dma source(%arg9 : memref<32x128xf32, #tpu.memory_space<vmem>>) target(%dma_start3A_58 : memref<32x128xf32, #tpu.memory_space<vmem_shared>>) target_semaphore(%run_scoped3A : memref<!tpu.dma_semaphore, #tpu.memory_space<semaphore_mem>>)
      %dma_wait3A = arith.constant 0 : i32
      %dma_wait3A_59 = tpu.memref_slice %arg10[%add3A_18, %dma_wait3A] : memref<10240x128xf32, #tpu.memory_space<vmem_shared>> -> memref<32x128xf32, #tpu.memory_space<vmem_shared>>
      %dma_wait3A_60 = arith.constant 0 : i32
      %dma_wait3A_61 = tpu.memref_slice %arg10[%add3A_18, %dma_wait3A_60] : memref<10240x128xf32, #tpu.memory_space<vmem_shared>> -> memref<32x128xf32, #tpu.memory_space<vmem_shared>>
      tpu.wait_dma2 semaphore(%run_scoped3A : memref<!tpu.dma_semaphore, #tpu.memory_space<semaphore_mem>>) src(%arg9 : memref<32x128xf32, #tpu.memory_space<vmem>>) dst(%dma_wait3A_61 : memref<32x128xf32, #tpu.memory_space<vmem_shared>>)
      tpu.yield
    }) : () -> ()
    %add3A_19 = arith.constant 160 : i32
    %add3A_20 = arith.addi %mul3A_8, %add3A_19 : i32
    "tpu.region"() ({
      %run_scoped3A = tpu.sem_alloc : memref<!tpu.dma_semaphore, #tpu.memory_space<semaphore_mem>>
      %dma_start3A = arith.constant 0 : i32
      %dma_start3A_56 = tpu.memref_slice %arg10[%add3A_20, %dma_start3A] : memref<10240x128xf32, #tpu.memory_space<vmem_shared>> -> memref<32x128xf32, #tpu.memory_space<vmem_shared>>
      %dma_start3A_57 = arith.constant 0 : i32
      %dma_start3A_58 = tpu.memref_slice %arg10[%add3A_20, %dma_start3A_57] : memref<10240x128xf32, #tpu.memory_space<vmem_shared>> -> memref<32x128xf32, #tpu.memory_space<vmem_shared>>
      tpu.enqueue_dma source(%arg9 : memref<32x128xf32, #tpu.memory_space<vmem>>) target(%dma_start3A_58 : memref<32x128xf32, #tpu.memory_space<vmem_shared>>) target_semaphore(%run_scoped3A : memref<!tpu.dma_semaphore, #tpu.memory_space<semaphore_mem>>)
      %dma_wait3A = arith.constant 0 : i32
      %dma_wait3A_59 = tpu.memref_slice %arg10[%add3A_20, %dma_wait3A] : memref<10240x128xf32, #tpu.memory_space<vmem_shared>> -> memref<32x128xf32, #tpu.memory_space<vmem_shared>>
      %dma_wait3A_60 = arith.constant 0 : i32
      %dma_wait3A_61 = tpu.memref_slice %arg10[%add3A_20, %dma_wait3A_60] : memref<10240x128xf32, #tpu.memory_space<vmem_shared>> -> memref<32x128xf32, #tpu.memory_space<vmem_shared>>
      tpu.wait_dma2 semaphore(%run_scoped3A : memref<!tpu.dma_semaphore, #tpu.memory_space<semaphore_mem>>) src(%arg9 : memref<32x128xf32, #tpu.memory_space<vmem>>) dst(%dma_wait3A_61 : memref<32x128xf32, #tpu.memory_space<vmem_shared>>)
      tpu.yield
    }) : () -> ()
    %add3A_21 = arith.constant 192 : i32
    %add3A_22 = arith.addi %mul3A_8, %add3A_21 : i32
    "tpu.region"() ({
      %run_scoped3A = tpu.sem_alloc : memref<!tpu.dma_semaphore, #tpu.memory_space<semaphore_mem>>
      %dma_start3A = arith.constant 0 : i32
      %dma_start3A_56 = tpu.memref_slice %arg10[%add3A_22, %dma_start3A] : memref<10240x128xf32, #tpu.memory_space<vmem_shared>> -> memref<32x128xf32, #tpu.memory_space<vmem_shared>>
      %dma_start3A_57 = arith.constant 0 : i32
      %dma_start3A_58 = tpu.memref_slice %arg10[%add3A_22, %dma_start3A_57] : memref<10240x128xf32, #tpu.memory_space<vmem_shared>> -> memref<32x128xf32, #tpu.memory_space<vmem_shared>>
      tpu.enqueue_dma source(%arg9 : memref<32x128xf32, #tpu.memory_space<vmem>>) target(%dma_start3A_58 : memref<32x128xf32, #tpu.memory_space<vmem_shared>>) target_semaphore(%run_scoped3A : memref<!tpu.dma_semaphore, #tpu.memory_space<semaphore_mem>>)
      %dma_wait3A = arith.constant 0 : i32
      %dma_wait3A_59 = tpu.memref_slice %arg10[%add3A_22, %dma_wait3A] : memref<10240x128xf32, #tpu.memory_space<vmem_shared>> -> memref<32x128xf32, #tpu.memory_space<vmem_shared>>
      %dma_wait3A_60 = arith.constant 0 : i32
      %dma_wait3A_61 = tpu.memref_slice %arg10[%add3A_22, %dma_wait3A_60] : memref<10240x128xf32, #tpu.memory_space<vmem_shared>> -> memref<32x128xf32, #tpu.memory_space<vmem_shared>>
      tpu.wait_dma2 semaphore(%run_scoped3A : memref<!tpu.dma_semaphore, #tpu.memory_space<semaphore_mem>>) src(%arg9 : memref<32x128xf32, #tpu.memory_space<vmem>>) dst(%dma_wait3A_61 : memref<32x128xf32, #tpu.memory_space<vmem_shared>>)
      tpu.yield
    }) : () -> ()
    %add3A_23 = arith.constant 224 : i32
    %add3A_24 = arith.addi %mul3A_8, %add3A_23 : i32
    "tpu.region"() ({
      %run_scoped3A = tpu.sem_alloc : memref<!tpu.dma_semaphore, #tpu.memory_space<semaphore_mem>>
      %dma_start3A = arith.constant 0 : i32
      %dma_start3A_56 = tpu.memref_slice %arg10[%add3A_24, %dma_start3A] : memref<10240x128xf32, #tpu.memory_space<vmem_shared>> -> memref<32x128xf32, #tpu.memory_space<vmem_shared>>
      %dma_start3A_57 = arith.constant 0 : i32
      %dma_start3A_58 = tpu.memref_slice %arg10[%add3A_24, %dma_start3A_57] : memref<10240x128xf32, #tpu.memory_space<vmem_shared>> -> memref<32x128xf32, #tpu.memory_space<vmem_shared>>
      tpu.enqueue_dma source(%arg9 : memref<32x128xf32, #tpu.memory_space<vmem>>) target(%dma_start3A_58 : memref<32x128xf32, #tpu.memory_space<vmem_shared>>) target_semaphore(%run_scoped3A : memref<!tpu.dma_semaphore, #tpu.memory_space<semaphore_mem>>)
      %dma_wait3A = arith.constant 0 : i32
      %dma_wait3A_59 = tpu.memref_slice %arg10[%add3A_24, %dma_wait3A] : memref<10240x128xf32, #tpu.memory_space<vmem_shared>> -> memref<32x128xf32, #tpu.memory_space<vmem_shared>>
      %dma_wait3A_60 = arith.constant 0 : i32
      %dma_wait3A_61 = tpu.memref_slice %arg10[%add3A_24, %dma_wait3A_60] : memref<10240x128xf32, #tpu.memory_space<vmem_shared>> -> memref<32x128xf32, #tpu.memory_space<vmem_shared>>
      tpu.wait_dma2 semaphore(%run_scoped3A : memref<!tpu.dma_semaphore, #tpu.memory_space<semaphore_mem>>) src(%arg9 : memref<32x128xf32, #tpu.memory_space<vmem>>) dst(%dma_wait3A_61 : memref<32x128xf32, #tpu.memory_space<vmem_shared>>)
      tpu.yield
    }) : () -> ()
    %add3A_25 = arith.constant 256 : i32
    %add3A_26 = arith.addi %mul3A_8, %add3A_25 : i32
    "tpu.region"() ({
      %run_scoped3A = tpu.sem_alloc : memref<!tpu.dma_semaphore, #tpu.memory_space<semaphore_mem>>
      %dma_start3A = arith.constant 0 : i32
      %dma_start3A_56 = tpu.memref_slice %arg10[%add3A_26, %dma_start3A] : memref<10240x128xf32, #tpu.memory_space<vmem_shared>> -> memref<32x128xf32, #tpu.memory_space<vmem_shared>>
      %dma_start3A_57 = arith.constant 0 : i32
      %dma_start3A_58 = tpu.memref_slice %arg10[%add3A_26, %dma_start3A_57] : memref<10240x128xf32, #tpu.memory_space<vmem_shared>> -> memref<32x128xf32, #tpu.memory_space<vmem_shared>>
      tpu.enqueue_dma source(%arg9 : memref<32x128xf32, #tpu.memory_space<vmem>>) target(%dma_start3A_58 : memref<32x128xf32, #tpu.memory_space<vmem_shared>>) target_semaphore(%run_scoped3A : memref<!tpu.dma_semaphore, #tpu.memory_space<semaphore_mem>>)
      %dma_wait3A = arith.constant 0 : i32
      %dma_wait3A_59 = tpu.memref_slice %arg10[%add3A_26, %dma_wait3A] : memref<10240x128xf32, #tpu.memory_space<vmem_shared>> -> memref<32x128xf32, #tpu.memory_space<vmem_shared>>
      %dma_wait3A_60 = arith.constant 0 : i32
      %dma_wait3A_61 = tpu.memref_slice %arg10[%add3A_26, %dma_wait3A_60] : memref<10240x128xf32, #tpu.memory_space<vmem_shared>> -> memref<32x128xf32, #tpu.memory_space<vmem_shared>>
      tpu.wait_dma2 semaphore(%run_scoped3A : memref<!tpu.dma_semaphore, #tpu.memory_space<semaphore_mem>>) src(%arg9 : memref<32x128xf32, #tpu.memory_space<vmem>>) dst(%dma_wait3A_61 : memref<32x128xf32, #tpu.memory_space<vmem_shared>>)
      tpu.yield
    }) : () -> ()
    %add3A_27 = arith.constant 288 : i32
    %add3A_28 = arith.addi %mul3A_8, %add3A_27 : i32
    "tpu.region"() ({
      %run_scoped3A = tpu.sem_alloc : memref<!tpu.dma_semaphore, #tpu.memory_space<semaphore_mem>>
      %dma_start3A = arith.constant 0 : i32
      %dma_start3A_56 = tpu.memref_slice %arg10[%add3A_28, %dma_start3A] : memref<10240x128xf32, #tpu.memory_space<vmem_shared>> -> memref<32x128xf32, #tpu.memory_space<vmem_shared>>
      %dma_start3A_57 = arith.constant 0 : i32
      %dma_start3A_58 = tpu.memref_slice %arg10[%add3A_28, %dma_start3A_57] : memref<10240x128xf32, #tpu.memory_space<vmem_shared>> -> memref<32x128xf32, #tpu.memory_space<vmem_shared>>
      tpu.enqueue_dma source(%arg9 : memref<32x128xf32, #tpu.memory_space<vmem>>) target(%dma_start3A_58 : memref<32x128xf32, #tpu.memory_space<vmem_shared>>) target_semaphore(%run_scoped3A : memref<!tpu.dma_semaphore, #tpu.memory_space<semaphore_mem>>)
      %dma_wait3A = arith.constant 0 : i32
      %dma_wait3A_59 = tpu.memref_slice %arg10[%add3A_28, %dma_wait3A] : memref<10240x128xf32, #tpu.memory_space<vmem_shared>> -> memref<32x128xf32, #tpu.memory_space<vmem_shared>>
      %dma_wait3A_60 = arith.constant 0 : i32
      %dma_wait3A_61 = tpu.memref_slice %arg10[%add3A_28, %dma_wait3A_60] : memref<10240x128xf32, #tpu.memory_space<vmem_shared>> -> memref<32x128xf32, #tpu.memory_space<vmem_shared>>
      tpu.wait_dma2 semaphore(%run_scoped3A : memref<!tpu.dma_semaphore, #tpu.memory_space<semaphore_mem>>) src(%arg9 : memref<32x128xf32, #tpu.memory_space<vmem>>) dst(%dma_wait3A_61 : memref<32x128xf32, #tpu.memory_space<vmem_shared>>)
      tpu.yield
    }) : () -> ()
    %add3A_29 = arith.constant 320 : i32
    %add3A_30 = arith.addi %mul3A_8, %add3A_29 : i32
    "tpu.region"() ({
      %run_scoped3A = tpu.sem_alloc : memref<!tpu.dma_semaphore, #tpu.memory_space<semaphore_mem>>
      %dma_start3A = arith.constant 0 : i32
      %dma_start3A_56 = tpu.memref_slice %arg10[%add3A_30, %dma_start3A] : memref<10240x128xf32, #tpu.memory_space<vmem_shared>> -> memref<32x128xf32, #tpu.memory_space<vmem_shared>>
      %dma_start3A_57 = arith.constant 0 : i32
      %dma_start3A_58 = tpu.memref_slice %arg10[%add3A_30, %dma_start3A_57] : memref<10240x128xf32, #tpu.memory_space<vmem_shared>> -> memref<32x128xf32, #tpu.memory_space<vmem_shared>>
      tpu.enqueue_dma source(%arg9 : memref<32x128xf32, #tpu.memory_space<vmem>>) target(%dma_start3A_58 : memref<32x128xf32, #tpu.memory_space<vmem_shared>>) target_semaphore(%run_scoped3A : memref<!tpu.dma_semaphore, #tpu.memory_space<semaphore_mem>>)
      %dma_wait3A = arith.constant 0 : i32
      %dma_wait3A_59 = tpu.memref_slice %arg10[%add3A_30, %dma_wait3A] : memref<10240x128xf32, #tpu.memory_space<vmem_shared>> -> memref<32x128xf32, #tpu.memory_space<vmem_shared>>
      %dma_wait3A_60 = arith.constant 0 : i32
      %dma_wait3A_61 = tpu.memref_slice %arg10[%add3A_30, %dma_wait3A_60] : memref<10240x128xf32, #tpu.memory_space<vmem_shared>> -> memref<32x128xf32, #tpu.memory_space<vmem_shared>>
      tpu.wait_dma2 semaphore(%run_scoped3A : memref<!tpu.dma_semaphore, #tpu.memory_space<semaphore_mem>>) src(%arg9 : memref<32x128xf32, #tpu.memory_space<vmem>>) dst(%dma_wait3A_61 : memref<32x128xf32, #tpu.memory_space<vmem_shared>>)
      tpu.yield
    }) : () -> ()
    %add3A_31 = arith.constant 352 : i32
    %add3A_32 = arith.addi %mul3A_8, %add3A_31 : i32
    "tpu.region"() ({
      %run_scoped3A = tpu.sem_alloc : memref<!tpu.dma_semaphore, #tpu.memory_space<semaphore_mem>>
      %dma_start3A = arith.constant 0 : i32
      %dma_start3A_56 = tpu.memref_slice %arg10[%add3A_32, %dma_start3A] : memref<10240x128xf32, #tpu.memory_space<vmem_shared>> -> memref<32x128xf32, #tpu.memory_space<vmem_shared>>
      %dma_start3A_57 = arith.constant 0 : i32
      %dma_start3A_58 = tpu.memref_slice %arg10[%add3A_32, %dma_start3A_57] : memref<10240x128xf32, #tpu.memory_space<vmem_shared>> -> memref<32x128xf32, #tpu.memory_space<vmem_shared>>
      tpu.enqueue_dma source(%arg9 : memref<32x128xf32, #tpu.memory_space<vmem>>) target(%dma_start3A_58 : memref<32x128xf32, #tpu.memory_space<vmem_shared>>) target_semaphore(%run_scoped3A : memref<!tpu.dma_semaphore, #tpu.memory_space<semaphore_mem>>)
      %dma_wait3A = arith.constant 0 : i32
      %dma_wait3A_59 = tpu.memref_slice %arg10[%add3A_32, %dma_wait3A] : memref<10240x128xf32, #tpu.memory_space<vmem_shared>> -> memref<32x128xf32, #tpu.memory_space<vmem_shared>>
      %dma_wait3A_60 = arith.constant 0 : i32
      %dma_wait3A_61 = tpu.memref_slice %arg10[%add3A_32, %dma_wait3A_60] : memref<10240x128xf32, #tpu.memory_space<vmem_shared>> -> memref<32x128xf32, #tpu.memory_space<vmem_shared>>
      tpu.wait_dma2 semaphore(%run_scoped3A : memref<!tpu.dma_semaphore, #tpu.memory_space<semaphore_mem>>) src(%arg9 : memref<32x128xf32, #tpu.memory_space<vmem>>) dst(%dma_wait3A_61 : memref<32x128xf32, #tpu.memory_space<vmem_shared>>)
      tpu.yield
    }) : () -> ()
    %add3A_33 = arith.constant 384 : i32
    %add3A_34 = arith.addi %mul3A_8, %add3A_33 : i32
    "tpu.region"() ({
      %run_scoped3A = tpu.sem_alloc : memref<!tpu.dma_semaphore, #tpu.memory_space<semaphore_mem>>
      %dma_start3A = arith.constant 0 : i32
      %dma_start3A_56 = tpu.memref_slice %arg10[%add3A_34, %dma_start3A] : memref<10240x128xf32, #tpu.memory_space<vmem_shared>> -> memref<32x128xf32, #tpu.memory_space<vmem_shared>>
      %dma_start3A_57 = arith.constant 0 : i32
      %dma_start3A_58 = tpu.memref_slice %arg10[%add3A_34, %dma_start3A_57] : memref<10240x128xf32, #tpu.memory_space<vmem_shared>> -> memref<32x128xf32, #tpu.memory_space<vmem_shared>>
      tpu.enqueue_dma source(%arg9 : memref<32x128xf32, #tpu.memory_space<vmem>>) target(%dma_start3A_58 : memref<32x128xf32, #tpu.memory_space<vmem_shared>>) target_semaphore(%run_scoped3A : memref<!tpu.dma_semaphore, #tpu.memory_space<semaphore_mem>>)
      %dma_wait3A = arith.constant 0 : i32
      %dma_wait3A_59 = tpu.memref_slice %arg10[%add3A_34, %dma_wait3A] : memref<10240x128xf32, #tpu.memory_space<vmem_shared>> -> memref<32x128xf32, #tpu.memory_space<vmem_shared>>
      %dma_wait3A_60 = arith.constant 0 : i32
      %dma_wait3A_61 = tpu.memref_slice %arg10[%add3A_34, %dma_wait3A_60] : memref<10240x128xf32, #tpu.memory_space<vmem_shared>> -> memref<32x128xf32, #tpu.memory_space<vmem_shared>>
      tpu.wait_dma2 semaphore(%run_scoped3A : memref<!tpu.dma_semaphore, #tpu.memory_space<semaphore_mem>>) src(%arg9 : memref<32x128xf32, #tpu.memory_space<vmem>>) dst(%dma_wait3A_61 : memref<32x128xf32, #tpu.memory_space<vmem_shared>>)
      tpu.yield
    }) : () -> ()
    %add3A_35 = arith.constant 416 : i32
    %add3A_36 = arith.addi %mul3A_8, %add3A_35 : i32
    "tpu.region"() ({
      %run_scoped3A = tpu.sem_alloc : memref<!tpu.dma_semaphore, #tpu.memory_space<semaphore_mem>>
      %dma_start3A = arith.constant 0 : i32
      %dma_start3A_56 = tpu.memref_slice %arg10[%add3A_36, %dma_start3A] : memref<10240x128xf32, #tpu.memory_space<vmem_shared>> -> memref<32x128xf32, #tpu.memory_space<vmem_shared>>
      %dma_start3A_57 = arith.constant 0 : i32
      %dma_start3A_58 = tpu.memref_slice %arg10[%add3A_36, %dma_start3A_57] : memref<10240x128xf32, #tpu.memory_space<vmem_shared>> -> memref<32x128xf32, #tpu.memory_space<vmem_shared>>
      tpu.enqueue_dma source(%arg9 : memref<32x128xf32, #tpu.memory_space<vmem>>) target(%dma_start3A_58 : memref<32x128xf32, #tpu.memory_space<vmem_shared>>) target_semaphore(%run_scoped3A : memref<!tpu.dma_semaphore, #tpu.memory_space<semaphore_mem>>)
      %dma_wait3A = arith.constant 0 : i32
      %dma_wait3A_59 = tpu.memref_slice %arg10[%add3A_36, %dma_wait3A] : memref<10240x128xf32, #tpu.memory_space<vmem_shared>> -> memref<32x128xf32, #tpu.memory_space<vmem_shared>>
      %dma_wait3A_60 = arith.constant 0 : i32
      %dma_wait3A_61 = tpu.memref_slice %arg10[%add3A_36, %dma_wait3A_60] : memref<10240x128xf32, #tpu.memory_space<vmem_shared>> -> memref<32x128xf32, #tpu.memory_space<vmem_shared>>
      tpu.wait_dma2 semaphore(%run_scoped3A : memref<!tpu.dma_semaphore, #tpu.memory_space<semaphore_mem>>) src(%arg9 : memref<32x128xf32, #tpu.memory_space<vmem>>) dst(%dma_wait3A_61 : memref<32x128xf32, #tpu.memory_space<vmem_shared>>)
      tpu.yield
    }) : () -> ()
    %add3A_37 = arith.constant 448 : i32
    %add3A_38 = arith.addi %mul3A_8, %add3A_37 : i32
    "tpu.region"() ({
      %run_scoped3A = tpu.sem_alloc : memref<!tpu.dma_semaphore, #tpu.memory_space<semaphore_mem>>
      %dma_start3A = arith.constant 0 : i32
      %dma_start3A_56 = tpu.memref_slice %arg10[%add3A_38, %dma_start3A] : memref<10240x128xf32, #tpu.memory_space<vmem_shared>> -> memref<32x128xf32, #tpu.memory_space<vmem_shared>>
      %dma_start3A_57 = arith.constant 0 : i32
      %dma_start3A_58 = tpu.memref_slice %arg10[%add3A_38, %dma_start3A_57] : memref<10240x128xf32, #tpu.memory_space<vmem_shared>> -> memref<32x128xf32, #tpu.memory_space<vmem_shared>>
      tpu.enqueue_dma source(%arg9 : memref<32x128xf32, #tpu.memory_space<vmem>>) target(%dma_start3A_58 : memref<32x128xf32, #tpu.memory_space<vmem_shared>>) target_semaphore(%run_scoped3A : memref<!tpu.dma_semaphore, #tpu.memory_space<semaphore_mem>>)
      %dma_wait3A = arith.constant 0 : i32
      %dma_wait3A_59 = tpu.memref_slice %arg10[%add3A_38, %dma_wait3A] : memref<10240x128xf32, #tpu.memory_space<vmem_shared>> -> memref<32x128xf32, #tpu.memory_space<vmem_shared>>
      %dma_wait3A_60 = arith.constant 0 : i32
      %dma_wait3A_61 = tpu.memref_slice %arg10[%add3A_38, %dma_wait3A_60] : memref<10240x128xf32, #tpu.memory_space<vmem_shared>> -> memref<32x128xf32, #tpu.memory_space<vmem_shared>>
      tpu.wait_dma2 semaphore(%run_scoped3A : memref<!tpu.dma_semaphore, #tpu.memory_space<semaphore_mem>>) src(%arg9 : memref<32x128xf32, #tpu.memory_space<vmem>>) dst(%dma_wait3A_61 : memref<32x128xf32, #tpu.memory_space<vmem_shared>>)
      tpu.yield
    }) : () -> ()
    %add3A_39 = arith.constant 480 : i32
    %add3A_40 = arith.addi %mul3A_8, %add3A_39 : i32
    "tpu.region"() ({
      %run_scoped3A = tpu.sem_alloc : memref<!tpu.dma_semaphore, #tpu.memory_space<semaphore_mem>>
      %dma_start3A = arith.constant 0 : i32
      %dma_start3A_56 = tpu.memref_slice %arg10[%add3A_40, %dma_start3A] : memref<10240x128xf32, #tpu.memory_space<vmem_shared>> -> memref<32x128xf32, #tpu.memory_space<vmem_shared>>
      %dma_start3A_57 = arith.constant 0 : i32
      %dma_start3A_58 = tpu.memref_slice %arg10[%add3A_40, %dma_start3A_57] : memref<10240x128xf32, #tpu.memory_space<vmem_shared>> -> memref<32x128xf32, #tpu.memory_space<vmem_shared>>
      tpu.enqueue_dma source(%arg9 : memref<32x128xf32, #tpu.memory_space<vmem>>) target(%dma_start3A_58 : memref<32x128xf32, #tpu.memory_space<vmem_shared>>) target_semaphore(%run_scoped3A : memref<!tpu.dma_semaphore, #tpu.memory_space<semaphore_mem>>)
      %dma_wait3A = arith.constant 0 : i32
      %dma_wait3A_59 = tpu.memref_slice %arg10[%add3A_40, %dma_wait3A] : memref<10240x128xf32, #tpu.memory_space<vmem_shared>> -> memref<32x128xf32, #tpu.memory_space<vmem_shared>>
      %dma_wait3A_60 = arith.constant 0 : i32
      %dma_wait3A_61 = tpu.memref_slice %arg10[%add3A_40, %dma_wait3A_60] : memref<10240x128xf32, #tpu.memory_space<vmem_shared>> -> memref<32x128xf32, #tpu.memory_space<vmem_shared>>
      tpu.wait_dma2 semaphore(%run_scoped3A : memref<!tpu.dma_semaphore, #tpu.memory_space<semaphore_mem>>) src(%arg9 : memref<32x128xf32, #tpu.memory_space<vmem>>) dst(%dma_wait3A_61 : memref<32x128xf32, #tpu.memory_space<vmem_shared>>)
      tpu.yield
    }) : () -> ()
    %add3A_41 = arith.constant 512 : i32
    %add3A_42 = arith.addi %mul3A_8, %add3A_41 : i32
    "tpu.region"() ({
      %run_scoped3A = tpu.sem_alloc : memref<!tpu.dma_semaphore, #tpu.memory_space<semaphore_mem>>
      %dma_start3A = arith.constant 0 : i32
      %dma_start3A_56 = tpu.memref_slice %arg10[%add3A_42, %dma_start3A] : memref<10240x128xf32, #tpu.memory_space<vmem_shared>> -> memref<32x128xf32, #tpu.memory_space<vmem_shared>>
      %dma_start3A_57 = arith.constant 0 : i32
      %dma_start3A_58 = tpu.memref_slice %arg10[%add3A_42, %dma_start3A_57] : memref<10240x128xf32, #tpu.memory_space<vmem_shared>> -> memref<32x128xf32, #tpu.memory_space<vmem_shared>>
      tpu.enqueue_dma source(%arg9 : memref<32x128xf32, #tpu.memory_space<vmem>>) target(%dma_start3A_58 : memref<32x128xf32, #tpu.memory_space<vmem_shared>>) target_semaphore(%run_scoped3A : memref<!tpu.dma_semaphore, #tpu.memory_space<semaphore_mem>>)
      %dma_wait3A = arith.constant 0 : i32
      %dma_wait3A_59 = tpu.memref_slice %arg10[%add3A_42, %dma_wait3A] : memref<10240x128xf32, #tpu.memory_space<vmem_shared>> -> memref<32x128xf32, #tpu.memory_space<vmem_shared>>
      %dma_wait3A_60 = arith.constant 0 : i32
      %dma_wait3A_61 = tpu.memref_slice %arg10[%add3A_42, %dma_wait3A_60] : memref<10240x128xf32, #tpu.memory_space<vmem_shared>> -> memref<32x128xf32, #tpu.memory_space<vmem_shared>>
      tpu.wait_dma2 semaphore(%run_scoped3A : memref<!tpu.dma_semaphore, #tpu.memory_space<semaphore_mem>>) src(%arg9 : memref<32x128xf32, #tpu.memory_space<vmem>>) dst(%dma_wait3A_61 : memref<32x128xf32, #tpu.memory_space<vmem_shared>>)
      tpu.yield
    }) : () -> ()
    %add3A_43 = arith.constant 544 : i32
    %add3A_44 = arith.addi %mul3A_8, %add3A_43 : i32
    "tpu.region"() ({
      %run_scoped3A = tpu.sem_alloc : memref<!tpu.dma_semaphore, #tpu.memory_space<semaphore_mem>>
      %dma_start3A = arith.constant 0 : i32
      %dma_start3A_56 = tpu.memref_slice %arg10[%add3A_44, %dma_start3A] : memref<10240x128xf32, #tpu.memory_space<vmem_shared>> -> memref<32x128xf32, #tpu.memory_space<vmem_shared>>
      %dma_start3A_57 = arith.constant 0 : i32
      %dma_start3A_58 = tpu.memref_slice %arg10[%add3A_44, %dma_start3A_57] : memref<10240x128xf32, #tpu.memory_space<vmem_shared>> -> memref<32x128xf32, #tpu.memory_space<vmem_shared>>
      tpu.enqueue_dma source(%arg9 : memref<32x128xf32, #tpu.memory_space<vmem>>) target(%dma_start3A_58 : memref<32x128xf32, #tpu.memory_space<vmem_shared>>) target_semaphore(%run_scoped3A : memref<!tpu.dma_semaphore, #tpu.memory_space<semaphore_mem>>)
      %dma_wait3A = arith.constant 0 : i32
      %dma_wait3A_59 = tpu.memref_slice %arg10[%add3A_44, %dma_wait3A] : memref<10240x128xf32, #tpu.memory_space<vmem_shared>> -> memref<32x128xf32, #tpu.memory_space<vmem_shared>>
      %dma_wait3A_60 = arith.constant 0 : i32
      %dma_wait3A_61 = tpu.memref_slice %arg10[%add3A_44, %dma_wait3A_60] : memref<10240x128xf32, #tpu.memory_space<vmem_shared>> -> memref<32x128xf32, #tpu.memory_space<vmem_shared>>
      tpu.wait_dma2 semaphore(%run_scoped3A : memref<!tpu.dma_semaphore, #tpu.memory_space<semaphore_mem>>) src(%arg9 : memref<32x128xf32, #tpu.memory_space<vmem>>) dst(%dma_wait3A_61 : memref<32x128xf32, #tpu.memory_space<vmem_shared>>)
      tpu.yield
    }) : () -> ()
    %add3A_45 = arith.constant 576 : i32
    %add3A_46 = arith.addi %mul3A_8, %add3A_45 : i32
    "tpu.region"() ({
      %run_scoped3A = tpu.sem_alloc : memref<!tpu.dma_semaphore, #tpu.memory_space<semaphore_mem>>
      %dma_start3A = arith.constant 0 : i32
      %dma_start3A_56 = tpu.memref_slice %arg10[%add3A_46, %dma_start3A] : memref<10240x128xf32, #tpu.memory_space<vmem_shared>> -> memref<32x128xf32, #tpu.memory_space<vmem_shared>>
      %dma_start3A_57 = arith.constant 0 : i32
      %dma_start3A_58 = tpu.memref_slice %arg10[%add3A_46, %dma_start3A_57] : memref<10240x128xf32, #tpu.memory_space<vmem_shared>> -> memref<32x128xf32, #tpu.memory_space<vmem_shared>>
      tpu.enqueue_dma source(%arg9 : memref<32x128xf32, #tpu.memory_space<vmem>>) target(%dma_start3A_58 : memref<32x128xf32, #tpu.memory_space<vmem_shared>>) target_semaphore(%run_scoped3A : memref<!tpu.dma_semaphore, #tpu.memory_space<semaphore_mem>>)
      %dma_wait3A = arith.constant 0 : i32
      %dma_wait3A_59 = tpu.memref_slice %arg10[%add3A_46, %dma_wait3A] : memref<10240x128xf32, #tpu.memory_space<vmem_shared>> -> memref<32x128xf32, #tpu.memory_space<vmem_shared>>
      %dma_wait3A_60 = arith.constant 0 : i32
      %dma_wait3A_61 = tpu.memref_slice %arg10[%add3A_46, %dma_wait3A_60] : memref<10240x128xf32, #tpu.memory_space<vmem_shared>> -> memref<32x128xf32, #tpu.memory_space<vmem_shared>>
      tpu.wait_dma2 semaphore(%run_scoped3A : memref<!tpu.dma_semaphore, #tpu.memory_space<semaphore_mem>>) src(%arg9 : memref<32x128xf32, #tpu.memory_space<vmem>>) dst(%dma_wait3A_61 : memref<32x128xf32, #tpu.memory_space<vmem_shared>>)
      tpu.yield
    }) : () -> ()
    %add3A_47 = arith.constant 608 : i32
    %add3A_48 = arith.addi %mul3A_8, %add3A_47 : i32
    "tpu.region"() ({
      %run_scoped3A = tpu.sem_alloc : memref<!tpu.dma_semaphore, #tpu.memory_space<semaphore_mem>>
      %dma_start3A = arith.constant 0 : i32
      %dma_start3A_56 = tpu.memref_slice %arg10[%add3A_48, %dma_start3A] : memref<10240x128xf32, #tpu.memory_space<vmem_shared>> -> memref<32x128xf32, #tpu.memory_space<vmem_shared>>
      %dma_start3A_57 = arith.constant 0 : i32
      %dma_start3A_58 = tpu.memref_slice %arg10[%add3A_48, %dma_start3A_57] : memref<10240x128xf32, #tpu.memory_space<vmem_shared>> -> memref<32x128xf32, #tpu.memory_space<vmem_shared>>
      tpu.enqueue_dma source(%arg9 : memref<32x128xf32, #tpu.memory_space<vmem>>) target(%dma_start3A_58 : memref<32x128xf32, #tpu.memory_space<vmem_shared>>) target_semaphore(%run_scoped3A : memref<!tpu.dma_semaphore, #tpu.memory_space<semaphore_mem>>)
      %dma_wait3A = arith.constant 0 : i32
      %dma_wait3A_59 = tpu.memref_slice %arg10[%add3A_48, %dma_wait3A] : memref<10240x128xf32, #tpu.memory_space<vmem_shared>> -> memref<32x128xf32, #tpu.memory_space<vmem_shared>>
      %dma_wait3A_60 = arith.constant 0 : i32
      %dma_wait3A_61 = tpu.memref_slice %arg10[%add3A_48, %dma_wait3A_60] : memref<10240x128xf32, #tpu.memory_space<vmem_shared>> -> memref<32x128xf32, #tpu.memory_space<vmem_shared>>
      tpu.wait_dma2 semaphore(%run_scoped3A : memref<!tpu.dma_semaphore, #tpu.memory_space<semaphore_mem>>) src(%arg9 : memref<32x128xf32, #tpu.memory_space<vmem>>) dst(%dma_wait3A_61 : memref<32x128xf32, #tpu.memory_space<vmem_shared>>)
      tpu.yield
    }) : () -> ()
    %barrier3A = arith.constant 0 : index
    tpu.barrier barrier_id(%barrier3A)
    %scan3A_49 = arith.constant 0 : i32
    %scan3A_50 = arith.constant 0 : i32
    %scan3A_51 = arith.constant 79 : i32
    %scan3A_52 = arith.addi %scan3A_50, %scan3A_51 : i32
    %scan3A_53 = arith.constant 1 : i32
    scf.for %scan3A_56 = %scan3A_50 to %scan3A_52 step %scan3A_53  : i32 {
      %dma_start3A = arith.constant 0 : i32
      %dma_start3A_57 = tpu.memref_slice %arg6[%scan3A_56, %dma_start3A] : memref<79x128xi32, #tpu.memory_space<vmem>> -> memref<1x128xi32, #tpu.memory_space<vmem>>
      %dma_start3A_58 = tpu.memref_squeeze %dma_start3A_57 : memref<1x128xi32, #tpu.memory_space<vmem>> -> memref<128xi32, #tpu.memory_space<vmem>>
      %dma_start3A_59 = arith.constant 0 : i32
      %dma_start3A_60 = arith.constant 0 : i32
      %dma_start3A_61 = tpu.memref_slice %arg2[%dma_start3A_59, %dma_start3A_60] : memref<10240x128xf32, #tpu.memory_space<hbm>> -> memref<10240x128xf32, #tpu.memory_space<hbm>>
      tpu.enqueue_indirect_dma source(%dma_start3A_61 : memref<10240x128xf32, #tpu.memory_space<hbm>>) target(%arg8 : memref<128x128xf32, #tpu.memory_space<vmem>>) offsets(%dma_start3A_58 : memref<128xi32, #tpu.memory_space<vmem>>) semaphore(%arg11 : memref<!tpu.dma_semaphore, #tpu.memory_space<semaphore_mem>>)
      %dma_wait3A = arith.constant 0 : i32
      %dma_wait3A_62 = tpu.memref_slice %arg6[%scan3A_56, %dma_wait3A] : memref<79x128xi32, #tpu.memory_space<vmem>> -> memref<1x128xi32, #tpu.memory_space<vmem>>
      %dma_wait3A_63 = tpu.memref_squeeze %dma_wait3A_62 : memref<1x128xi32, #tpu.memory_space<vmem>> -> memref<128xi32, #tpu.memory_space<vmem>>
      %dma_wait3A_64 = arith.constant 0 : i32
      %dma_wait3A_65 = arith.constant 0 : i32
      %dma_wait3A_66 = tpu.memref_slice %arg2[%dma_wait3A_64, %dma_wait3A_65] : memref<10240x128xf32, #tpu.memory_space<hbm>> -> memref<10240x128xf32, #tpu.memory_space<hbm>>
      tpu.wait_indirect_dma semaphore(%arg11 : memref<!tpu.dma_semaphore, #tpu.memory_space<semaphore_mem>>) src(%dma_wait3A_66 : memref<10240x128xf32, #tpu.memory_space<hbm>>) dst(%arg8 : memref<128x128xf32, #tpu.memory_space<vmem>>)
      "tpu.region"() ({
        %run_scoped3A = tpu.sem_alloc : memref<!tpu.dma_semaphore, #tpu.memory_space<semaphore_mem>>
        %dma_start3A_67 = arith.constant 0 : i32
        %dma_start3A_68 = tpu.memref_slice %arg7[%scan3A_56, %dma_start3A_67] : memref<79x128xi32, #tpu.memory_space<vmem>> -> memref<1x128xi32, #tpu.memory_space<vmem>>
        %dma_start3A_69 = tpu.memref_squeeze %dma_start3A_68 : memref<1x128xi32, #tpu.memory_space<vmem>> -> memref<128xi32, #tpu.memory_space<vmem>>
        %dma_start3A_70 = arith.constant 0 : i32
        %dma_start3A_71 = arith.constant 0 : i32
        %dma_start3A_72 = tpu.memref_slice %arg10[%dma_start3A_70, %dma_start3A_71] : memref<10240x128xf32, #tpu.memory_space<vmem_shared>> -> memref<10240x128xf32, #tpu.memory_space<vmem_shared>>
        tpu.enqueue_indirect_dma source(%arg8 : memref<128x128xf32, #tpu.memory_space<vmem>>) target(%dma_start3A_72 : memref<10240x128xf32, #tpu.memory_space<vmem_shared>>) offsets(%dma_start3A_69 : memref<128xi32, #tpu.memory_space<vmem>>) semaphore(%run_scoped3A : memref<!tpu.dma_semaphore, #tpu.memory_space<semaphore_mem>>) {add = true}
        %dma_wait3A_73 = arith.constant 0 : i32
        %dma_wait3A_74 = tpu.memref_slice %arg7[%scan3A_56, %dma_wait3A_73] : memref<79x128xi32, #tpu.memory_space<vmem>> -> memref<1x128xi32, #tpu.memory_space<vmem>>
        %dma_wait3A_75 = tpu.memref_squeeze %dma_wait3A_74 : memref<1x128xi32, #tpu.memory_space<vmem>> -> memref<128xi32, #tpu.memory_space<vmem>>
        %dma_wait3A_76 = arith.constant 0 : i32
        %dma_wait3A_77 = arith.constant 0 : i32
        %dma_wait3A_78 = tpu.memref_slice %arg10[%dma_wait3A_76, %dma_wait3A_77] : memref<10240x128xf32, #tpu.memory_space<vmem_shared>> -> memref<10240x128xf32, #tpu.memory_space<vmem_shared>>
        tpu.wait_indirect_dma semaphore(%run_scoped3A : memref<!tpu.dma_semaphore, #tpu.memory_space<semaphore_mem>>) src(%arg8 : memref<128x128xf32, #tpu.memory_space<vmem>>) dst(%dma_wait3A_78 : memref<10240x128xf32, #tpu.memory_space<vmem_shared>>)
        tpu.yield
      }) : () -> ()
    }
    %scan3A_54 = arith.constant 79 : i32
    %barrier3A_55 = arith.constant 0 : index
    tpu.barrier barrier_id(%barrier3A_55)
    "tpu.region"() ({
      %run_scoped3A = tpu.sem_alloc : memref<!tpu.dma_semaphore, #tpu.memory_space<semaphore_mem>>
      %dma_start3A = arith.constant 0 : i32
      %dma_start3A_56 = tpu.memref_slice %arg5[%arg0, %mul3A_8, %dma_start3A] : memref<2x10240x128xf32, #tpu.memory_space<hbm>> -> memref<1x640x128xf32, #tpu.memory_space<hbm>>
      %dma_start3A_57 = tpu.memref_squeeze %dma_start3A_56 : memref<1x640x128xf32, #tpu.memory_space<hbm>> -> memref<640x128xf32, #tpu.memory_space<hbm>>
      %dma_start3A_58 = arith.constant 0 : i32
      %dma_start3A_59 = tpu.memref_slice %arg10[%mul3A_8, %dma_start3A_58] : memref<10240x128xf32, #tpu.memory_space<vmem_shared>> -> memref<640x128xf32, #tpu.memory_space<vmem_shared>>
      tpu.enqueue_dma source(%dma_start3A_59 : memref<640x128xf32, #tpu.memory_space<vmem_shared>>) target(%dma_start3A_57 : memref<640x128xf32, #tpu.memory_space<hbm>>) target_semaphore(%run_scoped3A : memref<!tpu.dma_semaphore, #tpu.memory_space<semaphore_mem>>)
      %dma_wait3A = arith.constant 0 : i32
      %dma_wait3A_60 = tpu.memref_slice %arg5[%arg0, %mul3A_8, %dma_wait3A] : memref<2x10240x128xf32, #tpu.memory_space<hbm>> -> memref<1x640x128xf32, #tpu.memory_space<hbm>>
      %dma_wait3A_61 = tpu.memref_squeeze %dma_wait3A_60 : memref<1x640x128xf32, #tpu.memory_space<hbm>> -> memref<640x128xf32, #tpu.memory_space<hbm>>
      %dma_wait3A_62 = arith.constant 0 : i32
      %dma_wait3A_63 = tpu.memref_slice %arg10[%mul3A_8, %dma_wait3A_62] : memref<10240x128xf32, #tpu.memory_space<vmem_shared>> -> memref<640x128xf32, #tpu.memory_space<vmem_shared>>
      tpu.wait_dma2 semaphore(%run_scoped3A : memref<!tpu.dma_semaphore, #tpu.memory_space<semaphore_mem>>) src(%dma_wait3A_63 : memref<640x128xf32, #tpu.memory_space<vmem_shared>>) dst(%dma_wait3A_61 : memref<640x128xf32, #tpu.memory_space<hbm>>)
      tpu.yield
    }) : () -> ()
    return
  }
}

#map = affine_map<(d0, d1) -> (0, 0, 0)>
module attributes {stable_mosaic.version = 14 : i64} {
  func.func @body(%arg0: i32, %arg1: i32, %arg2: memref<32x79x128xi32, #tpu.memory_space<hbm>>, %arg3: memref<2x10240x128xf32, #tpu.memory_space<hbm>>, %arg4: memref<79x128xi32, #tpu.memory_space<vmem>>, %arg5: memref<128x128xf32, #tpu.memory_space<vmem>>, %arg6: memref<32x128xf32, #tpu.memory_space<vmem>>, %arg7: memref<10240x128xf32, #tpu.memory_space<vmem_shared>>) attributes {dimension_semantics = [#tpu.dimension_semantics<core_parallel>, #tpu.dimension_semantics<subcore_parallel>], iteration_bounds = array<i64: 2, 16>, scalar_prefetch = 0 : i64, scratch_operands = 4 : i64, tpu.core_type = #tpu.core_type<sc_vector_subcore>, window_params = [{transform_indices = #map}, {transform_indices = #map}]} {
    %mul3A = arith.constant 2 : i32
    %mul3A_0 = arith.muli %arg1, %mul3A : i32
    %add3A = arith.addi %mul3A_0, %arg0 : i32
    "tpu.region"() ({
      %run_scoped3A = tpu.sem_alloc : memref<!tpu.dma_semaphore, #tpu.memory_space<semaphore_mem>>
      %dma_start3A = arith.constant 0 : i32
      %dma_start3A_58 = arith.constant 0 : i32
      %dma_start3A_59 = tpu.memref_slice %arg2[%add3A, %dma_start3A, %dma_start3A_58] : memref<32x79x128xi32, #tpu.memory_space<hbm>> -> memref<1x79x128xi32, #tpu.memory_space<hbm>>
      %dma_start3A_60 = tpu.memref_squeeze %dma_start3A_59 : memref<1x79x128xi32, #tpu.memory_space<hbm>> -> memref<79x128xi32, #tpu.memory_space<hbm>>
      %dma_start3A_61 = arith.constant 0 : i32
      %dma_start3A_62 = arith.constant 0 : i32
      %dma_start3A_63 = tpu.memref_slice %arg2[%add3A, %dma_start3A_61, %dma_start3A_62] : memref<32x79x128xi32, #tpu.memory_space<hbm>> -> memref<1x79x128xi32, #tpu.memory_space<hbm>>
      %dma_start3A_64 = tpu.memref_squeeze %dma_start3A_63 : memref<1x79x128xi32, #tpu.memory_space<hbm>> -> memref<79x128xi32, #tpu.memory_space<hbm>>
      tpu.enqueue_dma source(%dma_start3A_64 : memref<79x128xi32, #tpu.memory_space<hbm>>) target(%arg4 : memref<79x128xi32, #tpu.memory_space<vmem>>) target_semaphore(%run_scoped3A : memref<!tpu.dma_semaphore, #tpu.memory_space<semaphore_mem>>)
      %dma_wait3A = arith.constant 0 : i32
      %dma_wait3A_65 = arith.constant 0 : i32
      %dma_wait3A_66 = tpu.memref_slice %arg2[%add3A, %dma_wait3A, %dma_wait3A_65] : memref<32x79x128xi32, #tpu.memory_space<hbm>> -> memref<1x79x128xi32, #tpu.memory_space<hbm>>
      %dma_wait3A_67 = tpu.memref_squeeze %dma_wait3A_66 : memref<1x79x128xi32, #tpu.memory_space<hbm>> -> memref<79x128xi32, #tpu.memory_space<hbm>>
      %dma_wait3A_68 = arith.constant 0 : i32
      %dma_wait3A_69 = arith.constant 0 : i32
      %dma_wait3A_70 = tpu.memref_slice %arg2[%add3A, %dma_wait3A_68, %dma_wait3A_69] : memref<32x79x128xi32, #tpu.memory_space<hbm>> -> memref<1x79x128xi32, #tpu.memory_space<hbm>>
      %dma_wait3A_71 = tpu.memref_squeeze %dma_wait3A_70 : memref<1x79x128xi32, #tpu.memory_space<hbm>> -> memref<79x128xi32, #tpu.memory_space<hbm>>
      tpu.wait_dma2 semaphore(%run_scoped3A : memref<!tpu.dma_semaphore, #tpu.memory_space<semaphore_mem>>) src(%dma_wait3A_71 : memref<79x128xi32, #tpu.memory_space<hbm>>) dst(%arg4 : memref<79x128xi32, #tpu.memory_space<vmem>>)
      tpu.yield
    }) : () -> ()
    %broadcast_in_dim3A = arith.constant 0.000000e+00 : f32
    %broadcast_in_dim3A_1 = vector.broadcast %broadcast_in_dim3A : f32 to vector<16xf32>
    %broadcast_in_dim3A_2 = arith.constant 1.000000e+00 : f32
    %broadcast_in_dim3A_3 = vector.broadcast %broadcast_in_dim3A_2 : f32 to vector<16xf32>
    %scan3A = arith.constant 0 : i32
    %scan3A_4 = arith.constant 0 : i32
    %scan3A_5 = arith.constant 32 : i32
    %scan3A_6 = arith.addi %scan3A_4, %scan3A_5 : i32
    %scan3A_7 = arith.constant 1 : i32
    scf.for %scan3A_58 = %scan3A_4 to %scan3A_6 step %scan3A_7  : i32 {
      %swap3A = arith.index_cast %scan3A_58 : i32 to index
      %swap3A_59 = arith.constant 0 : index
      %swap3A_60 = tpu.vector_load %arg6[%swap3A, %swap3A_59] {strides = array<i32>} : memref<32x128xf32, #tpu.memory_space<vmem>>, vector<1x16xf32>,
      %swap3A_61 = vector.shape_cast %swap3A_60 : vector<1x16xf32> to vector<16xf32>
      %swap3A_62 = vector.shape_cast %broadcast_in_dim3A_1 : vector<16xf32> to vector<1x16xf32>
      tpu.vector_store %arg6[%swap3A, %swap3A_59], %swap3A_62 {strides = array<i32>} : memref<32x128xf32, #tpu.memory_space<vmem>>, vector<1x16xf32>,
      %swap3A_63 = arith.index_cast %scan3A_58 : i32 to index
      %swap3A_64 = arith.constant 16 : index
      %swap3A_65 = tpu.vector_load %arg6[%swap3A_63, %swap3A_64] {strides = array<i32>} : memref<32x128xf32, #tpu.memory_space<vmem>>, vector<1x16xf32>,
      %swap3A_66 = vector.shape_cast %swap3A_65 : vector<1x16xf32> to vector<16xf32>
      %swap3A_67 = vector.shape_cast %broadcast_in_dim3A_1 : vector<16xf32> to vector<1x16xf32>
      tpu.vector_store %arg6[%swap3A_63, %swap3A_64], %swap3A_67 {strides = array<i32>} : memref<32x128xf32, #tpu.memory_space<vmem>>, vector<1x16xf32>,
      %swap3A_68 = arith.index_cast %scan3A_58 : i32 to index
      %swap3A_69 = arith.constant 32 : index
      %swap3A_70 = tpu.vector_load %arg6[%swap3A_68, %swap3A_69] {strides = array<i32>} : memref<32x128xf32, #tpu.memory_space<vmem>>, vector<1x16xf32>,
      %swap3A_71 = vector.shape_cast %swap3A_70 : vector<1x16xf32> to vector<16xf32>
      %swap3A_72 = vector.shape_cast %broadcast_in_dim3A_1 : vector<16xf32> to vector<1x16xf32>
      tpu.vector_store %arg6[%swap3A_68, %swap3A_69], %swap3A_72 {strides = array<i32>} : memref<32x128xf32, #tpu.memory_space<vmem>>, vector<1x16xf32>,
      %swap3A_73 = arith.index_cast %scan3A_58 : i32 to index
      %swap3A_74 = arith.constant 48 : index
      %swap3A_75 = tpu.vector_load %arg6[%swap3A_73, %swap3A_74] {strides = array<i32>} : memref<32x128xf32, #tpu.memory_space<vmem>>, vector<1x16xf32>,
      %swap3A_76 = vector.shape_cast %swap3A_75 : vector<1x16xf32> to vector<16xf32>
      %swap3A_77 = vector.shape_cast %broadcast_in_dim3A_1 : vector<16xf32> to vector<1x16xf32>
      tpu.vector_store %arg6[%swap3A_73, %swap3A_74], %swap3A_77 {strides = array<i32>} : memref<32x128xf32, #tpu.memory_space<vmem>>, vector<1x16xf32>,
      %swap3A_78 = arith.index_cast %scan3A_58 : i32 to index
      %swap3A_79 = arith.constant 64 : index
      %swap3A_80 = tpu.vector_load %arg6[%swap3A_78, %swap3A_79] {strides = array<i32>} : memref<32x128xf32, #tpu.memory_space<vmem>>, vector<1x16xf32>,
      %swap3A_81 = vector.shape_cast %swap3A_80 : vector<1x16xf32> to vector<16xf32>
      %swap3A_82 = vector.shape_cast %broadcast_in_dim3A_1 : vector<16xf32> to vector<1x16xf32>
      tpu.vector_store %arg6[%swap3A_78, %swap3A_79], %swap3A_82 {strides = array<i32>} : memref<32x128xf32, #tpu.memory_space<vmem>>, vector<1x16xf32>,
      %swap3A_83 = arith.index_cast %scan3A_58 : i32 to index
      %swap3A_84 = arith.constant 80 : index
      %swap3A_85 = tpu.vector_load %arg6[%swap3A_83, %swap3A_84] {strides = array<i32>} : memref<32x128xf32, #tpu.memory_space<vmem>>, vector<1x16xf32>,
      %swap3A_86 = vector.shape_cast %swap3A_85 : vector<1x16xf32> to vector<16xf32>
      %swap3A_87 = vector.shape_cast %broadcast_in_dim3A_1 : vector<16xf32> to vector<1x16xf32>
      tpu.vector_store %arg6[%swap3A_83, %swap3A_84], %swap3A_87 {strides = array<i32>} : memref<32x128xf32, #tpu.memory_space<vmem>>, vector<1x16xf32>,
      %swap3A_88 = arith.index_cast %scan3A_58 : i32 to index
      %swap3A_89 = arith.constant 96 : index
      %swap3A_90 = tpu.vector_load %arg6[%swap3A_88, %swap3A_89] {strides = array<i32>} : memref<32x128xf32, #tpu.memory_space<vmem>>, vector<1x16xf32>,
      %swap3A_91 = vector.shape_cast %swap3A_90 : vector<1x16xf32> to vector<16xf32>
      %swap3A_92 = vector.shape_cast %broadcast_in_dim3A_1 : vector<16xf32> to vector<1x16xf32>
      tpu.vector_store %arg6[%swap3A_88, %swap3A_89], %swap3A_92 {strides = array<i32>} : memref<32x128xf32, #tpu.memory_space<vmem>>, vector<1x16xf32>,
      %swap3A_93 = arith.index_cast %scan3A_58 : i32 to index
      %swap3A_94 = arith.constant 112 : index
      %swap3A_95 = tpu.vector_load %arg6[%swap3A_93, %swap3A_94] {strides = array<i32>} : memref<32x128xf32, #tpu.memory_space<vmem>>, vector<1x16xf32>,
      %swap3A_96 = vector.shape_cast %swap3A_95 : vector<1x16xf32> to vector<16xf32>
      %swap3A_97 = vector.shape_cast %broadcast_in_dim3A_1 : vector<16xf32> to vector<1x16xf32>
      tpu.vector_store %arg6[%swap3A_93, %swap3A_94], %swap3A_97 {strides = array<i32>} : memref<32x128xf32, #tpu.memory_space<vmem>>, vector<1x16xf32>,
      %add3A_98 = arith.constant 0 : i32
      %add3A_99 = arith.addi %scan3A_58, %add3A_98 : i32
      %swap3A_100 = arith.index_cast %add3A_99 : i32 to index
      %swap3A_101 = arith.constant 0 : index
      %swap3A_102 = tpu.vector_load %arg5[%swap3A_100, %swap3A_101] {strides = array<i32>} : memref<128x128xf32, #tpu.memory_space<vmem>>, vector<1x16xf32>,
      %swap3A_103 = vector.shape_cast %swap3A_102 : vector<1x16xf32> to vector<16xf32>
      %swap3A_104 = vector.shape_cast %broadcast_in_dim3A_3 : vector<16xf32> to vector<1x16xf32>
      tpu.vector_store %arg5[%swap3A_100, %swap3A_101], %swap3A_104 {strides = array<i32>} : memref<128x128xf32, #tpu.memory_space<vmem>>, vector<1x16xf32>,
      %add3A_105 = arith.constant 0 : i32
      %add3A_106 = arith.addi %scan3A_58, %add3A_105 : i32
      %swap3A_107 = arith.index_cast %add3A_106 : i32 to index
      %swap3A_108 = arith.constant 16 : index
      %swap3A_109 = tpu.vector_load %arg5[%swap3A_107, %swap3A_108] {strides = array<i32>} : memref<128x128xf32, #tpu.memory_space<vmem>>, vector<1x16xf32>,
      %swap3A_110 = vector.shape_cast %swap3A_109 : vector<1x16xf32> to vector<16xf32>
      %swap3A_111 = vector.shape_cast %broadcast_in_dim3A_3 : vector<16xf32> to vector<1x16xf32>
      tpu.vector_store %arg5[%swap3A_107, %swap3A_108], %swap3A_111 {strides = array<i32>} : memref<128x128xf32, #tpu.memory_space<vmem>>, vector<1x16xf32>,
      %add3A_112 = arith.constant 0 : i32
      %add3A_113 = arith.addi %scan3A_58, %add3A_112 : i32
      %swap3A_114 = arith.index_cast %add3A_113 : i32 to index
      %swap3A_115 = arith.constant 32 : index
      %swap3A_116 = tpu.vector_load %arg5[%swap3A_114, %swap3A_115] {strides = array<i32>} : memref<128x128xf32, #tpu.memory_space<vmem>>, vector<1x16xf32>,
      %swap3A_117 = vector.shape_cast %swap3A_116 : vector<1x16xf32> to vector<16xf32>
      %swap3A_118 = vector.shape_cast %broadcast_in_dim3A_3 : vector<16xf32> to vector<1x16xf32>
      tpu.vector_store %arg5[%swap3A_114, %swap3A_115], %swap3A_118 {strides = array<i32>} : memref<128x128xf32, #tpu.memory_space<vmem>>, vector<1x16xf32>,
      %add3A_119 = arith.constant 0 : i32
      %add3A_120 = arith.addi %scan3A_58, %add3A_119 : i32
      %swap3A_121 = arith.index_cast %add3A_120 : i32 to index
      %swap3A_122 = arith.constant 48 : index
      %swap3A_123 = tpu.vector_load %arg5[%swap3A_121, %swap3A_122] {strides = array<i32>} : memref<128x128xf32, #tpu.memory_space<vmem>>, vector<1x16xf32>,
      %swap3A_124 = vector.shape_cast %swap3A_123 : vector<1x16xf32> to vector<16xf32>
      %swap3A_125 = vector.shape_cast %broadcast_in_dim3A_3 : vector<16xf32> to vector<1x16xf32>
      tpu.vector_store %arg5[%swap3A_121, %swap3A_122], %swap3A_125 {strides = array<i32>} : memref<128x128xf32, #tpu.memory_space<vmem>>, vector<1x16xf32>,
      %add3A_126 = arith.constant 0 : i32
      %add3A_127 = arith.addi %scan3A_58, %add3A_126 : i32
      %swap3A_128 = arith.index_cast %add3A_127 : i32 to index
      %swap3A_129 = arith.constant 64 : index
      %swap3A_130 = tpu.vector_load %arg5[%swap3A_128, %swap3A_129] {strides = array<i32>} : memref<128x128xf32, #tpu.memory_space<vmem>>, vector<1x16xf32>,
      %swap3A_131 = vector.shape_cast %swap3A_130 : vector<1x16xf32> to vector<16xf32>
      %swap3A_132 = vector.shape_cast %broadcast_in_dim3A_3 : vector<16xf32> to vector<1x16xf32>
      tpu.vector_store %arg5[%swap3A_128, %swap3A_129], %swap3A_132 {strides = array<i32>} : memref<128x128xf32, #tpu.memory_space<vmem>>, vector<1x16xf32>,
      %add3A_133 = arith.constant 0 : i32
      %add3A_134 = arith.addi %scan3A_58, %add3A_133 : i32
      %swap3A_135 = arith.index_cast %add3A_134 : i32 to index
      %swap3A_136 = arith.constant 80 : index
      %swap3A_137 = tpu.vector_load %arg5[%swap3A_135, %swap3A_136] {strides = array<i32>} : memref<128x128xf32, #tpu.memory_space<vmem>>, vector<1x16xf32>,
      %swap3A_138 = vector.shape_cast %swap3A_137 : vector<1x16xf32> to vector<16xf32>
      %swap3A_139 = vector.shape_cast %broadcast_in_dim3A_3 : vector<16xf32> to vector<1x16xf32>
      tpu.vector_store %arg5[%swap3A_135, %swap3A_136], %swap3A_139 {strides = array<i32>} : memref<128x128xf32, #tpu.memory_space<vmem>>, vector<1x16xf32>,
      %add3A_140 = arith.constant 0 : i32
      %add3A_141 = arith.addi %scan3A_58, %add3A_140 : i32
      %swap3A_142 = arith.index_cast %add3A_141 : i32 to index
      %swap3A_143 = arith.constant 96 : index
      %swap3A_144 = tpu.vector_load %arg5[%swap3A_142, %swap3A_143] {strides = array<i32>} : memref<128x128xf32, #tpu.memory_space<vmem>>, vector<1x16xf32>,
      %swap3A_145 = vector.shape_cast %swap3A_144 : vector<1x16xf32> to vector<16xf32>
      %swap3A_146 = vector.shape_cast %broadcast_in_dim3A_3 : vector<16xf32> to vector<1x16xf32>
      tpu.vector_store %arg5[%swap3A_142, %swap3A_143], %swap3A_146 {strides = array<i32>} : memref<128x128xf32, #tpu.memory_space<vmem>>, vector<1x16xf32>,
      %add3A_147 = arith.constant 0 : i32
      %add3A_148 = arith.addi %scan3A_58, %add3A_147 : i32
      %swap3A_149 = arith.index_cast %add3A_148 : i32 to index
      %swap3A_150 = arith.constant 112 : index
      %swap3A_151 = tpu.vector_load %arg5[%swap3A_149, %swap3A_150] {strides = array<i32>} : memref<128x128xf32, #tpu.memory_space<vmem>>, vector<1x16xf32>,
      %swap3A_152 = vector.shape_cast %swap3A_151 : vector<1x16xf32> to vector<16xf32>
      %swap3A_153 = vector.shape_cast %broadcast_in_dim3A_3 : vector<16xf32> to vector<1x16xf32>
      tpu.vector_store %arg5[%swap3A_149, %swap3A_150], %swap3A_153 {strides = array<i32>} : memref<128x128xf32, #tpu.memory_space<vmem>>, vector<1x16xf32>,
      %add3A_154 = arith.constant 32 : i32
      %add3A_155 = arith.addi %scan3A_58, %add3A_154 : i32
      %swap3A_156 = arith.index_cast %add3A_155 : i32 to index
      %swap3A_157 = arith.constant 0 : index
      %swap3A_158 = tpu.vector_load %arg5[%swap3A_156, %swap3A_157] {strides = array<i32>} : memref<128x128xf32, #tpu.memory_space<vmem>>, vector<1x16xf32>,
      %swap3A_159 = vector.shape_cast %swap3A_158 : vector<1x16xf32> to vector<16xf32>
      %swap3A_160 = vector.shape_cast %broadcast_in_dim3A_3 : vector<16xf32> to vector<1x16xf32>
      tpu.vector_store %arg5[%swap3A_156, %swap3A_157], %swap3A_160 {strides = array<i32>} : memref<128x128xf32, #tpu.memory_space<vmem>>, vector<1x16xf32>,
      %add3A_161 = arith.constant 32 : i32
      %add3A_162 = arith.addi %scan3A_58, %add3A_161 : i32
      %swap3A_163 = arith.index_cast %add3A_162 : i32 to index
      %swap3A_164 = arith.constant 16 : index
      %swap3A_165 = tpu.vector_load %arg5[%swap3A_163, %swap3A_164] {strides = array<i32>} : memref<128x128xf32, #tpu.memory_space<vmem>>, vector<1x16xf32>,
      %swap3A_166 = vector.shape_cast %swap3A_165 : vector<1x16xf32> to vector<16xf32>
      %swap3A_167 = vector.shape_cast %broadcast_in_dim3A_3 : vector<16xf32> to vector<1x16xf32>
      tpu.vector_store %arg5[%swap3A_163, %swap3A_164], %swap3A_167 {strides = array<i32>} : memref<128x128xf32, #tpu.memory_space<vmem>>, vector<1x16xf32>,
      %add3A_168 = arith.constant 32 : i32
      %add3A_169 = arith.addi %scan3A_58, %add3A_168 : i32
      %swap3A_170 = arith.index_cast %add3A_169 : i32 to index
      %swap3A_171 = arith.constant 32 : index
      %swap3A_172 = tpu.vector_load %arg5[%swap3A_170, %swap3A_171] {strides = array<i32>} : memref<128x128xf32, #tpu.memory_space<vmem>>, vector<1x16xf32>,
      %swap3A_173 = vector.shape_cast %swap3A_172 : vector<1x16xf32> to vector<16xf32>
      %swap3A_174 = vector.shape_cast %broadcast_in_dim3A_3 : vector<16xf32> to vector<1x16xf32>
      tpu.vector_store %arg5[%swap3A_170, %swap3A_171], %swap3A_174 {strides = array<i32>} : memref<128x128xf32, #tpu.memory_space<vmem>>, vector<1x16xf32>,
      %add3A_175 = arith.constant 32 : i32
      %add3A_176 = arith.addi %scan3A_58, %add3A_175 : i32
      %swap3A_177 = arith.index_cast %add3A_176 : i32 to index
      %swap3A_178 = arith.constant 48 : index
      %swap3A_179 = tpu.vector_load %arg5[%swap3A_177, %swap3A_178] {strides = array<i32>} : memref<128x128xf32, #tpu.memory_space<vmem>>, vector<1x16xf32>,
      %swap3A_180 = vector.shape_cast %swap3A_179 : vector<1x16xf32> to vector<16xf32>
      %swap3A_181 = vector.shape_cast %broadcast_in_dim3A_3 : vector<16xf32> to vector<1x16xf32>
      tpu.vector_store %arg5[%swap3A_177, %swap3A_178], %swap3A_181 {strides = array<i32>} : memref<128x128xf32, #tpu.memory_space<vmem>>, vector<1x16xf32>,
      %add3A_182 = arith.constant 32 : i32
      %add3A_183 = arith.addi %scan3A_58, %add3A_182 : i32
      %swap3A_184 = arith.index_cast %add3A_183 : i32 to index
      %swap3A_185 = arith.constant 64 : index
      %swap3A_186 = tpu.vector_load %arg5[%swap3A_184, %swap3A_185] {strides = array<i32>} : memref<128x128xf32, #tpu.memory_space<vmem>>, vector<1x16xf32>,
      %swap3A_187 = vector.shape_cast %swap3A_186 : vector<1x16xf32> to vector<16xf32>
      %swap3A_188 = vector.shape_cast %broadcast_in_dim3A_3 : vector<16xf32> to vector<1x16xf32>
      tpu.vector_store %arg5[%swap3A_184, %swap3A_185], %swap3A_188 {strides = array<i32>} : memref<128x128xf32, #tpu.memory_space<vmem>>, vector<1x16xf32>,
      %add3A_189 = arith.constant 32 : i32
      %add3A_190 = arith.addi %scan3A_58, %add3A_189 : i32
      %swap3A_191 = arith.index_cast %add3A_190 : i32 to index
      %swap3A_192 = arith.constant 80 : index
      %swap3A_193 = tpu.vector_load %arg5[%swap3A_191, %swap3A_192] {strides = array<i32>} : memref<128x128xf32, #tpu.memory_space<vmem>>, vector<1x16xf32>,
      %swap3A_194 = vector.shape_cast %swap3A_193 : vector<1x16xf32> to vector<16xf32>
      %swap3A_195 = vector.shape_cast %broadcast_in_dim3A_3 : vector<16xf32> to vector<1x16xf32>
      tpu.vector_store %arg5[%swap3A_191, %swap3A_192], %swap3A_195 {strides = array<i32>} : memref<128x128xf32, #tpu.memory_space<vmem>>, vector<1x16xf32>,
      %add3A_196 = arith.constant 32 : i32
      %add3A_197 = arith.addi %scan3A_58, %add3A_196 : i32
      %swap3A_198 = arith.index_cast %add3A_197 : i32 to index
      %swap3A_199 = arith.constant 96 : index
      %swap3A_200 = tpu.vector_load %arg5[%swap3A_198, %swap3A_199] {strides = array<i32>} : memref<128x128xf32, #tpu.memory_space<vmem>>, vector<1x16xf32>,
      %swap3A_201 = vector.shape_cast %swap3A_200 : vector<1x16xf32> to vector<16xf32>
      %swap3A_202 = vector.shape_cast %broadcast_in_dim3A_3 : vector<16xf32> to vector<1x16xf32>
      tpu.vector_store %arg5[%swap3A_198, %swap3A_199], %swap3A_202 {strides = array<i32>} : memref<128x128xf32, #tpu.memory_space<vmem>>, vector<1x16xf32>,
      %add3A_203 = arith.constant 32 : i32
      %add3A_204 = arith.addi %scan3A_58, %add3A_203 : i32
      %swap3A_205 = arith.index_cast %add3A_204 : i32 to index
      %swap3A_206 = arith.constant 112 : index
      %swap3A_207 = tpu.vector_load %arg5[%swap3A_205, %swap3A_206] {strides = array<i32>} : memref<128x128xf32, #tpu.memory_space<vmem>>, vector<1x16xf32>,
      %swap3A_208 = vector.shape_cast %swap3A_207 : vector<1x16xf32> to vector<16xf32>
      %swap3A_209 = vector.shape_cast %broadcast_in_dim3A_3 : vector<16xf32> to vector<1x16xf32>
      tpu.vector_store %arg5[%swap3A_205, %swap3A_206], %swap3A_209 {strides = array<i32>} : memref<128x128xf32, #tpu.memory_space<vmem>>, vector<1x16xf32>,
      %add3A_210 = arith.constant 64 : i32
      %add3A_211 = arith.addi %scan3A_58, %add3A_210 : i32
      %swap3A_212 = arith.index_cast %add3A_211 : i32 to index
      %swap3A_213 = arith.constant 0 : index
      %swap3A_214 = tpu.vector_load %arg5[%swap3A_212, %swap3A_213] {strides = array<i32>} : memref<128x128xf32, #tpu.memory_space<vmem>>, vector<1x16xf32>,
      %swap3A_215 = vector.shape_cast %swap3A_214 : vector<1x16xf32> to vector<16xf32>
      %swap3A_216 = vector.shape_cast %broadcast_in_dim3A_3 : vector<16xf32> to vector<1x16xf32>
      tpu.vector_store %arg5[%swap3A_212, %swap3A_213], %swap3A_216 {strides = array<i32>} : memref<128x128xf32, #tpu.memory_space<vmem>>, vector<1x16xf32>,
      %add3A_217 = arith.constant 64 : i32
      %add3A_218 = arith.addi %scan3A_58, %add3A_217 : i32
      %swap3A_219 = arith.index_cast %add3A_218 : i32 to index
      %swap3A_220 = arith.constant 16 : index
      %swap3A_221 = tpu.vector_load %arg5[%swap3A_219, %swap3A_220] {strides = array<i32>} : memref<128x128xf32, #tpu.memory_space<vmem>>, vector<1x16xf32>,
      %swap3A_222 = vector.shape_cast %swap3A_221 : vector<1x16xf32> to vector<16xf32>
      %swap3A_223 = vector.shape_cast %broadcast_in_dim3A_3 : vector<16xf32> to vector<1x16xf32>
      tpu.vector_store %arg5[%swap3A_219, %swap3A_220], %swap3A_223 {strides = array<i32>} : memref<128x128xf32, #tpu.memory_space<vmem>>, vector<1x16xf32>,
      %add3A_224 = arith.constant 64 : i32
      %add3A_225 = arith.addi %scan3A_58, %add3A_224 : i32
      %swap3A_226 = arith.index_cast %add3A_225 : i32 to index
      %swap3A_227 = arith.constant 32 : index
      %swap3A_228 = tpu.vector_load %arg5[%swap3A_226, %swap3A_227] {strides = array<i32>} : memref<128x128xf32, #tpu.memory_space<vmem>>, vector<1x16xf32>,
      %swap3A_229 = vector.shape_cast %swap3A_228 : vector<1x16xf32> to vector<16xf32>
      %swap3A_230 = vector.shape_cast %broadcast_in_dim3A_3 : vector<16xf32> to vector<1x16xf32>
      tpu.vector_store %arg5[%swap3A_226, %swap3A_227], %swap3A_230 {strides = array<i32>} : memref<128x128xf32, #tpu.memory_space<vmem>>, vector<1x16xf32>,
      %add3A_231 = arith.constant 64 : i32
      %add3A_232 = arith.addi %scan3A_58, %add3A_231 : i32
      %swap3A_233 = arith.index_cast %add3A_232 : i32 to index
      %swap3A_234 = arith.constant 48 : index
      %swap3A_235 = tpu.vector_load %arg5[%swap3A_233, %swap3A_234] {strides = array<i32>} : memref<128x128xf32, #tpu.memory_space<vmem>>, vector<1x16xf32>,
      %swap3A_236 = vector.shape_cast %swap3A_235 : vector<1x16xf32> to vector<16xf32>
      %swap3A_237 = vector.shape_cast %broadcast_in_dim3A_3 : vector<16xf32> to vector<1x16xf32>
      tpu.vector_store %arg5[%swap3A_233, %swap3A_234], %swap3A_237 {strides = array<i32>} : memref<128x128xf32, #tpu.memory_space<vmem>>, vector<1x16xf32>,
      %add3A_238 = arith.constant 64 : i32
      %add3A_239 = arith.addi %scan3A_58, %add3A_238 : i32
      %swap3A_240 = arith.index_cast %add3A_239 : i32 to index
      %swap3A_241 = arith.constant 64 : index
      %swap3A_242 = tpu.vector_load %arg5[%swap3A_240, %swap3A_241] {strides = array<i32>} : memref<128x128xf32, #tpu.memory_space<vmem>>, vector<1x16xf32>,
      %swap3A_243 = vector.shape_cast %swap3A_242 : vector<1x16xf32> to vector<16xf32>
      %swap3A_244 = vector.shape_cast %broadcast_in_dim3A_3 : vector<16xf32> to vector<1x16xf32>
      tpu.vector_store %arg5[%swap3A_240, %swap3A_241], %swap3A_244 {strides = array<i32>} : memref<128x128xf32, #tpu.memory_space<vmem>>, vector<1x16xf32>,
      %add3A_245 = arith.constant 64 : i32
      %add3A_246 = arith.addi %scan3A_58, %add3A_245 : i32
      %swap3A_247 = arith.index_cast %add3A_246 : i32 to index
      %swap3A_248 = arith.constant 80 : index
      %swap3A_249 = tpu.vector_load %arg5[%swap3A_247, %swap3A_248] {strides = array<i32>} : memref<128x128xf32, #tpu.memory_space<vmem>>, vector<1x16xf32>,
      %swap3A_250 = vector.shape_cast %swap3A_249 : vector<1x16xf32> to vector<16xf32>
      %swap3A_251 = vector.shape_cast %broadcast_in_dim3A_3 : vector<16xf32> to vector<1x16xf32>
      tpu.vector_store %arg5[%swap3A_247, %swap3A_248], %swap3A_251 {strides = array<i32>} : memref<128x128xf32, #tpu.memory_space<vmem>>, vector<1x16xf32>,
      %add3A_252 = arith.constant 64 : i32
      %add3A_253 = arith.addi %scan3A_58, %add3A_252 : i32
      %swap3A_254 = arith.index_cast %add3A_253 : i32 to index
      %swap3A_255 = arith.constant 96 : index
      %swap3A_256 = tpu.vector_load %arg5[%swap3A_254, %swap3A_255] {strides = array<i32>} : memref<128x128xf32, #tpu.memory_space<vmem>>, vector<1x16xf32>,
      %swap3A_257 = vector.shape_cast %swap3A_256 : vector<1x16xf32> to vector<16xf32>
      %swap3A_258 = vector.shape_cast %broadcast_in_dim3A_3 : vector<16xf32> to vector<1x16xf32>
      tpu.vector_store %arg5[%swap3A_254, %swap3A_255], %swap3A_258 {strides = array<i32>} : memref<128x128xf32, #tpu.memory_space<vmem>>, vector<1x16xf32>,
      %add3A_259 = arith.constant 64 : i32
      %add3A_260 = arith.addi %scan3A_58, %add3A_259 : i32
      %swap3A_261 = arith.index_cast %add3A_260 : i32 to index
      %swap3A_262 = arith.constant 112 : index
      %swap3A_263 = tpu.vector_load %arg5[%swap3A_261, %swap3A_262] {strides = array<i32>} : memref<128x128xf32, #tpu.memory_space<vmem>>, vector<1x16xf32>,
      %swap3A_264 = vector.shape_cast %swap3A_263 : vector<1x16xf32> to vector<16xf32>
      %swap3A_265 = vector.shape_cast %broadcast_in_dim3A_3 : vector<16xf32> to vector<1x16xf32>
      tpu.vector_store %arg5[%swap3A_261, %swap3A_262], %swap3A_265 {strides = array<i32>} : memref<128x128xf32, #tpu.memory_space<vmem>>, vector<1x16xf32>,
      %add3A_266 = arith.constant 96 : i32
      %add3A_267 = arith.addi %scan3A_58, %add3A_266 : i32
      %swap3A_268 = arith.index_cast %add3A_267 : i32 to index
      %swap3A_269 = arith.constant 0 : index
      %swap3A_270 = tpu.vector_load %arg5[%swap3A_268, %swap3A_269] {strides = array<i32>} : memref<128x128xf32, #tpu.memory_space<vmem>>, vector<1x16xf32>,
      %swap3A_271 = vector.shape_cast %swap3A_270 : vector<1x16xf32> to vector<16xf32>
      %swap3A_272 = vector.shape_cast %broadcast_in_dim3A_3 : vector<16xf32> to vector<1x16xf32>
      tpu.vector_store %arg5[%swap3A_268, %swap3A_269], %swap3A_272 {strides = array<i32>} : memref<128x128xf32, #tpu.memory_space<vmem>>, vector<1x16xf32>,
      %add3A_273 = arith.constant 96 : i32
      %add3A_274 = arith.addi %scan3A_58, %add3A_273 : i32
      %swap3A_275 = arith.index_cast %add3A_274 : i32 to index
      %swap3A_276 = arith.constant 16 : index
      %swap3A_277 = tpu.vector_load %arg5[%swap3A_275, %swap3A_276] {strides = array<i32>} : memref<128x128xf32, #tpu.memory_space<vmem>>, vector<1x16xf32>,
      %swap3A_278 = vector.shape_cast %swap3A_277 : vector<1x16xf32> to vector<16xf32>
      %swap3A_279 = vector.shape_cast %broadcast_in_dim3A_3 : vector<16xf32> to vector<1x16xf32>
      tpu.vector_store %arg5[%swap3A_275, %swap3A_276], %swap3A_279 {strides = array<i32>} : memref<128x128xf32, #tpu.memory_space<vmem>>, vector<1x16xf32>,
      %add3A_280 = arith.constant 96 : i32
      %add3A_281 = arith.addi %scan3A_58, %add3A_280 : i32
      %swap3A_282 = arith.index_cast %add3A_281 : i32 to index
      %swap3A_283 = arith.constant 32 : index
      %swap3A_284 = tpu.vector_load %arg5[%swap3A_282, %swap3A_283] {strides = array<i32>} : memref<128x128xf32, #tpu.memory_space<vmem>>, vector<1x16xf32>,
      %swap3A_285 = vector.shape_cast %swap3A_284 : vector<1x16xf32> to vector<16xf32>
      %swap3A_286 = vector.shape_cast %broadcast_in_dim3A_3 : vector<16xf32> to vector<1x16xf32>
      tpu.vector_store %arg5[%swap3A_282, %swap3A_283], %swap3A_286 {strides = array<i32>} : memref<128x128xf32, #tpu.memory_space<vmem>>, vector<1x16xf32>,
      %add3A_287 = arith.constant 96 : i32
      %add3A_288 = arith.addi %scan3A_58, %add3A_287 : i32
      %swap3A_289 = arith.index_cast %add3A_288 : i32 to index
      %swap3A_290 = arith.constant 48 : index
      %swap3A_291 = tpu.vector_load %arg5[%swap3A_289, %swap3A_290] {strides = array<i32>} : memref<128x128xf32, #tpu.memory_space<vmem>>, vector<1x16xf32>,
      %swap3A_292 = vector.shape_cast %swap3A_291 : vector<1x16xf32> to vector<16xf32>
      %swap3A_293 = vector.shape_cast %broadcast_in_dim3A_3 : vector<16xf32> to vector<1x16xf32>
      tpu.vector_store %arg5[%swap3A_289, %swap3A_290], %swap3A_293 {strides = array<i32>} : memref<128x128xf32, #tpu.memory_space<vmem>>, vector<1x16xf32>,
      %add3A_294 = arith.constant 96 : i32
      %add3A_295 = arith.addi %scan3A_58, %add3A_294 : i32
      %swap3A_296 = arith.index_cast %add3A_295 : i32 to index
      %swap3A_297 = arith.constant 64 : index
      %swap3A_298 = tpu.vector_load %arg5[%swap3A_296, %swap3A_297] {strides = array<i32>} : memref<128x128xf32, #tpu.memory_space<vmem>>, vector<1x16xf32>,
      %swap3A_299 = vector.shape_cast %swap3A_298 : vector<1x16xf32> to vector<16xf32>
      %swap3A_300 = vector.shape_cast %broadcast_in_dim3A_3 : vector<16xf32> to vector<1x16xf32>
      tpu.vector_store %arg5[%swap3A_296, %swap3A_297], %swap3A_300 {strides = array<i32>} : memref<128x128xf32, #tpu.memory_space<vmem>>, vector<1x16xf32>,
      %add3A_301 = arith.constant 96 : i32
      %add3A_302 = arith.addi %scan3A_58, %add3A_301 : i32
      %swap3A_303 = arith.index_cast %add3A_302 : i32 to index
      %swap3A_304 = arith.constant 80 : index
      %swap3A_305 = tpu.vector_load %arg5[%swap3A_303, %swap3A_304] {strides = array<i32>} : memref<128x128xf32, #tpu.memory_space<vmem>>, vector<1x16xf32>,
      %swap3A_306 = vector.shape_cast %swap3A_305 : vector<1x16xf32> to vector<16xf32>
      %swap3A_307 = vector.shape_cast %broadcast_in_dim3A_3 : vector<16xf32> to vector<1x16xf32>
      tpu.vector_store %arg5[%swap3A_303, %swap3A_304], %swap3A_307 {strides = array<i32>} : memref<128x128xf32, #tpu.memory_space<vmem>>, vector<1x16xf32>,
      %add3A_308 = arith.constant 96 : i32
      %add3A_309 = arith.addi %scan3A_58, %add3A_308 : i32
      %swap3A_310 = arith.index_cast %add3A_309 : i32 to index
      %swap3A_311 = arith.constant 96 : index
      %swap3A_312 = tpu.vector_load %arg5[%swap3A_310, %swap3A_311] {strides = array<i32>} : memref<128x128xf32, #tpu.memory_space<vmem>>, vector<1x16xf32>,
      %swap3A_313 = vector.shape_cast %swap3A_312 : vector<1x16xf32> to vector<16xf32>
      %swap3A_314 = vector.shape_cast %broadcast_in_dim3A_3 : vector<16xf32> to vector<1x16xf32>
      tpu.vector_store %arg5[%swap3A_310, %swap3A_311], %swap3A_314 {strides = array<i32>} : memref<128x128xf32, #tpu.memory_space<vmem>>, vector<1x16xf32>,
      %add3A_315 = arith.constant 96 : i32
      %add3A_316 = arith.addi %scan3A_58, %add3A_315 : i32
      %swap3A_317 = arith.index_cast %add3A_316 : i32 to index
      %swap3A_318 = arith.constant 112 : index
      %swap3A_319 = tpu.vector_load %arg5[%swap3A_317, %swap3A_318] {strides = array<i32>} : memref<128x128xf32, #tpu.memory_space<vmem>>, vector<1x16xf32>,
      %swap3A_320 = vector.shape_cast %swap3A_319 : vector<1x16xf32> to vector<16xf32>
      %swap3A_321 = vector.shape_cast %broadcast_in_dim3A_3 : vector<16xf32> to vector<1x16xf32>
      tpu.vector_store %arg5[%swap3A_317, %swap3A_318], %swap3A_321 {strides = array<i32>} : memref<128x128xf32, #tpu.memory_space<vmem>>, vector<1x16xf32>,
    }
    %scan3A_8 = arith.constant 32 : i32
    %mul3A_9 = arith.constant 640 : i32
    %mul3A_10 = arith.muli %arg1, %mul3A_9 : i32
    %add3A_11 = arith.constant 0 : i32
    %add3A_12 = arith.addi %mul3A_10, %add3A_11 : i32
    "tpu.region"() ({
      %run_scoped3A = tpu.sem_alloc : memref<!tpu.dma_semaphore, #tpu.memory_space<semaphore_mem>>
      %dma_start3A = arith.constant 0 : i32
      %dma_start3A_58 = tpu.memref_slice %arg7[%add3A_12, %dma_start3A] : memref<10240x128xf32, #tpu.memory_space<vmem_shared>> -> memref<32x128xf32, #tpu.memory_space<vmem_shared>>
      %dma_start3A_59 = arith.constant 0 : i32
      %dma_start3A_60 = tpu.memref_slice %arg7[%add3A_12, %dma_start3A_59] : memref<10240x128xf32, #tpu.memory_space<vmem_shared>> -> memref<32x128xf32, #tpu.memory_space<vmem_shared>>
      tpu.enqueue_dma source(%arg6 : memref<32x128xf32, #tpu.memory_space<vmem>>) target(%dma_start3A_60 : memref<32x128xf32, #tpu.memory_space<vmem_shared>>) target_semaphore(%run_scoped3A : memref<!tpu.dma_semaphore, #tpu.memory_space<semaphore_mem>>)
      %dma_wait3A = arith.constant 0 : i32
      %dma_wait3A_61 = tpu.memref_slice %arg7[%add3A_12, %dma_wait3A] : memref<10240x128xf32, #tpu.memory_space<vmem_shared>> -> memref<32x128xf32, #tpu.memory_space<vmem_shared>>
      %dma_wait3A_62 = arith.constant 0 : i32
      %dma_wait3A_63 = tpu.memref_slice %arg7[%add3A_12, %dma_wait3A_62] : memref<10240x128xf32, #tpu.memory_space<vmem_shared>> -> memref<32x128xf32, #tpu.memory_space<vmem_shared>>
      tpu.wait_dma2 semaphore(%run_scoped3A : memref<!tpu.dma_semaphore, #tpu.memory_space<semaphore_mem>>) src(%arg6 : memref<32x128xf32, #tpu.memory_space<vmem>>) dst(%dma_wait3A_63 : memref<32x128xf32, #tpu.memory_space<vmem_shared>>)
      tpu.yield
    }) : () -> ()
    %add3A_13 = arith.constant 32 : i32
    %add3A_14 = arith.addi %mul3A_10, %add3A_13 : i32
    "tpu.region"() ({
      %run_scoped3A = tpu.sem_alloc : memref<!tpu.dma_semaphore, #tpu.memory_space<semaphore_mem>>
      %dma_start3A = arith.constant 0 : i32
      %dma_start3A_58 = tpu.memref_slice %arg7[%add3A_14, %dma_start3A] : memref<10240x128xf32, #tpu.memory_space<vmem_shared>> -> memref<32x128xf32, #tpu.memory_space<vmem_shared>>
      %dma_start3A_59 = arith.constant 0 : i32
      %dma_start3A_60 = tpu.memref_slice %arg7[%add3A_14, %dma_start3A_59] : memref<10240x128xf32, #tpu.memory_space<vmem_shared>> -> memref<32x128xf32, #tpu.memory_space<vmem_shared>>
      tpu.enqueue_dma source(%arg6 : memref<32x128xf32, #tpu.memory_space<vmem>>) target(%dma_start3A_60 : memref<32x128xf32, #tpu.memory_space<vmem_shared>>) target_semaphore(%run_scoped3A : memref<!tpu.dma_semaphore, #tpu.memory_space<semaphore_mem>>)
      %dma_wait3A = arith.constant 0 : i32
      %dma_wait3A_61 = tpu.memref_slice %arg7[%add3A_14, %dma_wait3A] : memref<10240x128xf32, #tpu.memory_space<vmem_shared>> -> memref<32x128xf32, #tpu.memory_space<vmem_shared>>
      %dma_wait3A_62 = arith.constant 0 : i32
      %dma_wait3A_63 = tpu.memref_slice %arg7[%add3A_14, %dma_wait3A_62] : memref<10240x128xf32, #tpu.memory_space<vmem_shared>> -> memref<32x128xf32, #tpu.memory_space<vmem_shared>>
      tpu.wait_dma2 semaphore(%run_scoped3A : memref<!tpu.dma_semaphore, #tpu.memory_space<semaphore_mem>>) src(%arg6 : memref<32x128xf32, #tpu.memory_space<vmem>>) dst(%dma_wait3A_63 : memref<32x128xf32, #tpu.memory_space<vmem_shared>>)
      tpu.yield
    }) : () -> ()
    %add3A_15 = arith.constant 64 : i32
    %add3A_16 = arith.addi %mul3A_10, %add3A_15 : i32
    "tpu.region"() ({
      %run_scoped3A = tpu.sem_alloc : memref<!tpu.dma_semaphore, #tpu.memory_space<semaphore_mem>>
      %dma_start3A = arith.constant 0 : i32
      %dma_start3A_58 = tpu.memref_slice %arg7[%add3A_16, %dma_start3A] : memref<10240x128xf32, #tpu.memory_space<vmem_shared>> -> memref<32x128xf32, #tpu.memory_space<vmem_shared>>
      %dma_start3A_59 = arith.constant 0 : i32
      %dma_start3A_60 = tpu.memref_slice %arg7[%add3A_16, %dma_start3A_59] : memref<10240x128xf32, #tpu.memory_space<vmem_shared>> -> memref<32x128xf32, #tpu.memory_space<vmem_shared>>
      tpu.enqueue_dma source(%arg6 : memref<32x128xf32, #tpu.memory_space<vmem>>) target(%dma_start3A_60 : memref<32x128xf32, #tpu.memory_space<vmem_shared>>) target_semaphore(%run_scoped3A : memref<!tpu.dma_semaphore, #tpu.memory_space<semaphore_mem>>)
      %dma_wait3A = arith.constant 0 : i32
      %dma_wait3A_61 = tpu.memref_slice %arg7[%add3A_16, %dma_wait3A] : memref<10240x128xf32, #tpu.memory_space<vmem_shared>> -> memref<32x128xf32, #tpu.memory_space<vmem_shared>>
      %dma_wait3A_62 = arith.constant 0 : i32
      %dma_wait3A_63 = tpu.memref_slice %arg7[%add3A_16, %dma_wait3A_62] : memref<10240x128xf32, #tpu.memory_space<vmem_shared>> -> memref<32x128xf32, #tpu.memory_space<vmem_shared>>
      tpu.wait_dma2 semaphore(%run_scoped3A : memref<!tpu.dma_semaphore, #tpu.memory_space<semaphore_mem>>) src(%arg6 : memref<32x128xf32, #tpu.memory_space<vmem>>) dst(%dma_wait3A_63 : memref<32x128xf32, #tpu.memory_space<vmem_shared>>)
      tpu.yield
    }) : () -> ()
    %add3A_17 = arith.constant 96 : i32
    %add3A_18 = arith.addi %mul3A_10, %add3A_17 : i32
    "tpu.region"() ({
      %run_scoped3A = tpu.sem_alloc : memref<!tpu.dma_semaphore, #tpu.memory_space<semaphore_mem>>
      %dma_start3A = arith.constant 0 : i32
      %dma_start3A_58 = tpu.memref_slice %arg7[%add3A_18, %dma_start3A] : memref<10240x128xf32, #tpu.memory_space<vmem_shared>> -> memref<32x128xf32, #tpu.memory_space<vmem_shared>>
      %dma_start3A_59 = arith.constant 0 : i32
      %dma_start3A_60 = tpu.memref_slice %arg7[%add3A_18, %dma_start3A_59] : memref<10240x128xf32, #tpu.memory_space<vmem_shared>> -> memref<32x128xf32, #tpu.memory_space<vmem_shared>>
      tpu.enqueue_dma source(%arg6 : memref<32x128xf32, #tpu.memory_space<vmem>>) target(%dma_start3A_60 : memref<32x128xf32, #tpu.memory_space<vmem_shared>>) target_semaphore(%run_scoped3A : memref<!tpu.dma_semaphore, #tpu.memory_space<semaphore_mem>>)
      %dma_wait3A = arith.constant 0 : i32
      %dma_wait3A_61 = tpu.memref_slice %arg7[%add3A_18, %dma_wait3A] : memref<10240x128xf32, #tpu.memory_space<vmem_shared>> -> memref<32x128xf32, #tpu.memory_space<vmem_shared>>
      %dma_wait3A_62 = arith.constant 0 : i32
      %dma_wait3A_63 = tpu.memref_slice %arg7[%add3A_18, %dma_wait3A_62] : memref<10240x128xf32, #tpu.memory_space<vmem_shared>> -> memref<32x128xf32, #tpu.memory_space<vmem_shared>>
      tpu.wait_dma2 semaphore(%run_scoped3A : memref<!tpu.dma_semaphore, #tpu.memory_space<semaphore_mem>>) src(%arg6 : memref<32x128xf32, #tpu.memory_space<vmem>>) dst(%dma_wait3A_63 : memref<32x128xf32, #tpu.memory_space<vmem_shared>>)
      tpu.yield
    }) : () -> ()
    %add3A_19 = arith.constant 128 : i32
    %add3A_20 = arith.addi %mul3A_10, %add3A_19 : i32
    "tpu.region"() ({
      %run_scoped3A = tpu.sem_alloc : memref<!tpu.dma_semaphore, #tpu.memory_space<semaphore_mem>>
      %dma_start3A = arith.constant 0 : i32
      %dma_start3A_58 = tpu.memref_slice %arg7[%add3A_20, %dma_start3A] : memref<10240x128xf32, #tpu.memory_space<vmem_shared>> -> memref<32x128xf32, #tpu.memory_space<vmem_shared>>
      %dma_start3A_59 = arith.constant 0 : i32
      %dma_start3A_60 = tpu.memref_slice %arg7[%add3A_20, %dma_start3A_59] : memref<10240x128xf32, #tpu.memory_space<vmem_shared>> -> memref<32x128xf32, #tpu.memory_space<vmem_shared>>
      tpu.enqueue_dma source(%arg6 : memref<32x128xf32, #tpu.memory_space<vmem>>) target(%dma_start3A_60 : memref<32x128xf32, #tpu.memory_space<vmem_shared>>) target_semaphore(%run_scoped3A : memref<!tpu.dma_semaphore, #tpu.memory_space<semaphore_mem>>)
      %dma_wait3A = arith.constant 0 : i32
      %dma_wait3A_61 = tpu.memref_slice %arg7[%add3A_20, %dma_wait3A] : memref<10240x128xf32, #tpu.memory_space<vmem_shared>> -> memref<32x128xf32, #tpu.memory_space<vmem_shared>>
      %dma_wait3A_62 = arith.constant 0 : i32
      %dma_wait3A_63 = tpu.memref_slice %arg7[%add3A_20, %dma_wait3A_62] : memref<10240x128xf32, #tpu.memory_space<vmem_shared>> -> memref<32x128xf32, #tpu.memory_space<vmem_shared>>
      tpu.wait_dma2 semaphore(%run_scoped3A : memref<!tpu.dma_semaphore, #tpu.memory_space<semaphore_mem>>) src(%arg6 : memref<32x128xf32, #tpu.memory_space<vmem>>) dst(%dma_wait3A_63 : memref<32x128xf32, #tpu.memory_space<vmem_shared>>)
      tpu.yield
    }) : () -> ()
    %add3A_21 = arith.constant 160 : i32
    %add3A_22 = arith.addi %mul3A_10, %add3A_21 : i32
    "tpu.region"() ({
      %run_scoped3A = tpu.sem_alloc : memref<!tpu.dma_semaphore, #tpu.memory_space<semaphore_mem>>
      %dma_start3A = arith.constant 0 : i32
      %dma_start3A_58 = tpu.memref_slice %arg7[%add3A_22, %dma_start3A] : memref<10240x128xf32, #tpu.memory_space<vmem_shared>> -> memref<32x128xf32, #tpu.memory_space<vmem_shared>>
      %dma_start3A_59 = arith.constant 0 : i32
      %dma_start3A_60 = tpu.memref_slice %arg7[%add3A_22, %dma_start3A_59] : memref<10240x128xf32, #tpu.memory_space<vmem_shared>> -> memref<32x128xf32, #tpu.memory_space<vmem_shared>>
      tpu.enqueue_dma source(%arg6 : memref<32x128xf32, #tpu.memory_space<vmem>>) target(%dma_start3A_60 : memref<32x128xf32, #tpu.memory_space<vmem_shared>>) target_semaphore(%run_scoped3A : memref<!tpu.dma_semaphore, #tpu.memory_space<semaphore_mem>>)
      %dma_wait3A = arith.constant 0 : i32
      %dma_wait3A_61 = tpu.memref_slice %arg7[%add3A_22, %dma_wait3A] : memref<10240x128xf32, #tpu.memory_space<vmem_shared>> -> memref<32x128xf32, #tpu.memory_space<vmem_shared>>
      %dma_wait3A_62 = arith.constant 0 : i32
      %dma_wait3A_63 = tpu.memref_slice %arg7[%add3A_22, %dma_wait3A_62] : memref<10240x128xf32, #tpu.memory_space<vmem_shared>> -> memref<32x128xf32, #tpu.memory_space<vmem_shared>>
      tpu.wait_dma2 semaphore(%run_scoped3A : memref<!tpu.dma_semaphore, #tpu.memory_space<semaphore_mem>>) src(%arg6 : memref<32x128xf32, #tpu.memory_space<vmem>>) dst(%dma_wait3A_63 : memref<32x128xf32, #tpu.memory_space<vmem_shared>>)
      tpu.yield
    }) : () -> ()
    %add3A_23 = arith.constant 192 : i32
    %add3A_24 = arith.addi %mul3A_10, %add3A_23 : i32
    "tpu.region"() ({
      %run_scoped3A = tpu.sem_alloc : memref<!tpu.dma_semaphore, #tpu.memory_space<semaphore_mem>>
      %dma_start3A = arith.constant 0 : i32
      %dma_start3A_58 = tpu.memref_slice %arg7[%add3A_24, %dma_start3A] : memref<10240x128xf32, #tpu.memory_space<vmem_shared>> -> memref<32x128xf32, #tpu.memory_space<vmem_shared>>
      %dma_start3A_59 = arith.constant 0 : i32
      %dma_start3A_60 = tpu.memref_slice %arg7[%add3A_24, %dma_start3A_59] : memref<10240x128xf32, #tpu.memory_space<vmem_shared>> -> memref<32x128xf32, #tpu.memory_space<vmem_shared>>
      tpu.enqueue_dma source(%arg6 : memref<32x128xf32, #tpu.memory_space<vmem>>) target(%dma_start3A_60 : memref<32x128xf32, #tpu.memory_space<vmem_shared>>) target_semaphore(%run_scoped3A : memref<!tpu.dma_semaphore, #tpu.memory_space<semaphore_mem>>)
      %dma_wait3A = arith.constant 0 : i32
      %dma_wait3A_61 = tpu.memref_slice %arg7[%add3A_24, %dma_wait3A] : memref<10240x128xf32, #tpu.memory_space<vmem_shared>> -> memref<32x128xf32, #tpu.memory_space<vmem_shared>>
      %dma_wait3A_62 = arith.constant 0 : i32
      %dma_wait3A_63 = tpu.memref_slice %arg7[%add3A_24, %dma_wait3A_62] : memref<10240x128xf32, #tpu.memory_space<vmem_shared>> -> memref<32x128xf32, #tpu.memory_space<vmem_shared>>
      tpu.wait_dma2 semaphore(%run_scoped3A : memref<!tpu.dma_semaphore, #tpu.memory_space<semaphore_mem>>) src(%arg6 : memref<32x128xf32, #tpu.memory_space<vmem>>) dst(%dma_wait3A_63 : memref<32x128xf32, #tpu.memory_space<vmem_shared>>)
      tpu.yield
    }) : () -> ()
    %add3A_25 = arith.constant 224 : i32
    %add3A_26 = arith.addi %mul3A_10, %add3A_25 : i32
    "tpu.region"() ({
      %run_scoped3A = tpu.sem_alloc : memref<!tpu.dma_semaphore, #tpu.memory_space<semaphore_mem>>
      %dma_start3A = arith.constant 0 : i32
      %dma_start3A_58 = tpu.memref_slice %arg7[%add3A_26, %dma_start3A] : memref<10240x128xf32, #tpu.memory_space<vmem_shared>> -> memref<32x128xf32, #tpu.memory_space<vmem_shared>>
      %dma_start3A_59 = arith.constant 0 : i32
      %dma_start3A_60 = tpu.memref_slice %arg7[%add3A_26, %dma_start3A_59] : memref<10240x128xf32, #tpu.memory_space<vmem_shared>> -> memref<32x128xf32, #tpu.memory_space<vmem_shared>>
      tpu.enqueue_dma source(%arg6 : memref<32x128xf32, #tpu.memory_space<vmem>>) target(%dma_start3A_60 : memref<32x128xf32, #tpu.memory_space<vmem_shared>>) target_semaphore(%run_scoped3A : memref<!tpu.dma_semaphore, #tpu.memory_space<semaphore_mem>>)
      %dma_wait3A = arith.constant 0 : i32
      %dma_wait3A_61 = tpu.memref_slice %arg7[%add3A_26, %dma_wait3A] : memref<10240x128xf32, #tpu.memory_space<vmem_shared>> -> memref<32x128xf32, #tpu.memory_space<vmem_shared>>
      %dma_wait3A_62 = arith.constant 0 : i32
      %dma_wait3A_63 = tpu.memref_slice %arg7[%add3A_26, %dma_wait3A_62] : memref<10240x128xf32, #tpu.memory_space<vmem_shared>> -> memref<32x128xf32, #tpu.memory_space<vmem_shared>>
      tpu.wait_dma2 semaphore(%run_scoped3A : memref<!tpu.dma_semaphore, #tpu.memory_space<semaphore_mem>>) src(%arg6 : memref<32x128xf32, #tpu.memory_space<vmem>>) dst(%dma_wait3A_63 : memref<32x128xf32, #tpu.memory_space<vmem_shared>>)
      tpu.yield
    }) : () -> ()
    %add3A_27 = arith.constant 256 : i32
    %add3A_28 = arith.addi %mul3A_10, %add3A_27 : i32
    "tpu.region"() ({
      %run_scoped3A = tpu.sem_alloc : memref<!tpu.dma_semaphore, #tpu.memory_space<semaphore_mem>>
      %dma_start3A = arith.constant 0 : i32
      %dma_start3A_58 = tpu.memref_slice %arg7[%add3A_28, %dma_start3A] : memref<10240x128xf32, #tpu.memory_space<vmem_shared>> -> memref<32x128xf32, #tpu.memory_space<vmem_shared>>
      %dma_start3A_59 = arith.constant 0 : i32
      %dma_start3A_60 = tpu.memref_slice %arg7[%add3A_28, %dma_start3A_59] : memref<10240x128xf32, #tpu.memory_space<vmem_shared>> -> memref<32x128xf32, #tpu.memory_space<vmem_shared>>
      tpu.enqueue_dma source(%arg6 : memref<32x128xf32, #tpu.memory_space<vmem>>) target(%dma_start3A_60 : memref<32x128xf32, #tpu.memory_space<vmem_shared>>) target_semaphore(%run_scoped3A : memref<!tpu.dma_semaphore, #tpu.memory_space<semaphore_mem>>)
      %dma_wait3A = arith.constant 0 : i32
      %dma_wait3A_61 = tpu.memref_slice %arg7[%add3A_28, %dma_wait3A] : memref<10240x128xf32, #tpu.memory_space<vmem_shared>> -> memref<32x128xf32, #tpu.memory_space<vmem_shared>>
      %dma_wait3A_62 = arith.constant 0 : i32
      %dma_wait3A_63 = tpu.memref_slice %arg7[%add3A_28, %dma_wait3A_62] : memref<10240x128xf32, #tpu.memory_space<vmem_shared>> -> memref<32x128xf32, #tpu.memory_space<vmem_shared>>
      tpu.wait_dma2 semaphore(%run_scoped3A : memref<!tpu.dma_semaphore, #tpu.memory_space<semaphore_mem>>) src(%arg6 : memref<32x128xf32, #tpu.memory_space<vmem>>) dst(%dma_wait3A_63 : memref<32x128xf32, #tpu.memory_space<vmem_shared>>)
      tpu.yield
    }) : () -> ()
    %add3A_29 = arith.constant 288 : i32
    %add3A_30 = arith.addi %mul3A_10, %add3A_29 : i32
    "tpu.region"() ({
      %run_scoped3A = tpu.sem_alloc : memref<!tpu.dma_semaphore, #tpu.memory_space<semaphore_mem>>
      %dma_start3A = arith.constant 0 : i32
      %dma_start3A_58 = tpu.memref_slice %arg7[%add3A_30, %dma_start3A] : memref<10240x128xf32, #tpu.memory_space<vmem_shared>> -> memref<32x128xf32, #tpu.memory_space<vmem_shared>>
      %dma_start3A_59 = arith.constant 0 : i32
      %dma_start3A_60 = tpu.memref_slice %arg7[%add3A_30, %dma_start3A_59] : memref<10240x128xf32, #tpu.memory_space<vmem_shared>> -> memref<32x128xf32, #tpu.memory_space<vmem_shared>>
      tpu.enqueue_dma source(%arg6 : memref<32x128xf32, #tpu.memory_space<vmem>>) target(%dma_start3A_60 : memref<32x128xf32, #tpu.memory_space<vmem_shared>>) target_semaphore(%run_scoped3A : memref<!tpu.dma_semaphore, #tpu.memory_space<semaphore_mem>>)
      %dma_wait3A = arith.constant 0 : i32
      %dma_wait3A_61 = tpu.memref_slice %arg7[%add3A_30, %dma_wait3A] : memref<10240x128xf32, #tpu.memory_space<vmem_shared>> -> memref<32x128xf32, #tpu.memory_space<vmem_shared>>
      %dma_wait3A_62 = arith.constant 0 : i32
      %dma_wait3A_63 = tpu.memref_slice %arg7[%add3A_30, %dma_wait3A_62] : memref<10240x128xf32, #tpu.memory_space<vmem_shared>> -> memref<32x128xf32, #tpu.memory_space<vmem_shared>>
      tpu.wait_dma2 semaphore(%run_scoped3A : memref<!tpu.dma_semaphore, #tpu.memory_space<semaphore_mem>>) src(%arg6 : memref<32x128xf32, #tpu.memory_space<vmem>>) dst(%dma_wait3A_63 : memref<32x128xf32, #tpu.memory_space<vmem_shared>>)
      tpu.yield
    }) : () -> ()
    %add3A_31 = arith.constant 320 : i32
    %add3A_32 = arith.addi %mul3A_10, %add3A_31 : i32
    "tpu.region"() ({
      %run_scoped3A = tpu.sem_alloc : memref<!tpu.dma_semaphore, #tpu.memory_space<semaphore_mem>>
      %dma_start3A = arith.constant 0 : i32
      %dma_start3A_58 = tpu.memref_slice %arg7[%add3A_32, %dma_start3A] : memref<10240x128xf32, #tpu.memory_space<vmem_shared>> -> memref<32x128xf32, #tpu.memory_space<vmem_shared>>
      %dma_start3A_59 = arith.constant 0 : i32
      %dma_start3A_60 = tpu.memref_slice %arg7[%add3A_32, %dma_start3A_59] : memref<10240x128xf32, #tpu.memory_space<vmem_shared>> -> memref<32x128xf32, #tpu.memory_space<vmem_shared>>
      tpu.enqueue_dma source(%arg6 : memref<32x128xf32, #tpu.memory_space<vmem>>) target(%dma_start3A_60 : memref<32x128xf32, #tpu.memory_space<vmem_shared>>) target_semaphore(%run_scoped3A : memref<!tpu.dma_semaphore, #tpu.memory_space<semaphore_mem>>)
      %dma_wait3A = arith.constant 0 : i32
      %dma_wait3A_61 = tpu.memref_slice %arg7[%add3A_32, %dma_wait3A] : memref<10240x128xf32, #tpu.memory_space<vmem_shared>> -> memref<32x128xf32, #tpu.memory_space<vmem_shared>>
      %dma_wait3A_62 = arith.constant 0 : i32
      %dma_wait3A_63 = tpu.memref_slice %arg7[%add3A_32, %dma_wait3A_62] : memref<10240x128xf32, #tpu.memory_space<vmem_shared>> -> memref<32x128xf32, #tpu.memory_space<vmem_shared>>
      tpu.wait_dma2 semaphore(%run_scoped3A : memref<!tpu.dma_semaphore, #tpu.memory_space<semaphore_mem>>) src(%arg6 : memref<32x128xf32, #tpu.memory_space<vmem>>) dst(%dma_wait3A_63 : memref<32x128xf32, #tpu.memory_space<vmem_shared>>)
      tpu.yield
    }) : () -> ()
    %add3A_33 = arith.constant 352 : i32
    %add3A_34 = arith.addi %mul3A_10, %add3A_33 : i32
    "tpu.region"() ({
      %run_scoped3A = tpu.sem_alloc : memref<!tpu.dma_semaphore, #tpu.memory_space<semaphore_mem>>
      %dma_start3A = arith.constant 0 : i32
      %dma_start3A_58 = tpu.memref_slice %arg7[%add3A_34, %dma_start3A] : memref<10240x128xf32, #tpu.memory_space<vmem_shared>> -> memref<32x128xf32, #tpu.memory_space<vmem_shared>>
      %dma_start3A_59 = arith.constant 0 : i32
      %dma_start3A_60 = tpu.memref_slice %arg7[%add3A_34, %dma_start3A_59] : memref<10240x128xf32, #tpu.memory_space<vmem_shared>> -> memref<32x128xf32, #tpu.memory_space<vmem_shared>>
      tpu.enqueue_dma source(%arg6 : memref<32x128xf32, #tpu.memory_space<vmem>>) target(%dma_start3A_60 : memref<32x128xf32, #tpu.memory_space<vmem_shared>>) target_semaphore(%run_scoped3A : memref<!tpu.dma_semaphore, #tpu.memory_space<semaphore_mem>>)
      %dma_wait3A = arith.constant 0 : i32
      %dma_wait3A_61 = tpu.memref_slice %arg7[%add3A_34, %dma_wait3A] : memref<10240x128xf32, #tpu.memory_space<vmem_shared>> -> memref<32x128xf32, #tpu.memory_space<vmem_shared>>
      %dma_wait3A_62 = arith.constant 0 : i32
      %dma_wait3A_63 = tpu.memref_slice %arg7[%add3A_34, %dma_wait3A_62] : memref<10240x128xf32, #tpu.memory_space<vmem_shared>> -> memref<32x128xf32, #tpu.memory_space<vmem_shared>>
      tpu.wait_dma2 semaphore(%run_scoped3A : memref<!tpu.dma_semaphore, #tpu.memory_space<semaphore_mem>>) src(%arg6 : memref<32x128xf32, #tpu.memory_space<vmem>>) dst(%dma_wait3A_63 : memref<32x128xf32, #tpu.memory_space<vmem_shared>>)
      tpu.yield
    }) : () -> ()
    %add3A_35 = arith.constant 384 : i32
    %add3A_36 = arith.addi %mul3A_10, %add3A_35 : i32
    "tpu.region"() ({
      %run_scoped3A = tpu.sem_alloc : memref<!tpu.dma_semaphore, #tpu.memory_space<semaphore_mem>>
      %dma_start3A = arith.constant 0 : i32
      %dma_start3A_58 = tpu.memref_slice %arg7[%add3A_36, %dma_start3A] : memref<10240x128xf32, #tpu.memory_space<vmem_shared>> -> memref<32x128xf32, #tpu.memory_space<vmem_shared>>
      %dma_start3A_59 = arith.constant 0 : i32
      %dma_start3A_60 = tpu.memref_slice %arg7[%add3A_36, %dma_start3A_59] : memref<10240x128xf32, #tpu.memory_space<vmem_shared>> -> memref<32x128xf32, #tpu.memory_space<vmem_shared>>
      tpu.enqueue_dma source(%arg6 : memref<32x128xf32, #tpu.memory_space<vmem>>) target(%dma_start3A_60 : memref<32x128xf32, #tpu.memory_space<vmem_shared>>) target_semaphore(%run_scoped3A : memref<!tpu.dma_semaphore, #tpu.memory_space<semaphore_mem>>)
      %dma_wait3A = arith.constant 0 : i32
      %dma_wait3A_61 = tpu.memref_slice %arg7[%add3A_36, %dma_wait3A] : memref<10240x128xf32, #tpu.memory_space<vmem_shared>> -> memref<32x128xf32, #tpu.memory_space<vmem_shared>>
      %dma_wait3A_62 = arith.constant 0 : i32
      %dma_wait3A_63 = tpu.memref_slice %arg7[%add3A_36, %dma_wait3A_62] : memref<10240x128xf32, #tpu.memory_space<vmem_shared>> -> memref<32x128xf32, #tpu.memory_space<vmem_shared>>
      tpu.wait_dma2 semaphore(%run_scoped3A : memref<!tpu.dma_semaphore, #tpu.memory_space<semaphore_mem>>) src(%arg6 : memref<32x128xf32, #tpu.memory_space<vmem>>) dst(%dma_wait3A_63 : memref<32x128xf32, #tpu.memory_space<vmem_shared>>)
      tpu.yield
    }) : () -> ()
    %add3A_37 = arith.constant 416 : i32
    %add3A_38 = arith.addi %mul3A_10, %add3A_37 : i32
    "tpu.region"() ({
      %run_scoped3A = tpu.sem_alloc : memref<!tpu.dma_semaphore, #tpu.memory_space<semaphore_mem>>
      %dma_start3A = arith.constant 0 : i32
      %dma_start3A_58 = tpu.memref_slice %arg7[%add3A_38, %dma_start3A] : memref<10240x128xf32, #tpu.memory_space<vmem_shared>> -> memref<32x128xf32, #tpu.memory_space<vmem_shared>>
      %dma_start3A_59 = arith.constant 0 : i32
      %dma_start3A_60 = tpu.memref_slice %arg7[%add3A_38, %dma_start3A_59] : memref<10240x128xf32, #tpu.memory_space<vmem_shared>> -> memref<32x128xf32, #tpu.memory_space<vmem_shared>>
      tpu.enqueue_dma source(%arg6 : memref<32x128xf32, #tpu.memory_space<vmem>>) target(%dma_start3A_60 : memref<32x128xf32, #tpu.memory_space<vmem_shared>>) target_semaphore(%run_scoped3A : memref<!tpu.dma_semaphore, #tpu.memory_space<semaphore_mem>>)
      %dma_wait3A = arith.constant 0 : i32
      %dma_wait3A_61 = tpu.memref_slice %arg7[%add3A_38, %dma_wait3A] : memref<10240x128xf32, #tpu.memory_space<vmem_shared>> -> memref<32x128xf32, #tpu.memory_space<vmem_shared>>
      %dma_wait3A_62 = arith.constant 0 : i32
      %dma_wait3A_63 = tpu.memref_slice %arg7[%add3A_38, %dma_wait3A_62] : memref<10240x128xf32, #tpu.memory_space<vmem_shared>> -> memref<32x128xf32, #tpu.memory_space<vmem_shared>>
      tpu.wait_dma2 semaphore(%run_scoped3A : memref<!tpu.dma_semaphore, #tpu.memory_space<semaphore_mem>>) src(%arg6 : memref<32x128xf32, #tpu.memory_space<vmem>>) dst(%dma_wait3A_63 : memref<32x128xf32, #tpu.memory_space<vmem_shared>>)
      tpu.yield
    }) : () -> ()
    %add3A_39 = arith.constant 448 : i32
    %add3A_40 = arith.addi %mul3A_10, %add3A_39 : i32
    "tpu.region"() ({
      %run_scoped3A = tpu.sem_alloc : memref<!tpu.dma_semaphore, #tpu.memory_space<semaphore_mem>>
      %dma_start3A = arith.constant 0 : i32
      %dma_start3A_58 = tpu.memref_slice %arg7[%add3A_40, %dma_start3A] : memref<10240x128xf32, #tpu.memory_space<vmem_shared>> -> memref<32x128xf32, #tpu.memory_space<vmem_shared>>
      %dma_start3A_59 = arith.constant 0 : i32
      %dma_start3A_60 = tpu.memref_slice %arg7[%add3A_40, %dma_start3A_59] : memref<10240x128xf32, #tpu.memory_space<vmem_shared>> -> memref<32x128xf32, #tpu.memory_space<vmem_shared>>
      tpu.enqueue_dma source(%arg6 : memref<32x128xf32, #tpu.memory_space<vmem>>) target(%dma_start3A_60 : memref<32x128xf32, #tpu.memory_space<vmem_shared>>) target_semaphore(%run_scoped3A : memref<!tpu.dma_semaphore, #tpu.memory_space<semaphore_mem>>)
      %dma_wait3A = arith.constant 0 : i32
      %dma_wait3A_61 = tpu.memref_slice %arg7[%add3A_40, %dma_wait3A] : memref<10240x128xf32, #tpu.memory_space<vmem_shared>> -> memref<32x128xf32, #tpu.memory_space<vmem_shared>>
      %dma_wait3A_62 = arith.constant 0 : i32
      %dma_wait3A_63 = tpu.memref_slice %arg7[%add3A_40, %dma_wait3A_62] : memref<10240x128xf32, #tpu.memory_space<vmem_shared>> -> memref<32x128xf32, #tpu.memory_space<vmem_shared>>
      tpu.wait_dma2 semaphore(%run_scoped3A : memref<!tpu.dma_semaphore, #tpu.memory_space<semaphore_mem>>) src(%arg6 : memref<32x128xf32, #tpu.memory_space<vmem>>) dst(%dma_wait3A_63 : memref<32x128xf32, #tpu.memory_space<vmem_shared>>)
      tpu.yield
    }) : () -> ()
    %add3A_41 = arith.constant 480 : i32
    %add3A_42 = arith.addi %mul3A_10, %add3A_41 : i32
    "tpu.region"() ({
      %run_scoped3A = tpu.sem_alloc : memref<!tpu.dma_semaphore, #tpu.memory_space<semaphore_mem>>
      %dma_start3A = arith.constant 0 : i32
      %dma_start3A_58 = tpu.memref_slice %arg7[%add3A_42, %dma_start3A] : memref<10240x128xf32, #tpu.memory_space<vmem_shared>> -> memref<32x128xf32, #tpu.memory_space<vmem_shared>>
      %dma_start3A_59 = arith.constant 0 : i32
      %dma_start3A_60 = tpu.memref_slice %arg7[%add3A_42, %dma_start3A_59] : memref<10240x128xf32, #tpu.memory_space<vmem_shared>> -> memref<32x128xf32, #tpu.memory_space<vmem_shared>>
      tpu.enqueue_dma source(%arg6 : memref<32x128xf32, #tpu.memory_space<vmem>>) target(%dma_start3A_60 : memref<32x128xf32, #tpu.memory_space<vmem_shared>>) target_semaphore(%run_scoped3A : memref<!tpu.dma_semaphore, #tpu.memory_space<semaphore_mem>>)
      %dma_wait3A = arith.constant 0 : i32
      %dma_wait3A_61 = tpu.memref_slice %arg7[%add3A_42, %dma_wait3A] : memref<10240x128xf32, #tpu.memory_space<vmem_shared>> -> memref<32x128xf32, #tpu.memory_space<vmem_shared>>
      %dma_wait3A_62 = arith.constant 0 : i32
      %dma_wait3A_63 = tpu.memref_slice %arg7[%add3A_42, %dma_wait3A_62] : memref<10240x128xf32, #tpu.memory_space<vmem_shared>> -> memref<32x128xf32, #tpu.memory_space<vmem_shared>>
      tpu.wait_dma2 semaphore(%run_scoped3A : memref<!tpu.dma_semaphore, #tpu.memory_space<semaphore_mem>>) src(%arg6 : memref<32x128xf32, #tpu.memory_space<vmem>>) dst(%dma_wait3A_63 : memref<32x128xf32, #tpu.memory_space<vmem_shared>>)
      tpu.yield
    }) : () -> ()
    %add3A_43 = arith.constant 512 : i32
    %add3A_44 = arith.addi %mul3A_10, %add3A_43 : i32
    "tpu.region"() ({
      %run_scoped3A = tpu.sem_alloc : memref<!tpu.dma_semaphore, #tpu.memory_space<semaphore_mem>>
      %dma_start3A = arith.constant 0 : i32
      %dma_start3A_58 = tpu.memref_slice %arg7[%add3A_44, %dma_start3A] : memref<10240x128xf32, #tpu.memory_space<vmem_shared>> -> memref<32x128xf32, #tpu.memory_space<vmem_shared>>
      %dma_start3A_59 = arith.constant 0 : i32
      %dma_start3A_60 = tpu.memref_slice %arg7[%add3A_44, %dma_start3A_59] : memref<10240x128xf32, #tpu.memory_space<vmem_shared>> -> memref<32x128xf32, #tpu.memory_space<vmem_shared>>
      tpu.enqueue_dma source(%arg6 : memref<32x128xf32, #tpu.memory_space<vmem>>) target(%dma_start3A_60 : memref<32x128xf32, #tpu.memory_space<vmem_shared>>) target_semaphore(%run_scoped3A : memref<!tpu.dma_semaphore, #tpu.memory_space<semaphore_mem>>)
      %dma_wait3A = arith.constant 0 : i32
      %dma_wait3A_61 = tpu.memref_slice %arg7[%add3A_44, %dma_wait3A] : memref<10240x128xf32, #tpu.memory_space<vmem_shared>> -> memref<32x128xf32, #tpu.memory_space<vmem_shared>>
      %dma_wait3A_62 = arith.constant 0 : i32
      %dma_wait3A_63 = tpu.memref_slice %arg7[%add3A_44, %dma_wait3A_62] : memref<10240x128xf32, #tpu.memory_space<vmem_shared>> -> memref<32x128xf32, #tpu.memory_space<vmem_shared>>
      tpu.wait_dma2 semaphore(%run_scoped3A : memref<!tpu.dma_semaphore, #tpu.memory_space<semaphore_mem>>) src(%arg6 : memref<32x128xf32, #tpu.memory_space<vmem>>) dst(%dma_wait3A_63 : memref<32x128xf32, #tpu.memory_space<vmem_shared>>)
      tpu.yield
    }) : () -> ()
    %add3A_45 = arith.constant 544 : i32
    %add3A_46 = arith.addi %mul3A_10, %add3A_45 : i32
    "tpu.region"() ({
      %run_scoped3A = tpu.sem_alloc : memref<!tpu.dma_semaphore, #tpu.memory_space<semaphore_mem>>
      %dma_start3A = arith.constant 0 : i32
      %dma_start3A_58 = tpu.memref_slice %arg7[%add3A_46, %dma_start3A] : memref<10240x128xf32, #tpu.memory_space<vmem_shared>> -> memref<32x128xf32, #tpu.memory_space<vmem_shared>>
      %dma_start3A_59 = arith.constant 0 : i32
      %dma_start3A_60 = tpu.memref_slice %arg7[%add3A_46, %dma_start3A_59] : memref<10240x128xf32, #tpu.memory_space<vmem_shared>> -> memref<32x128xf32, #tpu.memory_space<vmem_shared>>
      tpu.enqueue_dma source(%arg6 : memref<32x128xf32, #tpu.memory_space<vmem>>) target(%dma_start3A_60 : memref<32x128xf32, #tpu.memory_space<vmem_shared>>) target_semaphore(%run_scoped3A : memref<!tpu.dma_semaphore, #tpu.memory_space<semaphore_mem>>)
      %dma_wait3A = arith.constant 0 : i32
      %dma_wait3A_61 = tpu.memref_slice %arg7[%add3A_46, %dma_wait3A] : memref<10240x128xf32, #tpu.memory_space<vmem_shared>> -> memref<32x128xf32, #tpu.memory_space<vmem_shared>>
      %dma_wait3A_62 = arith.constant 0 : i32
      %dma_wait3A_63 = tpu.memref_slice %arg7[%add3A_46, %dma_wait3A_62] : memref<10240x128xf32, #tpu.memory_space<vmem_shared>> -> memref<32x128xf32, #tpu.memory_space<vmem_shared>>
      tpu.wait_dma2 semaphore(%run_scoped3A : memref<!tpu.dma_semaphore, #tpu.memory_space<semaphore_mem>>) src(%arg6 : memref<32x128xf32, #tpu.memory_space<vmem>>) dst(%dma_wait3A_63 : memref<32x128xf32, #tpu.memory_space<vmem_shared>>)
      tpu.yield
    }) : () -> ()
    %add3A_47 = arith.constant 576 : i32
    %add3A_48 = arith.addi %mul3A_10, %add3A_47 : i32
    "tpu.region"() ({
      %run_scoped3A = tpu.sem_alloc : memref<!tpu.dma_semaphore, #tpu.memory_space<semaphore_mem>>
      %dma_start3A = arith.constant 0 : i32
      %dma_start3A_58 = tpu.memref_slice %arg7[%add3A_48, %dma_start3A] : memref<10240x128xf32, #tpu.memory_space<vmem_shared>> -> memref<32x128xf32, #tpu.memory_space<vmem_shared>>
      %dma_start3A_59 = arith.constant 0 : i32
      %dma_start3A_60 = tpu.memref_slice %arg7[%add3A_48, %dma_start3A_59] : memref<10240x128xf32, #tpu.memory_space<vmem_shared>> -> memref<32x128xf32, #tpu.memory_space<vmem_shared>>
      tpu.enqueue_dma source(%arg6 : memref<32x128xf32, #tpu.memory_space<vmem>>) target(%dma_start3A_60 : memref<32x128xf32, #tpu.memory_space<vmem_shared>>) target_semaphore(%run_scoped3A : memref<!tpu.dma_semaphore, #tpu.memory_space<semaphore_mem>>)
      %dma_wait3A = arith.constant 0 : i32
      %dma_wait3A_61 = tpu.memref_slice %arg7[%add3A_48, %dma_wait3A] : memref<10240x128xf32, #tpu.memory_space<vmem_shared>> -> memref<32x128xf32, #tpu.memory_space<vmem_shared>>
      %dma_wait3A_62 = arith.constant 0 : i32
      %dma_wait3A_63 = tpu.memref_slice %arg7[%add3A_48, %dma_wait3A_62] : memref<10240x128xf32, #tpu.memory_space<vmem_shared>> -> memref<32x128xf32, #tpu.memory_space<vmem_shared>>
      tpu.wait_dma2 semaphore(%run_scoped3A : memref<!tpu.dma_semaphore, #tpu.memory_space<semaphore_mem>>) src(%arg6 : memref<32x128xf32, #tpu.memory_space<vmem>>) dst(%dma_wait3A_63 : memref<32x128xf32, #tpu.memory_space<vmem_shared>>)
      tpu.yield
    }) : () -> ()
    %add3A_49 = arith.constant 608 : i32
    %add3A_50 = arith.addi %mul3A_10, %add3A_49 : i32
    "tpu.region"() ({
      %run_scoped3A = tpu.sem_alloc : memref<!tpu.dma_semaphore, #tpu.memory_space<semaphore_mem>>
      %dma_start3A = arith.constant 0 : i32
      %dma_start3A_58 = tpu.memref_slice %arg7[%add3A_50, %dma_start3A] : memref<10240x128xf32, #tpu.memory_space<vmem_shared>> -> memref<32x128xf32, #tpu.memory_space<vmem_shared>>
      %dma_start3A_59 = arith.constant 0 : i32
      %dma_start3A_60 = tpu.memref_slice %arg7[%add3A_50, %dma_start3A_59] : memref<10240x128xf32, #tpu.memory_space<vmem_shared>> -> memref<32x128xf32, #tpu.memory_space<vmem_shared>>
      tpu.enqueue_dma source(%arg6 : memref<32x128xf32, #tpu.memory_space<vmem>>) target(%dma_start3A_60 : memref<32x128xf32, #tpu.memory_space<vmem_shared>>) target_semaphore(%run_scoped3A : memref<!tpu.dma_semaphore, #tpu.memory_space<semaphore_mem>>)
      %dma_wait3A = arith.constant 0 : i32
      %dma_wait3A_61 = tpu.memref_slice %arg7[%add3A_50, %dma_wait3A] : memref<10240x128xf32, #tpu.memory_space<vmem_shared>> -> memref<32x128xf32, #tpu.memory_space<vmem_shared>>
      %dma_wait3A_62 = arith.constant 0 : i32
      %dma_wait3A_63 = tpu.memref_slice %arg7[%add3A_50, %dma_wait3A_62] : memref<10240x128xf32, #tpu.memory_space<vmem_shared>> -> memref<32x128xf32, #tpu.memory_space<vmem_shared>>
      tpu.wait_dma2 semaphore(%run_scoped3A : memref<!tpu.dma_semaphore, #tpu.memory_space<semaphore_mem>>) src(%arg6 : memref<32x128xf32, #tpu.memory_space<vmem>>) dst(%dma_wait3A_63 : memref<32x128xf32, #tpu.memory_space<vmem_shared>>)
      tpu.yield
    }) : () -> ()
    %barrier3A = arith.constant 0 : index
    tpu.barrier barrier_id(%barrier3A)
    %scan3A_51 = arith.constant 0 : i32
    %scan3A_52 = arith.constant 0 : i32
    %scan3A_53 = arith.constant 79 : i32
    %scan3A_54 = arith.addi %scan3A_52, %scan3A_53 : i32
    %scan3A_55 = arith.constant 1 : i32
    scf.for %scan3A_58 = %scan3A_52 to %scan3A_54 step %scan3A_55  : i32 {
      "tpu.region"() ({
        %run_scoped3A = tpu.sem_alloc : memref<!tpu.dma_semaphore, #tpu.memory_space<semaphore_mem>>
        %dma_start3A = arith.constant 0 : i32
        %dma_start3A_59 = tpu.memref_slice %arg4[%scan3A_58, %dma_start3A] : memref<79x128xi32, #tpu.memory_space<vmem>> -> memref<1x128xi32, #tpu.memory_space<vmem>>
        %dma_start3A_60 = tpu.memref_squeeze %dma_start3A_59 : memref<1x128xi32, #tpu.memory_space<vmem>> -> memref<128xi32, #tpu.memory_space<vmem>>
        %dma_start3A_61 = arith.constant 0 : i32
        %dma_start3A_62 = arith.constant 0 : i32
        %dma_start3A_63 = tpu.memref_slice %arg7[%dma_start3A_61, %dma_start3A_62] : memref<10240x128xf32, #tpu.memory_space<vmem_shared>> -> memref<10240x128xf32, #tpu.memory_space<vmem_shared>>
        tpu.enqueue_indirect_dma source(%arg5 : memref<128x128xf32, #tpu.memory_space<vmem>>) target(%dma_start3A_63 : memref<10240x128xf32, #tpu.memory_space<vmem_shared>>) offsets(%dma_start3A_60 : memref<128xi32, #tpu.memory_space<vmem>>) semaphore(%run_scoped3A : memref<!tpu.dma_semaphore, #tpu.memory_space<semaphore_mem>>) {add = true}
        %dma_wait3A = arith.constant 0 : i32
        %dma_wait3A_64 = tpu.memref_slice %arg4[%scan3A_58, %dma_wait3A] : memref<79x128xi32, #tpu.memory_space<vmem>> -> memref<1x128xi32, #tpu.memory_space<vmem>>
        %dma_wait3A_65 = tpu.memref_squeeze %dma_wait3A_64 : memref<1x128xi32, #tpu.memory_space<vmem>> -> memref<128xi32, #tpu.memory_space<vmem>>
        %dma_wait3A_66 = arith.constant 0 : i32
        %dma_wait3A_67 = arith.constant 0 : i32
        %dma_wait3A_68 = tpu.memref_slice %arg7[%dma_wait3A_66, %dma_wait3A_67] : memref<10240x128xf32, #tpu.memory_space<vmem_shared>> -> memref<10240x128xf32, #tpu.memory_space<vmem_shared>>
        tpu.wait_indirect_dma semaphore(%run_scoped3A : memref<!tpu.dma_semaphore, #tpu.memory_space<semaphore_mem>>) src(%arg5 : memref<128x128xf32, #tpu.memory_space<vmem>>) dst(%dma_wait3A_68 : memref<10240x128xf32, #tpu.memory_space<vmem_shared>>)
        tpu.yield
      }) : () -> ()
    }
    %scan3A_56 = arith.constant 79 : i32
    %barrier3A_57 = arith.constant 0 : index
    tpu.barrier barrier_id(%barrier3A_57)
    "tpu.region"() ({
      %run_scoped3A = tpu.sem_alloc : memref<!tpu.dma_semaphore, #tpu.memory_space<semaphore_mem>>
      %dma_start3A = arith.constant 0 : i32
      %dma_start3A_58 = tpu.memref_slice %arg3[%arg0, %mul3A_10, %dma_start3A] : memref<2x10240x128xf32, #tpu.memory_space<hbm>> -> memref<1x640x128xf32, #tpu.memory_space<hbm>>
      %dma_start3A_59 = tpu.memref_squeeze %dma_start3A_58 : memref<1x640x128xf32, #tpu.memory_space<hbm>> -> memref<640x128xf32, #tpu.memory_space<hbm>>
      %dma_start3A_60 = arith.constant 0 : i32
      %dma_start3A_61 = tpu.memref_slice %arg7[%mul3A_10, %dma_start3A_60] : memref<10240x128xf32, #tpu.memory_space<vmem_shared>> -> memref<640x128xf32, #tpu.memory_space<vmem_shared>>
      tpu.enqueue_dma source(%dma_start3A_61 : memref<640x128xf32, #tpu.memory_space<vmem_shared>>) target(%dma_start3A_59 : memref<640x128xf32, #tpu.memory_space<hbm>>) target_semaphore(%run_scoped3A : memref<!tpu.dma_semaphore, #tpu.memory_space<semaphore_mem>>)
      %dma_wait3A = arith.constant 0 : i32
      %dma_wait3A_62 = tpu.memref_slice %arg3[%arg0, %mul3A_10, %dma_wait3A] : memref<2x10240x128xf32, #tpu.memory_space<hbm>> -> memref<1x640x128xf32, #tpu.memory_space<hbm>>
      %dma_wait3A_63 = tpu.memref_squeeze %dma_wait3A_62 : memref<1x640x128xf32, #tpu.memory_space<hbm>> -> memref<640x128xf32, #tpu.memory_space<hbm>>
      %dma_wait3A_64 = arith.constant 0 : i32
      %dma_wait3A_65 = tpu.memref_slice %arg7[%mul3A_10, %dma_wait3A_64] : memref<10240x128xf32, #tpu.memory_space<vmem_shared>> -> memref<640x128xf32, #tpu.memory_space<vmem_shared>>
      tpu.wait_dma2 semaphore(%run_scoped3A : memref<!tpu.dma_semaphore, #tpu.memory_space<semaphore_mem>>) src(%dma_wait3A_65 : memref<640x128xf32, #tpu.memory_space<vmem_shared>>) dst(%dma_wait3A_63 : memref<640x128xf32, #tpu.memory_space<hbm>>)
      tpu.yield
    }) : () -> ()
    return
  }
}

module attributes {stable_mosaic.version = 14 : i64} {
  func.func @body(%arg0: i32, %arg1: memref<2048x128xf32, #tpu.memory_space<vmem>>, %arg2: memref<128x128xf32, #tpu.memory_space<vmem>>, %arg3: memref<128x128xf32, #tpu.memory_space<vmem>>, %arg4: memref<1x128xf32, #tpu.memory_space<vmem>>, %arg5: memref<2048x128xf32, #tpu.memory_space<vmem>>, %arg6: memref<2048x128xf32, #tpu.memory_space<vmem>>) attributes {dimension_semantics = [#tpu.dimension_semantics<arbitrary>], iteration_bounds = array<i64: 5>, scalar_prefetch = 0 : i64, scratch_operands = 0 : i64, tpu.core_type = #tpu.core_type<tc>, window_params = [{transform_indices = @transform_0, window_bounds = array<i64: 2048, 128>}, {pipeline_mode = #tpu.pipeline_mode<synchronous>, transform_indices = @transform_1, window_bounds = array<i64: 128, 128>}, {pipeline_mode = #tpu.pipeline_mode<synchronous>, transform_indices = @transform_2, window_bounds = array<i64: 128, 128>}, {pipeline_mode = #tpu.pipeline_mode<synchronous>, transform_indices = @transform_3, window_bounds = array<i64: 1, 128>}, {transform_indices = @transform_4, window_bounds = array<i64: 2048, 128>}, {transform_indices = @transform_5, window_bounds = array<i64: 2048, 128>}]} {
    %get3A = arith.constant 0 : index
    %get3A_0 = arith.constant 0 : index
    %get3A_1 = vector.load %arg1[%get3A, %get3A_0] : memref<2048x128xf32, #tpu.memory_space<vmem>>, vector<2048x128xf32>
    %get3A_2 = arith.constant 0 : index
    %get3A_3 = arith.constant 0 : index
    %get3A_4 = vector.load %arg2[%get3A_2, %get3A_3] : memref<128x128xf32, #tpu.memory_space<vmem>>, vector<128x128xf32>
    %dot_general3A = arith.constant dense<0.000000e+00> : vector<2048x128xf32>
    %dot_general3A_5 = tpu.matmul %get3A_1, %get3A_4, %dot_general3A {dimension_numbers = #tpu.dot_dimension_numbers<[1], [0], [0], [1], [0, 0, 1, 1], [], []>, transpose_lhs_hint = false} : vector<2048x128xf32>, vector<128x128xf32>, vector<2048x128xf32> -> vector<2048x128xf32>
    %swap3A = arith.constant 0 : index
    %swap3A_6 = arith.constant 0 : index
    %swap3A_7 = vector.load %arg5[%swap3A, %swap3A_6] : memref<2048x128xf32, #tpu.memory_space<vmem>>, vector<2048x128xf32>
    tpu.vector_store %arg5[%swap3A, %swap3A_6], %dot_general3A_5 {strides = array<i32>} : memref<2048x128xf32, #tpu.memory_space<vmem>>, vector<2048x128xf32>,
    %get3A_8 = arith.constant 0 : index
    %get3A_9 = arith.constant 0 : index
    %get3A_10 = vector.load %arg3[%get3A_8, %get3A_9] : memref<128x128xf32, #tpu.memory_space<vmem>>, vector<128x128xf32>
    %dot_general3A_11 = arith.constant dense<0.000000e+00> : vector<2048x128xf32>
    %dot_general3A_12 = tpu.matmul %get3A_1, %get3A_10, %dot_general3A_11 {dimension_numbers = #tpu.dot_dimension_numbers<[1], [0], [0], [1], [0, 0, 1, 1], [], []>, transpose_lhs_hint = false} : vector<2048x128xf32>, vector<128x128xf32>, vector<2048x128xf32> -> vector<2048x128xf32>
    %get3A_13 = arith.constant 0 : index
    %get3A_14 = arith.constant 0 : index
    %get3A_15 = vector.load %arg4[%get3A_13, %get3A_14] : memref<1x128xf32, #tpu.memory_space<vmem>>, vector<1x128xf32>
    %add3A = vector.broadcast %get3A_15 : vector<1x128xf32> to vector<2048x128xf32>
    %add3A_16 = arith.addf %dot_general3A_12, %add3A : vector<2048x128xf32>
    %swap3A_17 = arith.constant 0 : index
    %swap3A_18 = arith.constant 0 : index
    %swap3A_19 = vector.load %arg6[%swap3A_17, %swap3A_18] : memref<2048x128xf32, #tpu.memory_space<vmem>>, vector<2048x128xf32>
    tpu.vector_store %arg6[%swap3A_17, %swap3A_18], %add3A_16 {strides = array<i32>} : memref<2048x128xf32, #tpu.memory_space<vmem>>, vector<2048x128xf32>,
    return
  }
  func.func @transform_0(%arg0: i32) -> (i32, i32) {
    %c0_i32 = arith.constant 0 : i32
    %c0_i32_0 = arith.constant 0 : i32
    return %arg0, %c0_i32 : i32, i32
  }
  func.func @transform_1(%arg0: i32) -> (i32, i32) {
    %c0_i32 = arith.constant 0 : i32
    %c0_i32_0 = arith.constant 0 : i32
    %c0_i32_1 = arith.constant 0 : i32
    return %c0_i32, %c0_i32_0 : i32, i32
  }
  func.func @transform_2(%arg0: i32) -> (i32, i32) {
    %c0_i32 = arith.constant 0 : i32
    %c0_i32_0 = arith.constant 0 : i32
    %c0_i32_1 = arith.constant 0 : i32
    return %c0_i32, %c0_i32_0 : i32, i32
  }
  func.func @transform_3(%arg0: i32) -> (i32, i32) {
    %c0_i32 = arith.constant 0 : i32
    %c0_i32_0 = arith.constant 0 : i32
    %c0_i32_1 = arith.constant 0 : i32
    return %c0_i32, %c0_i32_0 : i32, i32
  }
  func.func @transform_4(%arg0: i32) -> (i32, i32) {
    %c0_i32 = arith.constant 0 : i32
    %c0_i32_0 = arith.constant 0 : i32
    return %arg0, %c0_i32 : i32, i32
  }
  func.func @transform_5(%arg0: i32) -> (i32, i32) {
    %c0_i32 = arith.constant 0 : i32
    %c0_i32_0 = arith.constant 0 : i32
    return %arg0, %c0_i32 : i32, i32
  }
}

module attributes {stable_mosaic.version = 14 : i64} {
  func.func @body(%arg0: i32, %arg1: memref<2x2048x128xf32, #tpu.memory_space<vmem>>, %arg2: memref<2x2048x128xf32, #tpu.memory_space<vmem>>, %arg3: memref<2048x128xf32, #tpu.memory_space<vmem>>, %arg4: memref<128x128xf32, #tpu.memory_space<vmem>>, %arg5: memref<128x128xf32, #tpu.memory_space<vmem>>, %arg6: memref<1x128xf32, #tpu.memory_space<vmem>>, %arg7: memref<2048x128xf32, #tpu.memory_space<vmem>>, %arg8: memref<2048x128xf32, #tpu.memory_space<vmem>>) attributes {dimension_semantics = [#tpu.dimension_semantics<arbitrary>], iteration_bounds = array<i64: 5>, scalar_prefetch = 0 : i64, scratch_operands = 0 : i64, tpu.core_type = #tpu.core_type<tc>, window_params = [{transform_indices = @transform_0, window_bounds = array<i64: 2, 2048, 128>}, {transform_indices = @transform_1, window_bounds = array<i64: 2, 2048, 128>}, {transform_indices = @transform_2, window_bounds = array<i64: 2048, 128>}, {pipeline_mode = #tpu.pipeline_mode<synchronous>, transform_indices = @transform_3, window_bounds = array<i64: 128, 128>}, {pipeline_mode = #tpu.pipeline_mode<synchronous>, transform_indices = @transform_4, window_bounds = array<i64: 128, 128>}, {pipeline_mode = #tpu.pipeline_mode<synchronous>, transform_indices = @transform_5, window_bounds = array<i64: 1, 128>}, {transform_indices = @transform_6, window_bounds = array<i64: 2048, 128>}, {transform_indices = @transform_7, window_bounds = array<i64: 2048, 128>}]} {
    %get3A = arith.constant 0 : index
    %get3A_0 = arith.constant 0 : index
    %get3A_1 = arith.constant 0 : index
    %get3A_2 = vector.load %arg2[%get3A, %get3A_0, %get3A_1] : memref<2x2048x128xf32, #tpu.memory_space<vmem>>, vector<1x2048x1xf32>
    %get3A_3 = vector.shape_cast %get3A_2 : vector<1x2048x1xf32> to vector<2048xf32>
    %get3A_4 = arith.constant 1 : index
    %get3A_5 = arith.constant 0 : index
    %get3A_6 = arith.constant 0 : index
    %get3A_7 = vector.load %arg2[%get3A_4, %get3A_5, %get3A_6] : memref<2x2048x128xf32, #tpu.memory_space<vmem>>, vector<1x2048x1xf32>
    %get3A_8 = vector.shape_cast %get3A_7 : vector<1x2048x1xf32> to vector<2048xf32>
    %add3A = arith.addf %get3A_3, %get3A_8 : vector<2048xf32>
    %max3A = arith.constant 1.000000e+00 : f32
    %max3A_9 = vector.broadcast %max3A : f32 to vector<2048xf32>
    %max3A_10 = arith.maximumf %add3A, %max3A_9 : vector<2048xf32>
    %get3A_11 = arith.constant 0 : index
    %get3A_12 = arith.constant 0 : index
    %get3A_13 = arith.constant 0 : index
    %get3A_14 = vector.load %arg1[%get3A_11, %get3A_12, %get3A_13] : memref<2x2048x128xf32, #tpu.memory_space<vmem>>, vector<1x2048x128xf32>
    %get3A_15 = vector.shape_cast %get3A_14 : vector<1x2048x128xf32> to vector<2048x128xf32>
    %get3A_16 = arith.constant 1 : index
    %get3A_17 = arith.constant 0 : index
    %get3A_18 = arith.constant 0 : index
    %get3A_19 = vector.load %arg1[%get3A_16, %get3A_17, %get3A_18] : memref<2x2048x128xf32, #tpu.memory_space<vmem>>, vector<1x2048x128xf32>
    %get3A_20 = vector.shape_cast %get3A_19 : vector<1x2048x128xf32> to vector<2048x128xf32>
    %add3A_21 = arith.addf %get3A_15, %get3A_20 : vector<2048x128xf32>
    %broadcast_in_dim3A = vector.shape_cast %max3A_10 : vector<2048xf32> to vector<2048x1xf32>
    %div3A = vector.broadcast %broadcast_in_dim3A : vector<2048x1xf32> to vector<2048x128xf32>
    %div3A_22 = arith.divf %add3A_21, %div3A : vector<2048x128xf32>
    %get3A_23 = arith.constant 0 : index
    %get3A_24 = arith.constant 0 : index
    %get3A_25 = vector.load %arg3[%get3A_23, %get3A_24] : memref<2048x128xf32, #tpu.memory_space<vmem>>, vector<2048x128xf32>
    %add3A_26 = arith.addf %div3A_22, %get3A_25 : vector<2048x128xf32>
    %max3A_27 = arith.constant 0.000000e+00 : f32
    %max3A_28 = vector.broadcast %max3A_27 : f32 to vector<2048x128xf32>
    %max3A_29 = arith.maximumf %add3A_26, %max3A_28 : vector<2048x128xf32>
    %get3A_30 = arith.constant 0 : index
    %get3A_31 = arith.constant 0 : index
    %get3A_32 = vector.load %arg4[%get3A_30, %get3A_31] : memref<128x128xf32, #tpu.memory_space<vmem>>, vector<128x128xf32>
    %dot_general3A = arith.constant dense<0.000000e+00> : vector<2048x128xf32>
    %dot_general3A_33 = tpu.matmul %max3A_29, %get3A_32, %dot_general3A {dimension_numbers = #tpu.dot_dimension_numbers<[1], [0], [0], [1], [0, 0, 1, 1], [], []>, transpose_lhs_hint = false} : vector<2048x128xf32>, vector<128x128xf32>, vector<2048x128xf32> -> vector<2048x128xf32>
    %swap3A = arith.constant 0 : index
    %swap3A_34 = arith.constant 0 : index
    %swap3A_35 = vector.load %arg7[%swap3A, %swap3A_34] : memref<2048x128xf32, #tpu.memory_space<vmem>>, vector<2048x128xf32>
    tpu.vector_store %arg7[%swap3A, %swap3A_34], %dot_general3A_33 {strides = array<i32>} : memref<2048x128xf32, #tpu.memory_space<vmem>>, vector<2048x128xf32>,
    %get3A_36 = arith.constant 0 : index
    %get3A_37 = arith.constant 0 : index
    %get3A_38 = vector.load %arg5[%get3A_36, %get3A_37] : memref<128x128xf32, #tpu.memory_space<vmem>>, vector<128x128xf32>
    %dot_general3A_39 = arith.constant dense<0.000000e+00> : vector<2048x128xf32>
    %dot_general3A_40 = tpu.matmul %max3A_29, %get3A_38, %dot_general3A_39 {dimension_numbers = #tpu.dot_dimension_numbers<[1], [0], [0], [1], [0, 0, 1, 1], [], []>, transpose_lhs_hint = false} : vector<2048x128xf32>, vector<128x128xf32>, vector<2048x128xf32> -> vector<2048x128xf32>
    %get3A_41 = arith.constant 0 : index
    %get3A_42 = arith.constant 0 : index
    %get3A_43 = vector.load %arg6[%get3A_41, %get3A_42] : memref<1x128xf32, #tpu.memory_space<vmem>>, vector<1x128xf32>
    %add3A_44 = vector.broadcast %get3A_43 : vector<1x128xf32> to vector<2048x128xf32>
    %add3A_45 = arith.addf %dot_general3A_40, %add3A_44 : vector<2048x128xf32>
    %swap3A_46 = arith.constant 0 : index
    %swap3A_47 = arith.constant 0 : index
    %swap3A_48 = vector.load %arg8[%swap3A_46, %swap3A_47] : memref<2048x128xf32, #tpu.memory_space<vmem>>, vector<2048x128xf32>
    tpu.vector_store %arg8[%swap3A_46, %swap3A_47], %add3A_45 {strides = array<i32>} : memref<2048x128xf32, #tpu.memory_space<vmem>>, vector<2048x128xf32>,
    return
  }
  func.func @transform_0(%arg0: i32) -> (i32, i32, i32) {
    %c0_i32 = arith.constant 0 : i32
    %c0_i32_0 = arith.constant 0 : i32
    %c0_i32_1 = arith.constant 0 : i32
    return %c0_i32, %arg0, %c0_i32_0 : i32, i32, i32
  }
  func.func @transform_1(%arg0: i32) -> (i32, i32, i32) {
    %c0_i32 = arith.constant 0 : i32
    %c0_i32_0 = arith.constant 0 : i32
    %c0_i32_1 = arith.constant 0 : i32
    return %c0_i32, %arg0, %c0_i32_0 : i32, i32, i32
  }
  func.func @transform_2(%arg0: i32) -> (i32, i32) {
    %c0_i32 = arith.constant 0 : i32
    %c0_i32_0 = arith.constant 0 : i32
    return %arg0, %c0_i32 : i32, i32
  }
  func.func @transform_3(%arg0: i32) -> (i32, i32) {
    %c0_i32 = arith.constant 0 : i32
    %c0_i32_0 = arith.constant 0 : i32
    %c0_i32_1 = arith.constant 0 : i32
    return %c0_i32, %c0_i32_0 : i32, i32
  }
  func.func @transform_4(%arg0: i32) -> (i32, i32) {
    %c0_i32 = arith.constant 0 : i32
    %c0_i32_0 = arith.constant 0 : i32
    %c0_i32_1 = arith.constant 0 : i32
    return %c0_i32, %c0_i32_0 : i32, i32
  }
  func.func @transform_5(%arg0: i32) -> (i32, i32) {
    %c0_i32 = arith.constant 0 : i32
    %c0_i32_0 = arith.constant 0 : i32
    %c0_i32_1 = arith.constant 0 : i32
    return %c0_i32, %c0_i32_0 : i32, i32
  }
  func.func @transform_6(%arg0: i32) -> (i32, i32) {
    %c0_i32 = arith.constant 0 : i32
    %c0_i32_0 = arith.constant 0 : i32
    return %arg0, %c0_i32 : i32, i32
  }
  func.func @transform_7(%arg0: i32) -> (i32, i32) {
    %c0_i32 = arith.constant 0 : i32
    %c0_i32_0 = arith.constant 0 : i32
    return %arg0, %c0_i32 : i32, i32
  }
}

module attributes {stable_mosaic.version = 14 : i64} {
  func.func @body(%arg0: i32, %arg1: memref<2x2048x128xf32, #tpu.memory_space<vmem>>, %arg2: memref<2x2048x128xf32, #tpu.memory_space<vmem>>, %arg3: memref<2048x128xf32, #tpu.memory_space<vmem>>, %arg4: memref<128x64xf32, #tpu.memory_space<vmem>>, %arg5: memref<1x64xf32, #tpu.memory_space<vmem>>, %arg6: memref<2048x128xf32, #tpu.memory_space<vmem>>, %arg7: memref<2048x64xf32, #tpu.memory_space<vmem>>) attributes {dimension_semantics = [#tpu.dimension_semantics<arbitrary>], iteration_bounds = array<i64: 5>, scalar_prefetch = 0 : i64, scratch_operands = 0 : i64, tpu.core_type = #tpu.core_type<tc>, window_params = [{transform_indices = @transform_0, window_bounds = array<i64: 2, 2048, 128>}, {transform_indices = @transform_1, window_bounds = array<i64: 2, 2048, 128>}, {transform_indices = @transform_2, window_bounds = array<i64: 2048, 128>}, {pipeline_mode = #tpu.pipeline_mode<synchronous>, transform_indices = @transform_3, window_bounds = array<i64: 128, 64>}, {pipeline_mode = #tpu.pipeline_mode<synchronous>, transform_indices = @transform_4, window_bounds = array<i64: 1, 64>}, {transform_indices = @transform_5, window_bounds = array<i64: 2048, 128>}, {transform_indices = @transform_6, window_bounds = array<i64: 2048, 64>}]} {
    %get3A = arith.constant 0 : index
    %get3A_0 = arith.constant 0 : index
    %get3A_1 = arith.constant 0 : index
    %get3A_2 = vector.load %arg2[%get3A, %get3A_0, %get3A_1] : memref<2x2048x128xf32, #tpu.memory_space<vmem>>, vector<1x2048x1xf32>
    %get3A_3 = vector.shape_cast %get3A_2 : vector<1x2048x1xf32> to vector<2048xf32>
    %get3A_4 = arith.constant 1 : index
    %get3A_5 = arith.constant 0 : index
    %get3A_6 = arith.constant 0 : index
    %get3A_7 = vector.load %arg2[%get3A_4, %get3A_5, %get3A_6] : memref<2x2048x128xf32, #tpu.memory_space<vmem>>, vector<1x2048x1xf32>
    %get3A_8 = vector.shape_cast %get3A_7 : vector<1x2048x1xf32> to vector<2048xf32>
    %add3A = arith.addf %get3A_3, %get3A_8 : vector<2048xf32>
    %max3A = arith.constant 1.000000e+00 : f32
    %max3A_9 = vector.broadcast %max3A : f32 to vector<2048xf32>
    %max3A_10 = arith.maximumf %add3A, %max3A_9 : vector<2048xf32>
    %get3A_11 = arith.constant 0 : index
    %get3A_12 = arith.constant 0 : index
    %get3A_13 = arith.constant 0 : index
    %get3A_14 = vector.load %arg1[%get3A_11, %get3A_12, %get3A_13] : memref<2x2048x128xf32, #tpu.memory_space<vmem>>, vector<1x2048x128xf32>
    %get3A_15 = vector.shape_cast %get3A_14 : vector<1x2048x128xf32> to vector<2048x128xf32>
    %get3A_16 = arith.constant 1 : index
    %get3A_17 = arith.constant 0 : index
    %get3A_18 = arith.constant 0 : index
    %get3A_19 = vector.load %arg1[%get3A_16, %get3A_17, %get3A_18] : memref<2x2048x128xf32, #tpu.memory_space<vmem>>, vector<1x2048x128xf32>
    %get3A_20 = vector.shape_cast %get3A_19 : vector<1x2048x128xf32> to vector<2048x128xf32>
    %add3A_21 = arith.addf %get3A_15, %get3A_20 : vector<2048x128xf32>
    %broadcast_in_dim3A = vector.shape_cast %max3A_10 : vector<2048xf32> to vector<2048x1xf32>
    %div3A = vector.broadcast %broadcast_in_dim3A : vector<2048x1xf32> to vector<2048x128xf32>
    %div3A_22 = arith.divf %add3A_21, %div3A : vector<2048x128xf32>
    %get3A_23 = arith.constant 0 : index
    %get3A_24 = arith.constant 0 : index
    %get3A_25 = vector.load %arg3[%get3A_23, %get3A_24] : memref<2048x128xf32, #tpu.memory_space<vmem>>, vector<2048x128xf32>
    %add3A_26 = arith.addf %div3A_22, %get3A_25 : vector<2048x128xf32>
    %max3A_27 = arith.constant 0.000000e+00 : f32
    %max3A_28 = vector.broadcast %max3A_27 : f32 to vector<2048x128xf32>
    %max3A_29 = arith.maximumf %add3A_26, %max3A_28 : vector<2048x128xf32>
    %swap3A = arith.constant 0 : index
    %swap3A_30 = arith.constant 0 : index
    %swap3A_31 = vector.load %arg6[%swap3A, %swap3A_30] : memref<2048x128xf32, #tpu.memory_space<vmem>>, vector<2048x128xf32>
    tpu.vector_store %arg6[%swap3A, %swap3A_30], %max3A_29 {strides = array<i32>} : memref<2048x128xf32, #tpu.memory_space<vmem>>, vector<2048x128xf32>,
    %get3A_32 = arith.constant 0 : index
    %get3A_33 = arith.constant 0 : index
    %get3A_34 = vector.load %arg4[%get3A_32, %get3A_33] : memref<128x64xf32, #tpu.memory_space<vmem>>, vector<128x64xf32>
    %dot_general3A = arith.constant dense<0.000000e+00> : vector<2048x64xf32>
    %dot_general3A_35 = tpu.matmul %max3A_29, %get3A_34, %dot_general3A {dimension_numbers = #tpu.dot_dimension_numbers<[1], [0], [0], [1], [0, 0, 1, 1], [], []>, transpose_lhs_hint = false} : vector<2048x128xf32>, vector<128x64xf32>, vector<2048x64xf32> -> vector<2048x64xf32>
    %get3A_36 = arith.constant 0 : index
    %get3A_37 = arith.constant 0 : index
    %get3A_38 = vector.load %arg5[%get3A_36, %get3A_37] : memref<1x64xf32, #tpu.memory_space<vmem>>, vector<1x64xf32>
    %add3A_39 = vector.broadcast %get3A_38 : vector<1x64xf32> to vector<2048x64xf32>
    %add3A_40 = arith.addf %dot_general3A_35, %add3A_39 : vector<2048x64xf32>
    %swap3A_41 = arith.constant 0 : index
    %swap3A_42 = arith.constant 0 : index
    %swap3A_43 = vector.load %arg7[%swap3A_41, %swap3A_42] : memref<2048x64xf32, #tpu.memory_space<vmem>>, vector<2048x64xf32>
    tpu.vector_store %arg7[%swap3A_41, %swap3A_42], %add3A_40 {strides = array<i32>} : memref<2048x64xf32, #tpu.memory_space<vmem>>, vector<2048x64xf32>,
    return
  }
  func.func @transform_0(%arg0: i32) -> (i32, i32, i32) {
    %c0_i32 = arith.constant 0 : i32
    %c0_i32_0 = arith.constant 0 : i32
    %c0_i32_1 = arith.constant 0 : i32
    return %c0_i32, %arg0, %c0_i32_0 : i32, i32, i32
  }
  func.func @transform_1(%arg0: i32) -> (i32, i32, i32) {
    %c0_i32 = arith.constant 0 : i32
    %c0_i32_0 = arith.constant 0 : i32
    %c0_i32_1 = arith.constant 0 : i32
    return %c0_i32, %arg0, %c0_i32_0 : i32, i32, i32
  }
  func.func @transform_2(%arg0: i32) -> (i32, i32) {
    %c0_i32 = arith.constant 0 : i32
    %c0_i32_0 = arith.constant 0 : i32
    return %arg0, %c0_i32 : i32, i32
  }
  func.func @transform_3(%arg0: i32) -> (i32, i32) {
    %c0_i32 = arith.constant 0 : i32
    %c0_i32_0 = arith.constant 0 : i32
    %c0_i32_1 = arith.constant 0 : i32
    return %c0_i32, %c0_i32_0 : i32, i32
  }
  func.func @transform_4(%arg0: i32) -> (i32, i32) {
    %c0_i32 = arith.constant 0 : i32
    %c0_i32_0 = arith.constant 0 : i32
    %c0_i32_1 = arith.constant 0 : i32
    return %c0_i32, %c0_i32_0 : i32, i32
  }
  func.func @transform_5(%arg0: i32) -> (i32, i32) {
    %c0_i32 = arith.constant 0 : i32
    %c0_i32_0 = arith.constant 0 : i32
    return %arg0, %c0_i32 : i32, i32
  }
  func.func @transform_6(%arg0: i32) -> (i32, i32) {
    %c0_i32 = arith.constant 0 : i32
    %c0_i32_0 = arith.constant 0 : i32
    return %arg0, %c0_i32 : i32, i32
  }
}

module attributes {stable_mosaic.version = 14 : i64} {
  func.func @body(%arg0: i32, %arg1: memref<2x2048x128xf32, #tpu.memory_space<vmem>>, %arg2: memref<2x2048x128xf32, #tpu.memory_space<vmem>>, %arg3: memref<2048x64xf32, #tpu.memory_space<vmem>>, %arg4: memref<128x64xf32, #tpu.memory_space<vmem>>, %arg5: memref<2048x64xf32, #tpu.memory_space<vmem>>) attributes {dimension_semantics = [#tpu.dimension_semantics<arbitrary>], iteration_bounds = array<i64: 5>, scalar_prefetch = 0 : i64, scratch_operands = 0 : i64, tpu.core_type = #tpu.core_type<tc>, window_params = [{transform_indices = @transform_0, window_bounds = array<i64: 2, 2048, 128>}, {transform_indices = @transform_1, window_bounds = array<i64: 2, 2048, 128>}, {transform_indices = @transform_2, window_bounds = array<i64: 2048, 64>}, {pipeline_mode = #tpu.pipeline_mode<synchronous>, transform_indices = @transform_3, window_bounds = array<i64: 128, 64>}, {transform_indices = @transform_4, window_bounds = array<i64: 2048, 64>}]} {
    %get3A = arith.constant 0 : index
    %get3A_0 = arith.constant 0 : index
    %get3A_1 = arith.constant 0 : index
    %get3A_2 = vector.load %arg2[%get3A, %get3A_0, %get3A_1] : memref<2x2048x128xf32, #tpu.memory_space<vmem>>, vector<1x2048x1xf32>
    %get3A_3 = vector.shape_cast %get3A_2 : vector<1x2048x1xf32> to vector<2048xf32>
    %get3A_4 = arith.constant 1 : index
    %get3A_5 = arith.constant 0 : index
    %get3A_6 = arith.constant 0 : index
    %get3A_7 = vector.load %arg2[%get3A_4, %get3A_5, %get3A_6] : memref<2x2048x128xf32, #tpu.memory_space<vmem>>, vector<1x2048x1xf32>
    %get3A_8 = vector.shape_cast %get3A_7 : vector<1x2048x1xf32> to vector<2048xf32>
    %add3A = arith.addf %get3A_3, %get3A_8 : vector<2048xf32>
    %max3A = arith.constant 1.000000e+00 : f32
    %max3A_9 = vector.broadcast %max3A : f32 to vector<2048xf32>
    %max3A_10 = arith.maximumf %add3A, %max3A_9 : vector<2048xf32>
    %get3A_11 = arith.constant 0 : index
    %get3A_12 = arith.constant 0 : index
    %get3A_13 = arith.constant 0 : index
    %get3A_14 = vector.load %arg1[%get3A_11, %get3A_12, %get3A_13] : memref<2x2048x128xf32, #tpu.memory_space<vmem>>, vector<1x2048x128xf32>
    %get3A_15 = vector.shape_cast %get3A_14 : vector<1x2048x128xf32> to vector<2048x128xf32>
    %get3A_16 = arith.constant 1 : index
    %get3A_17 = arith.constant 0 : index
    %get3A_18 = arith.constant 0 : index
    %get3A_19 = vector.load %arg1[%get3A_16, %get3A_17, %get3A_18] : memref<2x2048x128xf32, #tpu.memory_space<vmem>>, vector<1x2048x128xf32>
    %get3A_20 = vector.shape_cast %get3A_19 : vector<1x2048x128xf32> to vector<2048x128xf32>
    %add3A_21 = arith.addf %get3A_15, %get3A_20 : vector<2048x128xf32>
    %broadcast_in_dim3A = vector.shape_cast %max3A_10 : vector<2048xf32> to vector<2048x1xf32>
    %div3A = vector.broadcast %broadcast_in_dim3A : vector<2048x1xf32> to vector<2048x128xf32>
    %div3A_22 = arith.divf %add3A_21, %div3A : vector<2048x128xf32>
    %get3A_23 = arith.constant 0 : index
    %get3A_24 = arith.constant 0 : index
    %get3A_25 = vector.load %arg4[%get3A_23, %get3A_24] : memref<128x64xf32, #tpu.memory_space<vmem>>, vector<128x64xf32>
    %dot_general3A = arith.constant dense<0.000000e+00> : vector<2048x64xf32>
    %dot_general3A_26 = tpu.matmul %div3A_22, %get3A_25, %dot_general3A {dimension_numbers = #tpu.dot_dimension_numbers<[1], [0], [0], [1], [0, 0, 1, 1], [], []>, transpose_lhs_hint = false} : vector<2048x128xf32>, vector<128x64xf32>, vector<2048x64xf32> -> vector<2048x64xf32>
    %get3A_27 = arith.constant 0 : index
    %get3A_28 = arith.constant 0 : index
    %get3A_29 = vector.load %arg3[%get3A_27, %get3A_28] : memref<2048x64xf32, #tpu.memory_space<vmem>>, vector<2048x64xf32>
    %add3A_30 = arith.addf %dot_general3A_26, %get3A_29 : vector<2048x64xf32>
    %swap3A = arith.constant 0 : index
    %swap3A_31 = arith.constant 0 : index
    %swap3A_32 = vector.load %arg5[%swap3A, %swap3A_31] : memref<2048x64xf32, #tpu.memory_space<vmem>>, vector<2048x64xf32>
    tpu.vector_store %arg5[%swap3A, %swap3A_31], %add3A_30 {strides = array<i32>} : memref<2048x64xf32, #tpu.memory_space<vmem>>, vector<2048x64xf32>,
    return
  }
  func.func @transform_0(%arg0: i32) -> (i32, i32, i32) {
    %c0_i32 = arith.constant 0 : i32
    %c0_i32_0 = arith.constant 0 : i32
    %c0_i32_1 = arith.constant 0 : i32
    return %c0_i32, %arg0, %c0_i32_0 : i32, i32, i32
  }
  func.func @transform_1(%arg0: i32) -> (i32, i32, i32) {
    %c0_i32 = arith.constant 0 : i32
    %c0_i32_0 = arith.constant 0 : i32
    %c0_i32_1 = arith.constant 0 : i32
    return %c0_i32, %arg0, %c0_i32_0 : i32, i32, i32
  }
  func.func @transform_2(%arg0: i32) -> (i32, i32) {
    %c0_i32 = arith.constant 0 : i32
    %c0_i32_0 = arith.constant 0 : i32
    return %arg0, %c0_i32 : i32, i32
  }
  func.func @transform_3(%arg0: i32) -> (i32, i32) {
    %c0_i32 = arith.constant 0 : i32
    %c0_i32_0 = arith.constant 0 : i32
    %c0_i32_1 = arith.constant 0 : i32
    return %c0_i32, %c0_i32_0 : i32, i32
  }
  func.func @transform_4(%arg0: i32) -> (i32, i32) {
    %c0_i32 = arith.constant 0 : i32
    %c0_i32_0 = arith.constant 0 : i32
    return %arg0, %c0_i32 : i32, i32
  }
}

</mosaic_0001>

<sc_bundles>
// kernel: kernel.10.cloned.1.call-start
scs
__scs_entry_jumppad:
0x0: {  	(pc) =	sbr.rel $0x88, $3  }
0x1: {  	(tag) =	ssettag $0x0;
	lr =	simm.s32 $0x1  }
0x2: {  	[smem:$0x3F96] =	sst lr;
	_ =	strace $0xD0000000  }
0x3: {  	_ = 	snop  }
0x4: {  	_ = 	snop  }
0x5: {  	_ = 	snop  }
0x6: {  	_ = 	snop  }
0x7: {  	_ = 	snop  }
__scs_overlays_trampoline_lowered:
0x8: {  	[smem:$0x3FA5] =	sst s0  }
0x9: {  	[smem:$0x3FA6] =	sst s1  }
0xa: {  	[smem:$0x3FA7] =	sst s2  }
0xb: {  	[smem:$0x3FA8] =	sst s3  }
0xc: {  	[smem:$0x3FA9] =	sst s4  }
0xd: {  	[smem:$0x3FAA] =	sst s5  }
0xe: {  	[smem:$0x3FAB] =	sst s6  }
0xf: {  	[smem:$0x3FAC] =	sst s7  }
0x10: {  	[smem:$0x3FAD] =	sst s8  }
0x11: {  	[smem:$0x3FAE] =	sst s9;
	s0 =	simm.s32 @!p0 $0x0  }
0x12: {  	s1 =	sld [smem:$0x3F94];
	s0 =	simm.s32 @p0 $0x1  }
0x13: {  	[smem:$0x3FAF] =	sst s0;
	s0 =	simm.s32 @!p1 $0x0  }
0x14: {  	s2 =	sld [smem:$0x3F93];
	s0 =	simm.s32 @p1 $0x1  }
0x15: {  	[smem:$0x3FB0] =	sst s0;
	s0 =	simm.s32 @!p2 $0x0  }
0x16: {  	s3 =	sld [smem:$0x3FDB];
	s0 =	simm.s32 @p2 $0x1  }
0x17: {  	s4 =	simm.s32 $0x1BF5;
	[smem:$0x3FB2] =	sst s0  }
0x18: {  	s0 =	sld [smem:$0x3F95];
	_ =	swait.ge [sflag:s4], $0x0  }
0x19: {  	s7 =	sld [smem:$0x3F96]  }
0x1a: {  	s8 =	sadd.s32 $0xFFFFE003, lr  }
0x1b: {  	s9 =	sadd.s32 $0xFFFFFEF7, lr;
	s5 =	simm.s32 $0xFFFFFFFF;
	p2 =	slt.u32 s8, $0xFFFFF086  }
0x1c: {  	p1 =	slt.u32 s9, $0xF7A;
	s5 =	simm.s32 @!p2 $0x0  }
0x1d: {  	s5 =	simm.s32 @p1 $0x1;
	p0 =	seq.s32 s7, s2  }
0x1e: {  	s7 =	smul.u32 @!p0 $0xF7A, s2;
	p2 =	seq.s32 @!p0 s5, $0x0  }
0x1f: {  	s9 =	smul.u32 $0xF7A, s1;
	s8 =	simm.s32 @!p0 $0x1BF5;
	p2 =	por !p2, p0  }
0x20: {  	[sflag:s8] =	ssyncset.s32 @!p0 $0xFFFFF086;
	s6 =	sadd.s32 @!p0 s3, s7;
	s7 =	simm.s32 @!p0 $0x108  }
0x21: {  	s3 =	sadd.s32 s3, s9;
	s6 =	sadd.s32 @!p0 $0x88, s6;
	s7 =	simm.s32 @p2 $0x1082  }
0x22: {  	[simem:s7], [sflag:s8] =	dma.local @!p0 [hbm:s6], $0xF7A  }
0x23: {  	s9 =	sor.u32 $0xD0000000, s2;
	s6 =	simm.s32 $0x108;
	_ =	swait.ge @!p0 [sflag:s8], $0x0  }
0x24: {  	s3 =	sadd.s32 $0x88, s3;
	s6 =	simm.s32 @!p1 $0x1082;
	[sflag:s4] =	ssyncset.s32 $0xFFFFF086  }
0x25: {  	[simem:s6], [sflag:s4] =	dma.local [hbm:s3], $0xF7A  }
0x26: {  	[smem:$0x3F96] =	sst s1;
	(tag) =	ssettag s2;
	_ =	strace s9  }
0x27: {  	s1 =	sld [smem:$0x3FA6]  }
0x28: {  	s2 =	sld [smem:$0x3FA7]  }
0x29: {  	s4 =	sld [smem:$0x3FA9]  }
0x2a: {  	p0 =	seq.s32 s5, $0x0;
	s5 =	sld [smem:$0x3FAA]  }
0x2b: {  	s6 =	sld [smem:$0x3FAB]  }
0x2c: {  	s7 =	sld [smem:$0x3FAC]  }
0x2d: {  	s3 =	simm.s32 $0x108;
	s8 =	sld [smem:$0x3FAD]  }
0x2e: {  	s3 =	simm.s32 @!p0 $0x1082;
	s9 =	sld [smem:$0x3FAE]  }
0x2f: {  	lr =	sadd.s32 s0, s3;
	s0 =	sld [smem:$0x3FA5]  }
0x30: {  	s3 =	sld [smem:$0x3FA8]  }
0x31: {  	[smem:$0x3FB1] =	sst s10  }
0x32: {  	s10 =	sld [smem:$0x3FAF];
	_ =	sdelay $0x3  }
0x33: {  	p0 =	seq.s32 s10, $0x1;
	s10 =	sld [smem:$0x3FB1];
	_ =	sdelay $0x3  }
0x34: {  	[smem:$0x3FB1] =	sst s10  }
0x35: {  	s10 =	sld [smem:$0x3FB0];
	_ =	sdelay $0x3  }
0x36: {  	p1 =	seq.s32 s10, $0x1;
	s10 =	sld [smem:$0x3FB1];
	_ =	sdelay $0x3  }
0x37: {  	[smem:$0x3FB1] =	sst s10  }
0x38: {  	s10 =	sld [smem:$0x3FB2]  }
0x39: {  	_ = 	snop;
	(pc) =	sbr.ind lr, $3  }
0x3a: {  	_ = 	snop  }
0x3b: {  	_ = 	snop  }
0x3c: {  	p2 =	seq.s32 s10, $0x1;
	s10 =	sld [smem:$0x3FB1]  }
0x3d: {  	_ =	shalt  }
0x3e: {  	_ =	shalt  }
0x3f: {  	_ =	shalt  }
0x40: {  	_ =	shalt  }
0x41: {  	_ =	shalt  }
0x42: {  	_ =	shalt  }
0x43: {  	_ =	shalt  }
0x44: {  	_ =	shalt  }
0x45: {  	_ =	shalt  }
0x46: {  	_ =	shalt  }
0x47: {  	_ =	shalt  }
0x48: {  	_ =	shalt  }
0x49: {  	_ =	shalt  }
0x4a: {  	_ =	shalt  }
0x4b: {  	_ =	shalt  }
0x4c: {  	_ =	shalt  }
0x4d: {  	_ =	shalt  }
0x4e: {  	_ =	shalt  }
0x4f: {  	_ =	shalt  }
0x50: {  	_ =	shalt  }
0x51: {  	_ =	shalt  }
0x52: {  	_ =	shalt  }
0x53: {  	_ =	shalt  }
0x54: {  	_ =	shalt  }
0x55: {  	_ =	shalt  }
0x56: {  	_ =	shalt  }
0x57: {  	_ =	shalt  }
0x58: {  	_ =	shalt  }
0x59: {  	_ =	shalt  }
0x5a: {  	_ =	shalt  }
0x5b: {  	_ =	shalt  }
0x5c: {  	_ =	shalt  }
0x5d: {  	_ =	shalt  }
0x5e: {  	_ =	shalt  }
0x5f: {  	_ =	shalt  }
0x60: {  	_ =	shalt  }
0x61: {  	_ =	shalt  }
0x62: {  	_ =	shalt  }
0x63: {  	_ =	shalt  }
0x64: {  	_ =	shalt  }
0x65: {  	_ =	shalt  }
0x66: {  	_ =	shalt  }
0x67: {  	_ =	shalt  }
0x68: {  	_ =	shalt  }
0x69: {  	_ =	shalt  }
0x6a: {  	_ =	shalt  }
0x6b: {  	_ =	shalt  }
0x6c: {  	_ =	shalt  }
0x6d: {  	_ =	shalt  }
0x6e: {  	_ =	shalt  }
0x6f: {  	_ =	shalt  }
0x70: {  	_ =	shalt  }
0x71: {  	_ =	shalt  }
0x72: {  	_ =	shalt  }
0x73: {  	_ =	shalt  }
0x74: {  	_ =	shalt  }
0x75: {  	_ =	shalt  }
0x76: {  	_ =	shalt  }
0x77: {  	_ =	shalt  }
0x78: {  	_ =	shalt  }
0x79: {  	_ =	shalt  }
0x7a: {  	_ =	shalt  }
0x7b: {  	_ =	shalt  }
0x7c: {  	_ =	shalt  }
0x7d: {  	_ =	shalt  }
0x7e: {  	_ =	shalt  }
0x7f: {  	_ =	shalt  }
0x80: {  	_ =	shalt  }
0x81: {  	_ =	shalt  }
0x82: {  	_ =	shalt  }
0x83: {  	_ =	shalt  }
0x84: {  	_ =	shalt  }
0x85: {  	_ =	shalt  }
0x86: {  	_ =	shalt  }
0x87: {  	_ =	shalt  }
.Lfunc_end0:
.L_simem_size_0:
called_computation_lowered:
.L_overlay_start_0:
0x88: {  	s2 =	sld [smem:$0x3FD9]  }
0x89: {  	s3 =	sld [smem:$0x3FFE];
	_ =	sdelay $0x1  }
0x8a: {  	s1 =	srdreg.scid  }
0x8b: {  	s0 =	sand.u32 $0x1, s1  }
0x8c: {  	s17 =	sshll.u32 s0, $0xA;
	s2 =	sadd.s32 s3, s2  }
0x8d: {  	s2 =	sadd.s32 s2, s17  }
0x8e: {  	[smem:$0x3FBD] =	sst s2  }
0x8f: {  	_ = 	snop  }
0x90: {  	(tm) =	ssettm $0x1  }
0x91: {  	s18 =	sld [smem:$0x3FFB];
	_ =	sdelay $0x3  }
0x92: {  	_ =	strace s18  }
0x93: {  	s2 =	sld [smem:$0x3FFC];
	_ =	sdelay $0x3  }
0x94: {  	_ =	strace s2  }
0x95: {  	s2 =	sld [smem:$0x3FFD];
	_ =	sdelay $0x3  }
0x96: {  	_ =	strace s2  }
0x97: {  	_ =	strace $0x8FFFFFFF  }
0x98: {  	s19 =	sld [smem:$0x3FDB];
	_ =	sdelay $0x1  }
0x99: {  	s20 =	simm.s32 $_scs_section_size  }
0x9a: {  	s4 =	simm.s32 $_size__tile_overlayer_lowered;
	s5 =	simm.s32 $_tile_overlayer_lowered  }
0x9b: {  	s6 =	simm.s32 $0x1BFF;
	s21 =	sshll.u32 s5, $0x1;
	s3 =	sadd.s32 s20, s19  }
0x9c: {  	s22 =	simm.s32 $0x0;
	s4 =	sshll.u32 s4, $0x1;
	s5 =	sadd.s32 s21, s3  }
0x9d: {  	[timem:s22], [sflag:s6] =	dma.local [hbm:s5], s4  }
0x9e: {  	_ =	swait.ge [sflag:s6], s4  }
0x9f: {  	s4 =	ssub.s32 $0x0, s4;
	[sflag:s6] =	ssyncset.done $0x0  }
0xa0: {  	[sflag:s6] =	ssyncadd.s32 s4;
	_ =	sdelay $0x1  }
0xa1: {  	s23 =	simm.s32 $0x1B8B  }
0xa2: {  	_ =	swait.ge [sflag:s23], $0x1  }
0xa3: {  	[sflag:s23] =	ssyncset.done $0x0  }
0xa4: {  	[sflag:s23] =	ssyncadd.s32 $0xFFFFFFFF  }
0xa5: {  	s4 =	sld [smem:$0x0]  }
0xa6: {  	s5 =	sand.u32 $0xFFFFFFFE, s1  }
0xa7: {  	p0 =	sne.s32 s1, s5  }
0xa8: {  	s5 =	sshll.u32 @p0 s5, $0xE  }
0xa9: {  	s5 =	sadd.s32 @p0 $0x11B8D, s5;
	s6 =	sshll.u32 @p0 s4, $0x11  }
0xaa: {  	s5 =	sor.u32 @p0 s6, s5  }
0xab: {  	[sflag:s5] =	ssyncadd.remote.s32 @p0 $0x1;
	_ =	sdelay $0x1  }
0xac: {  	s5 =	simm.s32 @p0 $0x1B8D  }
0xad: {  	_ =	swait.eq @p0 [sflag:s5], $0x1  }
0xae: {  	[sflag:s5] =	ssyncadd.s32 @p0 $0xFFFFFFFF  }
0xaf: {  	s6 =	sshll.u32 @!p0 s1, $0xE  }
0xb0: {  	s6 =	sor.u32 @!p0 $0x4000, s6;
	s5 =	simm.s32 @!p0 $0x1B8D  }
0xb1: {  	s4 =	sshll.u32 @!p0 s4, $0x11;
	s6 =	sadd.s32 @!p0 $0x11B8D, s6;
	_ =	swait.eq @!p0 [sflag:s5], $0x1  }
0xb2: {  	s4 =	sor.u32 @!p0 s4, s6;
	[sflag:s5] =	ssyncadd.s32 @!p0 $0xFFFFFFFF  }
0xb3: {  	s25 =	simm.s32 $0x1B8E;
	s24 =	sld [smem:$0x3FFE];
	[sflag:s4] =	ssyncadd.remote.s32 @!p0 $0x1  }
0xb4: {  	s26 =	simm.s32 $execute0_lowered;
	[smem:$0x3FD2] =	sst s25  }
0xb5: {  	s5 =	sshll.u32 s26, $0x1;
	_ =	strace $0x80000049;
	[dreg:$0x1] =	wrdreg $0xFFFFFFFF  }
0xb6: {  	s28 =	simm.s32 $_size_execute0_lowered;
	s3 =	sadd.s32 s3, s5;
	[dreg:$0x0] =	wrdreg $0x0  }
0xb7: {  	s5 =	sshll.u32 s28, $0x1;
	[dreg:$0x2] =	wrdreg s3  }
0xb8: {  	[dreg:$0x3] =	wrdreg s5  }
0xb9: {  	[dreg:$0x4] =	wrdreg $0xC0  }
0xba: {  	_ =	task [dreg:s22], $0x5FFFF  }
0xbb: {  	[dreg:$0x1] =	wrdreg $0xFFFFFFFF  }
0xbc: {  	[dreg:$0x0] =	wrdreg $0x60  }
0xbd: {  	[dreg:$0x2] =	wrdreg s24  }
0xbe: {  	[dreg:$0x3] =	wrdreg $0x78000  }
0xbf: {  	[dreg:$0x4] =	wrdreg $0x9  }
0xc0: {  	_ =	task.clear_ibuf [dreg:s22], $0x5FFFF;
	_ =	strace $0x90000049  }
0xc1: {  	s29 =	simm.s32 $0x9;
	_ =	strace $0x8000004B  }
0xc2: {  	_ =	swait.ge [sflag:s29], $0x1  }
0xc3: {  	[sflag:s29] =	ssyncadd.s32 $0xFFFFFFFF  }
0xc4: {  	_ =	strace $0x9000004B  }
0xc5: {  	_ =	sfence  }
0xc6: {  	s30 =	sld [smem:$0x0];
	_ =	sdelay $0x2  }
0xc7: {  	s31 =	sshll.u32 s1, $0xD;
	s1 =	sshrl.u32 s1, $0x2  }
0xc8: {  	s4 =	sand.u32 $0x4000, s31;
	s1 =	sadd.s32 s1, s30  }
0xc9: {  	s0 =	sor.u32 s4, s0;
	s1 =	sshll.u32 s1, $0x11  }
0xca: {  	s0 =	sor.u32 s1, s0  }
0xcb: {  	s0 =	sadd.s32 $0x8F2B, s0  }
0xcc: {  	[sflag:s0] =	ssyncadd.remote.s32 $0x1  }
0xcd: {  	_ =	sfence.sel $0xFFFF  }
0xce: {  	[dreg:$0x0] =	wrdreg $0xFFFFFFFF;
	(pc) =	sbr.abs _section_cstart, $3  }
0xcf: {  	[dreg:$0x1] =	wrdreg $0xFFFFFFFF  }
0xd0: {  	_ =	task.clear_ibuf [dreg:s22], $0x2FFFF;
	_ =	strace $0x9FFFFFFF  }
0xd1: {  	(tm) =	ssettm $0x7FFFFFFF  }
tec
execute0_lowered:
.L_overlay_start_1:
0x0: {  	(tag) =	ssettag $0x1  }
0x1: {  	s0 =	srdreg.scid;
	s3 =	rddreg [dreg:$0x0]  }
0x2: {  	s6 =	stileid.u32;
	s2 =	rddreg [dreg:$0x1];
	s5 =	simm.s32 $0x0  }
0x3: {  	s28 =	simm.s32 $0x1;
	s29 =	simm.s32 $0x6800;
	s30 =	simm.s32 $0x80  }
0x4: {  	s31 =	simm.s32 $0x2800;
	s0 =	sand.u32 $0x1, s0;
	s25 =	smul.u32 $0x14000, s6  }
0x5: {  	s1 =	sshll.u32 s6, $0x1;
	[smem:$0x7FF] =	sst s5;
	s6 =	smul.u32 $0x50000, s6  }
0x6: {  	s1 =	sor.u32 s0, s1;
	s4 =	smul.u32 $0x140000, s0;
	s0 =	ssub.s32 $0x2, s0  }
0x7: {  	_ =	strace $0x8000004A;
	s1 =	smul.u32 $0x500, s1;
	s26 =	sshrl.u32 s0, $0x1  }
0x8: {  	s6 =	sshrl.u32 s6, $0x2;
	s4 =	sadd.s32 s25, s4;
	s0 =	ssub.s32 s0, s26  }
0x9: {  	s1 =	sadd.s32 s1, s3;
	s4 =	sshrl.u32 s4, $0x3;
	s25 =	smax.u32 s0, $0x1  }
0xa: {  	s3 =	sadd.s32 s4, s3;
	s4 =	sadd.s32 s6, s2;
	s5 =	sadd.s32 $0x3000, s1  }
0xb: {  	s1 =	simm.s32 $0x0;
	s6 =	sadd.s32 $0x1000, s4;
	s7 =	sadd.s32 $0x2000, s4  }
0xc: {  	s8 =	sadd.s32 $0x3000, s4;
	s9 =	sadd.s32 $0x4000, s4;
	s10 =	sadd.s32 $0x5000, s4  }
0xd: {  	s11 =	sadd.s32 $0x6000, s4;
	s12 =	sadd.s32 $0x7000, s4;
	s13 =	sadd.s32 $0x8000, s4  }
0xe: {  	s14 =	sadd.s32 $0x9000, s4;
	s15 =	sadd.s32 $0xA000, s4;
	s16 =	sadd.s32 $0xB000, s4  }
0xf: {  	s17 =	sadd.s32 $0xC000, s4;
	s18 =	sadd.s32 $0xD000, s4;
	s19 =	sadd.s32 $0xE000, s4  }
0x10: {  	s20 =	sadd.s32 $0xF000, s4;
	s21 =	sadd.s32 $0x10000, s4;
	s22 =	sadd.s32 $0x11000, s4  }
0x11: {  	v0 =	vimm.f32 $0.0e+00;
	v1 =	vimm.f32 $1.000000000e+00;
	s23 =	sadd.s32 $0x12000, s4;
	s24 =	sadd.s32 $0x85000, s3;
	s26 =	sadd.s32 $0x13000, s4  }
.LBB2_1:
0x12: {  	s0 =	simm.s32 $0x0  }
0x13: {  	[tilespmem:s0], [sflag:$0x1] =	stream.linear.gather [hbm4b:s5+s0], $0x2780, $0x38;
	[tilespmem:$0x1B800] =	vst v63  }
0x14: {  	_ =	swait.ge [sflag:s28], $0x2780  }
0x15: {  	[sflag:s28] =	ssyncset.done $0x0  }
0x16: {  	s3 =	simm.s32 $0x0;
	s0 =	simm.s32 $0x200;
	[sflag:s28] =	ssyncadd.s32 $0xFFFFD880  }
.LBB2_2:
0x17: {  	p0 =	sne.s32 s0, $0x3E00;
	[tilespmem:s3+$0x5870] =	vst v1  }
0x18: {  	[tilespmem:s3+$0x6800] =	vst v0  }
0x19: {  	[tilespmem:s3+$0x6810] =	vst v0  }
0x1a: {  	[tilespmem:s3+$0x6820] =	vst v0  }
0x1b: {  	[tilespmem:s3+$0x6830] =	vst v0  }
0x1c: {  	[tilespmem:s3+$0x6840] =	vst v0  }
0x1d: {  	[tilespmem:s3+$0x6850] =	vst v0  }
0x1e: {  	[tilespmem:s3+$0x6860] =	vst v0  }
0x1f: {  	[tilespmem:s3+$0x6870] =	vst v0  }
0x20: {  	[tilespmem:s3+$0x2800] =	vst v1  }
0x21: {  	[tilespmem:s3+$0x2810] =	vst v1  }
0x22: {  	[tilespmem:s3+$0x2820] =	vst v1  }
0x23: {  	[tilespmem:s3+$0x2830] =	vst v1  }
0x24: {  	[tilespmem:s3+$0x2840] =	vst v1  }
0x25: {  	[tilespmem:s3+$0x2850] =	vst v1  }
0x26: {  	[tilespmem:s3+$0x2860] =	vst v1  }
0x27: {  	[tilespmem:s3+$0x2870] =	vst v1  }
0x28: {  	[tilespmem:s3+$0x3800] =	vst v1  }
0x29: {  	[tilespmem:s3+$0x3810] =	vst v1  }
0x2a: {  	[tilespmem:s3+$0x3820] =	vst v1  }
0x2b: {  	[tilespmem:s3+$0x3830] =	vst v1  }
0x2c: {  	[tilespmem:s3+$0x3840] =	vst v1  }
0x2d: {  	[tilespmem:s3+$0x3850] =	vst v1  }
0x2e: {  	[tilespmem:s3+$0x3860] =	vst v1  }
0x2f: {  	[tilespmem:s3+$0x3870] =	vst v1  }
0x30: {  	[tilespmem:s3+$0x4800] =	vst v1  }
0x31: {  	[tilespmem:s3+$0x4810] =	vst v1  }
0x32: {  	[tilespmem:s3+$0x4820] =	vst v1  }
0x33: {  	[tilespmem:s3+$0x4830] =	vst v1  }
0x34: {  	[tilespmem:s3+$0x4840] =	vst v1  }
0x35: {  	[tilespmem:s3+$0x4850] =	vst v1  }
0x36: {  	[tilespmem:s3+$0x4860] =	vst v1  }
0x37: {  	[tilespmem:s3+$0x4870] =	vst v1  }
0x38: {  	[tilespmem:s3+$0x5800] =	vst v1  }
0x39: {  	[tilespmem:s3+$0x5810] =	vst v1  }
.Ltmp0:
0x3a: {  	[tilespmem:s3+$0x5820] =	vst v1;
	(pc) =	sbr.rel @p0 .LBB2_2-.Ltmp0, $4  }
0x3b: {  	[tilespmem:s3+$0x5830] =	vst v1  }
0x3c: {  	[tilespmem:s3+$0x5840] =	vst v1  }
0x3d: {  	[tilespmem:s3+$0x5850] =	vst v1  }
0x3e: {  	[tilespmem:s3+$0x5860] =	vst v1;
	s3 =	sshra.s32 s0, $0x2;
	s0 =	sadd.s32 $0x200, s0  }
0x3f: {  	[tilespmem:s3+$0x5870] =	vst v1  }
0x40: {  	[tilespmem:s3+$0x6800] =	vst v0  }
0x41: {  	[tilespmem:s3+$0x6810] =	vst v0  }
0x42: {  	[tilespmem:s3+$0x6820] =	vst v0  }
0x43: {  	[tilespmem:s3+$0x6830] =	vst v0  }
0x44: {  	[tilespmem:s3+$0x6840] =	vst v0  }
0x45: {  	[tilespmem:s3+$0x6850] =	vst v0  }
0x46: {  	[tilespmem:s3+$0x6860] =	vst v0  }
0x47: {  	[tilespmem:s3+$0x6870] =	vst v0  }
0x48: {  	[tilespmem:s3+$0x2800] =	vst v1  }
0x49: {  	[tilespmem:s3+$0x2810] =	vst v1  }
0x4a: {  	[tilespmem:s3+$0x2820] =	vst v1  }
0x4b: {  	[tilespmem:s3+$0x2830] =	vst v1  }
0x4c: {  	[tilespmem:s3+$0x2840] =	vst v1  }
0x4d: {  	[tilespmem:s3+$0x2850] =	vst v1  }
0x4e: {  	[tilespmem:s3+$0x2860] =	vst v1  }
0x4f: {  	[tilespmem:s3+$0x2870] =	vst v1  }
0x50: {  	[tilespmem:s3+$0x3800] =	vst v1  }
0x51: {  	[tilespmem:s3+$0x3810] =	vst v1  }
0x52: {  	[tilespmem:s3+$0x3820] =	vst v1  }
0x53: {  	[tilespmem:s3+$0x3830] =	vst v1  }
0x54: {  	[tilespmem:s3+$0x3840] =	vst v1  }
0x55: {  	[tilespmem:s3+$0x3850] =	vst v1  }
0x56: {  	[tilespmem:s3+$0x3860] =	vst v1  }
0x57: {  	[tilespmem:s3+$0x3870] =	vst v1  }
0x58: {  	[tilespmem:s3+$0x4800] =	vst v1  }
0x59: {  	[tilespmem:s3+$0x4810] =	vst v1  }
0x5a: {  	[tilespmem:s3+$0x4820] =	vst v1  }
0x5b: {  	[tilespmem:s3+$0x4830] =	vst v1  }
0x5c: {  	[tilespmem:s3+$0x4840] =	vst v1  }
0x5d: {  	[tilespmem:s3+$0x4850] =	vst v1  }
0x5e: {  	[tilespmem:s3+$0x4860] =	vst v1  }
0x5f: {  	[tilespmem:s3+$0x4870] =	vst v1  }
0x60: {  	[tilespmem:s3+$0x5800] =	vst v1  }
0x61: {  	[tilespmem:s3+$0x5810] =	vst v1  }
0x62: {  	[tilespmem:s3+$0x5820] =	vst v1  }
0x63: {  	[tilespmem:s3+$0x5830] =	vst v1  }
0x64: {  	[tilespmem:s3+$0x5840] =	vst v1  }
0x65: {  	[tilespmem:s3+$0x5850] =	vst v1  }
0x66: {  	[tilespmem:s3+$0x5860] =	vst v1  }
0x67: {  	[spmem:s4] =	stream.linear.scatter [tilespmem:s29], [sflag:$0x1], $0x1000, $0x38;
	[tilespmem:$0x1B800] =	vst v63  }
0x68: {  	_ =	swait.ge [sflag:s28], $0x1000  }
0x69: {  	[sflag:s28] =	ssyncset.done $0x0  }
0x6a: {  	[sflag:s28] =	ssyncadd.s32 $0xFFFFF000  }
0x6b: {  	[spmem:s6] =	stream.linear.scatter [tilespmem:s29], [sflag:$0x1], $0x1000, $0x38;
	[tilespmem:$0x1B800] =	vst v63  }
0x6c: {  	_ =	swait.ge [sflag:s28], $0x1000  }
0x6d: {  	[sflag:s28] =	ssyncset.done $0x0  }
0x6e: {  	[sflag:s28] =	ssyncadd.s32 $0xFFFFF000  }
0x6f: {  	[spmem:s7] =	stream.linear.scatter [tilespmem:s29], [sflag:$0x1], $0x1000, $0x38;
	[tilespmem:$0x1B800] =	vst v63  }
0x70: {  	_ =	swait.ge [sflag:s28], $0x1000  }
0x71: {  	[sflag:s28] =	ssyncset.done $0x0  }
0x72: {  	[sflag:s28] =	ssyncadd.s32 $0xFFFFF000  }
0x73: {  	[spmem:s8] =	stream.linear.scatter [tilespmem:s29], [sflag:$0x1], $0x1000, $0x38;
	[tilespmem:$0x1B800] =	vst v63  }
0x74: {  	_ =	swait.ge [sflag:s28], $0x1000  }
0x75: {  	[sflag:s28] =	ssyncset.done $0x0  }
0x76: {  	[sflag:s28] =	ssyncadd.s32 $0xFFFFF000  }
0x77: {  	[spmem:s9] =	stream.linear.scatter [tilespmem:s29], [sflag:$0x1], $0x1000, $0x38;
	[tilespmem:$0x1B800] =	vst v63  }
0x78: {  	_ =	swait.ge [sflag:s28], $0x1000  }
0x79: {  	[sflag:s28] =	ssyncset.done $0x0  }
0x7a: {  	[sflag:s28] =	ssyncadd.s32 $0xFFFFF000  }
0x7b: {  	[spmem:s10] =	stream.linear.scatter [tilespmem:s29], [sflag:$0x1], $0x1000, $0x38;
	[tilespmem:$0x1B800] =	vst v63  }
0x7c: {  	_ =	swait.ge [sflag:s28], $0x1000  }
0x7d: {  	[sflag:s28] =	ssyncset.done $0x0  }
0x7e: {  	[sflag:s28] =	ssyncadd.s32 $0xFFFFF000  }
0x7f: {  	[spmem:s11] =	stream.linear.scatter [tilespmem:s29], [sflag:$0x1], $0x1000, $0x38;
	[tilespmem:$0x1B800] =	vst v63  }
0x80: {  	_ =	swait.ge [sflag:s28], $0x1000  }
0x81: {  	[sflag:s28] =	ssyncset.done $0x0  }
0x82: {  	[sflag:s28] =	ssyncadd.s32 $0xFFFFF000  }
0x83: {  	[spmem:s12] =	stream.linear.scatter [tilespmem:s29], [sflag:$0x1], $0x1000, $0x38;
	[tilespmem:$0x1B800] =	vst v63  }
0x84: {  	_ =	swait.ge [sflag:s28], $0x1000  }
0x85: {  	[sflag:s28] =	ssyncset.done $0x0  }
0x86: {  	[sflag:s28] =	ssyncadd.s32 $0xFFFFF000  }
0x87: {  	[spmem:s13] =	stream.linear.scatter [tilespmem:s29], [sflag:$0x1], $0x1000, $0x38;
	[tilespmem:$0x1B800] =	vst v63  }
0x88: {  	_ =	swait.ge [sflag:s28], $0x1000  }
0x89: {  	[sflag:s28] =	ssyncset.done $0x0  }
0x8a: {  	[sflag:s28] =	ssyncadd.s32 $0xFFFFF000  }
0x8b: {  	[spmem:s14] =	stream.linear.scatter [tilespmem:s29], [sflag:$0x1], $0x1000, $0x38;
	[tilespmem:$0x1B800] =	vst v63  }
0x8c: {  	_ =	swait.ge [sflag:s28], $0x1000  }
0x8d: {  	[sflag:s28] =	ssyncset.done $0x0  }
0x8e: {  	[sflag:s28] =	ssyncadd.s32 $0xFFFFF000  }
0x8f: {  	[spmem:s15] =	stream.linear.scatter [tilespmem:s29], [sflag:$0x1], $0x1000, $0x38;
	[tilespmem:$0x1B800] =	vst v63  }
0x90: {  	_ =	swait.ge [sflag:s28], $0x1000  }
0x91: {  	[sflag:s28] =	ssyncset.done $0x0  }
0x92: {  	[sflag:s28] =	ssyncadd.s32 $0xFFFFF000  }
0x93: {  	[spmem:s16] =	stream.linear.scatter [tilespmem:s29], [sflag:$0x1], $0x1000, $0x38;
	[tilespmem:$0x1B800] =	vst v63  }
0x94: {  	_ =	swait.ge [sflag:s28], $0x1000  }
0x95: {  	[sflag:s28] =	ssyncset.done $0x0  }
0x96: {  	[sflag:s28] =	ssyncadd.s32 $0xFFFFF000  }
0x97: {  	[spmem:s17] =	stream.linear.scatter [tilespmem:s29], [sflag:$0x1], $0x1000, $0x38;
	[tilespmem:$0x1B800] =	vst v63  }
0x98: {  	_ =	swait.ge [sflag:s28], $0x1000  }
0x99: {  	[sflag:s28] =	ssyncset.done $0x0  }
0x9a: {  	[sflag:s28] =	ssyncadd.s32 $0xFFFFF000  }
0x9b: {  	[spmem:s18] =	stream.linear.scatter [tilespmem:s29], [sflag:$0x1], $0x1000, $0x38;
	[tilespmem:$0x1B800] =	vst v63  }
0x9c: {  	_ =	swait.ge [sflag:s28], $0x1000  }
0x9d: {  	[sflag:s28] =	ssyncset.done $0x0  }
0x9e: {  	[sflag:s28] =	ssyncadd.s32 $0xFFFFF000  }
0x9f: {  	[spmem:s19] =	stream.linear.scatter [tilespmem:s29], [sflag:$0x1], $0x1000, $0x38;
	[tilespmem:$0x1B800] =	vst v63  }
0xa0: {  	_ =	swait.ge [sflag:s28], $0x1000  }
0xa1: {  	[sflag:s28] =	ssyncset.done $0x0  }
0xa2: {  	[sflag:s28] =	ssyncadd.s32 $0xFFFFF000  }
0xa3: {  	[spmem:s20] =	stream.linear.scatter [tilespmem:s29], [sflag:$0x1], $0x1000, $0x38;
	[tilespmem:$0x1B800] =	vst v63  }
0xa4: {  	_ =	swait.ge [sflag:s28], $0x1000  }
0xa5: {  	[sflag:s28] =	ssyncset.done $0x0  }
0xa6: {  	[sflag:s28] =	ssyncadd.s32 $0xFFFFF000  }
0xa7: {  	[spmem:s21] =	stream.linear.scatter [tilespmem:s29], [sflag:$0x1], $0x1000, $0x38;
	[tilespmem:$0x1B800] =	vst v63  }
0xa8: {  	_ =	swait.ge [sflag:s28], $0x1000  }
0xa9: {  	[sflag:s28] =	ssyncset.done $0x0  }
0xaa: {  	[sflag:s28] =	ssyncadd.s32 $0xFFFFF000  }
0xab: {  	[spmem:s22] =	stream.linear.scatter [tilespmem:s29], [sflag:$0x1], $0x1000, $0x38;
	[tilespmem:$0x1B800] =	vst v63  }
0xac: {  	_ =	swait.ge [sflag:s28], $0x1000  }
0xad: {  	[sflag:s28] =	ssyncset.done $0x0  }
0xae: {  	[sflag:s28] =	ssyncadd.s32 $0xFFFFF000  }
0xaf: {  	[spmem:s23] =	stream.linear.scatter [tilespmem:s29], [sflag:$0x1], $0x1000, $0x38;
	[tilespmem:$0x1B800] =	vst v63  }
0xb0: {  	_ =	swait.ge [sflag:s28], $0x1000  }
0xb1: {  	[sflag:s28] =	ssyncset.done $0x0  }
0xb2: {  	[sflag:s28] =	ssyncadd.s32 $0xFFFFF000  }
0xb3: {  	[spmem:s26] =	stream.linear.scatter [tilespmem:s29], [sflag:$0x1], $0x1000, $0x38;
	[tilespmem:$0x1B800] =	vst v63  }
0xb4: {  	_ =	swait.ge [sflag:s28], $0x1000  }
0xb5: {  	[sflag:s28] =	ssyncset.done $0x0  }
0xb6: {  	[sflag:s28] =	ssyncadd.s32 $0xFFFFF000  }
0xb7: {  	s0 =	simm.s32 $0x0;
	[bflag:$0x0] =	sbarrier.arrive $0xFFFF  }
0xb8: {  	[spmem:s2] =	stream.indirect.scatter.add.f32 [tilespmem:s31], [sflag:$0x1], $0x80, s0, s30, $0xb8;
	[tilespmem:$0x1B800] =	vst v63  }
0xb9: {  	_ =	swait.ge [sflag:s28], $0x4000  }
0xba: {  	s0 =	simm.s32 $0x200;
	[sflag:s28] =	ssyncset.done $0x0  }
.LBB2_4:
0xbb: {  	s3 =	sshra.s32 s0, $0x2;
	[sflag:s28] =	ssyncadd.s32 $0xFFFFC000;
	p0 =	sne.s32 s0, $0x9C00  }
0xbc: {  	[spmem:s2] =	stream.indirect.scatter.add.f32 [tilespmem:s31], [sflag:$0x1], $0x80, s3, s30, $0xb8;
	[tilespmem:$0x1B800] =	vst v63  }
.Ltmp1:
0xbd: {  	_ = 	snop;
	(pc) =	sbr.rel @p0 .LBB2_4-.Ltmp1, $4  }
0xbe: {  	_ = 	snop  }
0xbf: {  	s0 =	sadd.s32 $0x200, s0  }
0xc0: {  	_ =	swait.ge [sflag:s28], $0x4000  }
0xc1: {  	[sflag:s28] =	ssyncset.done $0x0  }
0xc2: {  	[sflag:s28] =	ssyncadd.s32 $0xFFFFC000;
	s0 =	stileid.u32;
	s1 =	sadd.s32 $0x1, s1  }
0xc3: {  	s3 =	sshrl.u32 s4, $0x3;
	s0 =	sshll.u32 s0, $0x6;
	p0 =	sne.s32 s1, s25  }
.Ltmp2:
0xc4: {  	[bflag:$0x0] =	sbarrier.arrive $0xFFFF;
	s0 =	sor.u32 $0x1C01, s0;
	(pc) =	sbr.rel @p0 .LBB2_1-.Ltmp2, $4  }
0xc5: {  	[hbm:s24], [sflag:s0] =	dma.local [spmem:s3], $0x2800  }
0xc6: {  	_ =	swait.ge [sflag:s28], $0x2800  }
0xc7: {  	[sflag:s28] =	ssyncset.done $0x0  }
0xc8: {  	[sflag:s28] =	ssyncadd.s32 $0xFFFFD800  }
0xc9: {  	_ =	sfence.sel $0x180000  }
0xca: {  	[bflag:$0x0] =	sbarrier.arrive $0xFFFF  }
0xcb: {  	_ =	strace $0x9000004A  }
0xcc: {  	s0 =	stileid.u32;
	[bflag:$0x2] =	sbarrier.arrive $0xFFFF  }
0xcd: {  	p0 =	sne.s32 s0, $0x0;
	s0 =	rddreg [dreg:$0x2]  }
0xce: {  	s0 =	sadd.s32 @!p0 $0x100000, s0  }
0xcf: {  	[sflag:s0] =	ssyncadd.tile.s32 @!p0 $0x1;
	_ =	shalt  }
.Lfunc_end2:
_tile_overlayer_lowered:
.L_overlay_start_2:
0xd0: {  	(tag) =	ssettag $0x2  }
0xd1: {  	s0 =	rddreg [dreg:$0x0];
	s2 =	stileid.u32  }
0xd2: {  	s1 =	rddreg [dreg:$0x1];
	p0 =	sne.s32 s2, $0x0  }
0xd3: {  	s3 =	rddreg [dreg:$0x2];
	[bflag:$0x3] =	sbarrier.arrive $0xFFFF;
	s2 =	simm.s32 @!p0 $0x1C01  }
0xd4: {  	[timem:s3], [sflag:s2] =	dma.local @!p0 [hbm:s0], s1  }
0xd5: {  	s0 =	simm.s32 @!p0 $0x1  }
0xd6: {  	_ =	swait.ge @!p0 [sflag:s0], s1  }
0xd7: {  	s1 =	ssub.s32 @!p0 $0x0, s1;
	[sflag:s0] =	ssyncset.done @!p0 $0x0  }
0xd8: {  	[sflag:s0] =	ssyncadd.s32 @!p0 s1  }
0xd9: {  	[bflag:$0x3] =	sbarrier.arrive $0xFFFF  }
0xda: {  	_ =	shalt  }

// kernel: kernel.13.cloned.1.call-start
scs
__scs_entry_jumppad:
0x0: {  	(pc) =	sbr.rel $0x88, $3  }
0x1: {  	(tag) =	ssettag $0x0;
	lr =	simm.s32 $0x1  }
0x2: {  	[smem:$0x3F96] =	sst lr;
	_ =	strace $0xD0000000  }
0x3: {  	_ = 	snop  }
0x4: {  	_ = 	snop  }
0x5: {  	_ = 	snop  }
0x6: {  	_ = 	snop  }
0x7: {  	_ = 	snop  }
__scs_overlays_trampoline_lowered:
0x8: {  	[smem:$0x3FA5] =	sst s0  }
0x9: {  	[smem:$0x3FA6] =	sst s1  }
0xa: {  	[smem:$0x3FA7] =	sst s2  }
0xb: {  	[smem:$0x3FA8] =	sst s3  }
0xc: {  	[smem:$0x3FA9] =	sst s4  }
0xd: {  	[smem:$0x3FAA] =	sst s5  }
0xe: {  	[smem:$0x3FAB] =	sst s6  }
0xf: {  	[smem:$0x3FAC] =	sst s7  }
0x10: {  	[smem:$0x3FAD] =	sst s8  }
0x11: {  	[smem:$0x3FAE] =	sst s9;
	s0 =	simm.s32 @!p0 $0x0  }
0x12: {  	s1 =	sld [smem:$0x3F94];
	s0 =	simm.s32 @p0 $0x1  }
0x13: {  	[smem:$0x3FAF] =	sst s0;
	s0 =	simm.s32 @!p1 $0x0  }
0x14: {  	s2 =	sld [smem:$0x3F93];
	s0 =	simm.s32 @p1 $0x1  }
0x15: {  	[smem:$0x3FB0] =	sst s0;
	s0 =	simm.s32 @!p2 $0x0  }
0x16: {  	s3 =	sld [smem:$0x3FDB];
	s0 =	simm.s32 @p2 $0x1  }
0x17: {  	s4 =	simm.s32 $0x1BF5;
	[smem:$0x3FB2] =	sst s0  }
0x18: {  	s0 =	sld [smem:$0x3F95];
	_ =	swait.ge [sflag:s4], $0x0  }
0x19: {  	s7 =	sld [smem:$0x3F96]  }
0x1a: {  	s8 =	sadd.s32 $0xFFFFE003, lr  }
0x1b: {  	s9 =	sadd.s32 $0xFFFFFEF7, lr;
	s5 =	simm.s32 $0xFFFFFFFF;
	p2 =	slt.u32 s8, $0xFFFFF086  }
0x1c: {  	p1 =	slt.u32 s9, $0xF7A;
	s5 =	simm.s32 @!p2 $0x0  }
0x1d: {  	s5 =	simm.s32 @p1 $0x1;
	p0 =	seq.s32 s7, s2  }
0x1e: {  	s7 =	smul.u32 @!p0 $0xF7A, s2;
	p2 =	seq.s32 @!p0 s5, $0x0  }
0x1f: {  	s9 =	smul.u32 $0xF7A, s1;
	s8 =	simm.s32 @!p0 $0x1BF5;
	p2 =	por !p2, p0  }
0x20: {  	[sflag:s8] =	ssyncset.s32 @!p0 $0xFFFFF086;
	s6 =	sadd.s32 @!p0 s3, s7;
	s7 =	simm.s32 @!p0 $0x108  }
0x21: {  	s3 =	sadd.s32 s3, s9;
	s6 =	sadd.s32 @!p0 $0x88, s6;
	s7 =	simm.s32 @p2 $0x1082  }
0x22: {  	[simem:s7], [sflag:s8] =	dma.local @!p0 [hbm:s6], $0xF7A  }
0x23: {  	s9 =	sor.u32 $0xD0000000, s2;
	s6 =	simm.s32 $0x108;
	_ =	swait.ge @!p0 [sflag:s8], $0x0  }
0x24: {  	s3 =	sadd.s32 $0x88, s3;
	s6 =	simm.s32 @!p1 $0x1082;
	[sflag:s4] =	ssyncset.s32 $0xFFFFF086  }
0x25: {  	[simem:s6], [sflag:s4] =	dma.local [hbm:s3], $0xF7A  }
0x26: {  	[smem:$0x3F96] =	sst s1;
	(tag) =	ssettag s2;
	_ =	strace s9  }
0x27: {  	s1 =	sld [smem:$0x3FA6]  }
0x28: {  	s2 =	sld [smem:$0x3FA7]  }
0x29: {  	s4 =	sld [smem:$0x3FA9]  }
0x2a: {  	p0 =	seq.s32 s5, $0x0;
	s5 =	sld [smem:$0x3FAA]  }
0x2b: {  	s6 =	sld [smem:$0x3FAB]  }
0x2c: {  	s7 =	sld [smem:$0x3FAC]  }
0x2d: {  	s3 =	simm.s32 $0x108;
	s8 =	sld [smem:$0x3FAD]  }
0x2e: {  	s3 =	simm.s32 @!p0 $0x1082;
	s9 =	sld [smem:$0x3FAE]  }
0x2f: {  	lr =	sadd.s32 s0, s3;
	s0 =	sld [smem:$0x3FA5]  }
0x30: {  	s3 =	sld [smem:$0x3FA8]  }
0x31: {  	[smem:$0x3FB1] =	sst s10  }
0x32: {  	s10 =	sld [smem:$0x3FAF];
	_ =	sdelay $0x3  }
0x33: {  	p0 =	seq.s32 s10, $0x1;
	s10 =	sld [smem:$0x3FB1];
	_ =	sdelay $0x3  }
0x34: {  	[smem:$0x3FB1] =	sst s10  }
0x35: {  	s10 =	sld [smem:$0x3FB0];
	_ =	sdelay $0x3  }
0x36: {  	p1 =	seq.s32 s10, $0x1;
	s10 =	sld [smem:$0x3FB1];
	_ =	sdelay $0x3  }
0x37: {  	[smem:$0x3FB1] =	sst s10  }
0x38: {  	s10 =	sld [smem:$0x3FB2]  }
0x39: {  	_ = 	snop;
	(pc) =	sbr.ind lr, $3  }
0x3a: {  	_ = 	snop  }
0x3b: {  	_ = 	snop  }
0x3c: {  	p2 =	seq.s32 s10, $0x1;
	s10 =	sld [smem:$0x3FB1]  }
0x3d: {  	_ =	shalt  }
0x3e: {  	_ =	shalt  }
0x3f: {  	_ =	shalt  }
0x40: {  	_ =	shalt  }
0x41: {  	_ =	shalt  }
0x42: {  	_ =	shalt  }
0x43: {  	_ =	shalt  }
0x44: {  	_ =	shalt  }
0x45: {  	_ =	shalt  }
0x46: {  	_ =	shalt  }
0x47: {  	_ =	shalt  }
0x48: {  	_ =	shalt  }
0x49: {  	_ =	shalt  }
0x4a: {  	_ =	shalt  }
0x4b: {  	_ =	shalt  }
0x4c: {  	_ =	shalt  }
0x4d: {  	_ =	shalt  }
0x4e: {  	_ =	shalt  }
0x4f: {  	_ =	shalt  }
0x50: {  	_ =	shalt  }
0x51: {  	_ =	shalt  }
0x52: {  	_ =	shalt  }
0x53: {  	_ =	shalt  }
0x54: {  	_ =	shalt  }
0x55: {  	_ =	shalt  }
0x56: {  	_ =	shalt  }
0x57: {  	_ =	shalt  }
0x58: {  	_ =	shalt  }
0x59: {  	_ =	shalt  }
0x5a: {  	_ =	shalt  }
0x5b: {  	_ =	shalt  }
0x5c: {  	_ =	shalt  }
0x5d: {  	_ =	shalt  }
0x5e: {  	_ =	shalt  }
0x5f: {  	_ =	shalt  }
0x60: {  	_ =	shalt  }
0x61: {  	_ =	shalt  }
0x62: {  	_ =	shalt  }
0x63: {  	_ =	shalt  }
0x64: {  	_ =	shalt  }
0x65: {  	_ =	shalt  }
0x66: {  	_ =	shalt  }
0x67: {  	_ =	shalt  }
0x68: {  	_ =	shalt  }
0x69: {  	_ =	shalt  }
0x6a: {  	_ =	shalt  }
0x6b: {  	_ =	shalt  }
0x6c: {  	_ =	shalt  }
0x6d: {  	_ =	shalt  }
0x6e: {  	_ =	shalt  }
0x6f: {  	_ =	shalt  }
0x70: {  	_ =	shalt  }
0x71: {  	_ =	shalt  }
0x72: {  	_ =	shalt  }
0x73: {  	_ =	shalt  }
0x74: {  	_ =	shalt  }
0x75: {  	_ =	shalt  }
0x76: {  	_ =	shalt  }
0x77: {  	_ =	shalt  }
0x78: {  	_ =	shalt  }
0x79: {  	_ =	shalt  }
0x7a: {  	_ =	shalt  }
0x7b: {  	_ =	shalt  }
0x7c: {  	_ =	shalt  }
0x7d: {  	_ =	shalt  }
0x7e: {  	_ =	shalt  }
0x7f: {  	_ =	shalt  }
0x80: {  	_ =	shalt  }
0x81: {  	_ =	shalt  }
0x82: {  	_ =	shalt  }
0x83: {  	_ =	shalt  }
0x84: {  	_ =	shalt  }
0x85: {  	_ =	shalt  }
0x86: {  	_ =	shalt  }
0x87: {  	_ =	shalt  }
.Lfunc_end0:
.L_simem_size_0:
called_computation.1_lowered:
.L_overlay_start_0:
0x88: {  	s2 =	sld [smem:$0x3FD9]  }
0x89: {  	s3 =	sld [smem:$0x3FFE];
	_ =	sdelay $0x1  }
0x8a: {  	s1 =	srdreg.scid  }
0x8b: {  	s0 =	sand.u32 $0x1, s1  }
0x8c: {  	s17 =	sshll.u32 s0, $0xA;
	s2 =	sadd.s32 s3, s2  }
0x8d: {  	s2 =	sadd.s32 s2, s17  }
0x8e: {  	[smem:$0x3FBD] =	sst s2  }
0x8f: {  	_ = 	snop  }
0x90: {  	s2 =	sld [smem:$0x3FD0];
	(tm) =	ssettm $0x1  }
0x91: {  	s18 =	sld [smem:$0x3FFB];
	_ =	sdelay $0x3  }
0x92: {  	_ =	strace s18  }
0x93: {  	s3 =	sld [smem:$0x3FFC];
	_ =	sdelay $0x3  }
0x94: {  	_ =	strace s3  }
0x95: {  	s3 =	sld [smem:$0x3FFD];
	_ =	sdelay $0x3  }
0x96: {  	_ =	strace s3  }
0x97: {  	_ =	strace $0x8FFFFFFF  }
0x98: {  	s19 =	sld [smem:$0x3FDB];
	_ =	sdelay $0x1  }
0x99: {  	s4 =	simm.s32 $_scs_section_size  }
0x9a: {  	s5 =	simm.s32 $_size__tile_overlayer_lowered;
	s6 =	simm.s32 $_tile_overlayer_lowered  }
0x9b: {  	s22 =	simm.s32 $0x1BFF;
	s21 =	sshll.u32 s6, $0x1;
	s3 =	sadd.s32 s4, s19  }
0x9c: {  	s7 =	simm.s32 $0x0;
	s20 =	sshll.u32 s5, $0x1;
	s5 =	sadd.s32 s21, s3  }
0x9d: {  	[timem:s7], [sflag:s22] =	dma.local [hbm:s5], s20  }
0x9e: {  	_ =	swait.ge [sflag:s22], s20  }
0x9f: {  	s4 =	ssub.s32 $0x0, s20;
	[sflag:s22] =	ssyncset.done $0x0  }
0xa0: {  	[sflag:s22] =	ssyncadd.s32 s4;
	_ =	sdelay $0x1  }
0xa1: {  	s23 =	simm.s32 $0x1B8B  }
0xa2: {  	_ =	swait.ge [sflag:s23], $0x1  }
0xa3: {  	[sflag:s23] =	ssyncset.done $0x0  }
0xa4: {  	s25 =	simm.s32 $0x1B8E;
	s24 =	sld [smem:$0x3FFE];
	[sflag:s23] =	ssyncadd.s32 $0xFFFFFFFF  }
0xa5: {  	s26 =	simm.s32 $execute0_lowered;
	[smem:$0x3FD2] =	sst s25  }
0xa6: {  	s5 =	sshll.u32 s26, $0x1;
	_ =	strace $0x80000046;
	[dreg:$0x1] =	wrdreg $0xFFFFFFFF  }
0xa7: {  	s28 =	simm.s32 $_size_execute0_lowered;
	s3 =	sadd.s32 s3, s5;
	[dreg:$0x0] =	wrdreg $0x0  }
0xa8: {  	s5 =	sshll.u32 s28, $0x1;
	[dreg:$0x2] =	wrdreg s3  }
0xa9: {  	[dreg:$0x3] =	wrdreg s5  }
0xaa: {  	[dreg:$0x4] =	wrdreg $0xC0  }
0xab: {  	_ =	task [dreg:s7], $0x5FFFF  }
0xac: {  	[dreg:$0x1] =	wrdreg $0xFFFFFFFF  }
0xad: {  	[dreg:$0x0] =	wrdreg $0x60  }
0xae: {  	[dreg:$0x2] =	wrdreg s24  }
0xaf: {  	[dreg:$0x3] =	wrdreg s2  }
0xb0: {  	[dreg:$0x4] =	wrdreg $0xA0000  }
0xb1: {  	[dreg:$0x5] =	wrdreg $0xA  }
0xb2: {  	_ =	task.clear_ibuf [dreg:s7], $0x6FFFF;
	_ =	strace $0x90000046  }
0xb3: {  	s29 =	simm.s32 $0xA;
	_ =	strace $0x80000048  }
0xb4: {  	_ =	swait.ge [sflag:s29], $0x1  }
0xb5: {  	[sflag:s29] =	ssyncadd.s32 $0xFFFFFFFF  }
0xb6: {  	_ =	strace $0x90000048  }
0xb7: {  	_ =	sfence  }
0xb8: {  	s30 =	sld [smem:$0x0];
	_ =	sdelay $0x2  }
0xb9: {  	s31 =	sshll.u32 s1, $0xD;
	s1 =	sshrl.u32 s1, $0x2  }
0xba: {  	s3 =	sand.u32 $0x4000, s31;
	s1 =	sadd.s32 s1, s30  }
0xbb: {  	s0 =	sor.u32 s3, s0;
	s1 =	sshll.u32 s1, $0x11  }
0xbc: {  	s0 =	sor.u32 s1, s0  }
0xbd: {  	s0 =	sadd.s32 $0x8F2B, s0  }
0xbe: {  	[sflag:s0] =	ssyncadd.remote.s32 $0x1  }
0xbf: {  	_ =	sfence.sel $0xFFFF  }
0xc0: {  	[dreg:$0x0] =	wrdreg $0xFFFFFFFF;
	(pc) =	sbr.abs _section_cstart, $3  }
0xc1: {  	[dreg:$0x1] =	wrdreg $0xFFFFFFFF  }
0xc2: {  	_ =	task.clear_ibuf [dreg:s7], $0x2FFFF;
	_ =	strace $0x9FFFFFFF  }
0xc3: {  	(tm) =	ssettm $0x7FFFFFFF  }
tec
execute0_lowered:
.L_overlay_start_1:
0x0: {  	(tag) =	ssettag $0x1  }
0x1: {  	s0 =	srdreg.scid;
	s1 =	rddreg [dreg:$0x0]  }
0x2: {  	s8 =	stileid.u32;
	s3 =	rddreg [dreg:$0x1];
	s21 =	simm.s32 $0x0  }
0x3: {  	s30 =	simm.s32 $0x2;
	s31 =	simm.s32 $0x5000;
	s0 =	sand.u32 $0x1, s0  }
0x4: {  	s2 =	sshll.u32 s8, $0x1;
	[smem:$0x7FF] =	sst s21;
	s7 =	smul.u32 $0x14000, s8  }
0x5: {  	s8 =	smul.u32 $0x50000, s8;
	s4 =	sor.u32 s0, s2;
	s2 =	rddreg [dreg:$0x2]  }
0x6: {  	s5 =	smul.u32 $0x140000, s0;
	_ =	strace $0x80000047;
	s0 =	ssub.s32 $0x2, s0  }
0x7: {  	s6 =	smul.u32 $0x500, s4;
	s4 =	sadd.s32 $0xD000, s1;
	s22 =	sshrl.u32 s0, $0x1  }
0x8: {  	s8 =	sshrl.u32 s8, $0x2;
	s5 =	sadd.s32 s7, s5;
	s0 =	ssub.s32 s0, s22  }
0x9: {  	s9 =	sadd.s32 s6, s1;
	s5 =	sshrl.u32 s5, $0x3;
	s3 =	sadd.s32 s3, s6  }
0xa: {  	s6 =	simm.s32 $0x0;
	s1 =	sadd.s32 s5, s1;
	s5 =	sadd.s32 s8, s2  }
0xb: {  	[dreg:$0x4] =	wrdreg s3;
	s23 =	sadd.s32 $0x3000, s9;
	s3 =	simm.s32 $0x1  }
0xc: {  	[dreg:$0x5] =	wrdreg s23;
	s24 =	sadd.s32 $0x1000, s5;
	s25 =	sadd.s32 $0x2000, s5  }
0xd: {  	s26 =	sadd.s32 $0x3000, s5;
	s11 =	sadd.s32 $0x4000, s5;
	s12 =	sadd.s32 $0x5000, s5  }
0xe: {  	s13 =	sadd.s32 $0x6000, s5;
	s14 =	sadd.s32 $0x7000, s5;
	s15 =	sadd.s32 $0x8000, s5  }
0xf: {  	s16 =	sadd.s32 $0x9000, s5;
	s17 =	sadd.s32 $0xA000, s5;
	s18 =	sadd.s32 $0xB000, s5  }
0x10: {  	s19 =	sadd.s32 $0xC000, s5;
	s20 =	sadd.s32 $0xD000, s5;
	s21 =	sadd.s32 $0xE000, s5  }
0x11: {  	s22 =	sadd.s32 $0xF000, s5;
	s23 =	sadd.s32 $0x10000, s5;
	[dreg:$0x6] =	wrdreg s24  }
0x12: {  	s28 =	sadd.s32 $0x12000, s5;
	s29 =	sadd.s32 $0x13000, s5;
	[dreg:$0x7] =	wrdreg s25  }
0x13: {  	[dreg:$0x8] =	wrdreg s26;
	s24 =	sadd.s32 $0x35000, s1;
	s25 =	smax.u32 s0, $0x1  }
0x14: {  	v0 =	vimm.f32 $0.0e+00;
	s26 =	sadd.s32 $0x11000, s5;
	s1 =	simm.s32 $0x9000;
	s0 =	simm.s32 $0x80  }
.LBB2_1:
0x15: {  	s7 =	simm.s32 $0x0;
	s8 =	rddreg [dreg:$0x4]  }
0x16: {  	[tilespmem:s7], [sflag:$0x2] =	stream.linear.gather [hbm4b:s8+s7], $0x2780, $0x38;
	[tilespmem:$0x1E000] =	vst v63  }
0x17: {  	_ =	swait.ge [sflag:s30], $0x2780  }
0x18: {  	[sflag:s30] =	ssyncset.done $0x0  }
0x19: {  	s9 =	simm.s32 $0x2800;
	s10 =	rddreg [dreg:$0x5];
	[sflag:s30] =	ssyncadd.s32 $0xFFFFD880  }
0x1a: {  	[tilespmem:s9], [sflag:$0x2] =	stream.linear.gather [hbm4b:s10+s7], $0x2780, $0x38;
	[tilespmem:$0x1E000] =	vst v63  }
0x1b: {  	_ =	swait.ge [sflag:s30], $0x2780  }
0x1c: {  	[sflag:s30] =	ssyncset.done $0x0  }
0x1d: {  	s8 =	simm.s32 $0x200;
	s7 =	simm.s32 $0x0;
	[sflag:s30] =	ssyncadd.s32 $0xFFFFD880  }
.LBB2_2:
0x1e: {  	p0 =	sne.s32 s8, $0x3E00;
	[tilespmem:s7+$0x9070] =	vst v0  }
0x1f: {  	[tilespmem:s7+$0x9000] =	vst v0  }
0x20: {  	[tilespmem:s7+$0x9010] =	vst v0  }
.Ltmp0:
0x21: {  	[tilespmem:s7+$0x9020] =	vst v0;
	(pc) =	sbr.rel @p0 .LBB2_2-.Ltmp0, $4  }
0x22: {  	[tilespmem:s7+$0x9030] =	vst v0  }
0x23: {  	[tilespmem:s7+$0x9040] =	vst v0  }
0x24: {  	[tilespmem:s7+$0x9050] =	vst v0  }
0x25: {  	[tilespmem:s7+$0x9060] =	vst v0;
	s7 =	sshra.s32 s8, $0x2;
	s8 =	sadd.s32 $0x200, s8  }
0x26: {  	[tilespmem:s7+$0x9070] =	vst v0  }
0x27: {  	[tilespmem:s7+$0x9000] =	vst v0  }
0x28: {  	[tilespmem:s7+$0x9010] =	vst v0  }
0x29: {  	[tilespmem:s7+$0x9020] =	vst v0  }
0x2a: {  	[tilespmem:s7+$0x9030] =	vst v0  }
0x2b: {  	[tilespmem:s7+$0x9040] =	vst v0  }
0x2c: {  	[tilespmem:s7+$0x9050] =	vst v0  }
0x2d: {  	[tilespmem:s7+$0x9060] =	vst v0  }
0x2e: {  	[spmem:s5] =	stream.linear.scatter [tilespmem:s1], [sflag:$0x2], $0x1000, $0x38;
	[tilespmem:$0x1E000] =	vst v63  }
0x2f: {  	_ =	swait.ge [sflag:s30], $0x1000  }
0x30: {  	[sflag:s30] =	ssyncset.done $0x0  }
0x31: {  	s9 =	rddreg [dreg:$0x6];
	[sflag:s30] =	ssyncadd.s32 $0xFFFFF000  }
0x32: {  	[spmem:s9] =	stream.linear.scatter [tilespmem:s1], [sflag:$0x2], $0x1000, $0x38;
	[tilespmem:$0x1E000] =	vst v63  }
0x33: {  	_ =	swait.ge [sflag:s30], $0x1000  }
0x34: {  	[sflag:s30] =	ssyncset.done $0x0  }
0x35: {  	s10 =	rddreg [dreg:$0x7];
	[sflag:s30] =	ssyncadd.s32 $0xFFFFF000  }
0x36: {  	[spmem:s10] =	stream.linear.scatter [tilespmem:s1], [sflag:$0x2], $0x1000, $0x38;
	[tilespmem:$0x1E000] =	vst v63  }
0x37: {  	_ =	swait.ge [sflag:s30], $0x1000  }
0x38: {  	[sflag:s30] =	ssyncset.done $0x0  }
0x39: {  	s8 =	rddreg [dreg:$0x8];
	[sflag:s30] =	ssyncadd.s32 $0xFFFFF000  }
0x3a: {  	[spmem:s8] =	stream.linear.scatter [tilespmem:s1], [sflag:$0x2], $0x1000, $0x38;
	[tilespmem:$0x1E000] =	vst v63  }
0x3b: {  	_ =	swait.ge [sflag:s30], $0x1000  }
0x3c: {  	[sflag:s30] =	ssyncset.done $0x0  }
0x3d: {  	[sflag:s30] =	ssyncadd.s32 $0xFFFFF000  }
0x3e: {  	[spmem:s11] =	stream.linear.scatter [tilespmem:s1], [sflag:$0x2], $0x1000, $0x38;
	[tilespmem:$0x1E000] =	vst v63  }
0x3f: {  	_ =	swait.ge [sflag:s30], $0x1000  }
0x40: {  	[sflag:s30] =	ssyncset.done $0x0  }
0x41: {  	[sflag:s30] =	ssyncadd.s32 $0xFFFFF000  }
0x42: {  	[spmem:s12] =	stream.linear.scatter [tilespmem:s1], [sflag:$0x2], $0x1000, $0x38;
	[tilespmem:$0x1E000] =	vst v63  }
0x43: {  	_ =	swait.ge [sflag:s30], $0x1000  }
0x44: {  	[sflag:s30] =	ssyncset.done $0x0  }
0x45: {  	[sflag:s30] =	ssyncadd.s32 $0xFFFFF000  }
0x46: {  	[spmem:s13] =	stream.linear.scatter [tilespmem:s1], [sflag:$0x2], $0x1000, $0x38;
	[tilespmem:$0x1E000] =	vst v63  }
0x47: {  	_ =	swait.ge [sflag:s30], $0x1000  }
0x48: {  	[sflag:s30] =	ssyncset.done $0x0  }
0x49: {  	[sflag:s30] =	ssyncadd.s32 $0xFFFFF000  }
0x4a: {  	[spmem:s14] =	stream.linear.scatter [tilespmem:s1], [sflag:$0x2], $0x1000, $0x38;
	[tilespmem:$0x1E000] =	vst v63  }
0x4b: {  	_ =	swait.ge [sflag:s30], $0x1000  }
0x4c: {  	[sflag:s30] =	ssyncset.done $0x0  }
0x4d: {  	[sflag:s30] =	ssyncadd.s32 $0xFFFFF000  }
0x4e: {  	[spmem:s15] =	stream.linear.scatter [tilespmem:s1], [sflag:$0x2], $0x1000, $0x38;
	[tilespmem:$0x1E000] =	vst v63  }
0x4f: {  	_ =	swait.ge [sflag:s30], $0x1000  }
0x50: {  	[sflag:s30] =	ssyncset.done $0x0  }
0x51: {  	[sflag:s30] =	ssyncadd.s32 $0xFFFFF000  }
0x52: {  	[spmem:s16] =	stream.linear.scatter [tilespmem:s1], [sflag:$0x2], $0x1000, $0x38;
	[tilespmem:$0x1E000] =	vst v63  }
0x53: {  	_ =	swait.ge [sflag:s30], $0x1000  }
0x54: {  	[sflag:s30] =	ssyncset.done $0x0  }
0x55: {  	[sflag:s30] =	ssyncadd.s32 $0xFFFFF000  }
0x56: {  	[spmem:s17] =	stream.linear.scatter [tilespmem:s1], [sflag:$0x2], $0x1000, $0x38;
	[tilespmem:$0x1E000] =	vst v63  }
0x57: {  	_ =	swait.ge [sflag:s30], $0x1000  }
0x58: {  	[sflag:s30] =	ssyncset.done $0x0  }
0x59: {  	[sflag:s30] =	ssyncadd.s32 $0xFFFFF000  }
0x5a: {  	[spmem:s18] =	stream.linear.scatter [tilespmem:s1], [sflag:$0x2], $0x1000, $0x38;
	[tilespmem:$0x1E000] =	vst v63  }
0x5b: {  	_ =	swait.ge [sflag:s30], $0x1000  }
0x5c: {  	[sflag:s30] =	ssyncset.done $0x0  }
0x5d: {  	[sflag:s30] =	ssyncadd.s32 $0xFFFFF000  }
0x5e: {  	[spmem:s19] =	stream.linear.scatter [tilespmem:s1], [sflag:$0x2], $0x1000, $0x38;
	[tilespmem:$0x1E000] =	vst v63  }
0x5f: {  	_ =	swait.ge [sflag:s30], $0x1000  }
0x60: {  	[sflag:s30] =	ssyncset.done $0x0  }
0x61: {  	[sflag:s30] =	ssyncadd.s32 $0xFFFFF000  }
0x62: {  	[spmem:s20] =	stream.linear.scatter [tilespmem:s1], [sflag:$0x2], $0x1000, $0x38;
	[tilespmem:$0x1E000] =	vst v63  }
0x63: {  	_ =	swait.ge [sflag:s30], $0x1000  }
0x64: {  	[sflag:s30] =	ssyncset.done $0x0  }
0x65: {  	[sflag:s30] =	ssyncadd.s32 $0xFFFFF000  }
0x66: {  	[spmem:s21] =	stream.linear.scatter [tilespmem:s1], [sflag:$0x2], $0x1000, $0x38;
	[tilespmem:$0x1E000] =	vst v63  }
0x67: {  	_ =	swait.ge [sflag:s30], $0x1000  }
0x68: {  	[sflag:s30] =	ssyncset.done $0x0  }
0x69: {  	[sflag:s30] =	ssyncadd.s32 $0xFFFFF000  }
0x6a: {  	[spmem:s22] =	stream.linear.scatter [tilespmem:s1], [sflag:$0x2], $0x1000, $0x38;
	[tilespmem:$0x1E000] =	vst v63  }
0x6b: {  	_ =	swait.ge [sflag:s30], $0x1000  }
0x6c: {  	[sflag:s30] =	ssyncset.done $0x0  }
0x6d: {  	[sflag:s30] =	ssyncadd.s32 $0xFFFFF000  }
0x6e: {  	[spmem:s23] =	stream.linear.scatter [tilespmem:s1], [sflag:$0x2], $0x1000, $0x38;
	[tilespmem:$0x1E000] =	vst v63  }
0x6f: {  	_ =	swait.ge [sflag:s30], $0x1000  }
0x70: {  	[sflag:s30] =	ssyncset.done $0x0  }
0x71: {  	[sflag:s30] =	ssyncadd.s32 $0xFFFFF000  }
0x72: {  	[spmem:s26] =	stream.linear.scatter [tilespmem:s1], [sflag:$0x2], $0x1000, $0x38;
	[tilespmem:$0x1E000] =	vst v63  }
0x73: {  	_ =	swait.ge [sflag:s30], $0x1000  }
0x74: {  	[sflag:s30] =	ssyncset.done $0x0  }
0x75: {  	[sflag:s30] =	ssyncadd.s32 $0xFFFFF000  }
0x76: {  	[spmem:s28] =	stream.linear.scatter [tilespmem:s1], [sflag:$0x2], $0x1000, $0x38;
	[tilespmem:$0x1E000] =	vst v63  }
0x77: {  	_ =	swait.ge [sflag:s30], $0x1000  }
0x78: {  	[sflag:s30] =	ssyncset.done $0x0  }
0x79: {  	[sflag:s30] =	ssyncadd.s32 $0xFFFFF000  }
0x7a: {  	[spmem:s29] =	stream.linear.scatter [tilespmem:s1], [sflag:$0x2], $0x1000, $0x38;
	[tilespmem:$0x1E000] =	vst v63  }
0x7b: {  	_ =	swait.ge [sflag:s30], $0x1000  }
0x7c: {  	[sflag:s30] =	ssyncset.done $0x0  }
0x7d: {  	[sflag:s30] =	ssyncadd.s32 $0xFFFFF000  }
0x7e: {  	s9 =	simm.s32 $0x0;
	[bflag:$0x0] =	sbarrier.arrive $0xFFFF  }
0x7f: {  	[tilespmem:s31], [sflag:$0x1] =	stream.indirect.gather [hbm4b:s4+s0], $0x80, s9, s0, $0xb8;
	[tilespmem:$0x1E000] =	vst v63  }
0x80: {  	_ =	swait.ge [sflag:s3], $0x4000  }
0x81: {  	[sflag:s3] =	ssyncset.done $0x0  }
0x82: {  	s10 =	simm.s32 $0x2800;
	[sflag:s3] =	ssyncadd.s32 $0xFFFFC000  }
0x83: {  	[spmem:s2] =	stream.indirect.scatter.add.f32 [tilespmem:s31], [sflag:$0x2], $0x80, s10, s0, $0xb8;
	[tilespmem:$0x1E000] =	vst v63  }
0x84: {  	_ =	swait.ge [sflag:s30], $0x4000  }
0x85: {  	s7 =	simm.s32 $0x200;
	s8 =	simm.s32 $0x400;
	[sflag:s30] =	ssyncset.done $0x0  }
.LBB2_4:
0x86: {  	s9 =	sshra.s32 s7, $0x2  }
0x87: {  	[sflag:s30] =	ssyncadd.s32 $0xFFFFC000;
	s7 =	smov.u32 s8;
	s10 =	sadd.s32 $0x200, s8  }
0x88: {  	[tilespmem:s31], [sflag:$0x1] =	stream.indirect.gather [hbm4b:s4+s0], $0x80, s9, s0, $0xb8;
	[tilespmem:$0x1E000] =	vst v63  }
0x89: {  	p0 =	sne.s32 s8, $0x9C00;
	_ =	swait.ge [sflag:s3], $0x4000  }
.Ltmp1:
0x8a: {  	[sflag:s3] =	ssyncset.done $0x0;
	(pc) =	sbr.rel @p0 .LBB2_4-.Ltmp1, $4  }
0x8b: {  	s8 =	sadd.s32 $0x2800, s9;
	[sflag:s3] =	ssyncadd.s32 $0xFFFFC000  }
0x8c: {  	[spmem:s2] =	stream.indirect.scatter.add.f32 [tilespmem:s31], [sflag:$0x2], $0x80, s8, s0, $0xb8;
	[tilespmem:$0x1E000] =	vst v63  }
0x8d: {  	_ =	swait.ge [sflag:s30], $0x4000  }
0x8e: {  	s8 =	smov.u32 s10;
	[sflag:s30] =	ssyncset.done $0x0  }
0x8f: {  	s7 =	sshra.s32 s7, $0x2;
	[sflag:s30] =	ssyncadd.s32 $0xFFFFC000  }
0x90: {  	[tilespmem:s31], [sflag:$0x1] =	stream.indirect.gather [hbm4b:s4+s0], $0x80, s7, s0, $0xb8;
	[tilespmem:$0x1E000] =	vst v63  }
0x91: {  	_ =	swait.ge [sflag:s3], $0x4000  }
0x92: {  	[sflag:s3] =	ssyncset.done $0x0  }
0x93: {  	s7 =	sadd.s32 $0x2800, s7;
	[sflag:s3] =	ssyncadd.s32 $0xFFFFC000  }
0x94: {  	[spmem:s2] =	stream.indirect.scatter.add.f32 [tilespmem:s31], [sflag:$0x2], $0x80, s7, s0, $0xb8;
	[tilespmem:$0x1E000] =	vst v63  }
0x95: {  	s10 =	stileid.u32;
	_ =	swait.ge [sflag:s30], $0x4000  }
0x96: {  	s8 =	sshrl.u32 s5, $0x3;
	s6 =	sadd.s32 $0x1, s6;
	[sflag:s30] =	ssyncset.done $0x0  }
0x97: {  	p0 =	sne.s32 s6, s25;
	s7 =	sshll.u32 s10, $0x6;
	[sflag:s30] =	ssyncadd.s32 $0xFFFFC000  }
.Ltmp2:
0x98: {  	s7 =	sor.u32 $0x1C02, s7;
	[bflag:$0x0] =	sbarrier.arrive $0xFFFF;
	(pc) =	sbr.rel @p0 .LBB2_1-.Ltmp2, $4  }
0x99: {  	[hbm:s24], [sflag:s7] =	dma.local [spmem:s8], $0x2800  }
0x9a: {  	_ =	swait.ge [sflag:s30], $0x2800  }
0x9b: {  	[sflag:s30] =	ssyncset.done $0x0  }
0x9c: {  	[sflag:s30] =	ssyncadd.s32 $0xFFFFD800  }
0x9d: {  	_ =	sfence.sel $0x180000  }
0x9e: {  	[bflag:$0x0] =	sbarrier.arrive $0xFFFF  }
0x9f: {  	_ =	strace $0x90000047  }
0xa0: {  	s0 =	stileid.u32;
	[bflag:$0x2] =	sbarrier.arrive $0xFFFF  }
0xa1: {  	p0 =	sne.s32 s0, $0x0;
	s0 =	rddreg [dreg:$0x3]  }
0xa2: {  	s0 =	sadd.s32 @!p0 $0x100000, s0  }
0xa3: {  	[sflag:s0] =	ssyncadd.tile.s32 @!p0 $0x1;
	_ =	shalt  }
.Lfunc_end2:
_tile_overlayer_lowered:
.L_overlay_start_2:
0xa4: {  	(tag) =	ssettag $0x2  }
0xa5: {  	s0 =	rddreg [dreg:$0x0];
	s2 =	stileid.u32  }
0xa6: {  	s1 =	rddreg [dreg:$0x1];
	p0 =	sne.s32 s2, $0x0  }
0xa7: {  	s3 =	rddreg [dreg:$0x2];
	[bflag:$0x3] =	sbarrier.arrive $0xFFFF;
	s2 =	simm.s32 @!p0 $0x1C02  }
0xa8: {  	[timem:s3], [sflag:s2] =	dma.local @!p0 [hbm:s0], s1  }
0xa9: {  	s0 =	simm.s32 @!p0 $0x2  }
0xaa: {  	_ =	swait.ge @!p0 [sflag:s0], s1  }
0xab: {  	s1 =	ssub.s32 @!p0 $0x0, s1;
	[sflag:s0] =	ssyncset.done @!p0 $0x0  }
0xac: {  	[sflag:s0] =	ssyncadd.s32 @!p0 s1  }
0xad: {  	[bflag:$0x3] =	sbarrier.arrive $0xFFFF  }
0xae: {  	_ =	shalt  }

// kernel: kernel.16.cloned.1.call-start
scs
__scs_entry_jumppad:
0x0: {  	(pc) =	sbr.rel $0x88, $3  }
0x1: {  	(tag) =	ssettag $0x0;
	lr =	simm.s32 $0x1  }
0x2: {  	[smem:$0x3F96] =	sst lr;
	_ =	strace $0xD0000000  }
0x3: {  	_ = 	snop  }
0x4: {  	_ = 	snop  }
0x5: {  	_ = 	snop  }
0x6: {  	_ = 	snop  }
0x7: {  	_ = 	snop  }
__scs_overlays_trampoline_lowered:
0x8: {  	[smem:$0x3FA5] =	sst s0  }
0x9: {  	[smem:$0x3FA6] =	sst s1  }
0xa: {  	[smem:$0x3FA7] =	sst s2  }
0xb: {  	[smem:$0x3FA8] =	sst s3  }
0xc: {  	[smem:$0x3FA9] =	sst s4  }
0xd: {  	[smem:$0x3FAA] =	sst s5  }
0xe: {  	[smem:$0x3FAB] =	sst s6  }
0xf: {  	[smem:$0x3FAC] =	sst s7  }
0x10: {  	[smem:$0x3FAD] =	sst s8  }
0x11: {  	[smem:$0x3FAE] =	sst s9;
	s0 =	simm.s32 @!p0 $0x0  }
0x12: {  	s1 =	sld [smem:$0x3F94];
	s0 =	simm.s32 @p0 $0x1  }
0x13: {  	[smem:$0x3FAF] =	sst s0;
	s0 =	simm.s32 @!p1 $0x0  }
0x14: {  	s2 =	sld [smem:$0x3F93];
	s0 =	simm.s32 @p1 $0x1  }
0x15: {  	[smem:$0x3FB0] =	sst s0;
	s0 =	simm.s32 @!p2 $0x0  }
0x16: {  	s3 =	sld [smem:$0x3FDB];
	s0 =	simm.s32 @p2 $0x1  }
0x17: {  	s4 =	simm.s32 $0x1BF5;
	[smem:$0x3FB2] =	sst s0  }
0x18: {  	s0 =	sld [smem:$0x3F95];
	_ =	swait.ge [sflag:s4], $0x0  }
0x19: {  	s7 =	sld [smem:$0x3F96]  }
0x1a: {  	s8 =	sadd.s32 $0xFFFFE003, lr  }
0x1b: {  	s9 =	sadd.s32 $0xFFFFFEF7, lr;
	s5 =	simm.s32 $0xFFFFFFFF;
	p2 =	slt.u32 s8, $0xFFFFF086  }
0x1c: {  	p1 =	slt.u32 s9, $0xF7A;
	s5 =	simm.s32 @!p2 $0x0  }
0x1d: {  	s5 =	simm.s32 @p1 $0x1;
	p0 =	seq.s32 s7, s2  }
0x1e: {  	s7 =	smul.u32 @!p0 $0xF7A, s2;
	p2 =	seq.s32 @!p0 s5, $0x0  }
0x1f: {  	s9 =	smul.u32 $0xF7A, s1;
	s8 =	simm.s32 @!p0 $0x1BF5;
	p2 =	por !p2, p0  }
0x20: {  	[sflag:s8] =	ssyncset.s32 @!p0 $0xFFFFF086;
	s6 =	sadd.s32 @!p0 s3, s7;
	s7 =	simm.s32 @!p0 $0x108  }
0x21: {  	s3 =	sadd.s32 s3, s9;
	s6 =	sadd.s32 @!p0 $0x88, s6;
	s7 =	simm.s32 @p2 $0x1082  }
0x22: {  	[simem:s7], [sflag:s8] =	dma.local @!p0 [hbm:s6], $0xF7A  }
0x23: {  	s9 =	sor.u32 $0xD0000000, s2;
	s6 =	simm.s32 $0x108;
	_ =	swait.ge @!p0 [sflag:s8], $0x0  }
0x24: {  	s3 =	sadd.s32 $0x88, s3;
	s6 =	simm.s32 @!p1 $0x1082;
	[sflag:s4] =	ssyncset.s32 $0xFFFFF086  }
0x25: {  	[simem:s6], [sflag:s4] =	dma.local [hbm:s3], $0xF7A  }
0x26: {  	[smem:$0x3F96] =	sst s1;
	(tag) =	ssettag s2;
	_ =	strace s9  }
0x27: {  	s1 =	sld [smem:$0x3FA6]  }
0x28: {  	s2 =	sld [smem:$0x3FA7]  }
0x29: {  	s4 =	sld [smem:$0x3FA9]  }
0x2a: {  	p0 =	seq.s32 s5, $0x0;
	s5 =	sld [smem:$0x3FAA]  }
0x2b: {  	s6 =	sld [smem:$0x3FAB]  }
0x2c: {  	s7 =	sld [smem:$0x3FAC]  }
0x2d: {  	s3 =	simm.s32 $0x108;
	s8 =	sld [smem:$0x3FAD]  }
0x2e: {  	s3 =	simm.s32 @!p0 $0x1082;
	s9 =	sld [smem:$0x3FAE]  }
0x2f: {  	lr =	sadd.s32 s0, s3;
	s0 =	sld [smem:$0x3FA5]  }
0x30: {  	s3 =	sld [smem:$0x3FA8]  }
0x31: {  	[smem:$0x3FB1] =	sst s10  }
0x32: {  	s10 =	sld [smem:$0x3FAF];
	_ =	sdelay $0x3  }
0x33: {  	p0 =	seq.s32 s10, $0x1;
	s10 =	sld [smem:$0x3FB1];
	_ =	sdelay $0x3  }
0x34: {  	[smem:$0x3FB1] =	sst s10  }
0x35: {  	s10 =	sld [smem:$0x3FB0];
	_ =	sdelay $0x3  }
0x36: {  	p1 =	seq.s32 s10, $0x1;
	s10 =	sld [smem:$0x3FB1];
	_ =	sdelay $0x3  }
0x37: {  	[smem:$0x3FB1] =	sst s10  }
0x38: {  	s10 =	sld [smem:$0x3FB2]  }
0x39: {  	_ = 	snop;
	(pc) =	sbr.ind lr, $3  }
0x3a: {  	_ = 	snop  }
0x3b: {  	_ = 	snop  }
0x3c: {  	p2 =	seq.s32 s10, $0x1;
	s10 =	sld [smem:$0x3FB1]  }
0x3d: {  	_ =	shalt  }
0x3e: {  	_ =	shalt  }
0x3f: {  	_ =	shalt  }
0x40: {  	_ =	shalt  }
0x41: {  	_ =	shalt  }
0x42: {  	_ =	shalt  }
0x43: {  	_ =	shalt  }
0x44: {  	_ =	shalt  }
0x45: {  	_ =	shalt  }
0x46: {  	_ =	shalt  }
0x47: {  	_ =	shalt  }
0x48: {  	_ =	shalt  }
0x49: {  	_ =	shalt  }
0x4a: {  	_ =	shalt  }
0x4b: {  	_ =	shalt  }
0x4c: {  	_ =	shalt  }
0x4d: {  	_ =	shalt  }
0x4e: {  	_ =	shalt  }
0x4f: {  	_ =	shalt  }
0x50: {  	_ =	shalt  }
0x51: {  	_ =	shalt  }
0x52: {  	_ =	shalt  }
0x53: {  	_ =	shalt  }
0x54: {  	_ =	shalt  }
0x55: {  	_ =	shalt  }
0x56: {  	_ =	shalt  }
0x57: {  	_ =	shalt  }
0x58: {  	_ =	shalt  }
0x59: {  	_ =	shalt  }
0x5a: {  	_ =	shalt  }
0x5b: {  	_ =	shalt  }
0x5c: {  	_ =	shalt  }
0x5d: {  	_ =	shalt  }
0x5e: {  	_ =	shalt  }
0x5f: {  	_ =	shalt  }
0x60: {  	_ =	shalt  }
0x61: {  	_ =	shalt  }
0x62: {  	_ =	shalt  }
0x63: {  	_ =	shalt  }
0x64: {  	_ =	shalt  }
0x65: {  	_ =	shalt  }
0x66: {  	_ =	shalt  }
0x67: {  	_ =	shalt  }
0x68: {  	_ =	shalt  }
0x69: {  	_ =	shalt  }
0x6a: {  	_ =	shalt  }
0x6b: {  	_ =	shalt  }
0x6c: {  	_ =	shalt  }
0x6d: {  	_ =	shalt  }
0x6e: {  	_ =	shalt  }
0x6f: {  	_ =	shalt  }
0x70: {  	_ =	shalt  }
0x71: {  	_ =	shalt  }
0x72: {  	_ =	shalt  }
0x73: {  	_ =	shalt  }
0x74: {  	_ =	shalt  }
0x75: {  	_ =	shalt  }
0x76: {  	_ =	shalt  }
0x77: {  	_ =	shalt  }
0x78: {  	_ =	shalt  }
0x79: {  	_ =	shalt  }
0x7a: {  	_ =	shalt  }
0x7b: {  	_ =	shalt  }
0x7c: {  	_ =	shalt  }
0x7d: {  	_ =	shalt  }
0x7e: {  	_ =	shalt  }
0x7f: {  	_ =	shalt  }
0x80: {  	_ =	shalt  }
0x81: {  	_ =	shalt  }
0x82: {  	_ =	shalt  }
0x83: {  	_ =	shalt  }
0x84: {  	_ =	shalt  }
0x85: {  	_ =	shalt  }
0x86: {  	_ =	shalt  }
0x87: {  	_ =	shalt  }
.Lfunc_end0:
.L_simem_size_0:
called_computation.2_lowered:
.L_overlay_start_0:
0x88: {  	s2 =	sld [smem:$0x3FD9]  }
0x89: {  	s3 =	sld [smem:$0x3FFE];
	_ =	sdelay $0x1  }
0x8a: {  	s1 =	srdreg.scid  }
0x8b: {  	s0 =	sand.u32 $0x1, s1  }
0x8c: {  	s17 =	sshll.u32 s0, $0xA;
	s2 =	sadd.s32 s3, s2  }
0x8d: {  	s2 =	sadd.s32 s2, s17  }
0x8e: {  	[smem:$0x3FBD] =	sst s2  }
0x8f: {  	_ = 	snop  }
0x90: {  	s2 =	sld [smem:$0x3FD0];
	(tm) =	ssettm $0x1  }
0x91: {  	s18 =	sld [smem:$0x3FFB];
	_ =	sdelay $0x3  }
0x92: {  	_ =	strace s18  }
0x93: {  	s3 =	sld [smem:$0x3FFC];
	_ =	sdelay $0x3  }
0x94: {  	_ =	strace s3  }
0x95: {  	s3 =	sld [smem:$0x3FFD];
	_ =	sdelay $0x3  }
0x96: {  	_ =	strace s3  }
0x97: {  	_ =	strace $0x8FFFFFFF  }
0x98: {  	s19 =	sld [smem:$0x3FDB];
	_ =	sdelay $0x1  }
0x99: {  	s4 =	simm.s32 $_scs_section_size  }
0x9a: {  	s5 =	simm.s32 $_size__tile_overlayer_lowered;
	s6 =	simm.s32 $_tile_overlayer_lowered  }
0x9b: {  	s22 =	simm.s32 $0x1BFF;
	s21 =	sshll.u32 s6, $0x1;
	s3 =	sadd.s32 s4, s19  }
0x9c: {  	s7 =	simm.s32 $0x0;
	s20 =	sshll.u32 s5, $0x1;
	s5 =	sadd.s32 s21, s3  }
0x9d: {  	[timem:s7], [sflag:s22] =	dma.local [hbm:s5], s20  }
0x9e: {  	_ =	swait.ge [sflag:s22], s20  }
0x9f: {  	s4 =	ssub.s32 $0x0, s20;
	[sflag:s22] =	ssyncset.done $0x0  }
0xa0: {  	[sflag:s22] =	ssyncadd.s32 s4;
	_ =	sdelay $0x1  }
0xa1: {  	s23 =	simm.s32 $0x1B8B  }
0xa2: {  	_ =	swait.ge [sflag:s23], $0x1  }
0xa3: {  	[sflag:s23] =	ssyncset.done $0x0  }
0xa4: {  	s25 =	simm.s32 $0x1B8E;
	s24 =	sld [smem:$0x3FFE];
	[sflag:s23] =	ssyncadd.s32 $0xFFFFFFFF  }
0xa5: {  	s26 =	simm.s32 $execute0_lowered;
	[smem:$0x3FD2] =	sst s25  }
0xa6: {  	s5 =	sshll.u32 s26, $0x1;
	_ =	strace $0x8000004C;
	[dreg:$0x1] =	wrdreg $0xFFFFFFFF  }
0xa7: {  	s28 =	simm.s32 $_size_execute0_lowered;
	s3 =	sadd.s32 s3, s5;
	[dreg:$0x0] =	wrdreg $0x0  }
0xa8: {  	s5 =	sshll.u32 s28, $0x1;
	[dreg:$0x2] =	wrdreg s3  }
0xa9: {  	[dreg:$0x3] =	wrdreg s5  }
0xaa: {  	[dreg:$0x4] =	wrdreg $0xC0  }
0xab: {  	_ =	task [dreg:s7], $0x5FFFF  }
0xac: {  	[dreg:$0x1] =	wrdreg $0xFFFFFFFF  }
0xad: {  	[dreg:$0x0] =	wrdreg $0x60  }
0xae: {  	[dreg:$0x2] =	wrdreg s24  }
0xaf: {  	[dreg:$0x3] =	wrdreg s2  }
0xb0: {  	[dreg:$0x4] =	wrdreg $0xA0000  }
0xb1: {  	[dreg:$0x5] =	wrdreg $0x9  }
0xb2: {  	_ =	task.clear_ibuf [dreg:s7], $0x6FFFF;
	_ =	strace $0x9000004C  }
0xb3: {  	s29 =	simm.s32 $0x9;
	_ =	strace $0x8000004E  }
0xb4: {  	_ =	swait.ge [sflag:s29], $0x1  }
0xb5: {  	[sflag:s29] =	ssyncadd.s32 $0xFFFFFFFF  }
0xb6: {  	_ =	strace $0x9000004E  }
0xb7: {  	_ =	sfence  }
0xb8: {  	s30 =	sld [smem:$0x0];
	_ =	sdelay $0x2  }
0xb9: {  	s31 =	sshll.u32 s1, $0xD;
	s1 =	sshrl.u32 s1, $0x2  }
0xba: {  	s3 =	sand.u32 $0x4000, s31;
	s1 =	sadd.s32 s1, s30  }
0xbb: {  	s0 =	sor.u32 s3, s0;
	s1 =	sshll.u32 s1, $0x11  }
0xbc: {  	s0 =	sor.u32 s1, s0  }
0xbd: {  	s0 =	sadd.s32 $0x8F2B, s0  }
0xbe: {  	[sflag:s0] =	ssyncadd.remote.s32 $0x1  }
0xbf: {  	_ =	sfence.sel $0xFFFF  }
0xc0: {  	[dreg:$0x0] =	wrdreg $0xFFFFFFFF;
	(pc) =	sbr.abs _section_cstart, $3  }
0xc1: {  	[dreg:$0x1] =	wrdreg $0xFFFFFFFF  }
0xc2: {  	_ =	task.clear_ibuf [dreg:s7], $0x2FFFF;
	_ =	strace $0x9FFFFFFF  }
0xc3: {  	(tm) =	ssettm $0x7FFFFFFF  }
tec
execute0_lowered:
.L_overlay_start_1:
0x0: {  	(tag) =	ssettag $0x1  }
0x1: {  	s0 =	srdreg.scid;
	s1 =	rddreg [dreg:$0x0]  }
0x2: {  	s8 =	stileid.u32;
	s3 =	rddreg [dreg:$0x1];
	s21 =	simm.s32 $0x0  }
0x3: {  	s30 =	simm.s32 $0x2;
	s31 =	simm.s32 $0x5000;
	s0 =	sand.u32 $0x1, s0  }
0x4: {  	s2 =	sshll.u32 s8, $0x1;
	[smem:$0x7FF] =	sst s21;
	s7 =	smul.u32 $0x14000, s8  }
0x5: {  	s8 =	smul.u32 $0x50000, s8;
	s4 =	sor.u32 s0, s2;
	s2 =	rddreg [dreg:$0x2]  }
0x6: {  	s5 =	smul.u32 $0x140000, s0;
	_ =	strace $0x8000004D;
	s0 =	ssub.s32 $0x2, s0  }
0x7: {  	s6 =	smul.u32 $0x500, s4;
	s4 =	sadd.s32 $0xD000, s1;
	s22 =	sshrl.u32 s0, $0x1  }
0x8: {  	s8 =	sshrl.u32 s8, $0x2;
	s5 =	sadd.s32 s7, s5;
	s0 =	ssub.s32 s0, s22  }
0x9: {  	s9 =	sadd.s32 s6, s1;
	s5 =	sshrl.u32 s5, $0x3;
	s3 =	sadd.s32 s3, s6  }
0xa: {  	s6 =	simm.s32 $0x0;
	s1 =	sadd.s32 s5, s1;
	s5 =	sadd.s32 s8, s2  }
0xb: {  	[dreg:$0x4] =	wrdreg s3;
	s23 =	sadd.s32 $0x3000, s9;
	s3 =	simm.s32 $0x1  }
0xc: {  	[dreg:$0x5] =	wrdreg s23;
	s24 =	sadd.s32 $0x1000, s5;
	s25 =	sadd.s32 $0x2000, s5  }
0xd: {  	s26 =	sadd.s32 $0x3000, s5;
	s11 =	sadd.s32 $0x4000, s5;
	s12 =	sadd.s32 $0x5000, s5  }
0xe: {  	s13 =	sadd.s32 $0x6000, s5;
	s14 =	sadd.s32 $0x7000, s5;
	s15 =	sadd.s32 $0x8000, s5  }
0xf: {  	s16 =	sadd.s32 $0x9000, s5;
	s17 =	sadd.s32 $0xA000, s5;
	s18 =	sadd.s32 $0xB000, s5  }
0x10: {  	s19 =	sadd.s32 $0xC000, s5;
	s20 =	sadd.s32 $0xD000, s5;
	s21 =	sadd.s32 $0xE000, s5  }
0x11: {  	s22 =	sadd.s32 $0xF000, s5;
	s23 =	sadd.s32 $0x10000, s5;
	[dreg:$0x6] =	wrdreg s24  }
0x12: {  	s28 =	sadd.s32 $0x12000, s5;
	s29 =	sadd.s32 $0x13000, s5;
	[dreg:$0x7] =	wrdreg s25  }
0x13: {  	[dreg:$0x8] =	wrdreg s26;
	s24 =	sadd.s32 $0x35000, s1;
	s25 =	smax.u32 s0, $0x1  }
0x14: {  	v0 =	vimm.f32 $0.0e+00;
	s26 =	sadd.s32 $0x11000, s5;
	s1 =	simm.s32 $0x9000;
	s0 =	simm.s32 $0x80  }
.LBB2_1:
0x15: {  	s7 =	simm.s32 $0x0;
	s8 =	rddreg [dreg:$0x4]  }
0x16: {  	[tilespmem:s7], [sflag:$0x2] =	stream.linear.gather [hbm4b:s8+s7], $0x2780, $0x38;
	[tilespmem:$0x1E000] =	vst v63  }
0x17: {  	_ =	swait.ge [sflag:s30], $0x2780  }
0x18: {  	[sflag:s30] =	ssyncset.done $0x0  }
0x19: {  	s9 =	simm.s32 $0x2800;
	s10 =	rddreg [dreg:$0x5];
	[sflag:s30] =	ssyncadd.s32 $0xFFFFD880  }
0x1a: {  	[tilespmem:s9], [sflag:$0x2] =	stream.linear.gather [hbm4b:s10+s7], $0x2780, $0x38;
	[tilespmem:$0x1E000] =	vst v63  }
0x1b: {  	_ =	swait.ge [sflag:s30], $0x2780  }
0x1c: {  	[sflag:s30] =	ssyncset.done $0x0  }
0x1d: {  	s8 =	simm.s32 $0x200;
	s7 =	simm.s32 $0x0;
	[sflag:s30] =	ssyncadd.s32 $0xFFFFD880  }
.LBB2_2:
0x1e: {  	p0 =	sne.s32 s8, $0x3E00;
	[tilespmem:s7+$0x9070] =	vst v0  }
0x1f: {  	[tilespmem:s7+$0x9000] =	vst v0  }
0x20: {  	[tilespmem:s7+$0x9010] =	vst v0  }
.Ltmp0:
0x21: {  	[tilespmem:s7+$0x9020] =	vst v0;
	(pc) =	sbr.rel @p0 .LBB2_2-.Ltmp0, $4  }
0x22: {  	[tilespmem:s7+$0x9030] =	vst v0  }
0x23: {  	[tilespmem:s7+$0x9040] =	vst v0  }
0x24: {  	[tilespmem:s7+$0x9050] =	vst v0  }
0x25: {  	[tilespmem:s7+$0x9060] =	vst v0;
	s7 =	sshra.s32 s8, $0x2;
	s8 =	sadd.s32 $0x200, s8  }
0x26: {  	[tilespmem:s7+$0x9070] =	vst v0  }
0x27: {  	[tilespmem:s7+$0x9000] =	vst v0  }
0x28: {  	[tilespmem:s7+$0x9010] =	vst v0  }
0x29: {  	[tilespmem:s7+$0x9020] =	vst v0  }
0x2a: {  	[tilespmem:s7+$0x9030] =	vst v0  }
0x2b: {  	[tilespmem:s7+$0x9040] =	vst v0  }
0x2c: {  	[tilespmem:s7+$0x9050] =	vst v0  }
0x2d: {  	[tilespmem:s7+$0x9060] =	vst v0  }
0x2e: {  	[spmem:s5] =	stream.linear.scatter [tilespmem:s1], [sflag:$0x2], $0x1000, $0x38;
	[tilespmem:$0x1E000] =	vst v63  }
0x2f: {  	_ =	swait.ge [sflag:s30], $0x1000  }
0x30: {  	[sflag:s30] =	ssyncset.done $0x0  }
0x31: {  	s9 =	rddreg [dreg:$0x6];
	[sflag:s30] =	ssyncadd.s32 $0xFFFFF000  }
0x32: {  	[spmem:s9] =	stream.linear.scatter [tilespmem:s1], [sflag:$0x2], $0x1000, $0x38;
	[tilespmem:$0x1E000] =	vst v63  }
0x33: {  	_ =	swait.ge [sflag:s30], $0x1000  }
0x34: {  	[sflag:s30] =	ssyncset.done $0x0  }
0x35: {  	s10 =	rddreg [dreg:$0x7];
	[sflag:s30] =	ssyncadd.s32 $0xFFFFF000  }
0x36: {  	[spmem:s10] =	stream.linear.scatter [tilespmem:s1], [sflag:$0x2], $0x1000, $0x38;
	[tilespmem:$0x1E000] =	vst v63  }
0x37: {  	_ =	swait.ge [sflag:s30], $0x1000  }
0x38: {  	[sflag:s30] =	ssyncset.done $0x0  }
0x39: {  	s8 =	rddreg [dreg:$0x8];
	[sflag:s30] =	ssyncadd.s32 $0xFFFFF000  }
0x3a: {  	[spmem:s8] =	stream.linear.scatter [tilespmem:s1], [sflag:$0x2], $0x1000, $0x38;
	[tilespmem:$0x1E000] =	vst v63  }
0x3b: {  	_ =	swait.ge [sflag:s30], $0x1000  }
0x3c: {  	[sflag:s30] =	ssyncset.done $0x0  }
0x3d: {  	[sflag:s30] =	ssyncadd.s32 $0xFFFFF000  }
0x3e: {  	[spmem:s11] =	stream.linear.scatter [tilespmem:s1], [sflag:$0x2], $0x1000, $0x38;
	[tilespmem:$0x1E000] =	vst v63  }
0x3f: {  	_ =	swait.ge [sflag:s30], $0x1000  }
0x40: {  	[sflag:s30] =	ssyncset.done $0x0  }
0x41: {  	[sflag:s30] =	ssyncadd.s32 $0xFFFFF000  }
0x42: {  	[spmem:s12] =	stream.linear.scatter [tilespmem:s1], [sflag:$0x2], $0x1000, $0x38;
	[tilespmem:$0x1E000] =	vst v63  }
0x43: {  	_ =	swait.ge [sflag:s30], $0x1000  }
0x44: {  	[sflag:s30] =	ssyncset.done $0x0  }
0x45: {  	[sflag:s30] =	ssyncadd.s32 $0xFFFFF000  }
0x46: {  	[spmem:s13] =	stream.linear.scatter [tilespmem:s1], [sflag:$0x2], $0x1000, $0x38;
	[tilespmem:$0x1E000] =	vst v63  }
0x47: {  	_ =	swait.ge [sflag:s30], $0x1000  }
0x48: {  	[sflag:s30] =	ssyncset.done $0x0  }
0x49: {  	[sflag:s30] =	ssyncadd.s32 $0xFFFFF000  }
0x4a: {  	[spmem:s14] =	stream.linear.scatter [tilespmem:s1], [sflag:$0x2], $0x1000, $0x38;
	[tilespmem:$0x1E000] =	vst v63  }
0x4b: {  	_ =	swait.ge [sflag:s30], $0x1000  }
0x4c: {  	[sflag:s30] =	ssyncset.done $0x0  }
0x4d: {  	[sflag:s30] =	ssyncadd.s32 $0xFFFFF000  }
0x4e: {  	[spmem:s15] =	stream.linear.scatter [tilespmem:s1], [sflag:$0x2], $0x1000, $0x38;
	[tilespmem:$0x1E000] =	vst v63  }
0x4f: {  	_ =	swait.ge [sflag:s30], $0x1000  }
0x50: {  	[sflag:s30] =	ssyncset.done $0x0  }
0x51: {  	[sflag:s30] =	ssyncadd.s32 $0xFFFFF000  }
0x52: {  	[spmem:s16] =	stream.linear.scatter [tilespmem:s1], [sflag:$0x2], $0x1000, $0x38;
	[tilespmem:$0x1E000] =	vst v63  }
0x53: {  	_ =	swait.ge [sflag:s30], $0x1000  }
0x54: {  	[sflag:s30] =	ssyncset.done $0x0  }
0x55: {  	[sflag:s30] =	ssyncadd.s32 $0xFFFFF000  }
0x56: {  	[spmem:s17] =	stream.linear.scatter [tilespmem:s1], [sflag:$0x2], $0x1000, $0x38;
	[tilespmem:$0x1E000] =	vst v63  }
0x57: {  	_ =	swait.ge [sflag:s30], $0x1000  }
0x58: {  	[sflag:s30] =	ssyncset.done $0x0  }
0x59: {  	[sflag:s30] =	ssyncadd.s32 $0xFFFFF000  }
0x5a: {  	[spmem:s18] =	stream.linear.scatter [tilespmem:s1], [sflag:$0x2], $0x1000, $0x38;
	[tilespmem:$0x1E000] =	vst v63  }
0x5b: {  	_ =	swait.ge [sflag:s30], $0x1000  }
0x5c: {  	[sflag:s30] =	ssyncset.done $0x0  }
0x5d: {  	[sflag:s30] =	ssyncadd.s32 $0xFFFFF000  }
0x5e: {  	[spmem:s19] =	stream.linear.scatter [tilespmem:s1], [sflag:$0x2], $0x1000, $0x38;
	[tilespmem:$0x1E000] =	vst v63  }
0x5f: {  	_ =	swait.ge [sflag:s30], $0x1000  }
0x60: {  	[sflag:s30] =	ssyncset.done $0x0  }
0x61: {  	[sflag:s30] =	ssyncadd.s32 $0xFFFFF000  }
0x62: {  	[spmem:s20] =	stream.linear.scatter [tilespmem:s1], [sflag:$0x2], $0x1000, $0x38;
	[tilespmem:$0x1E000] =	vst v63  }
0x63: {  	_ =	swait.ge [sflag:s30], $0x1000  }
0x64: {  	[sflag:s30] =	ssyncset.done $0x0  }
0x65: {  	[sflag:s30] =	ssyncadd.s32 $0xFFFFF000  }
0x66: {  	[spmem:s21] =	stream.linear.scatter [tilespmem:s1], [sflag:$0x2], $0x1000, $0x38;
	[tilespmem:$0x1E000] =	vst v63  }
0x67: {  	_ =	swait.ge [sflag:s30], $0x1000  }
0x68: {  	[sflag:s30] =	ssyncset.done $0x0  }
0x69: {  	[sflag:s30] =	ssyncadd.s32 $0xFFFFF000  }
0x6a: {  	[spmem:s22] =	stream.linear.scatter [tilespmem:s1], [sflag:$0x2], $0x1000, $0x38;
	[tilespmem:$0x1E000] =	vst v63  }
0x6b: {  	_ =	swait.ge [sflag:s30], $0x1000  }
0x6c: {  	[sflag:s30] =	ssyncset.done $0x0  }
0x6d: {  	[sflag:s30] =	ssyncadd.s32 $0xFFFFF000  }
0x6e: {  	[spmem:s23] =	stream.linear.scatter [tilespmem:s1], [sflag:$0x2], $0x1000, $0x38;
	[tilespmem:$0x1E000] =	vst v63  }
0x6f: {  	_ =	swait.ge [sflag:s30], $0x1000  }
0x70: {  	[sflag:s30] =	ssyncset.done $0x0  }
0x71: {  	[sflag:s30] =	ssyncadd.s32 $0xFFFFF000  }
0x72: {  	[spmem:s26] =	stream.linear.scatter [tilespmem:s1], [sflag:$0x2], $0x1000, $0x38;
	[tilespmem:$0x1E000] =	vst v63  }
0x73: {  	_ =	swait.ge [sflag:s30], $0x1000  }
0x74: {  	[sflag:s30] =	ssyncset.done $0x0  }
0x75: {  	[sflag:s30] =	ssyncadd.s32 $0xFFFFF000  }
0x76: {  	[spmem:s28] =	stream.linear.scatter [tilespmem:s1], [sflag:$0x2], $0x1000, $0x38;
	[tilespmem:$0x1E000] =	vst v63  }
0x77: {  	_ =	swait.ge [sflag:s30], $0x1000  }
0x78: {  	[sflag:s30] =	ssyncset.done $0x0  }
0x79: {  	[sflag:s30] =	ssyncadd.s32 $0xFFFFF000  }
0x7a: {  	[spmem:s29] =	stream.linear.scatter [tilespmem:s1], [sflag:$0x2], $0x1000, $0x38;
	[tilespmem:$0x1E000] =	vst v63  }
0x7b: {  	_ =	swait.ge [sflag:s30], $0x1000  }
0x7c: {  	[sflag:s30] =	ssyncset.done $0x0  }
0x7d: {  	[sflag:s30] =	ssyncadd.s32 $0xFFFFF000  }
0x7e: {  	s9 =	simm.s32 $0x0;
	[bflag:$0x0] =	sbarrier.arrive $0xFFFF  }
0x7f: {  	[tilespmem:s31], [sflag:$0x1] =	stream.indirect.gather [hbm4b:s4+s0], $0x80, s9, s0, $0xb8;
	[tilespmem:$0x1E000] =	vst v63  }
0x80: {  	_ =	swait.ge [sflag:s3], $0x4000  }
0x81: {  	[sflag:s3] =	ssyncset.done $0x0  }
0x82: {  	s10 =	simm.s32 $0x2800;
	[sflag:s3] =	ssyncadd.s32 $0xFFFFC000  }
0x83: {  	[spmem:s2] =	stream.indirect.scatter.add.f32 [tilespmem:s31], [sflag:$0x2], $0x80, s10, s0, $0xb8;
	[tilespmem:$0x1E000] =	vst v63  }
0x84: {  	_ =	swait.ge [sflag:s30], $0x4000  }
0x85: {  	s7 =	simm.s32 $0x200;
	s8 =	simm.s32 $0x400;
	[sflag:s30] =	ssyncset.done $0x0  }
.LBB2_4:
0x86: {  	s9 =	sshra.s32 s7, $0x2  }
0x87: {  	[sflag:s30] =	ssyncadd.s32 $0xFFFFC000;
	s7 =	smov.u32 s8;
	s10 =	sadd.s32 $0x200, s8  }
0x88: {  	[tilespmem:s31], [sflag:$0x1] =	stream.indirect.gather [hbm4b:s4+s0], $0x80, s9, s0, $0xb8;
	[tilespmem:$0x1E000] =	vst v63  }
0x89: {  	p0 =	sne.s32 s8, $0x9C00;
	_ =	swait.ge [sflag:s3], $0x4000  }
.Ltmp1:
0x8a: {  	[sflag:s3] =	ssyncset.done $0x0;
	(pc) =	sbr.rel @p0 .LBB2_4-.Ltmp1, $4  }
0x8b: {  	s8 =	sadd.s32 $0x2800, s9;
	[sflag:s3] =	ssyncadd.s32 $0xFFFFC000  }
0x8c: {  	[spmem:s2] =	stream.indirect.scatter.add.f32 [tilespmem:s31], [sflag:$0x2], $0x80, s8, s0, $0xb8;
	[tilespmem:$0x1E000] =	vst v63  }
0x8d: {  	_ =	swait.ge [sflag:s30], $0x4000  }
0x8e: {  	s8 =	smov.u32 s10;
	[sflag:s30] =	ssyncset.done $0x0  }
0x8f: {  	s7 =	sshra.s32 s7, $0x2;
	[sflag:s30] =	ssyncadd.s32 $0xFFFFC000  }
0x90: {  	[tilespmem:s31], [sflag:$0x1] =	stream.indirect.gather [hbm4b:s4+s0], $0x80, s7, s0, $0xb8;
	[tilespmem:$0x1E000] =	vst v63  }
0x91: {  	_ =	swait.ge [sflag:s3], $0x4000  }
0x92: {  	[sflag:s3] =	ssyncset.done $0x0  }
0x93: {  	s7 =	sadd.s32 $0x2800, s7;
	[sflag:s3] =	ssyncadd.s32 $0xFFFFC000  }
0x94: {  	[spmem:s2] =	stream.indirect.scatter.add.f32 [tilespmem:s31], [sflag:$0x2], $0x80, s7, s0, $0xb8;
	[tilespmem:$0x1E000] =	vst v63  }
0x95: {  	s10 =	stileid.u32;
	_ =	swait.ge [sflag:s30], $0x4000  }
0x96: {  	s8 =	sshrl.u32 s5, $0x3;
	s6 =	sadd.s32 $0x1, s6;
	[sflag:s30] =	ssyncset.done $0x0  }
0x97: {  	p0 =	sne.s32 s6, s25;
	s7 =	sshll.u32 s10, $0x6;
	[sflag:s30] =	ssyncadd.s32 $0xFFFFC000  }
.Ltmp2:
0x98: {  	s7 =	sor.u32 $0x1C02, s7;
	[bflag:$0x0] =	sbarrier.arrive $0xFFFF;
	(pc) =	sbr.rel @p0 .LBB2_1-.Ltmp2, $4  }
0x99: {  	[hbm:s24], [sflag:s7] =	dma.local [spmem:s8], $0x2800  }
0x9a: {  	_ =	swait.ge [sflag:s30], $0x2800  }
0x9b: {  	[sflag:s30] =	ssyncset.done $0x0  }
0x9c: {  	[sflag:s30] =	ssyncadd.s32 $0xFFFFD800  }
0x9d: {  	_ =	sfence.sel $0x180000  }
0x9e: {  	[bflag:$0x0] =	sbarrier.arrive $0xFFFF  }
0x9f: {  	_ =	strace $0x9000004D  }
0xa0: {  	s0 =	stileid.u32;
	[bflag:$0x2] =	sbarrier.arrive $0xFFFF  }
0xa1: {  	p0 =	sne.s32 s0, $0x0;
	s0 =	rddreg [dreg:$0x3]  }
0xa2: {  	s0 =	sadd.s32 @!p0 $0x100000, s0  }
0xa3: {  	[sflag:s0] =	ssyncadd.tile.s32 @!p0 $0x1;
	_ =	shalt  }
.Lfunc_end2:
_tile_overlayer_lowered:
.L_overlay_start_2:
0xa4: {  	(tag) =	ssettag $0x2  }
0xa5: {  	s0 =	rddreg [dreg:$0x0];
	s2 =	stileid.u32  }
0xa6: {  	s1 =	rddreg [dreg:$0x1];
	p0 =	sne.s32 s2, $0x0  }
0xa7: {  	s3 =	rddreg [dreg:$0x2];
	[bflag:$0x3] =	sbarrier.arrive $0xFFFF;
	s2 =	simm.s32 @!p0 $0x1C02  }
0xa8: {  	[timem:s3], [sflag:s2] =	dma.local @!p0 [hbm:s0], s1  }
0xa9: {  	s0 =	simm.s32 @!p0 $0x2  }
0xaa: {  	_ =	swait.ge @!p0 [sflag:s0], s1  }
0xab: {  	s1 =	ssub.s32 @!p0 $0x0, s1;
	[sflag:s0] =	ssyncset.done @!p0 $0x0  }
0xac: {  	[sflag:s0] =	ssyncadd.s32 @!p0 s1  }
0xad: {  	[bflag:$0x3] =	sbarrier.arrive $0xFFFF  }
0xae: {  	_ =	shalt  }

// kernel: kernel.19.cloned.1.call-start
scs
__scs_entry_jumppad:
0x0: {  	(pc) =	sbr.rel $0x88, $3  }
0x1: {  	(tag) =	ssettag $0x0;
	lr =	simm.s32 $0x1  }
0x2: {  	[smem:$0x3F96] =	sst lr;
	_ =	strace $0xD0000000  }
0x3: {  	_ = 	snop  }
0x4: {  	_ = 	snop  }
0x5: {  	_ = 	snop  }
0x6: {  	_ = 	snop  }
0x7: {  	_ = 	snop  }
__scs_overlays_trampoline_lowered:
0x8: {  	[smem:$0x3FA5] =	sst s0  }
0x9: {  	[smem:$0x3FA6] =	sst s1  }
0xa: {  	[smem:$0x3FA7] =	sst s2  }
0xb: {  	[smem:$0x3FA8] =	sst s3  }
0xc: {  	[smem:$0x3FA9] =	sst s4  }
0xd: {  	[smem:$0x3FAA] =	sst s5  }
0xe: {  	[smem:$0x3FAB] =	sst s6  }
0xf: {  	[smem:$0x3FAC] =	sst s7  }
0x10: {  	[smem:$0x3FAD] =	sst s8  }
0x11: {  	[smem:$0x3FAE] =	sst s9;
	s0 =	simm.s32 @!p0 $0x0  }
0x12: {  	s1 =	sld [smem:$0x3F94];
	s0 =	simm.s32 @p0 $0x1  }
0x13: {  	[smem:$0x3FAF] =	sst s0;
	s0 =	simm.s32 @!p1 $0x0  }
0x14: {  	s2 =	sld [smem:$0x3F93];
	s0 =	simm.s32 @p1 $0x1  }
0x15: {  	[smem:$0x3FB0] =	sst s0;
	s0 =	simm.s32 @!p2 $0x0  }
0x16: {  	s3 =	sld [smem:$0x3FDB];
	s0 =	simm.s32 @p2 $0x1  }
0x17: {  	s4 =	simm.s32 $0x1BF5;
	[smem:$0x3FB2] =	sst s0  }
0x18: {  	s0 =	sld [smem:$0x3F95];
	_ =	swait.ge [sflag:s4], $0x0  }
0x19: {  	s7 =	sld [smem:$0x3F96]  }
0x1a: {  	s8 =	sadd.s32 $0xFFFFE003, lr  }
0x1b: {  	s9 =	sadd.s32 $0xFFFFFEF7, lr;
	s5 =	simm.s32 $0xFFFFFFFF;
	p2 =	slt.u32 s8, $0xFFFFF086  }
0x1c: {  	p1 =	slt.u32 s9, $0xF7A;
	s5 =	simm.s32 @!p2 $0x0  }
0x1d: {  	s5 =	simm.s32 @p1 $0x1;
	p0 =	seq.s32 s7, s2  }
0x1e: {  	s7 =	smul.u32 @!p0 $0xF7A, s2;
	p2 =	seq.s32 @!p0 s5, $0x0  }
0x1f: {  	s9 =	smul.u32 $0xF7A, s1;
	s8 =	simm.s32 @!p0 $0x1BF5;
	p2 =	por !p2, p0  }
0x20: {  	[sflag:s8] =	ssyncset.s32 @!p0 $0xFFFFF086;
	s6 =	sadd.s32 @!p0 s3, s7;
	s7 =	simm.s32 @!p0 $0x108  }
0x21: {  	s3 =	sadd.s32 s3, s9;
	s6 =	sadd.s32 @!p0 $0x88, s6;
	s7 =	simm.s32 @p2 $0x1082  }
0x22: {  	[simem:s7], [sflag:s8] =	dma.local @!p0 [hbm:s6], $0xF7A  }
0x23: {  	s9 =	sor.u32 $0xD0000000, s2;
	s6 =	simm.s32 $0x108;
	_ =	swait.ge @!p0 [sflag:s8], $0x0  }
0x24: {  	s3 =	sadd.s32 $0x88, s3;
	s6 =	simm.s32 @!p1 $0x1082;
	[sflag:s4] =	ssyncset.s32 $0xFFFFF086  }
0x25: {  	[simem:s6], [sflag:s4] =	dma.local [hbm:s3], $0xF7A  }
0x26: {  	[smem:$0x3F96] =	sst s1;
	(tag) =	ssettag s2;
	_ =	strace s9  }
0x27: {  	s1 =	sld [smem:$0x3FA6]  }
0x28: {  	s2 =	sld [smem:$0x3FA7]  }
0x29: {  	s4 =	sld [smem:$0x3FA9]  }
0x2a: {  	p0 =	seq.s32 s5, $0x0;
	s5 =	sld [smem:$0x3FAA]  }
0x2b: {  	s6 =	sld [smem:$0x3FAB]  }
0x2c: {  	s7 =	sld [smem:$0x3FAC]  }
0x2d: {  	s3 =	simm.s32 $0x108;
	s8 =	sld [smem:$0x3FAD]  }
0x2e: {  	s3 =	simm.s32 @!p0 $0x1082;
	s9 =	sld [smem:$0x3FAE]  }
0x2f: {  	lr =	sadd.s32 s0, s3;
	s0 =	sld [smem:$0x3FA5]  }
0x30: {  	s3 =	sld [smem:$0x3FA8]  }
0x31: {  	[smem:$0x3FB1] =	sst s10  }
0x32: {  	s10 =	sld [smem:$0x3FAF];
	_ =	sdelay $0x3  }
0x33: {  	p0 =	seq.s32 s10, $0x1;
	s10 =	sld [smem:$0x3FB1];
	_ =	sdelay $0x3  }
0x34: {  	[smem:$0x3FB1] =	sst s10  }
0x35: {  	s10 =	sld [smem:$0x3FB0];
	_ =	sdelay $0x3  }
0x36: {  	p1 =	seq.s32 s10, $0x1;
	s10 =	sld [smem:$0x3FB1];
	_ =	sdelay $0x3  }
0x37: {  	[smem:$0x3FB1] =	sst s10  }
0x38: {  	s10 =	sld [smem:$0x3FB2]  }
0x39: {  	_ = 	snop;
	(pc) =	sbr.ind lr, $3  }
0x3a: {  	_ = 	snop  }
0x3b: {  	_ = 	snop  }
0x3c: {  	p2 =	seq.s32 s10, $0x1;
	s10 =	sld [smem:$0x3FB1]  }
0x3d: {  	_ =	shalt  }
0x3e: {  	_ =	shalt  }
0x3f: {  	_ =	shalt  }
0x40: {  	_ =	shalt  }
0x41: {  	_ =	shalt  }
0x42: {  	_ =	shalt  }
0x43: {  	_ =	shalt  }
0x44: {  	_ =	shalt  }
0x45: {  	_ =	shalt  }
0x46: {  	_ =	shalt  }
0x47: {  	_ =	shalt  }
0x48: {  	_ =	shalt  }
0x49: {  	_ =	shalt  }
0x4a: {  	_ =	shalt  }
0x4b: {  	_ =	shalt  }
0x4c: {  	_ =	shalt  }
0x4d: {  	_ =	shalt  }
0x4e: {  	_ =	shalt  }
0x4f: {  	_ =	shalt  }
0x50: {  	_ =	shalt  }
0x51: {  	_ =	shalt  }
0x52: {  	_ =	shalt  }
0x53: {  	_ =	shalt  }
0x54: {  	_ =	shalt  }
0x55: {  	_ =	shalt  }
0x56: {  	_ =	shalt  }
0x57: {  	_ =	shalt  }
0x58: {  	_ =	shalt  }
0x59: {  	_ =	shalt  }
0x5a: {  	_ =	shalt  }
0x5b: {  	_ =	shalt  }
0x5c: {  	_ =	shalt  }
0x5d: {  	_ =	shalt  }
0x5e: {  	_ =	shalt  }
0x5f: {  	_ =	shalt  }
0x60: {  	_ =	shalt  }
0x61: {  	_ =	shalt  }
0x62: {  	_ =	shalt  }
0x63: {  	_ =	shalt  }
0x64: {  	_ =	shalt  }
0x65: {  	_ =	shalt  }
0x66: {  	_ =	shalt  }
0x67: {  	_ =	shalt  }
0x68: {  	_ =	shalt  }
0x69: {  	_ =	shalt  }
0x6a: {  	_ =	shalt  }
0x6b: {  	_ =	shalt  }
0x6c: {  	_ =	shalt  }
0x6d: {  	_ =	shalt  }
0x6e: {  	_ =	shalt  }
0x6f: {  	_ =	shalt  }
0x70: {  	_ =	shalt  }
0x71: {  	_ =	shalt  }
0x72: {  	_ =	shalt  }
0x73: {  	_ =	shalt  }
0x74: {  	_ =	shalt  }
0x75: {  	_ =	shalt  }
0x76: {  	_ =	shalt  }
0x77: {  	_ =	shalt  }
0x78: {  	_ =	shalt  }
0x79: {  	_ =	shalt  }
0x7a: {  	_ =	shalt  }
0x7b: {  	_ =	shalt  }
0x7c: {  	_ =	shalt  }
0x7d: {  	_ =	shalt  }
0x7e: {  	_ =	shalt  }
0x7f: {  	_ =	shalt  }
0x80: {  	_ =	shalt  }
0x81: {  	_ =	shalt  }
0x82: {  	_ =	shalt  }
0x83: {  	_ =	shalt  }
0x84: {  	_ =	shalt  }
0x85: {  	_ =	shalt  }
0x86: {  	_ =	shalt  }
0x87: {  	_ =	shalt  }
.Lfunc_end0:
.L_simem_size_0:
called_computation.3_lowered:
.L_overlay_start_0:
0x88: {  	s2 =	sld [smem:$0x3FD9]  }
0x89: {  	s3 =	sld [smem:$0x3FFE];
	_ =	sdelay $0x1  }
0x8a: {  	s1 =	srdreg.scid  }
0x8b: {  	s0 =	sand.u32 $0x1, s1  }
0x8c: {  	s17 =	sshll.u32 s0, $0xA;
	s2 =	sadd.s32 s3, s2  }
0x8d: {  	s2 =	sadd.s32 s2, s17  }
0x8e: {  	[smem:$0x3FBD] =	sst s2  }
0x8f: {  	_ = 	snop  }
0x90: {  	s2 =	sld [smem:$0x3FD0];
	(tm) =	ssettm $0x1  }
0x91: {  	s18 =	sld [smem:$0x3FFB];
	_ =	sdelay $0x3  }
0x92: {  	_ =	strace s18  }
0x93: {  	s3 =	sld [smem:$0x3FFC];
	_ =	sdelay $0x3  }
0x94: {  	_ =	strace s3  }
0x95: {  	s3 =	sld [smem:$0x3FFD];
	_ =	sdelay $0x3  }
0x96: {  	_ =	strace s3  }
0x97: {  	_ =	strace $0x8FFFFFFF  }
0x98: {  	s19 =	sld [smem:$0x3FDB];
	_ =	sdelay $0x1  }
0x99: {  	s4 =	simm.s32 $_scs_section_size  }
0x9a: {  	s5 =	simm.s32 $_size__tile_overlayer_lowered;
	s6 =	simm.s32 $_tile_overlayer_lowered  }
0x9b: {  	s22 =	simm.s32 $0x1BFF;
	s21 =	sshll.u32 s6, $0x1;
	s3 =	sadd.s32 s4, s19  }
0x9c: {  	s7 =	simm.s32 $0x0;
	s20 =	sshll.u32 s5, $0x1;
	s5 =	sadd.s32 s21, s3  }
0x9d: {  	[timem:s7], [sflag:s22] =	dma.local [hbm:s5], s20  }
0x9e: {  	_ =	swait.ge [sflag:s22], s20  }
0x9f: {  	s4 =	ssub.s32 $0x0, s20;
	[sflag:s22] =	ssyncset.done $0x0  }
0xa0: {  	[sflag:s22] =	ssyncadd.s32 s4;
	_ =	sdelay $0x1  }
0xa1: {  	s23 =	simm.s32 $0x1B8B  }
0xa2: {  	_ =	swait.ge [sflag:s23], $0x1  }
0xa3: {  	[sflag:s23] =	ssyncset.done $0x0  }
0xa4: {  	s25 =	simm.s32 $0x1B8E;
	s24 =	sld [smem:$0x3FFE];
	[sflag:s23] =	ssyncadd.s32 $0xFFFFFFFF  }
0xa5: {  	s26 =	simm.s32 $execute0_lowered;
	[smem:$0x3FD2] =	sst s25  }
0xa6: {  	s5 =	sshll.u32 s26, $0x1;
	_ =	strace $0x8000004F;
	[dreg:$0x1] =	wrdreg $0xFFFFFFFF  }
0xa7: {  	s28 =	simm.s32 $_size_execute0_lowered;
	s3 =	sadd.s32 s3, s5;
	[dreg:$0x0] =	wrdreg $0x0  }
0xa8: {  	s5 =	sshll.u32 s28, $0x1;
	[dreg:$0x2] =	wrdreg s3  }
0xa9: {  	[dreg:$0x3] =	wrdreg s5  }
0xaa: {  	[dreg:$0x4] =	wrdreg $0xC0  }
0xab: {  	_ =	task [dreg:s7], $0x5FFFF  }
0xac: {  	[dreg:$0x1] =	wrdreg $0xFFFFFFFF  }
0xad: {  	[dreg:$0x0] =	wrdreg $0x60  }
0xae: {  	[dreg:$0x2] =	wrdreg s24  }
0xaf: {  	[dreg:$0x3] =	wrdreg s2  }
0xb0: {  	[dreg:$0x4] =	wrdreg $0xA0000  }
0xb1: {  	[dreg:$0x5] =	wrdreg $0x9  }
0xb2: {  	_ =	task.clear_ibuf [dreg:s7], $0x6FFFF;
	_ =	strace $0x9000004F  }
0xb3: {  	s29 =	simm.s32 $0x9;
	_ =	strace $0x80000051  }
0xb4: {  	_ =	swait.ge [sflag:s29], $0x1  }
0xb5: {  	[sflag:s29] =	ssyncadd.s32 $0xFFFFFFFF  }
0xb6: {  	_ =	strace $0x90000051  }
0xb7: {  	_ =	sfence  }
0xb8: {  	s30 =	sld [smem:$0x0];
	_ =	sdelay $0x2  }
0xb9: {  	s31 =	sshll.u32 s1, $0xD;
	s1 =	sshrl.u32 s1, $0x2  }
0xba: {  	s3 =	sand.u32 $0x4000, s31;
	s1 =	sadd.s32 s1, s30  }
0xbb: {  	s0 =	sor.u32 s3, s0;
	s1 =	sshll.u32 s1, $0x11  }
0xbc: {  	s0 =	sor.u32 s1, s0  }
0xbd: {  	s0 =	sadd.s32 $0x8F2B, s0  }
0xbe: {  	[sflag:s0] =	ssyncadd.remote.s32 $0x1  }
0xbf: {  	_ =	sfence.sel $0xFFFF  }
0xc0: {  	[dreg:$0x0] =	wrdreg $0xFFFFFFFF;
	(pc) =	sbr.abs _section_cstart, $3  }
0xc1: {  	[dreg:$0x1] =	wrdreg $0xFFFFFFFF  }
0xc2: {  	_ =	task.clear_ibuf [dreg:s7], $0x2FFFF;
	_ =	strace $0x9FFFFFFF  }
0xc3: {  	(tm) =	ssettm $0x7FFFFFFF  }
tec
execute0_lowered:
.L_overlay_start_1:
0x0: {  	(tag) =	ssettag $0x1  }
0x1: {  	s0 =	srdreg.scid;
	s1 =	rddreg [dreg:$0x0]  }
0x2: {  	s8 =	stileid.u32;
	s3 =	rddreg [dreg:$0x1];
	s21 =	simm.s32 $0x0  }
0x3: {  	s30 =	simm.s32 $0x2;
	s31 =	simm.s32 $0x5000;
	s0 =	sand.u32 $0x1, s0  }
0x4: {  	s2 =	sshll.u32 s8, $0x1;
	[smem:$0x7FF] =	sst s21;
	s7 =	smul.u32 $0x14000, s8  }
0x5: {  	s8 =	smul.u32 $0x50000, s8;
	s4 =	sor.u32 s0, s2;
	s2 =	rddreg [dreg:$0x2]  }
0x6: {  	s5 =	smul.u32 $0x140000, s0;
	_ =	strace $0x80000050;
	s0 =	ssub.s32 $0x2, s0  }
0x7: {  	s6 =	smul.u32 $0x500, s4;
	s4 =	sadd.s32 $0xD000, s1;
	s22 =	sshrl.u32 s0, $0x1  }
0x8: {  	s8 =	sshrl.u32 s8, $0x2;
	s5 =	sadd.s32 s7, s5;
	s0 =	ssub.s32 s0, s22  }
0x9: {  	s9 =	sadd.s32 s6, s1;
	s5 =	sshrl.u32 s5, $0x3;
	s3 =	sadd.s32 s3, s6  }
0xa: {  	s6 =	simm.s32 $0x0;
	s1 =	sadd.s32 s5, s1;
	s5 =	sadd.s32 s8, s2  }
0xb: {  	[dreg:$0x4] =	wrdreg s3;
	s23 =	sadd.s32 $0x3000, s9;
	s3 =	simm.s32 $0x1  }
0xc: {  	[dreg:$0x5] =	wrdreg s23;
	s24 =	sadd.s32 $0x1000, s5;
	s25 =	sadd.s32 $0x2000, s5  }
0xd: {  	s26 =	sadd.s32 $0x3000, s5;
	s11 =	sadd.s32 $0x4000, s5;
	s12 =	sadd.s32 $0x5000, s5  }
0xe: {  	s13 =	sadd.s32 $0x6000, s5;
	s14 =	sadd.s32 $0x7000, s5;
	s15 =	sadd.s32 $0x8000, s5  }
0xf: {  	s16 =	sadd.s32 $0x9000, s5;
	s17 =	sadd.s32 $0xA000, s5;
	s18 =	sadd.s32 $0xB000, s5  }
0x10: {  	s19 =	sadd.s32 $0xC000, s5;
	s20 =	sadd.s32 $0xD000, s5;
	s21 =	sadd.s32 $0xE000, s5  }
0x11: {  	s22 =	sadd.s32 $0xF000, s5;
	s23 =	sadd.s32 $0x10000, s5;
	[dreg:$0x6] =	wrdreg s24  }
0x12: {  	s28 =	sadd.s32 $0x12000, s5;
	s29 =	sadd.s32 $0x13000, s5;
	[dreg:$0x7] =	wrdreg s25  }
0x13: {  	[dreg:$0x8] =	wrdreg s26;
	s24 =	sadd.s32 $0x35000, s1;
	s25 =	smax.u32 s0, $0x1  }
0x14: {  	v0 =	vimm.f32 $0.0e+00;
	s26 =	sadd.s32 $0x11000, s5;
	s1 =	simm.s32 $0x9000;
	s0 =	simm.s32 $0x80  }
.LBB2_1:
0x15: {  	s7 =	simm.s32 $0x0;
	s8 =	rddreg [dreg:$0x4]  }
0x16: {  	[tilespmem:s7], [sflag:$0x2] =	stream.linear.gather [hbm4b:s8+s7], $0x2780, $0x38;
	[tilespmem:$0x1E000] =	vst v63  }
0x17: {  	_ =	swait.ge [sflag:s30], $0x2780  }
0x18: {  	[sflag:s30] =	ssyncset.done $0x0  }
0x19: {  	s9 =	simm.s32 $0x2800;
	s10 =	rddreg [dreg:$0x5];
	[sflag:s30] =	ssyncadd.s32 $0xFFFFD880  }
0x1a: {  	[tilespmem:s9], [sflag:$0x2] =	stream.linear.gather [hbm4b:s10+s7], $0x2780, $0x38;
	[tilespmem:$0x1E000] =	vst v63  }
0x1b: {  	_ =	swait.ge [sflag:s30], $0x2780  }
0x1c: {  	[sflag:s30] =	ssyncset.done $0x0  }
0x1d: {  	s8 =	simm.s32 $0x200;
	s7 =	simm.s32 $0x0;
	[sflag:s30] =	ssyncadd.s32 $0xFFFFD880  }
.LBB2_2:
0x1e: {  	p0 =	sne.s32 s8, $0x3E00;
	[tilespmem:s7+$0x9070] =	vst v0  }
0x1f: {  	[tilespmem:s7+$0x9000] =	vst v0  }
0x20: {  	[tilespmem:s7+$0x9010] =	vst v0  }
.Ltmp0:
0x21: {  	[tilespmem:s7+$0x9020] =	vst v0;
	(pc) =	sbr.rel @p0 .LBB2_2-.Ltmp0, $4  }
0x22: {  	[tilespmem:s7+$0x9030] =	vst v0  }
0x23: {  	[tilespmem:s7+$0x9040] =	vst v0  }
0x24: {  	[tilespmem:s7+$0x9050] =	vst v0  }
0x25: {  	[tilespmem:s7+$0x9060] =	vst v0;
	s7 =	sshra.s32 s8, $0x2;
	s8 =	sadd.s32 $0x200, s8  }
0x26: {  	[tilespmem:s7+$0x9070] =	vst v0  }
0x27: {  	[tilespmem:s7+$0x9000] =	vst v0  }
0x28: {  	[tilespmem:s7+$0x9010] =	vst v0  }
0x29: {  	[tilespmem:s7+$0x9020] =	vst v0  }
0x2a: {  	[tilespmem:s7+$0x9030] =	vst v0  }
0x2b: {  	[tilespmem:s7+$0x9040] =	vst v0  }
0x2c: {  	[tilespmem:s7+$0x9050] =	vst v0  }
0x2d: {  	[tilespmem:s7+$0x9060] =	vst v0  }
0x2e: {  	[spmem:s5] =	stream.linear.scatter [tilespmem:s1], [sflag:$0x2], $0x1000, $0x38;
	[tilespmem:$0x1E000] =	vst v63  }
0x2f: {  	_ =	swait.ge [sflag:s30], $0x1000  }
0x30: {  	[sflag:s30] =	ssyncset.done $0x0  }
0x31: {  	s9 =	rddreg [dreg:$0x6];
	[sflag:s30] =	ssyncadd.s32 $0xFFFFF000  }
0x32: {  	[spmem:s9] =	stream.linear.scatter [tilespmem:s1], [sflag:$0x2], $0x1000, $0x38;
	[tilespmem:$0x1E000] =	vst v63  }
0x33: {  	_ =	swait.ge [sflag:s30], $0x1000  }
0x34: {  	[sflag:s30] =	ssyncset.done $0x0  }
0x35: {  	s10 =	rddreg [dreg:$0x7];
	[sflag:s30] =	ssyncadd.s32 $0xFFFFF000  }
0x36: {  	[spmem:s10] =	stream.linear.scatter [tilespmem:s1], [sflag:$0x2], $0x1000, $0x38;
	[tilespmem:$0x1E000] =	vst v63  }
0x37: {  	_ =	swait.ge [sflag:s30], $0x1000  }
0x38: {  	[sflag:s30] =	ssyncset.done $0x0  }
0x39: {  	s8 =	rddreg [dreg:$0x8];
	[sflag:s30] =	ssyncadd.s32 $0xFFFFF000  }
0x3a: {  	[spmem:s8] =	stream.linear.scatter [tilespmem:s1], [sflag:$0x2], $0x1000, $0x38;
	[tilespmem:$0x1E000] =	vst v63  }
0x3b: {  	_ =	swait.ge [sflag:s30], $0x1000  }
0x3c: {  	[sflag:s30] =	ssyncset.done $0x0  }
0x3d: {  	[sflag:s30] =	ssyncadd.s32 $0xFFFFF000  }
0x3e: {  	[spmem:s11] =	stream.linear.scatter [tilespmem:s1], [sflag:$0x2], $0x1000, $0x38;
	[tilespmem:$0x1E000] =	vst v63  }
0x3f: {  	_ =	swait.ge [sflag:s30], $0x1000  }
0x40: {  	[sflag:s30] =	ssyncset.done $0x0  }
0x41: {  	[sflag:s30] =	ssyncadd.s32 $0xFFFFF000  }
0x42: {  	[spmem:s12] =	stream.linear.scatter [tilespmem:s1], [sflag:$0x2], $0x1000, $0x38;
	[tilespmem:$0x1E000] =	vst v63  }
0x43: {  	_ =	swait.ge [sflag:s30], $0x1000  }
0x44: {  	[sflag:s30] =	ssyncset.done $0x0  }
0x45: {  	[sflag:s30] =	ssyncadd.s32 $0xFFFFF000  }
0x46: {  	[spmem:s13] =	stream.linear.scatter [tilespmem:s1], [sflag:$0x2], $0x1000, $0x38;
	[tilespmem:$0x1E000] =	vst v63  }
0x47: {  	_ =	swait.ge [sflag:s30], $0x1000  }
0x48: {  	[sflag:s30] =	ssyncset.done $0x0  }
0x49: {  	[sflag:s30] =	ssyncadd.s32 $0xFFFFF000  }
0x4a: {  	[spmem:s14] =	stream.linear.scatter [tilespmem:s1], [sflag:$0x2], $0x1000, $0x38;
	[tilespmem:$0x1E000] =	vst v63  }
0x4b: {  	_ =	swait.ge [sflag:s30], $0x1000  }
0x4c: {  	[sflag:s30] =	ssyncset.done $0x0  }
0x4d: {  	[sflag:s30] =	ssyncadd.s32 $0xFFFFF000  }
0x4e: {  	[spmem:s15] =	stream.linear.scatter [tilespmem:s1], [sflag:$0x2], $0x1000, $0x38;
	[tilespmem:$0x1E000] =	vst v63  }
0x4f: {  	_ =	swait.ge [sflag:s30], $0x1000  }
0x50: {  	[sflag:s30] =	ssyncset.done $0x0  }
0x51: {  	[sflag:s30] =	ssyncadd.s32 $0xFFFFF000  }
0x52: {  	[spmem:s16] =	stream.linear.scatter [tilespmem:s1], [sflag:$0x2], $0x1000, $0x38;
	[tilespmem:$0x1E000] =	vst v63  }
0x53: {  	_ =	swait.ge [sflag:s30], $0x1000  }
0x54: {  	[sflag:s30] =	ssyncset.done $0x0  }
0x55: {  	[sflag:s30] =	ssyncadd.s32 $0xFFFFF000  }
0x56: {  	[spmem:s17] =	stream.linear.scatter [tilespmem:s1], [sflag:$0x2], $0x1000, $0x38;
	[tilespmem:$0x1E000] =	vst v63  }
0x57: {  	_ =	swait.ge [sflag:s30], $0x1000  }
0x58: {  	[sflag:s30] =	ssyncset.done $0x0  }
0x59: {  	[sflag:s30] =	ssyncadd.s32 $0xFFFFF000  }
0x5a: {  	[spmem:s18] =	stream.linear.scatter [tilespmem:s1], [sflag:$0x2], $0x1000, $0x38;
	[tilespmem:$0x1E000] =	vst v63  }
0x5b: {  	_ =	swait.ge [sflag:s30], $0x1000  }
0x5c: {  	[sflag:s30] =	ssyncset.done $0x0  }
0x5d: {  	[sflag:s30] =	ssyncadd.s32 $0xFFFFF000  }
0x5e: {  	[spmem:s19] =	stream.linear.scatter [tilespmem:s1], [sflag:$0x2], $0x1000, $0x38;
	[tilespmem:$0x1E000] =	vst v63  }
0x5f: {  	_ =	swait.ge [sflag:s30], $0x1000  }
0x60: {  	[sflag:s30] =	ssyncset.done $0x0  }
0x61: {  	[sflag:s30] =	ssyncadd.s32 $0xFFFFF000  }
0x62: {  	[spmem:s20] =	stream.linear.scatter [tilespmem:s1], [sflag:$0x2], $0x1000, $0x38;
	[tilespmem:$0x1E000] =	vst v63  }
0x63: {  	_ =	swait.ge [sflag:s30], $0x1000  }
0x64: {  	[sflag:s30] =	ssyncset.done $0x0  }
0x65: {  	[sflag:s30] =	ssyncadd.s32 $0xFFFFF000  }
0x66: {  	[spmem:s21] =	stream.linear.scatter [tilespmem:s1], [sflag:$0x2], $0x1000, $0x38;
	[tilespmem:$0x1E000] =	vst v63  }
0x67: {  	_ =	swait.ge [sflag:s30], $0x1000  }
0x68: {  	[sflag:s30] =	ssyncset.done $0x0  }
0x69: {  	[sflag:s30] =	ssyncadd.s32 $0xFFFFF000  }
0x6a: {  	[spmem:s22] =	stream.linear.scatter [tilespmem:s1], [sflag:$0x2], $0x1000, $0x38;
	[tilespmem:$0x1E000] =	vst v63  }
0x6b: {  	_ =	swait.ge [sflag:s30], $0x1000  }
0x6c: {  	[sflag:s30] =	ssyncset.done $0x0  }
0x6d: {  	[sflag:s30] =	ssyncadd.s32 $0xFFFFF000  }
0x6e: {  	[spmem:s23] =	stream.linear.scatter [tilespmem:s1], [sflag:$0x2], $0x1000, $0x38;
	[tilespmem:$0x1E000] =	vst v63  }
0x6f: {  	_ =	swait.ge [sflag:s30], $0x1000  }
0x70: {  	[sflag:s30] =	ssyncset.done $0x0  }
0x71: {  	[sflag:s30] =	ssyncadd.s32 $0xFFFFF000  }
0x72: {  	[spmem:s26] =	stream.linear.scatter [tilespmem:s1], [sflag:$0x2], $0x1000, $0x38;
	[tilespmem:$0x1E000] =	vst v63  }
0x73: {  	_ =	swait.ge [sflag:s30], $0x1000  }
0x74: {  	[sflag:s30] =	ssyncset.done $0x0  }
0x75: {  	[sflag:s30] =	ssyncadd.s32 $0xFFFFF000  }
0x76: {  	[spmem:s28] =	stream.linear.scatter [tilespmem:s1], [sflag:$0x2], $0x1000, $0x38;
	[tilespmem:$0x1E000] =	vst v63  }
0x77: {  	_ =	swait.ge [sflag:s30], $0x1000  }
0x78: {  	[sflag:s30] =	ssyncset.done $0x0  }
0x79: {  	[sflag:s30] =	ssyncadd.s32 $0xFFFFF000  }
0x7a: {  	[spmem:s29] =	stream.linear.scatter [tilespmem:s1], [sflag:$0x2], $0x1000, $0x38;
	[tilespmem:$0x1E000] =	vst v63  }
0x7b: {  	_ =	swait.ge [sflag:s30], $0x1000  }
0x7c: {  	[sflag:s30] =	ssyncset.done $0x0  }
0x7d: {  	[sflag:s30] =	ssyncadd.s32 $0xFFFFF000  }
0x7e: {  	s9 =	simm.s32 $0x0;
	[bflag:$0x0] =	sbarrier.arrive $0xFFFF  }
0x7f: {  	[tilespmem:s31], [sflag:$0x1] =	stream.indirect.gather [hbm4b:s4+s0], $0x80, s9, s0, $0xb8;
	[tilespmem:$0x1E000] =	vst v63  }
0x80: {  	_ =	swait.ge [sflag:s3], $0x4000  }
0x81: {  	[sflag:s3] =	ssyncset.done $0x0  }
0x82: {  	s10 =	simm.s32 $0x2800;
	[sflag:s3] =	ssyncadd.s32 $0xFFFFC000  }
0x83: {  	[spmem:s2] =	stream.indirect.scatter.add.f32 [tilespmem:s31], [sflag:$0x2], $0x80, s10, s0, $0xb8;
	[tilespmem:$0x1E000] =	vst v63  }
0x84: {  	_ =	swait.ge [sflag:s30], $0x4000  }
0x85: {  	s7 =	simm.s32 $0x200;
	s8 =	simm.s32 $0x400;
	[sflag:s30] =	ssyncset.done $0x0  }
.LBB2_4:
0x86: {  	s9 =	sshra.s32 s7, $0x2  }
0x87: {  	[sflag:s30] =	ssyncadd.s32 $0xFFFFC000;
	s7 =	smov.u32 s8;
	s10 =	sadd.s32 $0x200, s8  }
0x88: {  	[tilespmem:s31], [sflag:$0x1] =	stream.indirect.gather [hbm4b:s4+s0], $0x80, s9, s0, $0xb8;
	[tilespmem:$0x1E000] =	vst v63  }
0x89: {  	p0 =	sne.s32 s8, $0x9C00;
	_ =	swait.ge [sflag:s3], $0x4000  }
.Ltmp1:
0x8a: {  	[sflag:s3] =	ssyncset.done $0x0;
	(pc) =	sbr.rel @p0 .LBB2_4-.Ltmp1, $4  }
0x8b: {  	s8 =	sadd.s32 $0x2800, s9;
	[sflag:s3] =	ssyncadd.s32 $0xFFFFC000  }
0x8c: {  	[spmem:s2] =	stream.indirect.scatter.add.f32 [tilespmem:s31], [sflag:$0x2], $0x80, s8, s0, $0xb8;
	[tilespmem:$0x1E000] =	vst v63  }
0x8d: {  	_ =	swait.ge [sflag:s30], $0x4000  }
0x8e: {  	s8 =	smov.u32 s10;
	[sflag:s30] =	ssyncset.done $0x0  }
0x8f: {  	s7 =	sshra.s32 s7, $0x2;
	[sflag:s30] =	ssyncadd.s32 $0xFFFFC000  }
0x90: {  	[tilespmem:s31], [sflag:$0x1] =	stream.indirect.gather [hbm4b:s4+s0], $0x80, s7, s0, $0xb8;
	[tilespmem:$0x1E000] =	vst v63  }
0x91: {  	_ =	swait.ge [sflag:s3], $0x4000  }
0x92: {  	[sflag:s3] =	ssyncset.done $0x0  }
0x93: {  	s7 =	sadd.s32 $0x2800, s7;
	[sflag:s3] =	ssyncadd.s32 $0xFFFFC000  }
0x94: {  	[spmem:s2] =	stream.indirect.scatter.add.f32 [tilespmem:s31], [sflag:$0x2], $0x80, s7, s0, $0xb8;
	[tilespmem:$0x1E000] =	vst v63  }
0x95: {  	s10 =	stileid.u32;
	_ =	swait.ge [sflag:s30], $0x4000  }
0x96: {  	s8 =	sshrl.u32 s5, $0x3;
	s6 =	sadd.s32 $0x1, s6;
	[sflag:s30] =	ssyncset.done $0x0  }
0x97: {  	p0 =	sne.s32 s6, s25;
	s7 =	sshll.u32 s10, $0x6;
	[sflag:s30] =	ssyncadd.s32 $0xFFFFC000  }
.Ltmp2:
0x98: {  	s7 =	sor.u32 $0x1C02, s7;
	[bflag:$0x0] =	sbarrier.arrive $0xFFFF;
	(pc) =	sbr.rel @p0 .LBB2_1-.Ltmp2, $4  }
0x99: {  	[hbm:s24], [sflag:s7] =	dma.local [spmem:s8], $0x2800  }
0x9a: {  	_ =	swait.ge [sflag:s30], $0x2800  }
0x9b: {  	[sflag:s30] =	ssyncset.done $0x0  }
0x9c: {  	[sflag:s30] =	ssyncadd.s32 $0xFFFFD800  }
0x9d: {  	_ =	sfence.sel $0x180000  }
0x9e: {  	[bflag:$0x0] =	sbarrier.arrive $0xFFFF  }
0x9f: {  	_ =	strace $0x90000050  }
0xa0: {  	s0 =	stileid.u32;
	[bflag:$0x2] =	sbarrier.arrive $0xFFFF  }
0xa1: {  	p0 =	sne.s32 s0, $0x0;
	s0 =	rddreg [dreg:$0x3]  }
0xa2: {  	s0 =	sadd.s32 @!p0 $0x100000, s0  }
0xa3: {  	[sflag:s0] =	ssyncadd.tile.s32 @!p0 $0x1;
	_ =	shalt  }
.Lfunc_end2:
_tile_overlayer_lowered:
.L_overlay_start_2:
0xa4: {  	(tag) =	ssettag $0x2  }
0xa5: {  	s0 =	rddreg [dreg:$0x0];
	s2 =	stileid.u32  }
0xa6: {  	s1 =	rddreg [dreg:$0x1];
	p0 =	sne.s32 s2, $0x0  }
0xa7: {  	s3 =	rddreg [dreg:$0x2];
	[bflag:$0x3] =	sbarrier.arrive $0xFFFF;
	s2 =	simm.s32 @!p0 $0x1C02  }
0xa8: {  	[timem:s3], [sflag:s2] =	dma.local @!p0 [hbm:s0], s1  }
0xa9: {  	s0 =	simm.s32 @!p0 $0x2  }
0xaa: {  	_ =	swait.ge @!p0 [sflag:s0], s1  }
0xab: {  	s1 =	ssub.s32 @!p0 $0x0, s1;
	[sflag:s0] =	ssyncset.done @!p0 $0x0  }
0xac: {  	[sflag:s0] =	ssyncadd.s32 @!p0 s1  }
0xad: {  	[bflag:$0x3] =	sbarrier.arrive $0xFFFF  }
0xae: {  	_ =	shalt  }

</sc_bundles>
